<compile_context>
chip_gen: v7x
topology: tpu7x:2x2x1
jax: 0.10.2.dev20260603
libtpu: 0.0.44.dev20260713+nightly
codegen_flags: <defaults>
</compile_context>

<pallas_src>
import functools

import jax
import jax.numpy as jnp
from jax import lax
from jax.experimental import pallas as pl
from jax.experimental.pallas import tpu as pltpu
from jax.experimental.pallas import tpu_sc as plsc

_N = 100000
_D = 128
_G = 1024

_CH = 128
_NFULL = _N // _CH
_TAILR = _N - _NFULL * _CH
_NW = 32
_ROUNDS = _NFULL // _NW
_EXTRA = _NFULL - _ROUNDS * _NW
_GP = _G + 16
_BPT = _G // 16


def _count_vectors(ids_v, acc_c, nvec, pos, is15):
    def _step(j, carry):
        off = j * 16
        ids = ids_v[pl.ds(off, 16)]
        idn = ids_v[pl.ds(off + 1, 16)]
        bnd = ids != idn
        m_add = bnd | is15
        m_sub = bnd & jnp.logical_not(is15)
        plsc.addupdate_scatter(acc_c, [ids], pos, mask=m_add)
        plsc.addupdate_scatter(acc_c, [idn], -pos, mask=m_sub)
        return carry
    lax.fori_loop(0, nvec, _step, 0)


def _seg_body(x_hbm, ids_hbm, z_hbm, sums_hbm, part_c_hbm,
              xb0, xb1, id0, id1, idt, idc0, idc1, acc_c, acc_sh,
              sem0, sem1):
    cid = lax.axis_index("c")
    sid = lax.axis_index("s")
    w = sid * 2 + cid

    pltpu.sync_copy(z_hbm.at[pl.ds(sid * _BPT, _BPT), :],
                    acc_sh.at[pl.ds(sid * _BPT, _BPT), :])
    z16 = jnp.zeros((16,), jnp.float32)

    def _zero(i, carry):
        acc_c[pl.ds(i * 16, 16)] = z16
        return carry
    lax.fori_loop(0, _GP // 16, _zero, 0)

    lane = lax.iota(jnp.int32, 16)
    pos = lax.convert_element_type(lane, jnp.float32) + 1.0
    is15 = lane == 15
    plsc.subcore_barrier()

    bufs = ((xb0, id0, idc0, sem0), (xb1, id1, idc1, sem1))

    def _fetch(chunk, slot):
        xb, idv, idc, sem = bufs[slot]
        base = chunk * _CH
        return (pltpu.async_copy(x_hbm.at[pl.ds(base, _CH), :], xb, sem),
                pltpu.async_copy(ids_hbm.at[pl.ds(base, _CH)], idv, sem),
                pltpu.async_copy(ids_hbm.at[pl.ds(base, _CH + 16)], idc, sem))

    def _consume(slot):
        xb, idv, idc, _ = bufs[slot]
        pltpu.sync_copy(xb, acc_sh.at[idv], add=True)
        _count_vectors(idc, acc_c, _CH // 16, pos, is15)

    cps = _fetch(w, 0)
    for r in range(_ROUNDS):
        nxt = None
        if r + 1 < _ROUNDS:
            nxt = _fetch((r + 1) * _NW + w, (r + 1) % 2)
        for c in cps:
            c.wait()
        _consume(r % 2)
        cps = nxt

    @pl.when(w < _EXTRA)
    def _extra():
        chunk = _ROUNDS * _NW + w
        base = chunk * _CH
        e = (pltpu.async_copy(x_hbm.at[pl.ds(base, _CH), :], xb0, sem0),
             pltpu.async_copy(ids_hbm.at[pl.ds(base, _CH)], id0, sem0),
             pltpu.async_copy(ids_hbm.at[pl.ds(base, _CH + 16)], idc0, sem0))
        for c in e:
            c.wait()
        pltpu.sync_copy(xb0, acc_sh.at[id0], add=True)
        _count_vectors(idc0, acc_c, _CH // 16, pos, is15)

    @pl.when(w == _EXTRA)
    def _tail():
        base = _NFULL * _CH
        e = (pltpu.async_copy(x_hbm.at[pl.ds(base, _TAILR), :],
                              xb1.at[pl.ds(0, _TAILR), :], sem1),
             pltpu.async_copy(ids_hbm.at[pl.ds(base, _TAILR)], idt, sem1),
             pltpu.async_copy(ids_hbm.at[pl.ds(base, _TAILR + 16)],
                              idc1.at[pl.ds(0, _TAILR + 16)], sem1))
        for c in e:
            c.wait()
        pltpu.sync_copy(xb1.at[pl.ds(0, _TAILR), :], acc_sh.at[idt], add=True)
        _count_vectors(idc1, acc_c, _TAILR // 16, pos, is15)

    pltpu.sync_copy(acc_c, part_c_hbm.at[pl.ds(w * _GP, _GP)])
    plsc.subcore_barrier()

    pltpu.sync_copy(acc_sh.at[pl.ds(sid * _BPT, _BPT), :],
                    sums_hbm.at[pl.ds(cid * _G + sid * _BPT, _BPT), :])


def _sc_segment_sum(x, ids, zeros_rows):
    mesh = plsc.VectorSubcoreMesh(core_axis_name="c", subcore_axis_name="s")
    f = functools.partial(
        pl.kernel,
        mesh=mesh,
        compiler_params=pltpu.CompilerParams(needs_layout_passes=False),
        out_type=(
            jax.ShapeDtypeStruct((2 * _G, _D), jnp.float32),
            jax.ShapeDtypeStruct((_NW * _GP,), jnp.float32),
        ),
        scratch_types=[
            pltpu.VMEM((_CH, _D), jnp.float32),
            pltpu.VMEM((_CH, _D), jnp.float32),
            pltpu.VMEM((_CH,), jnp.int32),
            pltpu.VMEM((_CH,), jnp.int32),
            pltpu.VMEM((_TAILR,), jnp.int32),
            pltpu.VMEM((_CH + 16,), jnp.int32),
            pltpu.VMEM((_CH + 16,), jnp.int32),
            pltpu.VMEM((_GP,), jnp.float32),
            pltpu.VMEM_SHARED((_G, _D), jnp.float32),
            pltpu.SemaphoreType.DMA,
            pltpu.SemaphoreType.DMA,
        ],
    )(_seg_body)
    return f(x, ids, zeros_rows)


def _fin_body(sums_ref, cnt_ref, w_ref, b_ref, o_ref):
    s = sums_ref[pl.ds(0, _G), :] + sums_ref[pl.ds(_G, _G), :]
    row = jax.lax.dot_general(
        w_ref[...], s, (((1,), (1,)), ((), ())),
        preferred_element_type=jnp.float32)
    cnt = jnp.zeros((_G,), jnp.float32)
    for t in range(_NW):
        cnt = cnt + cnt_ref[pl.ds(t * _GP, _G)]
    pred = row[0] / jnp.maximum(cnt, 1.0) + b_ref[0, 0]
    o_ref[...] = pred.reshape(_G, 1)


def _finalize(sums2, part_c, w_row, b):
    return pl.pallas_call(
        _fin_body,
        out_shape=jax.ShapeDtypeStruct((_G, 1), jnp.float32),
    )(sums2, part_c, w_row, b.reshape(1, 1))


def kernel(x, batch, y, W, b):
    ids = jnp.concatenate(
        [batch.astype(jnp.int32), jnp.full((16,), _G, jnp.int32)])
    zeros_rows = jnp.zeros((_G, _D), jnp.float32)
    sums2, part_c = _sc_segment_sum(x, ids, zeros_rows)
    pred = _finalize(sums2, part_c, W.reshape(1, _D), b)
    return (pred, y)

# --- scband reference (transcript-rebuilt; emitter-appended) ---
"""Pipeline reference for scband-gnngraph-head-68925635166815 (READ-ONLY COPY).

The authoritative reference and input builder live on the scoring server;
editing this copy changes nothing except your own understanding.
"""

import jax, jax.numpy as jnp
import numpy as np

N = 100000
D = 128
G = 1024
DIM_OUT = 1

def setup_inputs(seed: int = 0) -> dict:
    key = jax.random.key(seed)
    k1, k2, k3, k4, k5 = jax.random.split(key, 5)
    x = jax.random.normal(k1, (N, D), dtype=jnp.float32)
    batch = jnp.sort(jax.random.randint(k2, (N,), 0, G, dtype=jnp.int64))
    y = jax.random.uniform(k3, (G, DIM_OUT), dtype=jnp.float32)
    # post_mp MLP: single Linear(dim_in -> dim_out), has_act=False, has_bias=True
    W = jax.random.normal(k4, (D, DIM_OUT), dtype=jnp.float32) * (1.0 / np.sqrt(D))
    b = jax.random.normal(k5, (DIM_OUT,), dtype=jnp.float32) * 0.01
    return {"x": x, "batch": batch, "y": y, "W": W, "b": b}

def reference(x, batch, y, W, b):
    # global_mean_pool: segment mean over node features keyed by graph id
    sums = jax.ops.segment_sum(x, batch, num_segments=G)
    counts = jax.ops.segment_sum(jnp.ones((x.shape[0],), dtype=x.dtype), batch, num_segments=G)
    graph_emb = sums / jnp.clip(counts, 1.0, None)[:, None]
    # layer_post_mp: Linear(dim_in, dim_out) with bias, no activation
    pred = graph_emb @ W + b
    label = y
    return (pred, label)

if __name__ == "__main__":
    import jax
    _d = setup_inputs()
    print(jax.jit(kernel)(*tuple(_d.values())))

</pallas_src>

<mosaic_0001>
#map = affine_map<(d0, d1) -> (0, 0)>
#map1 = affine_map<(d0, d1) -> (0)>
module attributes {stable_mosaic.version = 14 : i64} {
  func.func @_seg_body(%arg0: i32, %arg1: i32, %arg2: memref<100000x128xf32, #tpu.memory_space<hbm>>, %arg3: memref<100016xi32, #tpu.memory_space<hbm>>, %arg4: memref<1024x128xf32, #tpu.memory_space<hbm>>, %arg5: memref<2048x128xf32, #tpu.memory_space<hbm>>, %arg6: memref<33280xf32, #tpu.memory_space<hbm>>, %arg7: memref<128x128xf32, #tpu.memory_space<vmem>>, %arg8: memref<128x128xf32, #tpu.memory_space<vmem>>, %arg9: memref<128xi32, #tpu.memory_space<vmem>>, %arg10: memref<128xi32, #tpu.memory_space<vmem>>, %arg11: memref<32xi32, #tpu.memory_space<vmem>>, %arg12: memref<144xi32, #tpu.memory_space<vmem>>, %arg13: memref<144xi32, #tpu.memory_space<vmem>>, %arg14: memref<1040xf32, #tpu.memory_space<vmem>>, %arg15: memref<1024x128xf32, #tpu.memory_space<vmem_shared>>, %arg16: memref<!tpu.dma_semaphore, #tpu.memory_space<semaphore_mem>>, %arg17: memref<!tpu.dma_semaphore, #tpu.memory_space<semaphore_mem>>) attributes {dimension_semantics = [#tpu.dimension_semantics<core_parallel>, #tpu.dimension_semantics<subcore_parallel>], iteration_bounds = array<i64: 2, 16>, scalar_prefetch = 0 : i64, scratch_operands = 11 : i64, tpu.core_type = #tpu.core_type<sc_vector_subcore>, window_params = [{transform_indices = #map}, {transform_indices = #map1}, {transform_indices = #map}, {transform_indices = #map}, {transform_indices = #map1}]} {
    %mul3A = arith.constant 2 : i32
    %mul3A_0 = arith.muli %arg1, %mul3A : i32
    %add3A = arith.addi %mul3A_0, %arg0 : i32
    %mul3A_1 = arith.constant 64 : i32
    %mul3A_2 = arith.muli %arg1, %mul3A_1 : i32
    %mul3A_3 = arith.constant 64 : i32
    %mul3A_4 = arith.muli %arg1, %mul3A_3 : i32
    "tpu.region"() ({
      %run_scoped3A = tpu.sem_alloc : memref<!tpu.dma_semaphore, #tpu.memory_space<semaphore_mem>>
      %dma_start3A_654 = arith.constant 0 : i32
      %dma_start3A_655 = tpu.memref_slice %arg15[%mul3A_4, %dma_start3A_654] : memref<1024x128xf32, #tpu.memory_space<vmem_shared>> -> memref<64x128xf32, #tpu.memory_space<vmem_shared>>
      %dma_start3A_656 = arith.constant 0 : i32
      %dma_start3A_657 = tpu.memref_slice %arg4[%mul3A_2, %dma_start3A_656] : memref<1024x128xf32, #tpu.memory_space<hbm>> -> memref<64x128xf32, #tpu.memory_space<hbm>>
      tpu.enqueue_dma source(%dma_start3A_657 : memref<64x128xf32, #tpu.memory_space<hbm>>) target(%dma_start3A_655 : memref<64x128xf32, #tpu.memory_space<vmem_shared>>) target_semaphore(%run_scoped3A : memref<!tpu.dma_semaphore, #tpu.memory_space<semaphore_mem>>)
      %dma_wait3A_658 = arith.constant 0 : i32
      %dma_wait3A_659 = tpu.memref_slice %arg15[%mul3A_4, %dma_wait3A_658] : memref<1024x128xf32, #tpu.memory_space<vmem_shared>> -> memref<64x128xf32, #tpu.memory_space<vmem_shared>>
      %dma_wait3A_660 = arith.constant 0 : i32
      %dma_wait3A_661 = tpu.memref_slice %arg4[%mul3A_2, %dma_wait3A_660] : memref<1024x128xf32, #tpu.memory_space<hbm>> -> memref<64x128xf32, #tpu.memory_space<hbm>>
      tpu.wait_dma2 semaphore(%run_scoped3A : memref<!tpu.dma_semaphore, #tpu.memory_space<semaphore_mem>>) src(%dma_wait3A_661 : memref<64x128xf32, #tpu.memory_space<hbm>>) dst(%dma_wait3A_659 : memref<64x128xf32, #tpu.memory_space<vmem_shared>>)
      tpu.yield
    }) : () -> ()
    %broadcast_in_dim3A = arith.constant 0.000000e+00 : f32
    %broadcast_in_dim3A_5 = vector.broadcast %broadcast_in_dim3A : f32 to vector<16xf32>
    %scan3A = arith.constant 0 : i32
    %scan3A_6 = arith.constant 0 : i32
    %scan3A_7 = arith.constant 65 : i32
    %scan3A_8 = arith.addi %scan3A_6, %scan3A_7 : i32
    %scan3A_9 = arith.constant 1 : i32
    scf.for %scan3A_654 = %scan3A_6 to %scan3A_8 step %scan3A_9  : i32 {
      %mul3A_655 = arith.constant 16 : i32
      %mul3A_656 = arith.muli %scan3A_654, %mul3A_655 : i32
      %swap3A = arith.index_cast %mul3A_656 : i32 to index
      %swap3A_657 = tpu.vector_load %arg14[%swap3A] {strides = array<i32>} : memref<1040xf32, #tpu.memory_space<vmem>>, vector<16xf32>,
      tpu.vector_store %arg14[%swap3A], %broadcast_in_dim3A_5 {strides = array<i32>} : memref<1040xf32, #tpu.memory_space<vmem>>, vector<16xf32>,
    }
    %scan3A_10 = arith.constant 65 : i32
    %iota3A = tpu.iota {dimensions = array<i32: 0>} : vector<16xi32>
    %convert_element_type3A = arith.sitofp %iota3A : vector<16xi32> to vector<16xf32>
    %add3A_11 = arith.constant 1.000000e+00 : f32
    %add3A_12 = vector.broadcast %add3A_11 : f32 to vector<16xf32>
    %add3A_13 = arith.addf %convert_element_type3A, %add3A_12 : vector<16xf32>
    %eq3A = arith.constant 15 : i32
    %eq3A_14 = vector.broadcast %eq3A : i32 to vector<16xi32>
    %eq3A_15 = arith.cmpi eq, %iota3A, %eq3A_14 : vector<16xi32>
    %barrier3A = arith.constant 0 : index
    tpu.barrier barrier_id(%barrier3A)
    %mul3A_16 = arith.constant 128 : i32
    %mul3A_17 = arith.muli %add3A, %mul3A_16 : i32
    %dma_start3A = arith.constant 0 : i32
    %dma_start3A_18 = tpu.memref_slice %arg2[%mul3A_17, %dma_start3A] : memref<100000x128xf32, #tpu.memory_space<hbm>> -> memref<128x128xf32, #tpu.memory_space<hbm>>
    %dma_start3A_19 = arith.constant 0 : i32
    %dma_start3A_20 = tpu.memref_slice %arg2[%mul3A_17, %dma_start3A_19] : memref<100000x128xf32, #tpu.memory_space<hbm>> -> memref<128x128xf32, #tpu.memory_space<hbm>>
    tpu.enqueue_dma source(%dma_start3A_20 : memref<128x128xf32, #tpu.memory_space<hbm>>) target(%arg7 : memref<128x128xf32, #tpu.memory_space<vmem>>) target_semaphore(%arg16 : memref<!tpu.dma_semaphore, #tpu.memory_space<semaphore_mem>>)
    %dma_start3A_21 = tpu.memref_slice %arg3[%mul3A_17] : memref<100016xi32, #tpu.memory_space<hbm>> -> memref<128xi32, #tpu.memory_space<hbm>>
    %dma_start3A_22 = tpu.memref_slice %arg3[%mul3A_17] : memref<100016xi32, #tpu.memory_space<hbm>> -> memref<128xi32, #tpu.memory_space<hbm>>
    tpu.enqueue_dma source(%dma_start3A_22 : memref<128xi32, #tpu.memory_space<hbm>>) target(%arg9 : memref<128xi32, #tpu.memory_space<vmem>>) target_semaphore(%arg16 : memref<!tpu.dma_semaphore, #tpu.memory_space<semaphore_mem>>)
    %dma_start3A_23 = tpu.memref_slice %arg3[%mul3A_17] : memref<100016xi32, #tpu.memory_space<hbm>> -> memref<144xi32, #tpu.memory_space<hbm>>
    %dma_start3A_24 = tpu.memref_slice %arg3[%mul3A_17] : memref<100016xi32, #tpu.memory_space<hbm>> -> memref<144xi32, #tpu.memory_space<hbm>>
    tpu.enqueue_dma source(%dma_start3A_24 : memref<144xi32, #tpu.memory_space<hbm>>) target(%arg12 : memref<144xi32, #tpu.memory_space<vmem>>) target_semaphore(%arg16 : memref<!tpu.dma_semaphore, #tpu.memory_space<semaphore_mem>>)
    %add3A_25 = arith.constant 32 : i32
    %add3A_26 = arith.addi %add3A_25, %add3A : i32
    %mul3A_27 = arith.constant 128 : i32
    %mul3A_28 = arith.muli %add3A_26, %mul3A_27 : i32
    %dma_start3A_29 = arith.constant 0 : i32
    %dma_start3A_30 = tpu.memref_slice %arg2[%mul3A_28, %dma_start3A_29] : memref<100000x128xf32, #tpu.memory_space<hbm>> -> memref<128x128xf32, #tpu.memory_space<hbm>>
    %dma_start3A_31 = arith.constant 0 : i32
    %dma_start3A_32 = tpu.memref_slice %arg2[%mul3A_28, %dma_start3A_31] : memref<100000x128xf32, #tpu.memory_space<hbm>> -> memref<128x128xf32, #tpu.memory_space<hbm>>
    tpu.enqueue_dma source(%dma_start3A_32 : memref<128x128xf32, #tpu.memory_space<hbm>>) target(%arg8 : memref<128x128xf32, #tpu.memory_space<vmem>>) target_semaphore(%arg17 : memref<!tpu.dma_semaphore, #tpu.memory_space<semaphore_mem>>)
    %dma_start3A_33 = tpu.memref_slice %arg3[%mul3A_28] : memref<100016xi32, #tpu.memory_space<hbm>> -> memref<128xi32, #tpu.memory_space<hbm>>
    %dma_start3A_34 = tpu.memref_slice %arg3[%mul3A_28] : memref<100016xi32, #tpu.memory_space<hbm>> -> memref<128xi32, #tpu.memory_space<hbm>>
    tpu.enqueue_dma source(%dma_start3A_34 : memref<128xi32, #tpu.memory_space<hbm>>) target(%arg10 : memref<128xi32, #tpu.memory_space<vmem>>) target_semaphore(%arg17 : memref<!tpu.dma_semaphore, #tpu.memory_space<semaphore_mem>>)
    %dma_start3A_35 = tpu.memref_slice %arg3[%mul3A_28] : memref<100016xi32, #tpu.memory_space<hbm>> -> memref<144xi32, #tpu.memory_space<hbm>>
    %dma_start3A_36 = tpu.memref_slice %arg3[%mul3A_28] : memref<100016xi32, #tpu.memory_space<hbm>> -> memref<144xi32, #tpu.memory_space<hbm>>
    tpu.enqueue_dma source(%dma_start3A_36 : memref<144xi32, #tpu.memory_space<hbm>>) target(%arg13 : memref<144xi32, #tpu.memory_space<vmem>>) target_semaphore(%arg17 : memref<!tpu.dma_semaphore, #tpu.memory_space<semaphore_mem>>)
    %dma_wait3A = arith.constant 0 : i32
    %dma_wait3A_37 = tpu.memref_slice %arg2[%mul3A_17, %dma_wait3A] : memref<100000x128xf32, #tpu.memory_space<hbm>> -> memref<128x128xf32, #tpu.memory_space<hbm>>
    %dma_wait3A_38 = arith.constant 0 : i32
    %dma_wait3A_39 = tpu.memref_slice %arg2[%mul3A_17, %dma_wait3A_38] : memref<100000x128xf32, #tpu.memory_space<hbm>> -> memref<128x128xf32, #tpu.memory_space<hbm>>
    tpu.wait_dma2 semaphore(%arg16 : memref<!tpu.dma_semaphore, #tpu.memory_space<semaphore_mem>>) src(%dma_wait3A_39 : memref<128x128xf32, #tpu.memory_space<hbm>>) dst(%arg7 : memref<128x128xf32, #tpu.memory_space<vmem>>)
    %dma_wait3A_40 = tpu.memref_slice %arg3[%mul3A_17] : memref<100016xi32, #tpu.memory_space<hbm>> -> memref<128xi32, #tpu.memory_space<hbm>>
    %dma_wait3A_41 = tpu.memref_slice %arg3[%mul3A_17] : memref<100016xi32, #tpu.memory_space<hbm>> -> memref<128xi32, #tpu.memory_space<hbm>>
    tpu.wait_dma2 semaphore(%arg16 : memref<!tpu.dma_semaphore, #tpu.memory_space<semaphore_mem>>) src(%dma_wait3A_41 : memref<128xi32, #tpu.memory_space<hbm>>) dst(%arg9 : memref<128xi32, #tpu.memory_space<vmem>>)
    %dma_wait3A_42 = tpu.memref_slice %arg3[%mul3A_17] : memref<100016xi32, #tpu.memory_space<hbm>> -> memref<144xi32, #tpu.memory_space<hbm>>
    %dma_wait3A_43 = tpu.memref_slice %arg3[%mul3A_17] : memref<100016xi32, #tpu.memory_space<hbm>> -> memref<144xi32, #tpu.memory_space<hbm>>
    tpu.wait_dma2 semaphore(%arg16 : memref<!tpu.dma_semaphore, #tpu.memory_space<semaphore_mem>>) src(%dma_wait3A_43 : memref<144xi32, #tpu.memory_space<hbm>>) dst(%arg12 : memref<144xi32, #tpu.memory_space<vmem>>)
    "tpu.region"() ({
      %run_scoped3A = tpu.sem_alloc : memref<!tpu.dma_semaphore, #tpu.memory_space<semaphore_mem>>
      %dma_start3A_654 = arith.constant 0 : i32
      %dma_start3A_655 = arith.constant 0 : i32
      %dma_start3A_656 = tpu.memref_slice %arg15[%dma_start3A_654, %dma_start3A_655] : memref<1024x128xf32, #tpu.memory_space<vmem_shared>> -> memref<1024x128xf32, #tpu.memory_space<vmem_shared>>
      tpu.enqueue_indirect_dma source(%arg7 : memref<128x128xf32, #tpu.memory_space<vmem>>) target(%dma_start3A_656 : memref<1024x128xf32, #tpu.memory_space<vmem_shared>>) offsets(%arg9 : memref<128xi32, #tpu.memory_space<vmem>>) semaphore(%run_scoped3A : memref<!tpu.dma_semaphore, #tpu.memory_space<semaphore_mem>>) {add = true}
      %dma_wait3A_657 = arith.constant 0 : i32
      %dma_wait3A_658 = arith.constant 0 : i32
      %dma_wait3A_659 = tpu.memref_slice %arg15[%dma_wait3A_657, %dma_wait3A_658] : memref<1024x128xf32, #tpu.memory_space<vmem_shared>> -> memref<1024x128xf32, #tpu.memory_space<vmem_shared>>
      tpu.wait_indirect_dma semaphore(%run_scoped3A : memref<!tpu.dma_semaphore, #tpu.memory_space<semaphore_mem>>) src(%arg7 : memref<128x128xf32, #tpu.memory_space<vmem>>) dst(%dma_wait3A_659 : memref<1024x128xf32, #tpu.memory_space<vmem_shared>>)
      tpu.yield
    }) : () -> ()
    %scan3A_44 = arith.constant 0 : i32
    %scan3A_45 = arith.constant 0 : i32
    %scan3A_46 = arith.constant 8 : i32
    %scan3A_47 = arith.addi %scan3A_45, %scan3A_46 : i32
    %scan3A_48 = arith.constant 1 : i32
    scf.for %scan3A_654 = %scan3A_45 to %scan3A_47 step %scan3A_48  : i32 {
      %mul3A_655 = arith.constant 16 : i32
      %mul3A_656 = arith.muli %scan3A_654, %mul3A_655 : i32
      %get3A = arith.index_cast %mul3A_656 : i32 to index
      %get3A_657 = tpu.vector_load %arg12[%get3A] {strides = array<i32>} : memref<144xi32, #tpu.memory_space<vmem>>, vector<16xi32>,
      %add3A_658 = arith.constant 1 : i32
      %add3A_659 = arith.addi %mul3A_656, %add3A_658 : i32
      %get3A_660 = arith.index_cast %add3A_659 : i32 to index
      %get3A_661 = tpu.vector_load %arg12[%get3A_660] {strides = array<i32>} : memref<144xi32, #tpu.memory_space<vmem>>, vector<16xi32>,
      %ne3A = arith.cmpi ne, %get3A_657, %get3A_661 : vector<16xi32>
      %or3A = arith.ori %ne3A, %eq3A_15 : vector<16xi1>
      %not3A = arith.constant dense<true> : vector<16xi1>
      %not3A_662 = arith.xori %eq3A_15, %not3A : vector<16xi1>
      %and3A = arith.andi %ne3A, %not3A_662 : vector<16xi1>
      tpu.vector_store_idx %arg14[%get3A_657], %add3A_13 masked %or3A {add = true} : memref<1040xf32, #tpu.memory_space<vmem>>[vector<16xi32>], vector<16xf32>, vector<16xi1>
      %neg3A = arith.constant 0.000000e+00 : f32
      %neg3A_663 = vector.broadcast %neg3A : f32 to vector<16xf32>
      %neg3A_664 = arith.subf %neg3A_663, %add3A_13 : vector<16xf32>
      tpu.vector_store_idx %arg14[%get3A_661], %neg3A_664 masked %and3A {add = true} : memref<1040xf32, #tpu.memory_space<vmem>>[vector<16xi32>], vector<16xf32>, vector<16xi1>
    }
    %scan3A_49 = arith.constant 8 : i32
    %add3A_50 = arith.constant 64 : i32
    %add3A_51 = arith.addi %add3A_50, %add3A : i32
    %mul3A_52 = arith.constant 128 : i32
    %mul3A_53 = arith.muli %add3A_51, %mul3A_52 : i32
    %dma_start3A_54 = arith.constant 0 : i32
    %dma_start3A_55 = tpu.memref_slice %arg2[%mul3A_53, %dma_start3A_54] : memref<100000x128xf32, #tpu.memory_space<hbm>> -> memref<128x128xf32, #tpu.memory_space<hbm>>
    %dma_start3A_56 = arith.constant 0 : i32
    %dma_start3A_57 = tpu.memref_slice %arg2[%mul3A_53, %dma_start3A_56] : memref<100000x128xf32, #tpu.memory_space<hbm>> -> memref<128x128xf32, #tpu.memory_space<hbm>>
    tpu.enqueue_dma source(%dma_start3A_57 : memref<128x128xf32, #tpu.memory_space<hbm>>) target(%arg7 : memref<128x128xf32, #tpu.memory_space<vmem>>) target_semaphore(%arg16 : memref<!tpu.dma_semaphore, #tpu.memory_space<semaphore_mem>>)
    %dma_start3A_58 = tpu.memref_slice %arg3[%mul3A_53] : memref<100016xi32, #tpu.memory_space<hbm>> -> memref<128xi32, #tpu.memory_space<hbm>>
    %dma_start3A_59 = tpu.memref_slice %arg3[%mul3A_53] : memref<100016xi32, #tpu.memory_space<hbm>> -> memref<128xi32, #tpu.memory_space<hbm>>
    tpu.enqueue_dma source(%dma_start3A_59 : memref<128xi32, #tpu.memory_space<hbm>>) target(%arg9 : memref<128xi32, #tpu.memory_space<vmem>>) target_semaphore(%arg16 : memref<!tpu.dma_semaphore, #tpu.memory_space<semaphore_mem>>)
    %dma_start3A_60 = tpu.memref_slice %arg3[%mul3A_53] : memref<100016xi32, #tpu.memory_space<hbm>> -> memref<144xi32, #tpu.memory_space<hbm>>
    %dma_start3A_61 = tpu.memref_slice %arg3[%mul3A_53] : memref<100016xi32, #tpu.memory_space<hbm>> -> memref<144xi32, #tpu.memory_space<hbm>>
    tpu.enqueue_dma source(%dma_start3A_61 : memref<144xi32, #tpu.memory_space<hbm>>) target(%arg12 : memref<144xi32, #tpu.memory_space<vmem>>) target_semaphore(%arg16 : memref<!tpu.dma_semaphore, #tpu.memory_space<semaphore_mem>>)
    %dma_wait3A_62 = arith.constant 0 : i32
    %dma_wait3A_63 = tpu.memref_slice %arg2[%mul3A_28, %dma_wait3A_62] : memref<100000x128xf32, #tpu.memory_space<hbm>> -> memref<128x128xf32, #tpu.memory_space<hbm>>
    %dma_wait3A_64 = arith.constant 0 : i32
    %dma_wait3A_65 = tpu.memref_slice %arg2[%mul3A_28, %dma_wait3A_64] : memref<100000x128xf32, #tpu.memory_space<hbm>> -> memref<128x128xf32, #tpu.memory_space<hbm>>
    tpu.wait_dma2 semaphore(%arg17 : memref<!tpu.dma_semaphore, #tpu.memory_space<semaphore_mem>>) src(%dma_wait3A_65 : memref<128x128xf32, #tpu.memory_space<hbm>>) dst(%arg8 : memref<128x128xf32, #tpu.memory_space<vmem>>)
    %dma_wait3A_66 = tpu.memref_slice %arg3[%mul3A_28] : memref<100016xi32, #tpu.memory_space<hbm>> -> memref<128xi32, #tpu.memory_space<hbm>>
    %dma_wait3A_67 = tpu.memref_slice %arg3[%mul3A_28] : memref<100016xi32, #tpu.memory_space<hbm>> -> memref<128xi32, #tpu.memory_space<hbm>>
    tpu.wait_dma2 semaphore(%arg17 : memref<!tpu.dma_semaphore, #tpu.memory_space<semaphore_mem>>) src(%dma_wait3A_67 : memref<128xi32, #tpu.memory_space<hbm>>) dst(%arg10 : memref<128xi32, #tpu.memory_space<vmem>>)
    %dma_wait3A_68 = tpu.memref_slice %arg3[%mul3A_28] : memref<100016xi32, #tpu.memory_space<hbm>> -> memref<144xi32, #tpu.memory_space<hbm>>
    %dma_wait3A_69 = tpu.memref_slice %arg3[%mul3A_28] : memref<100016xi32, #tpu.memory_space<hbm>> -> memref<144xi32, #tpu.memory_space<hbm>>
    tpu.wait_dma2 semaphore(%arg17 : memref<!tpu.dma_semaphore, #tpu.memory_space<semaphore_mem>>) src(%dma_wait3A_69 : memref<144xi32, #tpu.memory_space<hbm>>) dst(%arg13 : memref<144xi32, #tpu.memory_space<vmem>>)
    "tpu.region"() ({
      %run_scoped3A = tpu.sem_alloc : memref<!tpu.dma_semaphore, #tpu.memory_space<semaphore_mem>>
      %dma_start3A_654 = arith.constant 0 : i32
      %dma_start3A_655 = arith.constant 0 : i32
      %dma_start3A_656 = tpu.memref_slice %arg15[%dma_start3A_654, %dma_start3A_655] : memref<1024x128xf32, #tpu.memory_space<vmem_shared>> -> memref<1024x128xf32, #tpu.memory_space<vmem_shared>>
      tpu.enqueue_indirect_dma source(%arg8 : memref<128x128xf32, #tpu.memory_space<vmem>>) target(%dma_start3A_656 : memref<1024x128xf32, #tpu.memory_space<vmem_shared>>) offsets(%arg10 : memref<128xi32, #tpu.memory_space<vmem>>) semaphore(%run_scoped3A : memref<!tpu.dma_semaphore, #tpu.memory_space<semaphore_mem>>) {add = true}
      %dma_wait3A_657 = arith.constant 0 : i32
      %dma_wait3A_658 = arith.constant 0 : i32
      %dma_wait3A_659 = tpu.memref_slice %arg15[%dma_wait3A_657, %dma_wait3A_658] : memref<1024x128xf32, #tpu.memory_space<vmem_shared>> -> memref<1024x128xf32, #tpu.memory_space<vmem_shared>>
      tpu.wait_indirect_dma semaphore(%run_scoped3A : memref<!tpu.dma_semaphore, #tpu.memory_space<semaphore_mem>>) src(%arg8 : memref<128x128xf32, #tpu.memory_space<vmem>>) dst(%dma_wait3A_659 : memref<1024x128xf32, #tpu.memory_space<vmem_shared>>)
      tpu.yield
    }) : () -> ()
    %scan3A_70 = arith.constant 0 : i32
    %scan3A_71 = arith.constant 0 : i32
    %scan3A_72 = arith.constant 8 : i32
    %scan3A_73 = arith.addi %scan3A_71, %scan3A_72 : i32
    %scan3A_74 = arith.constant 1 : i32
    scf.for %scan3A_654 = %scan3A_71 to %scan3A_73 step %scan3A_74  : i32 {
      %mul3A_655 = arith.constant 16 : i32
      %mul3A_656 = arith.muli %scan3A_654, %mul3A_655 : i32
      %get3A = arith.index_cast %mul3A_656 : i32 to index
      %get3A_657 = tpu.vector_load %arg13[%get3A] {strides = array<i32>} : memref<144xi32, #tpu.memory_space<vmem>>, vector<16xi32>,
      %add3A_658 = arith.constant 1 : i32
      %add3A_659 = arith.addi %mul3A_656, %add3A_658 : i32
      %get3A_660 = arith.index_cast %add3A_659 : i32 to index
      %get3A_661 = tpu.vector_load %arg13[%get3A_660] {strides = array<i32>} : memref<144xi32, #tpu.memory_space<vmem>>, vector<16xi32>,
      %ne3A = arith.cmpi ne, %get3A_657, %get3A_661 : vector<16xi32>
      %or3A = arith.ori %ne3A, %eq3A_15 : vector<16xi1>
      %not3A = arith.constant dense<true> : vector<16xi1>
      %not3A_662 = arith.xori %eq3A_15, %not3A : vector<16xi1>
      %and3A = arith.andi %ne3A, %not3A_662 : vector<16xi1>
      tpu.vector_store_idx %arg14[%get3A_657], %add3A_13 masked %or3A {add = true} : memref<1040xf32, #tpu.memory_space<vmem>>[vector<16xi32>], vector<16xf32>, vector<16xi1>
      %neg3A = arith.constant 0.000000e+00 : f32
      %neg3A_663 = vector.broadcast %neg3A : f32 to vector<16xf32>
      %neg3A_664 = arith.subf %neg3A_663, %add3A_13 : vector<16xf32>
      tpu.vector_store_idx %arg14[%get3A_661], %neg3A_664 masked %and3A {add = true} : memref<1040xf32, #tpu.memory_space<vmem>>[vector<16xi32>], vector<16xf32>, vector<16xi1>
    }
    %scan3A_75 = arith.constant 8 : i32
    %add3A_76 = arith.constant 96 : i32
    %add3A_77 = arith.addi %add3A_76, %add3A : i32
    %mul3A_78 = arith.constant 128 : i32
    %mul3A_79 = arith.muli %add3A_77, %mul3A_78 : i32
    %dma_start3A_80 = arith.constant 0 : i32
    %dma_start3A_81 = tpu.memref_slice %arg2[%mul3A_79, %dma_start3A_80] : memref<100000x128xf32, #tpu.memory_space<hbm>> -> memref<128x128xf32, #tpu.memory_space<hbm>>
    %dma_start3A_82 = arith.constant 0 : i32
    %dma_start3A_83 = tpu.memref_slice %arg2[%mul3A_79, %dma_start3A_82] : memref<100000x128xf32, #tpu.memory_space<hbm>> -> memref<128x128xf32, #tpu.memory_space<hbm>>
    tpu.enqueue_dma source(%dma_start3A_83 : memref<128x128xf32, #tpu.memory_space<hbm>>) target(%arg8 : memref<128x128xf32, #tpu.memory_space<vmem>>) target_semaphore(%arg17 : memref<!tpu.dma_semaphore, #tpu.memory_space<semaphore_mem>>)
    %dma_start3A_84 = tpu.memref_slice %arg3[%mul3A_79] : memref<100016xi32, #tpu.memory_space<hbm>> -> memref<128xi32, #tpu.memory_space<hbm>>
    %dma_start3A_85 = tpu.memref_slice %arg3[%mul3A_79] : memref<100016xi32, #tpu.memory_space<hbm>> -> memref<128xi32, #tpu.memory_space<hbm>>
    tpu.enqueue_dma source(%dma_start3A_85 : memref<128xi32, #tpu.memory_space<hbm>>) target(%arg10 : memref<128xi32, #tpu.memory_space<vmem>>) target_semaphore(%arg17 : memref<!tpu.dma_semaphore, #tpu.memory_space<semaphore_mem>>)
    %dma_start3A_86 = tpu.memref_slice %arg3[%mul3A_79] : memref<100016xi32, #tpu.memory_space<hbm>> -> memref<144xi32, #tpu.memory_space<hbm>>
    %dma_start3A_87 = tpu.memref_slice %arg3[%mul3A_79] : memref<100016xi32, #tpu.memory_space<hbm>> -> memref<144xi32, #tpu.memory_space<hbm>>
    tpu.enqueue_dma source(%dma_start3A_87 : memref<144xi32, #tpu.memory_space<hbm>>) target(%arg13 : memref<144xi32, #tpu.memory_space<vmem>>) target_semaphore(%arg17 : memref<!tpu.dma_semaphore, #tpu.memory_space<semaphore_mem>>)
    %dma_wait3A_88 = arith.constant 0 : i32
    %dma_wait3A_89 = tpu.memref_slice %arg2[%mul3A_53, %dma_wait3A_88] : memref<100000x128xf32, #tpu.memory_space<hbm>> -> memref<128x128xf32, #tpu.memory_space<hbm>>
    %dma_wait3A_90 = arith.constant 0 : i32
    %dma_wait3A_91 = tpu.memref_slice %arg2[%mul3A_53, %dma_wait3A_90] : memref<100000x128xf32, #tpu.memory_space<hbm>> -> memref<128x128xf32, #tpu.memory_space<hbm>>
    tpu.wait_dma2 semaphore(%arg16 : memref<!tpu.dma_semaphore, #tpu.memory_space<semaphore_mem>>) src(%dma_wait3A_91 : memref<128x128xf32, #tpu.memory_space<hbm>>) dst(%arg7 : memref<128x128xf32, #tpu.memory_space<vmem>>)
    %dma_wait3A_92 = tpu.memref_slice %arg3[%mul3A_53] : memref<100016xi32, #tpu.memory_space<hbm>> -> memref<128xi32, #tpu.memory_space<hbm>>
    %dma_wait3A_93 = tpu.memref_slice %arg3[%mul3A_53] : memref<100016xi32, #tpu.memory_space<hbm>> -> memref<128xi32, #tpu.memory_space<hbm>>
    tpu.wait_dma2 semaphore(%arg16 : memref<!tpu.dma_semaphore, #tpu.memory_space<semaphore_mem>>) src(%dma_wait3A_93 : memref<128xi32, #tpu.memory_space<hbm>>) dst(%arg9 : memref<128xi32, #tpu.memory_space<vmem>>)
    %dma_wait3A_94 = tpu.memref_slice %arg3[%mul3A_53] : memref<100016xi32, #tpu.memory_space<hbm>> -> memref<144xi32, #tpu.memory_space<hbm>>
    %dma_wait3A_95 = tpu.memref_slice %arg3[%mul3A_53] : memref<100016xi32, #tpu.memory_space<hbm>> -> memref<144xi32, #tpu.memory_space<hbm>>
    tpu.wait_dma2 semaphore(%arg16 : memref<!tpu.dma_semaphore, #tpu.memory_space<semaphore_mem>>) src(%dma_wait3A_95 : memref<144xi32, #tpu.memory_space<hbm>>) dst(%arg12 : memref<144xi32, #tpu.memory_space<vmem>>)
    "tpu.region"() ({
      %run_scoped3A = tpu.sem_alloc : memref<!tpu.dma_semaphore, #tpu.memory_space<semaphore_mem>>
      %dma_start3A_654 = arith.constant 0 : i32
      %dma_start3A_655 = arith.constant 0 : i32
      %dma_start3A_656 = tpu.memref_slice %arg15[%dma_start3A_654, %dma_start3A_655] : memref<1024x128xf32, #tpu.memory_space<vmem_shared>> -> memref<1024x128xf32, #tpu.memory_space<vmem_shared>>
      tpu.enqueue_indirect_dma source(%arg7 : memref<128x128xf32, #tpu.memory_space<vmem>>) target(%dma_start3A_656 : memref<1024x128xf32, #tpu.memory_space<vmem_shared>>) offsets(%arg9 : memref<128xi32, #tpu.memory_space<vmem>>) semaphore(%run_scoped3A : memref<!tpu.dma_semaphore, #tpu.memory_space<semaphore_mem>>) {add = true}
      %dma_wait3A_657 = arith.constant 0 : i32
      %dma_wait3A_658 = arith.constant 0 : i32
      %dma_wait3A_659 = tpu.memref_slice %arg15[%dma_wait3A_657, %dma_wait3A_658] : memref<1024x128xf32, #tpu.memory_space<vmem_shared>> -> memref<1024x128xf32, #tpu.memory_space<vmem_shared>>
      tpu.wait_indirect_dma semaphore(%run_scoped3A : memref<!tpu.dma_semaphore, #tpu.memory_space<semaphore_mem>>) src(%arg7 : memref<128x128xf32, #tpu.memory_space<vmem>>) dst(%dma_wait3A_659 : memref<1024x128xf32, #tpu.memory_space<vmem_shared>>)
      tpu.yield
    }) : () -> ()
    %scan3A_96 = arith.constant 0 : i32
    %scan3A_97 = arith.constant 0 : i32
    %scan3A_98 = arith.constant 8 : i32
    %scan3A_99 = arith.addi %scan3A_97, %scan3A_98 : i32
    %scan3A_100 = arith.constant 1 : i32
    scf.for %scan3A_654 = %scan3A_97 to %scan3A_99 step %scan3A_100  : i32 {
      %mul3A_655 = arith.constant 16 : i32
      %mul3A_656 = arith.muli %scan3A_654, %mul3A_655 : i32
      %get3A = arith.index_cast %mul3A_656 : i32 to index
      %get3A_657 = tpu.vector_load %arg12[%get3A] {strides = array<i32>} : memref<144xi32, #tpu.memory_space<vmem>>, vector<16xi32>,
      %add3A_658 = arith.constant 1 : i32
      %add3A_659 = arith.addi %mul3A_656, %add3A_658 : i32
      %get3A_660 = arith.index_cast %add3A_659 : i32 to index
      %get3A_661 = tpu.vector_load %arg12[%get3A_660] {strides = array<i32>} : memref<144xi32, #tpu.memory_space<vmem>>, vector<16xi32>,
      %ne3A = arith.cmpi ne, %get3A_657, %get3A_661 : vector<16xi32>
      %or3A = arith.ori %ne3A, %eq3A_15 : vector<16xi1>
      %not3A = arith.constant dense<true> : vector<16xi1>
      %not3A_662 = arith.xori %eq3A_15, %not3A : vector<16xi1>
      %and3A = arith.andi %ne3A, %not3A_662 : vector<16xi1>
      tpu.vector_store_idx %arg14[%get3A_657], %add3A_13 masked %or3A {add = true} : memref<1040xf32, #tpu.memory_space<vmem>>[vector<16xi32>], vector<16xf32>, vector<16xi1>
      %neg3A = arith.constant 0.000000e+00 : f32
      %neg3A_663 = vector.broadcast %neg3A : f32 to vector<16xf32>
      %neg3A_664 = arith.subf %neg3A_663, %add3A_13 : vector<16xf32>
      tpu.vector_store_idx %arg14[%get3A_661], %neg3A_664 masked %and3A {add = true} : memref<1040xf32, #tpu.memory_space<vmem>>[vector<16xi32>], vector<16xf32>, vector<16xi1>
    }
    %scan3A_101 = arith.constant 8 : i32
    %add3A_102 = arith.constant 128 : i32
    %add3A_103 = arith.addi %add3A_102, %add3A : i32
    %mul3A_104 = arith.constant 128 : i32
    %mul3A_105 = arith.muli %add3A_103, %mul3A_104 : i32
    %dma_start3A_106 = arith.constant 0 : i32
    %dma_start3A_107 = tpu.memref_slice %arg2[%mul3A_105, %dma_start3A_106] : memref<100000x128xf32, #tpu.memory_space<hbm>> -> memref<128x128xf32, #tpu.memory_space<hbm>>
    %dma_start3A_108 = arith.constant 0 : i32
    %dma_start3A_109 = tpu.memref_slice %arg2[%mul3A_105, %dma_start3A_108] : memref<100000x128xf32, #tpu.memory_space<hbm>> -> memref<128x128xf32, #tpu.memory_space<hbm>>
    tpu.enqueue_dma source(%dma_start3A_109 : memref<128x128xf32, #tpu.memory_space<hbm>>) target(%arg7 : memref<128x128xf32, #tpu.memory_space<vmem>>) target_semaphore(%arg16 : memref<!tpu.dma_semaphore, #tpu.memory_space<semaphore_mem>>)
    %dma_start3A_110 = tpu.memref_slice %arg3[%mul3A_105] : memref<100016xi32, #tpu.memory_space<hbm>> -> memref<128xi32, #tpu.memory_space<hbm>>
    %dma_start3A_111 = tpu.memref_slice %arg3[%mul3A_105] : memref<100016xi32, #tpu.memory_space<hbm>> -> memref<128xi32, #tpu.memory_space<hbm>>
    tpu.enqueue_dma source(%dma_start3A_111 : memref<128xi32, #tpu.memory_space<hbm>>) target(%arg9 : memref<128xi32, #tpu.memory_space<vmem>>) target_semaphore(%arg16 : memref<!tpu.dma_semaphore, #tpu.memory_space<semaphore_mem>>)
    %dma_start3A_112 = tpu.memref_slice %arg3[%mul3A_105] : memref<100016xi32, #tpu.memory_space<hbm>> -> memref<144xi32, #tpu.memory_space<hbm>>
    %dma_start3A_113 = tpu.memref_slice %arg3[%mul3A_105] : memref<100016xi32, #tpu.memory_space<hbm>> -> memref<144xi32, #tpu.memory_space<hbm>>
    tpu.enqueue_dma source(%dma_start3A_113 : memref<144xi32, #tpu.memory_space<hbm>>) target(%arg12 : memref<144xi32, #tpu.memory_space<vmem>>) target_semaphore(%arg16 : memref<!tpu.dma_semaphore, #tpu.memory_space<semaphore_mem>>)
    %dma_wait3A_114 = arith.constant 0 : i32
    %dma_wait3A_115 = tpu.memref_slice %arg2[%mul3A_79, %dma_wait3A_114] : memref<100000x128xf32, #tpu.memory_space<hbm>> -> memref<128x128xf32, #tpu.memory_space<hbm>>
    %dma_wait3A_116 = arith.constant 0 : i32
    %dma_wait3A_117 = tpu.memref_slice %arg2[%mul3A_79, %dma_wait3A_116] : memref<100000x128xf32, #tpu.memory_space<hbm>> -> memref<128x128xf32, #tpu.memory_space<hbm>>
    tpu.wait_dma2 semaphore(%arg17 : memref<!tpu.dma_semaphore, #tpu.memory_space<semaphore_mem>>) src(%dma_wait3A_117 : memref<128x128xf32, #tpu.memory_space<hbm>>) dst(%arg8 : memref<128x128xf32, #tpu.memory_space<vmem>>)
    %dma_wait3A_118 = tpu.memref_slice %arg3[%mul3A_79] : memref<100016xi32, #tpu.memory_space<hbm>> -> memref<128xi32, #tpu.memory_space<hbm>>
    %dma_wait3A_119 = tpu.memref_slice %arg3[%mul3A_79] : memref<100016xi32, #tpu.memory_space<hbm>> -> memref<128xi32, #tpu.memory_space<hbm>>
    tpu.wait_dma2 semaphore(%arg17 : memref<!tpu.dma_semaphore, #tpu.memory_space<semaphore_mem>>) src(%dma_wait3A_119 : memref<128xi32, #tpu.memory_space<hbm>>) dst(%arg10 : memref<128xi32, #tpu.memory_space<vmem>>)
    %dma_wait3A_120 = tpu.memref_slice %arg3[%mul3A_79] : memref<100016xi32, #tpu.memory_space<hbm>> -> memref<144xi32, #tpu.memory_space<hbm>>
    %dma_wait3A_121 = tpu.memref_slice %arg3[%mul3A_79] : memref<100016xi32, #tpu.memory_space<hbm>> -> memref<144xi32, #tpu.memory_space<hbm>>
    tpu.wait_dma2 semaphore(%arg17 : memref<!tpu.dma_semaphore, #tpu.memory_space<semaphore_mem>>) src(%dma_wait3A_121 : memref<144xi32, #tpu.memory_space<hbm>>) dst(%arg13 : memref<144xi32, #tpu.memory_space<vmem>>)
    "tpu.region"() ({
      %run_scoped3A = tpu.sem_alloc : memref<!tpu.dma_semaphore, #tpu.memory_space<semaphore_mem>>
      %dma_start3A_654 = arith.constant 0 : i32
      %dma_start3A_655 = arith.constant 0 : i32
      %dma_start3A_656 = tpu.memref_slice %arg15[%dma_start3A_654, %dma_start3A_655] : memref<1024x128xf32, #tpu.memory_space<vmem_shared>> -> memref<1024x128xf32, #tpu.memory_space<vmem_shared>>
      tpu.enqueue_indirect_dma source(%arg8 : memref<128x128xf32, #tpu.memory_space<vmem>>) target(%dma_start3A_656 : memref<1024x128xf32, #tpu.memory_space<vmem_shared>>) offsets(%arg10 : memref<128xi32, #tpu.memory_space<vmem>>) semaphore(%run_scoped3A : memref<!tpu.dma_semaphore, #tpu.memory_space<semaphore_mem>>) {add = true}
      %dma_wait3A_657 = arith.constant 0 : i32
      %dma_wait3A_658 = arith.constant 0 : i32
      %dma_wait3A_659 = tpu.memref_slice %arg15[%dma_wait3A_657, %dma_wait3A_658] : memref<1024x128xf32, #tpu.memory_space<vmem_shared>> -> memref<1024x128xf32, #tpu.memory_space<vmem_shared>>
      tpu.wait_indirect_dma semaphore(%run_scoped3A : memref<!tpu.dma_semaphore, #tpu.memory_space<semaphore_mem>>) src(%arg8 : memref<128x128xf32, #tpu.memory_space<vmem>>) dst(%dma_wait3A_659 : memref<1024x128xf32, #tpu.memory_space<vmem_shared>>)
      tpu.yield
    }) : () -> ()
    %scan3A_122 = arith.constant 0 : i32
    %scan3A_123 = arith.constant 0 : i32
    %scan3A_124 = arith.constant 8 : i32
    %scan3A_125 = arith.addi %scan3A_123, %scan3A_124 : i32
    %scan3A_126 = arith.constant 1 : i32
    scf.for %scan3A_654 = %scan3A_123 to %scan3A_125 step %scan3A_126  : i32 {
      %mul3A_655 = arith.constant 16 : i32
      %mul3A_656 = arith.muli %scan3A_654, %mul3A_655 : i32
      %get3A = arith.index_cast %mul3A_656 : i32 to index
      %get3A_657 = tpu.vector_load %arg13[%get3A] {strides = array<i32>} : memref<144xi32, #tpu.memory_space<vmem>>, vector<16xi32>,
      %add3A_658 = arith.constant 1 : i32
      %add3A_659 = arith.addi %mul3A_656, %add3A_658 : i32
      %get3A_660 = arith.index_cast %add3A_659 : i32 to index
      %get3A_661 = tpu.vector_load %arg13[%get3A_660] {strides = array<i32>} : memref<144xi32, #tpu.memory_space<vmem>>, vector<16xi32>,
      %ne3A = arith.cmpi ne, %get3A_657, %get3A_661 : vector<16xi32>
      %or3A = arith.ori %ne3A, %eq3A_15 : vector<16xi1>
      %not3A = arith.constant dense<true> : vector<16xi1>
      %not3A_662 = arith.xori %eq3A_15, %not3A : vector<16xi1>
      %and3A = arith.andi %ne3A, %not3A_662 : vector<16xi1>
      tpu.vector_store_idx %arg14[%get3A_657], %add3A_13 masked %or3A {add = true} : memref<1040xf32, #tpu.memory_space<vmem>>[vector<16xi32>], vector<16xf32>, vector<16xi1>
      %neg3A = arith.constant 0.000000e+00 : f32
      %neg3A_663 = vector.broadcast %neg3A : f32 to vector<16xf32>
      %neg3A_664 = arith.subf %neg3A_663, %add3A_13 : vector<16xf32>
      tpu.vector_store_idx %arg14[%get3A_661], %neg3A_664 masked %and3A {add = true} : memref<1040xf32, #tpu.memory_space<vmem>>[vector<16xi32>], vector<16xf32>, vector<16xi1>
    }
    %scan3A_127 = arith.constant 8 : i32
    %add3A_128 = arith.constant 160 : i32
    %add3A_129 = arith.addi %add3A_128, %add3A : i32
    %mul3A_130 = arith.constant 128 : i32
    %mul3A_131 = arith.muli %add3A_129, %mul3A_130 : i32
    %dma_start3A_132 = arith.constant 0 : i32
    %dma_start3A_133 = tpu.memref_slice %arg2[%mul3A_131, %dma_start3A_132] : memref<100000x128xf32, #tpu.memory_space<hbm>> -> memref<128x128xf32, #tpu.memory_space<hbm>>
    %dma_start3A_134 = arith.constant 0 : i32
    %dma_start3A_135 = tpu.memref_slice %arg2[%mul3A_131, %dma_start3A_134] : memref<100000x128xf32, #tpu.memory_space<hbm>> -> memref<128x128xf32, #tpu.memory_space<hbm>>
    tpu.enqueue_dma source(%dma_start3A_135 : memref<128x128xf32, #tpu.memory_space<hbm>>) target(%arg8 : memref<128x128xf32, #tpu.memory_space<vmem>>) target_semaphore(%arg17 : memref<!tpu.dma_semaphore, #tpu.memory_space<semaphore_mem>>)
    %dma_start3A_136 = tpu.memref_slice %arg3[%mul3A_131] : memref<100016xi32, #tpu.memory_space<hbm>> -> memref<128xi32, #tpu.memory_space<hbm>>
    %dma_start3A_137 = tpu.memref_slice %arg3[%mul3A_131] : memref<100016xi32, #tpu.memory_space<hbm>> -> memref<128xi32, #tpu.memory_space<hbm>>
    tpu.enqueue_dma source(%dma_start3A_137 : memref<128xi32, #tpu.memory_space<hbm>>) target(%arg10 : memref<128xi32, #tpu.memory_space<vmem>>) target_semaphore(%arg17 : memref<!tpu.dma_semaphore, #tpu.memory_space<semaphore_mem>>)
    %dma_start3A_138 = tpu.memref_slice %arg3[%mul3A_131] : memref<100016xi32, #tpu.memory_space<hbm>> -> memref<144xi32, #tpu.memory_space<hbm>>
    %dma_start3A_139 = tpu.memref_slice %arg3[%mul3A_131] : memref<100016xi32, #tpu.memory_space<hbm>> -> memref<144xi32, #tpu.memory_space<hbm>>
    tpu.enqueue_dma source(%dma_start3A_139 : memref<144xi32, #tpu.memory_space<hbm>>) target(%arg13 : memref<144xi32, #tpu.memory_space<vmem>>) target_semaphore(%arg17 : memref<!tpu.dma_semaphore, #tpu.memory_space<semaphore_mem>>)
    %dma_wait3A_140 = arith.constant 0 : i32
    %dma_wait3A_141 = tpu.memref_slice %arg2[%mul3A_105, %dma_wait3A_140] : memref<100000x128xf32, #tpu.memory_space<hbm>> -> memref<128x128xf32, #tpu.memory_space<hbm>>
    %dma_wait3A_142 = arith.constant 0 : i32
    %dma_wait3A_143 = tpu.memref_slice %arg2[%mul3A_105, %dma_wait3A_142] : memref<100000x128xf32, #tpu.memory_space<hbm>> -> memref<128x128xf32, #tpu.memory_space<hbm>>
    tpu.wait_dma2 semaphore(%arg16 : memref<!tpu.dma_semaphore, #tpu.memory_space<semaphore_mem>>) src(%dma_wait3A_143 : memref<128x128xf32, #tpu.memory_space<hbm>>) dst(%arg7 : memref<128x128xf32, #tpu.memory_space<vmem>>)
    %dma_wait3A_144 = tpu.memref_slice %arg3[%mul3A_105] : memref<100016xi32, #tpu.memory_space<hbm>> -> memref<128xi32, #tpu.memory_space<hbm>>
    %dma_wait3A_145 = tpu.memref_slice %arg3[%mul3A_105] : memref<100016xi32, #tpu.memory_space<hbm>> -> memref<128xi32, #tpu.memory_space<hbm>>
    tpu.wait_dma2 semaphore(%arg16 : memref<!tpu.dma_semaphore, #tpu.memory_space<semaphore_mem>>) src(%dma_wait3A_145 : memref<128xi32, #tpu.memory_space<hbm>>) dst(%arg9 : memref<128xi32, #tpu.memory_space<vmem>>)
    %dma_wait3A_146 = tpu.memref_slice %arg3[%mul3A_105] : memref<100016xi32, #tpu.memory_space<hbm>> -> memref<144xi32, #tpu.memory_space<hbm>>
    %dma_wait3A_147 = tpu.memref_slice %arg3[%mul3A_105] : memref<100016xi32, #tpu.memory_space<hbm>> -> memref<144xi32, #tpu.memory_space<hbm>>
    tpu.wait_dma2 semaphore(%arg16 : memref<!tpu.dma_semaphore, #tpu.memory_space<semaphore_mem>>) src(%dma_wait3A_147 : memref<144xi32, #tpu.memory_space<hbm>>) dst(%arg12 : memref<144xi32, #tpu.memory_space<vmem>>)
    "tpu.region"() ({
      %run_scoped3A = tpu.sem_alloc : memref<!tpu.dma_semaphore, #tpu.memory_space<semaphore_mem>>
      %dma_start3A_654 = arith.constant 0 : i32
      %dma_start3A_655 = arith.constant 0 : i32
      %dma_start3A_656 = tpu.memref_slice %arg15[%dma_start3A_654, %dma_start3A_655] : memref<1024x128xf32, #tpu.memory_space<vmem_shared>> -> memref<1024x128xf32, #tpu.memory_space<vmem_shared>>
      tpu.enqueue_indirect_dma source(%arg7 : memref<128x128xf32, #tpu.memory_space<vmem>>) target(%dma_start3A_656 : memref<1024x128xf32, #tpu.memory_space<vmem_shared>>) offsets(%arg9 : memref<128xi32, #tpu.memory_space<vmem>>) semaphore(%run_scoped3A : memref<!tpu.dma_semaphore, #tpu.memory_space<semaphore_mem>>) {add = true}
      %dma_wait3A_657 = arith.constant 0 : i32
      %dma_wait3A_658 = arith.constant 0 : i32
      %dma_wait3A_659 = tpu.memref_slice %arg15[%dma_wait3A_657, %dma_wait3A_658] : memref<1024x128xf32, #tpu.memory_space<vmem_shared>> -> memref<1024x128xf32, #tpu.memory_space<vmem_shared>>
      tpu.wait_indirect_dma semaphore(%run_scoped3A : memref<!tpu.dma_semaphore, #tpu.memory_space<semaphore_mem>>) src(%arg7 : memref<128x128xf32, #tpu.memory_space<vmem>>) dst(%dma_wait3A_659 : memref<1024x128xf32, #tpu.memory_space<vmem_shared>>)
      tpu.yield
    }) : () -> ()
    %scan3A_148 = arith.constant 0 : i32
    %scan3A_149 = arith.constant 0 : i32
    %scan3A_150 = arith.constant 8 : i32
    %scan3A_151 = arith.addi %scan3A_149, %scan3A_150 : i32
    %scan3A_152 = arith.constant 1 : i32
    scf.for %scan3A_654 = %scan3A_149 to %scan3A_151 step %scan3A_152  : i32 {
      %mul3A_655 = arith.constant 16 : i32
      %mul3A_656 = arith.muli %scan3A_654, %mul3A_655 : i32
      %get3A = arith.index_cast %mul3A_656 : i32 to index
      %get3A_657 = tpu.vector_load %arg12[%get3A] {strides = array<i32>} : memref<144xi32, #tpu.memory_space<vmem>>, vector<16xi32>,
      %add3A_658 = arith.constant 1 : i32
      %add3A_659 = arith.addi %mul3A_656, %add3A_658 : i32
      %get3A_660 = arith.index_cast %add3A_659 : i32 to index
      %get3A_661 = tpu.vector_load %arg12[%get3A_660] {strides = array<i32>} : memref<144xi32, #tpu.memory_space<vmem>>, vector<16xi32>,
      %ne3A = arith.cmpi ne, %get3A_657, %get3A_661 : vector<16xi32>
      %or3A = arith.ori %ne3A, %eq3A_15 : vector<16xi1>
      %not3A = arith.constant dense<true> : vector<16xi1>
      %not3A_662 = arith.xori %eq3A_15, %not3A : vector<16xi1>
      %and3A = arith.andi %ne3A, %not3A_662 : vector<16xi1>
      tpu.vector_store_idx %arg14[%get3A_657], %add3A_13 masked %or3A {add = true} : memref<1040xf32, #tpu.memory_space<vmem>>[vector<16xi32>], vector<16xf32>, vector<16xi1>
      %neg3A = arith.constant 0.000000e+00 : f32
      %neg3A_663 = vector.broadcast %neg3A : f32 to vector<16xf32>
      %neg3A_664 = arith.subf %neg3A_663, %add3A_13 : vector<16xf32>
      tpu.vector_store_idx %arg14[%get3A_661], %neg3A_664 masked %and3A {add = true} : memref<1040xf32, #tpu.memory_space<vmem>>[vector<16xi32>], vector<16xf32>, vector<16xi1>
    }
    %scan3A_153 = arith.constant 8 : i32
    %add3A_154 = arith.constant 192 : i32
    %add3A_155 = arith.addi %add3A_154, %add3A : i32
    %mul3A_156 = arith.constant 128 : i32
    %mul3A_157 = arith.muli %add3A_155, %mul3A_156 : i32
    %dma_start3A_158 = arith.constant 0 : i32
    %dma_start3A_159 = tpu.memref_slice %arg2[%mul3A_157, %dma_start3A_158] : memref<100000x128xf32, #tpu.memory_space<hbm>> -> memref<128x128xf32, #tpu.memory_space<hbm>>
    %dma_start3A_160 = arith.constant 0 : i32
    %dma_start3A_161 = tpu.memref_slice %arg2[%mul3A_157, %dma_start3A_160] : memref<100000x128xf32, #tpu.memory_space<hbm>> -> memref<128x128xf32, #tpu.memory_space<hbm>>
    tpu.enqueue_dma source(%dma_start3A_161 : memref<128x128xf32, #tpu.memory_space<hbm>>) target(%arg7 : memref<128x128xf32, #tpu.memory_space<vmem>>) target_semaphore(%arg16 : memref<!tpu.dma_semaphore, #tpu.memory_space<semaphore_mem>>)
    %dma_start3A_162 = tpu.memref_slice %arg3[%mul3A_157] : memref<100016xi32, #tpu.memory_space<hbm>> -> memref<128xi32, #tpu.memory_space<hbm>>
    %dma_start3A_163 = tpu.memref_slice %arg3[%mul3A_157] : memref<100016xi32, #tpu.memory_space<hbm>> -> memref<128xi32, #tpu.memory_space<hbm>>
    tpu.enqueue_dma source(%dma_start3A_163 : memref<128xi32, #tpu.memory_space<hbm>>) target(%arg9 : memref<128xi32, #tpu.memory_space<vmem>>) target_semaphore(%arg16 : memref<!tpu.dma_semaphore, #tpu.memory_space<semaphore_mem>>)
    %dma_start3A_164 = tpu.memref_slice %arg3[%mul3A_157] : memref<100016xi32, #tpu.memory_space<hbm>> -> memref<144xi32, #tpu.memory_space<hbm>>
    %dma_start3A_165 = tpu.memref_slice %arg3[%mul3A_157] : memref<100016xi32, #tpu.memory_space<hbm>> -> memref<144xi32, #tpu.memory_space<hbm>>
    tpu.enqueue_dma source(%dma_start3A_165 : memref<144xi32, #tpu.memory_space<hbm>>) target(%arg12 : memref<144xi32, #tpu.memory_space<vmem>>) target_semaphore(%arg16 : memref<!tpu.dma_semaphore, #tpu.memory_space<semaphore_mem>>)
    %dma_wait3A_166 = arith.constant 0 : i32
    %dma_wait3A_167 = tpu.memref_slice %arg2[%mul3A_131, %dma_wait3A_166] : memref<100000x128xf32, #tpu.memory_space<hbm>> -> memref<128x128xf32, #tpu.memory_space<hbm>>
    %dma_wait3A_168 = arith.constant 0 : i32
    %dma_wait3A_169 = tpu.memref_slice %arg2[%mul3A_131, %dma_wait3A_168] : memref<100000x128xf32, #tpu.memory_space<hbm>> -> memref<128x128xf32, #tpu.memory_space<hbm>>
    tpu.wait_dma2 semaphore(%arg17 : memref<!tpu.dma_semaphore, #tpu.memory_space<semaphore_mem>>) src(%dma_wait3A_169 : memref<128x128xf32, #tpu.memory_space<hbm>>) dst(%arg8 : memref<128x128xf32, #tpu.memory_space<vmem>>)
    %dma_wait3A_170 = tpu.memref_slice %arg3[%mul3A_131] : memref<100016xi32, #tpu.memory_space<hbm>> -> memref<128xi32, #tpu.memory_space<hbm>>
    %dma_wait3A_171 = tpu.memref_slice %arg3[%mul3A_131] : memref<100016xi32, #tpu.memory_space<hbm>> -> memref<128xi32, #tpu.memory_space<hbm>>
    tpu.wait_dma2 semaphore(%arg17 : memref<!tpu.dma_semaphore, #tpu.memory_space<semaphore_mem>>) src(%dma_wait3A_171 : memref<128xi32, #tpu.memory_space<hbm>>) dst(%arg10 : memref<128xi32, #tpu.memory_space<vmem>>)
    %dma_wait3A_172 = tpu.memref_slice %arg3[%mul3A_131] : memref<100016xi32, #tpu.memory_space<hbm>> -> memref<144xi32, #tpu.memory_space<hbm>>
    %dma_wait3A_173 = tpu.memref_slice %arg3[%mul3A_131] : memref<100016xi32, #tpu.memory_space<hbm>> -> memref<144xi32, #tpu.memory_space<hbm>>
    tpu.wait_dma2 semaphore(%arg17 : memref<!tpu.dma_semaphore, #tpu.memory_space<semaphore_mem>>) src(%dma_wait3A_173 : memref<144xi32, #tpu.memory_space<hbm>>) dst(%arg13 : memref<144xi32, #tpu.memory_space<vmem>>)
    "tpu.region"() ({
      %run_scoped3A = tpu.sem_alloc : memref<!tpu.dma_semaphore, #tpu.memory_space<semaphore_mem>>
      %dma_start3A_654 = arith.constant 0 : i32
      %dma_start3A_655 = arith.constant 0 : i32
      %dma_start3A_656 = tpu.memref_slice %arg15[%dma_start3A_654, %dma_start3A_655] : memref<1024x128xf32, #tpu.memory_space<vmem_shared>> -> memref<1024x128xf32, #tpu.memory_space<vmem_shared>>
      tpu.enqueue_indirect_dma source(%arg8 : memref<128x128xf32, #tpu.memory_space<vmem>>) target(%dma_start3A_656 : memref<1024x128xf32, #tpu.memory_space<vmem_shared>>) offsets(%arg10 : memref<128xi32, #tpu.memory_space<vmem>>) semaphore(%run_scoped3A : memref<!tpu.dma_semaphore, #tpu.memory_space<semaphore_mem>>) {add = true}
      %dma_wait3A_657 = arith.constant 0 : i32
      %dma_wait3A_658 = arith.constant 0 : i32
      %dma_wait3A_659 = tpu.memref_slice %arg15[%dma_wait3A_657, %dma_wait3A_658] : memref<1024x128xf32, #tpu.memory_space<vmem_shared>> -> memref<1024x128xf32, #tpu.memory_space<vmem_shared>>
      tpu.wait_indirect_dma semaphore(%run_scoped3A : memref<!tpu.dma_semaphore, #tpu.memory_space<semaphore_mem>>) src(%arg8 : memref<128x128xf32, #tpu.memory_space<vmem>>) dst(%dma_wait3A_659 : memref<1024x128xf32, #tpu.memory_space<vmem_shared>>)
      tpu.yield
    }) : () -> ()
    %scan3A_174 = arith.constant 0 : i32
    %scan3A_175 = arith.constant 0 : i32
    %scan3A_176 = arith.constant 8 : i32
    %scan3A_177 = arith.addi %scan3A_175, %scan3A_176 : i32
    %scan3A_178 = arith.constant 1 : i32
    scf.for %scan3A_654 = %scan3A_175 to %scan3A_177 step %scan3A_178  : i32 {
      %mul3A_655 = arith.constant 16 : i32
      %mul3A_656 = arith.muli %scan3A_654, %mul3A_655 : i32
      %get3A = arith.index_cast %mul3A_656 : i32 to index
      %get3A_657 = tpu.vector_load %arg13[%get3A] {strides = array<i32>} : memref<144xi32, #tpu.memory_space<vmem>>, vector<16xi32>,
      %add3A_658 = arith.constant 1 : i32
      %add3A_659 = arith.addi %mul3A_656, %add3A_658 : i32
      %get3A_660 = arith.index_cast %add3A_659 : i32 to index
      %get3A_661 = tpu.vector_load %arg13[%get3A_660] {strides = array<i32>} : memref<144xi32, #tpu.memory_space<vmem>>, vector<16xi32>,
      %ne3A = arith.cmpi ne, %get3A_657, %get3A_661 : vector<16xi32>
      %or3A = arith.ori %ne3A, %eq3A_15 : vector<16xi1>
      %not3A = arith.constant dense<true> : vector<16xi1>
      %not3A_662 = arith.xori %eq3A_15, %not3A : vector<16xi1>
      %and3A = arith.andi %ne3A, %not3A_662 : vector<16xi1>
      tpu.vector_store_idx %arg14[%get3A_657], %add3A_13 masked %or3A {add = true} : memref<1040xf32, #tpu.memory_space<vmem>>[vector<16xi32>], vector<16xf32>, vector<16xi1>
      %neg3A = arith.constant 0.000000e+00 : f32
      %neg3A_663 = vector.broadcast %neg3A : f32 to vector<16xf32>
      %neg3A_664 = arith.subf %neg3A_663, %add3A_13 : vector<16xf32>
      tpu.vector_store_idx %arg14[%get3A_661], %neg3A_664 masked %and3A {add = true} : memref<1040xf32, #tpu.memory_space<vmem>>[vector<16xi32>], vector<16xf32>, vector<16xi1>
    }
    %scan3A_179 = arith.constant 8 : i32
    %add3A_180 = arith.constant 224 : i32
    %add3A_181 = arith.addi %add3A_180, %add3A : i32
    %mul3A_182 = arith.constant 128 : i32
    %mul3A_183 = arith.muli %add3A_181, %mul3A_182 : i32
    %dma_start3A_184 = arith.constant 0 : i32
    %dma_start3A_185 = tpu.memref_slice %arg2[%mul3A_183, %dma_start3A_184] : memref<100000x128xf32, #tpu.memory_space<hbm>> -> memref<128x128xf32, #tpu.memory_space<hbm>>
    %dma_start3A_186 = arith.constant 0 : i32
    %dma_start3A_187 = tpu.memref_slice %arg2[%mul3A_183, %dma_start3A_186] : memref<100000x128xf32, #tpu.memory_space<hbm>> -> memref<128x128xf32, #tpu.memory_space<hbm>>
    tpu.enqueue_dma source(%dma_start3A_187 : memref<128x128xf32, #tpu.memory_space<hbm>>) target(%arg8 : memref<128x128xf32, #tpu.memory_space<vmem>>) target_semaphore(%arg17 : memref<!tpu.dma_semaphore, #tpu.memory_space<semaphore_mem>>)
    %dma_start3A_188 = tpu.memref_slice %arg3[%mul3A_183] : memref<100016xi32, #tpu.memory_space<hbm>> -> memref<128xi32, #tpu.memory_space<hbm>>
    %dma_start3A_189 = tpu.memref_slice %arg3[%mul3A_183] : memref<100016xi32, #tpu.memory_space<hbm>> -> memref<128xi32, #tpu.memory_space<hbm>>
    tpu.enqueue_dma source(%dma_start3A_189 : memref<128xi32, #tpu.memory_space<hbm>>) target(%arg10 : memref<128xi32, #tpu.memory_space<vmem>>) target_semaphore(%arg17 : memref<!tpu.dma_semaphore, #tpu.memory_space<semaphore_mem>>)
    %dma_start3A_190 = tpu.memref_slice %arg3[%mul3A_183] : memref<100016xi32, #tpu.memory_space<hbm>> -> memref<144xi32, #tpu.memory_space<hbm>>
    %dma_start3A_191 = tpu.memref_slice %arg3[%mul3A_183] : memref<100016xi32, #tpu.memory_space<hbm>> -> memref<144xi32, #tpu.memory_space<hbm>>
    tpu.enqueue_dma source(%dma_start3A_191 : memref<144xi32, #tpu.memory_space<hbm>>) target(%arg13 : memref<144xi32, #tpu.memory_space<vmem>>) target_semaphore(%arg17 : memref<!tpu.dma_semaphore, #tpu.memory_space<semaphore_mem>>)
    %dma_wait3A_192 = arith.constant 0 : i32
    %dma_wait3A_193 = tpu.memref_slice %arg2[%mul3A_157, %dma_wait3A_192] : memref<100000x128xf32, #tpu.memory_space<hbm>> -> memref<128x128xf32, #tpu.memory_space<hbm>>
    %dma_wait3A_194 = arith.constant 0 : i32
    %dma_wait3A_195 = tpu.memref_slice %arg2[%mul3A_157, %dma_wait3A_194] : memref<100000x128xf32, #tpu.memory_space<hbm>> -> memref<128x128xf32, #tpu.memory_space<hbm>>
    tpu.wait_dma2 semaphore(%arg16 : memref<!tpu.dma_semaphore, #tpu.memory_space<semaphore_mem>>) src(%dma_wait3A_195 : memref<128x128xf32, #tpu.memory_space<hbm>>) dst(%arg7 : memref<128x128xf32, #tpu.memory_space<vmem>>)
    %dma_wait3A_196 = tpu.memref_slice %arg3[%mul3A_157] : memref<100016xi32, #tpu.memory_space<hbm>> -> memref<128xi32, #tpu.memory_space<hbm>>
    %dma_wait3A_197 = tpu.memref_slice %arg3[%mul3A_157] : memref<100016xi32, #tpu.memory_space<hbm>> -> memref<128xi32, #tpu.memory_space<hbm>>
    tpu.wait_dma2 semaphore(%arg16 : memref<!tpu.dma_semaphore, #tpu.memory_space<semaphore_mem>>) src(%dma_wait3A_197 : memref<128xi32, #tpu.memory_space<hbm>>) dst(%arg9 : memref<128xi32, #tpu.memory_space<vmem>>)
    %dma_wait3A_198 = tpu.memref_slice %arg3[%mul3A_157] : memref<100016xi32, #tpu.memory_space<hbm>> -> memref<144xi32, #tpu.memory_space<hbm>>
    %dma_wait3A_199 = tpu.memref_slice %arg3[%mul3A_157] : memref<100016xi32, #tpu.memory_space<hbm>> -> memref<144xi32, #tpu.memory_space<hbm>>
    tpu.wait_dma2 semaphore(%arg16 : memref<!tpu.dma_semaphore, #tpu.memory_space<semaphore_mem>>) src(%dma_wait3A_199 : memref<144xi32, #tpu.memory_space<hbm>>) dst(%arg12 : memref<144xi32, #tpu.memory_space<vmem>>)
    "tpu.region"() ({
      %run_scoped3A = tpu.sem_alloc : memref<!tpu.dma_semaphore, #tpu.memory_space<semaphore_mem>>
      %dma_start3A_654 = arith.constant 0 : i32
      %dma_start3A_655 = arith.constant 0 : i32
      %dma_start3A_656 = tpu.memref_slice %arg15[%dma_start3A_654, %dma_start3A_655] : memref<1024x128xf32, #tpu.memory_space<vmem_shared>> -> memref<1024x128xf32, #tpu.memory_space<vmem_shared>>
      tpu.enqueue_indirect_dma source(%arg7 : memref<128x128xf32, #tpu.memory_space<vmem>>) target(%dma_start3A_656 : memref<1024x128xf32, #tpu.memory_space<vmem_shared>>) offsets(%arg9 : memref<128xi32, #tpu.memory_space<vmem>>) semaphore(%run_scoped3A : memref<!tpu.dma_semaphore, #tpu.memory_space<semaphore_mem>>) {add = true}
      %dma_wait3A_657 = arith.constant 0 : i32
      %dma_wait3A_658 = arith.constant 0 : i32
      %dma_wait3A_659 = tpu.memref_slice %arg15[%dma_wait3A_657, %dma_wait3A_658] : memref<1024x128xf32, #tpu.memory_space<vmem_shared>> -> memref<1024x128xf32, #tpu.memory_space<vmem_shared>>
      tpu.wait_indirect_dma semaphore(%run_scoped3A : memref<!tpu.dma_semaphore, #tpu.memory_space<semaphore_mem>>) src(%arg7 : memref<128x128xf32, #tpu.memory_space<vmem>>) dst(%dma_wait3A_659 : memref<1024x128xf32, #tpu.memory_space<vmem_shared>>)
      tpu.yield
    }) : () -> ()
    %scan3A_200 = arith.constant 0 : i32
    %scan3A_201 = arith.constant 0 : i32
    %scan3A_202 = arith.constant 8 : i32
    %scan3A_203 = arith.addi %scan3A_201, %scan3A_202 : i32
    %scan3A_204 = arith.constant 1 : i32
    scf.for %scan3A_654 = %scan3A_201 to %scan3A_203 step %scan3A_204  : i32 {
      %mul3A_655 = arith.constant 16 : i32
      %mul3A_656 = arith.muli %scan3A_654, %mul3A_655 : i32
      %get3A = arith.index_cast %mul3A_656 : i32 to index
      %get3A_657 = tpu.vector_load %arg12[%get3A] {strides = array<i32>} : memref<144xi32, #tpu.memory_space<vmem>>, vector<16xi32>,
      %add3A_658 = arith.constant 1 : i32
      %add3A_659 = arith.addi %mul3A_656, %add3A_658 : i32
      %get3A_660 = arith.index_cast %add3A_659 : i32 to index
      %get3A_661 = tpu.vector_load %arg12[%get3A_660] {strides = array<i32>} : memref<144xi32, #tpu.memory_space<vmem>>, vector<16xi32>,
      %ne3A = arith.cmpi ne, %get3A_657, %get3A_661 : vector<16xi32>
      %or3A = arith.ori %ne3A, %eq3A_15 : vector<16xi1>
      %not3A = arith.constant dense<true> : vector<16xi1>
      %not3A_662 = arith.xori %eq3A_15, %not3A : vector<16xi1>
      %and3A = arith.andi %ne3A, %not3A_662 : vector<16xi1>
      tpu.vector_store_idx %arg14[%get3A_657], %add3A_13 masked %or3A {add = true} : memref<1040xf32, #tpu.memory_space<vmem>>[vector<16xi32>], vector<16xf32>, vector<16xi1>
      %neg3A = arith.constant 0.000000e+00 : f32
      %neg3A_663 = vector.broadcast %neg3A : f32 to vector<16xf32>
      %neg3A_664 = arith.subf %neg3A_663, %add3A_13 : vector<16xf32>
      tpu.vector_store_idx %arg14[%get3A_661], %neg3A_664 masked %and3A {add = true} : memref<1040xf32, #tpu.memory_space<vmem>>[vector<16xi32>], vector<16xf32>, vector<16xi1>
    }
    %scan3A_205 = arith.constant 8 : i32
    %add3A_206 = arith.constant 256 : i32
    %add3A_207 = arith.addi %add3A_206, %add3A : i32
    %mul3A_208 = arith.constant 128 : i32
    %mul3A_209 = arith.muli %add3A_207, %mul3A_208 : i32
    %dma_start3A_210 = arith.constant 0 : i32
    %dma_start3A_211 = tpu.memref_slice %arg2[%mul3A_209, %dma_start3A_210] : memref<100000x128xf32, #tpu.memory_space<hbm>> -> memref<128x128xf32, #tpu.memory_space<hbm>>
    %dma_start3A_212 = arith.constant 0 : i32
    %dma_start3A_213 = tpu.memref_slice %arg2[%mul3A_209, %dma_start3A_212] : memref<100000x128xf32, #tpu.memory_space<hbm>> -> memref<128x128xf32, #tpu.memory_space<hbm>>
    tpu.enqueue_dma source(%dma_start3A_213 : memref<128x128xf32, #tpu.memory_space<hbm>>) target(%arg7 : memref<128x128xf32, #tpu.memory_space<vmem>>) target_semaphore(%arg16 : memref<!tpu.dma_semaphore, #tpu.memory_space<semaphore_mem>>)
    %dma_start3A_214 = tpu.memref_slice %arg3[%mul3A_209] : memref<100016xi32, #tpu.memory_space<hbm>> -> memref<128xi32, #tpu.memory_space<hbm>>
    %dma_start3A_215 = tpu.memref_slice %arg3[%mul3A_209] : memref<100016xi32, #tpu.memory_space<hbm>> -> memref<128xi32, #tpu.memory_space<hbm>>
    tpu.enqueue_dma source(%dma_start3A_215 : memref<128xi32, #tpu.memory_space<hbm>>) target(%arg9 : memref<128xi32, #tpu.memory_space<vmem>>) target_semaphore(%arg16 : memref<!tpu.dma_semaphore, #tpu.memory_space<semaphore_mem>>)
    %dma_start3A_216 = tpu.memref_slice %arg3[%mul3A_209] : memref<100016xi32, #tpu.memory_space<hbm>> -> memref<144xi32, #tpu.memory_space<hbm>>
    %dma_start3A_217 = tpu.memref_slice %arg3[%mul3A_209] : memref<100016xi32, #tpu.memory_space<hbm>> -> memref<144xi32, #tpu.memory_space<hbm>>
    tpu.enqueue_dma source(%dma_start3A_217 : memref<144xi32, #tpu.memory_space<hbm>>) target(%arg12 : memref<144xi32, #tpu.memory_space<vmem>>) target_semaphore(%arg16 : memref<!tpu.dma_semaphore, #tpu.memory_space<semaphore_mem>>)
    %dma_wait3A_218 = arith.constant 0 : i32
    %dma_wait3A_219 = tpu.memref_slice %arg2[%mul3A_183, %dma_wait3A_218] : memref<100000x128xf32, #tpu.memory_space<hbm>> -> memref<128x128xf32, #tpu.memory_space<hbm>>
    %dma_wait3A_220 = arith.constant 0 : i32
    %dma_wait3A_221 = tpu.memref_slice %arg2[%mul3A_183, %dma_wait3A_220] : memref<100000x128xf32, #tpu.memory_space<hbm>> -> memref<128x128xf32, #tpu.memory_space<hbm>>
    tpu.wait_dma2 semaphore(%arg17 : memref<!tpu.dma_semaphore, #tpu.memory_space<semaphore_mem>>) src(%dma_wait3A_221 : memref<128x128xf32, #tpu.memory_space<hbm>>) dst(%arg8 : memref<128x128xf32, #tpu.memory_space<vmem>>)
    %dma_wait3A_222 = tpu.memref_slice %arg3[%mul3A_183] : memref<100016xi32, #tpu.memory_space<hbm>> -> memref<128xi32, #tpu.memory_space<hbm>>
    %dma_wait3A_223 = tpu.memref_slice %arg3[%mul3A_183] : memref<100016xi32, #tpu.memory_space<hbm>> -> memref<128xi32, #tpu.memory_space<hbm>>
    tpu.wait_dma2 semaphore(%arg17 : memref<!tpu.dma_semaphore, #tpu.memory_space<semaphore_mem>>) src(%dma_wait3A_223 : memref<128xi32, #tpu.memory_space<hbm>>) dst(%arg10 : memref<128xi32, #tpu.memory_space<vmem>>)
    %dma_wait3A_224 = tpu.memref_slice %arg3[%mul3A_183] : memref<100016xi32, #tpu.memory_space<hbm>> -> memref<144xi32, #tpu.memory_space<hbm>>
    %dma_wait3A_225 = tpu.memref_slice %arg3[%mul3A_183] : memref<100016xi32, #tpu.memory_space<hbm>> -> memref<144xi32, #tpu.memory_space<hbm>>
    tpu.wait_dma2 semaphore(%arg17 : memref<!tpu.dma_semaphore, #tpu.memory_space<semaphore_mem>>) src(%dma_wait3A_225 : memref<144xi32, #tpu.memory_space<hbm>>) dst(%arg13 : memref<144xi32, #tpu.memory_space<vmem>>)
    "tpu.region"() ({
      %run_scoped3A = tpu.sem_alloc : memref<!tpu.dma_semaphore, #tpu.memory_space<semaphore_mem>>
      %dma_start3A_654 = arith.constant 0 : i32
      %dma_start3A_655 = arith.constant 0 : i32
      %dma_start3A_656 = tpu.memref_slice %arg15[%dma_start3A_654, %dma_start3A_655] : memref<1024x128xf32, #tpu.memory_space<vmem_shared>> -> memref<1024x128xf32, #tpu.memory_space<vmem_shared>>
      tpu.enqueue_indirect_dma source(%arg8 : memref<128x128xf32, #tpu.memory_space<vmem>>) target(%dma_start3A_656 : memref<1024x128xf32, #tpu.memory_space<vmem_shared>>) offsets(%arg10 : memref<128xi32, #tpu.memory_space<vmem>>) semaphore(%run_scoped3A : memref<!tpu.dma_semaphore, #tpu.memory_space<semaphore_mem>>) {add = true}
      %dma_wait3A_657 = arith.constant 0 : i32
      %dma_wait3A_658 = arith.constant 0 : i32
      %dma_wait3A_659 = tpu.memref_slice %arg15[%dma_wait3A_657, %dma_wait3A_658] : memref<1024x128xf32, #tpu.memory_space<vmem_shared>> -> memref<1024x128xf32, #tpu.memory_space<vmem_shared>>
      tpu.wait_indirect_dma semaphore(%run_scoped3A : memref<!tpu.dma_semaphore, #tpu.memory_space<semaphore_mem>>) src(%arg8 : memref<128x128xf32, #tpu.memory_space<vmem>>) dst(%dma_wait3A_659 : memref<1024x128xf32, #tpu.memory_space<vmem_shared>>)
      tpu.yield
    }) : () -> ()
    %scan3A_226 = arith.constant 0 : i32
    %scan3A_227 = arith.constant 0 : i32
    %scan3A_228 = arith.constant 8 : i32
    %scan3A_229 = arith.addi %scan3A_227, %scan3A_228 : i32
    %scan3A_230 = arith.constant 1 : i32
    scf.for %scan3A_654 = %scan3A_227 to %scan3A_229 step %scan3A_230  : i32 {
      %mul3A_655 = arith.constant 16 : i32
      %mul3A_656 = arith.muli %scan3A_654, %mul3A_655 : i32
      %get3A = arith.index_cast %mul3A_656 : i32 to index
      %get3A_657 = tpu.vector_load %arg13[%get3A] {strides = array<i32>} : memref<144xi32, #tpu.memory_space<vmem>>, vector<16xi32>,
      %add3A_658 = arith.constant 1 : i32
      %add3A_659 = arith.addi %mul3A_656, %add3A_658 : i32
      %get3A_660 = arith.index_cast %add3A_659 : i32 to index
      %get3A_661 = tpu.vector_load %arg13[%get3A_660] {strides = array<i32>} : memref<144xi32, #tpu.memory_space<vmem>>, vector<16xi32>,
      %ne3A = arith.cmpi ne, %get3A_657, %get3A_661 : vector<16xi32>
      %or3A = arith.ori %ne3A, %eq3A_15 : vector<16xi1>
      %not3A = arith.constant dense<true> : vector<16xi1>
      %not3A_662 = arith.xori %eq3A_15, %not3A : vector<16xi1>
      %and3A = arith.andi %ne3A, %not3A_662 : vector<16xi1>
      tpu.vector_store_idx %arg14[%get3A_657], %add3A_13 masked %or3A {add = true} : memref<1040xf32, #tpu.memory_space<vmem>>[vector<16xi32>], vector<16xf32>, vector<16xi1>
      %neg3A = arith.constant 0.000000e+00 : f32
      %neg3A_663 = vector.broadcast %neg3A : f32 to vector<16xf32>
      %neg3A_664 = arith.subf %neg3A_663, %add3A_13 : vector<16xf32>
      tpu.vector_store_idx %arg14[%get3A_661], %neg3A_664 masked %and3A {add = true} : memref<1040xf32, #tpu.memory_space<vmem>>[vector<16xi32>], vector<16xf32>, vector<16xi1>
    }
    %scan3A_231 = arith.constant 8 : i32
    %add3A_232 = arith.constant 288 : i32
    %add3A_233 = arith.addi %add3A_232, %add3A : i32
    %mul3A_234 = arith.constant 128 : i32
    %mul3A_235 = arith.muli %add3A_233, %mul3A_234 : i32
    %dma_start3A_236 = arith.constant 0 : i32
    %dma_start3A_237 = tpu.memref_slice %arg2[%mul3A_235, %dma_start3A_236] : memref<100000x128xf32, #tpu.memory_space<hbm>> -> memref<128x128xf32, #tpu.memory_space<hbm>>
    %dma_start3A_238 = arith.constant 0 : i32
    %dma_start3A_239 = tpu.memref_slice %arg2[%mul3A_235, %dma_start3A_238] : memref<100000x128xf32, #tpu.memory_space<hbm>> -> memref<128x128xf32, #tpu.memory_space<hbm>>
    tpu.enqueue_dma source(%dma_start3A_239 : memref<128x128xf32, #tpu.memory_space<hbm>>) target(%arg8 : memref<128x128xf32, #tpu.memory_space<vmem>>) target_semaphore(%arg17 : memref<!tpu.dma_semaphore, #tpu.memory_space<semaphore_mem>>)
    %dma_start3A_240 = tpu.memref_slice %arg3[%mul3A_235] : memref<100016xi32, #tpu.memory_space<hbm>> -> memref<128xi32, #tpu.memory_space<hbm>>
    %dma_start3A_241 = tpu.memref_slice %arg3[%mul3A_235] : memref<100016xi32, #tpu.memory_space<hbm>> -> memref<128xi32, #tpu.memory_space<hbm>>
    tpu.enqueue_dma source(%dma_start3A_241 : memref<128xi32, #tpu.memory_space<hbm>>) target(%arg10 : memref<128xi32, #tpu.memory_space<vmem>>) target_semaphore(%arg17 : memref<!tpu.dma_semaphore, #tpu.memory_space<semaphore_mem>>)
    %dma_start3A_242 = tpu.memref_slice %arg3[%mul3A_235] : memref<100016xi32, #tpu.memory_space<hbm>> -> memref<144xi32, #tpu.memory_space<hbm>>
    %dma_start3A_243 = tpu.memref_slice %arg3[%mul3A_235] : memref<100016xi32, #tpu.memory_space<hbm>> -> memref<144xi32, #tpu.memory_space<hbm>>
    tpu.enqueue_dma source(%dma_start3A_243 : memref<144xi32, #tpu.memory_space<hbm>>) target(%arg13 : memref<144xi32, #tpu.memory_space<vmem>>) target_semaphore(%arg17 : memref<!tpu.dma_semaphore, #tpu.memory_space<semaphore_mem>>)
    %dma_wait3A_244 = arith.constant 0 : i32
    %dma_wait3A_245 = tpu.memref_slice %arg2[%mul3A_209, %dma_wait3A_244] : memref<100000x128xf32, #tpu.memory_space<hbm>> -> memref<128x128xf32, #tpu.memory_space<hbm>>
    %dma_wait3A_246 = arith.constant 0 : i32
    %dma_wait3A_247 = tpu.memref_slice %arg2[%mul3A_209, %dma_wait3A_246] : memref<100000x128xf32, #tpu.memory_space<hbm>> -> memref<128x128xf32, #tpu.memory_space<hbm>>
    tpu.wait_dma2 semaphore(%arg16 : memref<!tpu.dma_semaphore, #tpu.memory_space<semaphore_mem>>) src(%dma_wait3A_247 : memref<128x128xf32, #tpu.memory_space<hbm>>) dst(%arg7 : memref<128x128xf32, #tpu.memory_space<vmem>>)
    %dma_wait3A_248 = tpu.memref_slice %arg3[%mul3A_209] : memref<100016xi32, #tpu.memory_space<hbm>> -> memref<128xi32, #tpu.memory_space<hbm>>
    %dma_wait3A_249 = tpu.memref_slice %arg3[%mul3A_209] : memref<100016xi32, #tpu.memory_space<hbm>> -> memref<128xi32, #tpu.memory_space<hbm>>
    tpu.wait_dma2 semaphore(%arg16 : memref<!tpu.dma_semaphore, #tpu.memory_space<semaphore_mem>>) src(%dma_wait3A_249 : memref<128xi32, #tpu.memory_space<hbm>>) dst(%arg9 : memref<128xi32, #tpu.memory_space<vmem>>)
    %dma_wait3A_250 = tpu.memref_slice %arg3[%mul3A_209] : memref<100016xi32, #tpu.memory_space<hbm>> -> memref<144xi32, #tpu.memory_space<hbm>>
    %dma_wait3A_251 = tpu.memref_slice %arg3[%mul3A_209] : memref<100016xi32, #tpu.memory_space<hbm>> -> memref<144xi32, #tpu.memory_space<hbm>>
    tpu.wait_dma2 semaphore(%arg16 : memref<!tpu.dma_semaphore, #tpu.memory_space<semaphore_mem>>) src(%dma_wait3A_251 : memref<144xi32, #tpu.memory_space<hbm>>) dst(%arg12 : memref<144xi32, #tpu.memory_space<vmem>>)
    "tpu.region"() ({
      %run_scoped3A = tpu.sem_alloc : memref<!tpu.dma_semaphore, #tpu.memory_space<semaphore_mem>>
      %dma_start3A_654 = arith.constant 0 : i32
      %dma_start3A_655 = arith.constant 0 : i32
      %dma_start3A_656 = tpu.memref_slice %arg15[%dma_start3A_654, %dma_start3A_655] : memref<1024x128xf32, #tpu.memory_space<vmem_shared>> -> memref<1024x128xf32, #tpu.memory_space<vmem_shared>>
      tpu.enqueue_indirect_dma source(%arg7 : memref<128x128xf32, #tpu.memory_space<vmem>>) target(%dma_start3A_656 : memref<1024x128xf32, #tpu.memory_space<vmem_shared>>) offsets(%arg9 : memref<128xi32, #tpu.memory_space<vmem>>) semaphore(%run_scoped3A : memref<!tpu.dma_semaphore, #tpu.memory_space<semaphore_mem>>) {add = true}
      %dma_wait3A_657 = arith.constant 0 : i32
      %dma_wait3A_658 = arith.constant 0 : i32
      %dma_wait3A_659 = tpu.memref_slice %arg15[%dma_wait3A_657, %dma_wait3A_658] : memref<1024x128xf32, #tpu.memory_space<vmem_shared>> -> memref<1024x128xf32, #tpu.memory_space<vmem_shared>>
      tpu.wait_indirect_dma semaphore(%run_scoped3A : memref<!tpu.dma_semaphore, #tpu.memory_space<semaphore_mem>>) src(%arg7 : memref<128x128xf32, #tpu.memory_space<vmem>>) dst(%dma_wait3A_659 : memref<1024x128xf32, #tpu.memory_space<vmem_shared>>)
      tpu.yield
    }) : () -> ()
    %scan3A_252 = arith.constant 0 : i32
    %scan3A_253 = arith.constant 0 : i32
    %scan3A_254 = arith.constant 8 : i32
    %scan3A_255 = arith.addi %scan3A_253, %scan3A_254 : i32
    %scan3A_256 = arith.constant 1 : i32
    scf.for %scan3A_654 = %scan3A_253 to %scan3A_255 step %scan3A_256  : i32 {
      %mul3A_655 = arith.constant 16 : i32
      %mul3A_656 = arith.muli %scan3A_654, %mul3A_655 : i32
      %get3A = arith.index_cast %mul3A_656 : i32 to index
      %get3A_657 = tpu.vector_load %arg12[%get3A] {strides = array<i32>} : memref<144xi32, #tpu.memory_space<vmem>>, vector<16xi32>,
      %add3A_658 = arith.constant 1 : i32
      %add3A_659 = arith.addi %mul3A_656, %add3A_658 : i32
      %get3A_660 = arith.index_cast %add3A_659 : i32 to index
      %get3A_661 = tpu.vector_load %arg12[%get3A_660] {strides = array<i32>} : memref<144xi32, #tpu.memory_space<vmem>>, vector<16xi32>,
      %ne3A = arith.cmpi ne, %get3A_657, %get3A_661 : vector<16xi32>
      %or3A = arith.ori %ne3A, %eq3A_15 : vector<16xi1>
      %not3A = arith.constant dense<true> : vector<16xi1>
      %not3A_662 = arith.xori %eq3A_15, %not3A : vector<16xi1>
      %and3A = arith.andi %ne3A, %not3A_662 : vector<16xi1>
      tpu.vector_store_idx %arg14[%get3A_657], %add3A_13 masked %or3A {add = true} : memref<1040xf32, #tpu.memory_space<vmem>>[vector<16xi32>], vector<16xf32>, vector<16xi1>
      %neg3A = arith.constant 0.000000e+00 : f32
      %neg3A_663 = vector.broadcast %neg3A : f32 to vector<16xf32>
      %neg3A_664 = arith.subf %neg3A_663, %add3A_13 : vector<16xf32>
      tpu.vector_store_idx %arg14[%get3A_661], %neg3A_664 masked %and3A {add = true} : memref<1040xf32, #tpu.memory_space<vmem>>[vector<16xi32>], vector<16xf32>, vector<16xi1>
    }
    %scan3A_257 = arith.constant 8 : i32
    %add3A_258 = arith.constant 320 : i32
    %add3A_259 = arith.addi %add3A_258, %add3A : i32
    %mul3A_260 = arith.constant 128 : i32
    %mul3A_261 = arith.muli %add3A_259, %mul3A_260 : i32
    %dma_start3A_262 = arith.constant 0 : i32
    %dma_start3A_263 = tpu.memref_slice %arg2[%mul3A_261, %dma_start3A_262] : memref<100000x128xf32, #tpu.memory_space<hbm>> -> memref<128x128xf32, #tpu.memory_space<hbm>>
    %dma_start3A_264 = arith.constant 0 : i32
    %dma_start3A_265 = tpu.memref_slice %arg2[%mul3A_261, %dma_start3A_264] : memref<100000x128xf32, #tpu.memory_space<hbm>> -> memref<128x128xf32, #tpu.memory_space<hbm>>
    tpu.enqueue_dma source(%dma_start3A_265 : memref<128x128xf32, #tpu.memory_space<hbm>>) target(%arg7 : memref<128x128xf32, #tpu.memory_space<vmem>>) target_semaphore(%arg16 : memref<!tpu.dma_semaphore, #tpu.memory_space<semaphore_mem>>)
    %dma_start3A_266 = tpu.memref_slice %arg3[%mul3A_261] : memref<100016xi32, #tpu.memory_space<hbm>> -> memref<128xi32, #tpu.memory_space<hbm>>
    %dma_start3A_267 = tpu.memref_slice %arg3[%mul3A_261] : memref<100016xi32, #tpu.memory_space<hbm>> -> memref<128xi32, #tpu.memory_space<hbm>>
    tpu.enqueue_dma source(%dma_start3A_267 : memref<128xi32, #tpu.memory_space<hbm>>) target(%arg9 : memref<128xi32, #tpu.memory_space<vmem>>) target_semaphore(%arg16 : memref<!tpu.dma_semaphore, #tpu.memory_space<semaphore_mem>>)
    %dma_start3A_268 = tpu.memref_slice %arg3[%mul3A_261] : memref<100016xi32, #tpu.memory_space<hbm>> -> memref<144xi32, #tpu.memory_space<hbm>>
    %dma_start3A_269 = tpu.memref_slice %arg3[%mul3A_261] : memref<100016xi32, #tpu.memory_space<hbm>> -> memref<144xi32, #tpu.memory_space<hbm>>
    tpu.enqueue_dma source(%dma_start3A_269 : memref<144xi32, #tpu.memory_space<hbm>>) target(%arg12 : memref<144xi32, #tpu.memory_space<vmem>>) target_semaphore(%arg16 : memref<!tpu.dma_semaphore, #tpu.memory_space<semaphore_mem>>)
    %dma_wait3A_270 = arith.constant 0 : i32
    %dma_wait3A_271 = tpu.memref_slice %arg2[%mul3A_235, %dma_wait3A_270] : memref<100000x128xf32, #tpu.memory_space<hbm>> -> memref<128x128xf32, #tpu.memory_space<hbm>>
    %dma_wait3A_272 = arith.constant 0 : i32
    %dma_wait3A_273 = tpu.memref_slice %arg2[%mul3A_235, %dma_wait3A_272] : memref<100000x128xf32, #tpu.memory_space<hbm>> -> memref<128x128xf32, #tpu.memory_space<hbm>>
    tpu.wait_dma2 semaphore(%arg17 : memref<!tpu.dma_semaphore, #tpu.memory_space<semaphore_mem>>) src(%dma_wait3A_273 : memref<128x128xf32, #tpu.memory_space<hbm>>) dst(%arg8 : memref<128x128xf32, #tpu.memory_space<vmem>>)
    %dma_wait3A_274 = tpu.memref_slice %arg3[%mul3A_235] : memref<100016xi32, #tpu.memory_space<hbm>> -> memref<128xi32, #tpu.memory_space<hbm>>
    %dma_wait3A_275 = tpu.memref_slice %arg3[%mul3A_235] : memref<100016xi32, #tpu.memory_space<hbm>> -> memref<128xi32, #tpu.memory_space<hbm>>
    tpu.wait_dma2 semaphore(%arg17 : memref<!tpu.dma_semaphore, #tpu.memory_space<semaphore_mem>>) src(%dma_wait3A_275 : memref<128xi32, #tpu.memory_space<hbm>>) dst(%arg10 : memref<128xi32, #tpu.memory_space<vmem>>)
    %dma_wait3A_276 = tpu.memref_slice %arg3[%mul3A_235] : memref<100016xi32, #tpu.memory_space<hbm>> -> memref<144xi32, #tpu.memory_space<hbm>>
    %dma_wait3A_277 = tpu.memref_slice %arg3[%mul3A_235] : memref<100016xi32, #tpu.memory_space<hbm>> -> memref<144xi32, #tpu.memory_space<hbm>>
    tpu.wait_dma2 semaphore(%arg17 : memref<!tpu.dma_semaphore, #tpu.memory_space<semaphore_mem>>) src(%dma_wait3A_277 : memref<144xi32, #tpu.memory_space<hbm>>) dst(%arg13 : memref<144xi32, #tpu.memory_space<vmem>>)
    "tpu.region"() ({
      %run_scoped3A = tpu.sem_alloc : memref<!tpu.dma_semaphore, #tpu.memory_space<semaphore_mem>>
      %dma_start3A_654 = arith.constant 0 : i32
      %dma_start3A_655 = arith.constant 0 : i32
      %dma_start3A_656 = tpu.memref_slice %arg15[%dma_start3A_654, %dma_start3A_655] : memref<1024x128xf32, #tpu.memory_space<vmem_shared>> -> memref<1024x128xf32, #tpu.memory_space<vmem_shared>>
      tpu.enqueue_indirect_dma source(%arg8 : memref<128x128xf32, #tpu.memory_space<vmem>>) target(%dma_start3A_656 : memref<1024x128xf32, #tpu.memory_space<vmem_shared>>) offsets(%arg10 : memref<128xi32, #tpu.memory_space<vmem>>) semaphore(%run_scoped3A : memref<!tpu.dma_semaphore, #tpu.memory_space<semaphore_mem>>) {add = true}
      %dma_wait3A_657 = arith.constant 0 : i32
      %dma_wait3A_658 = arith.constant 0 : i32
      %dma_wait3A_659 = tpu.memref_slice %arg15[%dma_wait3A_657, %dma_wait3A_658] : memref<1024x128xf32, #tpu.memory_space<vmem_shared>> -> memref<1024x128xf32, #tpu.memory_space<vmem_shared>>
      tpu.wait_indirect_dma semaphore(%run_scoped3A : memref<!tpu.dma_semaphore, #tpu.memory_space<semaphore_mem>>) src(%arg8 : memref<128x128xf32, #tpu.memory_space<vmem>>) dst(%dma_wait3A_659 : memref<1024x128xf32, #tpu.memory_space<vmem_shared>>)
      tpu.yield
    }) : () -> ()
    %scan3A_278 = arith.constant 0 : i32
    %scan3A_279 = arith.constant 0 : i32
    %scan3A_280 = arith.constant 8 : i32
    %scan3A_281 = arith.addi %scan3A_279, %scan3A_280 : i32
    %scan3A_282 = arith.constant 1 : i32
    scf.for %scan3A_654 = %scan3A_279 to %scan3A_281 step %scan3A_282  : i32 {
      %mul3A_655 = arith.constant 16 : i32
      %mul3A_656 = arith.muli %scan3A_654, %mul3A_655 : i32
      %get3A = arith.index_cast %mul3A_656 : i32 to index
      %get3A_657 = tpu.vector_load %arg13[%get3A] {strides = array<i32>} : memref<144xi32, #tpu.memory_space<vmem>>, vector<16xi32>,
      %add3A_658 = arith.constant 1 : i32
      %add3A_659 = arith.addi %mul3A_656, %add3A_658 : i32
      %get3A_660 = arith.index_cast %add3A_659 : i32 to index
      %get3A_661 = tpu.vector_load %arg13[%get3A_660] {strides = array<i32>} : memref<144xi32, #tpu.memory_space<vmem>>, vector<16xi32>,
      %ne3A = arith.cmpi ne, %get3A_657, %get3A_661 : vector<16xi32>
      %or3A = arith.ori %ne3A, %eq3A_15 : vector<16xi1>
      %not3A = arith.constant dense<true> : vector<16xi1>
      %not3A_662 = arith.xori %eq3A_15, %not3A : vector<16xi1>
      %and3A = arith.andi %ne3A, %not3A_662 : vector<16xi1>
      tpu.vector_store_idx %arg14[%get3A_657], %add3A_13 masked %or3A {add = true} : memref<1040xf32, #tpu.memory_space<vmem>>[vector<16xi32>], vector<16xf32>, vector<16xi1>
      %neg3A = arith.constant 0.000000e+00 : f32
      %neg3A_663 = vector.broadcast %neg3A : f32 to vector<16xf32>
      %neg3A_664 = arith.subf %neg3A_663, %add3A_13 : vector<16xf32>
      tpu.vector_store_idx %arg14[%get3A_661], %neg3A_664 masked %and3A {add = true} : memref<1040xf32, #tpu.memory_space<vmem>>[vector<16xi32>], vector<16xf32>, vector<16xi1>
    }
    %scan3A_283 = arith.constant 8 : i32
    %add3A_284 = arith.constant 352 : i32
    %add3A_285 = arith.addi %add3A_284, %add3A : i32
    %mul3A_286 = arith.constant 128 : i32
    %mul3A_287 = arith.muli %add3A_285, %mul3A_286 : i32
    %dma_start3A_288 = arith.constant 0 : i32
    %dma_start3A_289 = tpu.memref_slice %arg2[%mul3A_287, %dma_start3A_288] : memref<100000x128xf32, #tpu.memory_space<hbm>> -> memref<128x128xf32, #tpu.memory_space<hbm>>
    %dma_start3A_290 = arith.constant 0 : i32
    %dma_start3A_291 = tpu.memref_slice %arg2[%mul3A_287, %dma_start3A_290] : memref<100000x128xf32, #tpu.memory_space<hbm>> -> memref<128x128xf32, #tpu.memory_space<hbm>>
    tpu.enqueue_dma source(%dma_start3A_291 : memref<128x128xf32, #tpu.memory_space<hbm>>) target(%arg8 : memref<128x128xf32, #tpu.memory_space<vmem>>) target_semaphore(%arg17 : memref<!tpu.dma_semaphore, #tpu.memory_space<semaphore_mem>>)
    %dma_start3A_292 = tpu.memref_slice %arg3[%mul3A_287] : memref<100016xi32, #tpu.memory_space<hbm>> -> memref<128xi32, #tpu.memory_space<hbm>>
    %dma_start3A_293 = tpu.memref_slice %arg3[%mul3A_287] : memref<100016xi32, #tpu.memory_space<hbm>> -> memref<128xi32, #tpu.memory_space<hbm>>
    tpu.enqueue_dma source(%dma_start3A_293 : memref<128xi32, #tpu.memory_space<hbm>>) target(%arg10 : memref<128xi32, #tpu.memory_space<vmem>>) target_semaphore(%arg17 : memref<!tpu.dma_semaphore, #tpu.memory_space<semaphore_mem>>)
    %dma_start3A_294 = tpu.memref_slice %arg3[%mul3A_287] : memref<100016xi32, #tpu.memory_space<hbm>> -> memref<144xi32, #tpu.memory_space<hbm>>
    %dma_start3A_295 = tpu.memref_slice %arg3[%mul3A_287] : memref<100016xi32, #tpu.memory_space<hbm>> -> memref<144xi32, #tpu.memory_space<hbm>>
    tpu.enqueue_dma source(%dma_start3A_295 : memref<144xi32, #tpu.memory_space<hbm>>) target(%arg13 : memref<144xi32, #tpu.memory_space<vmem>>) target_semaphore(%arg17 : memref<!tpu.dma_semaphore, #tpu.memory_space<semaphore_mem>>)
    %dma_wait3A_296 = arith.constant 0 : i32
    %dma_wait3A_297 = tpu.memref_slice %arg2[%mul3A_261, %dma_wait3A_296] : memref<100000x128xf32, #tpu.memory_space<hbm>> -> memref<128x128xf32, #tpu.memory_space<hbm>>
    %dma_wait3A_298 = arith.constant 0 : i32
    %dma_wait3A_299 = tpu.memref_slice %arg2[%mul3A_261, %dma_wait3A_298] : memref<100000x128xf32, #tpu.memory_space<hbm>> -> memref<128x128xf32, #tpu.memory_space<hbm>>
    tpu.wait_dma2 semaphore(%arg16 : memref<!tpu.dma_semaphore, #tpu.memory_space<semaphore_mem>>) src(%dma_wait3A_299 : memref<128x128xf32, #tpu.memory_space<hbm>>) dst(%arg7 : memref<128x128xf32, #tpu.memory_space<vmem>>)
    %dma_wait3A_300 = tpu.memref_slice %arg3[%mul3A_261] : memref<100016xi32, #tpu.memory_space<hbm>> -> memref<128xi32, #tpu.memory_space<hbm>>
    %dma_wait3A_301 = tpu.memref_slice %arg3[%mul3A_261] : memref<100016xi32, #tpu.memory_space<hbm>> -> memref<128xi32, #tpu.memory_space<hbm>>
    tpu.wait_dma2 semaphore(%arg16 : memref<!tpu.dma_semaphore, #tpu.memory_space<semaphore_mem>>) src(%dma_wait3A_301 : memref<128xi32, #tpu.memory_space<hbm>>) dst(%arg9 : memref<128xi32, #tpu.memory_space<vmem>>)
    %dma_wait3A_302 = tpu.memref_slice %arg3[%mul3A_261] : memref<100016xi32, #tpu.memory_space<hbm>> -> memref<144xi32, #tpu.memory_space<hbm>>
    %dma_wait3A_303 = tpu.memref_slice %arg3[%mul3A_261] : memref<100016xi32, #tpu.memory_space<hbm>> -> memref<144xi32, #tpu.memory_space<hbm>>
    tpu.wait_dma2 semaphore(%arg16 : memref<!tpu.dma_semaphore, #tpu.memory_space<semaphore_mem>>) src(%dma_wait3A_303 : memref<144xi32, #tpu.memory_space<hbm>>) dst(%arg12 : memref<144xi32, #tpu.memory_space<vmem>>)
    "tpu.region"() ({
      %run_scoped3A = tpu.sem_alloc : memref<!tpu.dma_semaphore, #tpu.memory_space<semaphore_mem>>
      %dma_start3A_654 = arith.constant 0 : i32
      %dma_start3A_655 = arith.constant 0 : i32
      %dma_start3A_656 = tpu.memref_slice %arg15[%dma_start3A_654, %dma_start3A_655] : memref<1024x128xf32, #tpu.memory_space<vmem_shared>> -> memref<1024x128xf32, #tpu.memory_space<vmem_shared>>
      tpu.enqueue_indirect_dma source(%arg7 : memref<128x128xf32, #tpu.memory_space<vmem>>) target(%dma_start3A_656 : memref<1024x128xf32, #tpu.memory_space<vmem_shared>>) offsets(%arg9 : memref<128xi32, #tpu.memory_space<vmem>>) semaphore(%run_scoped3A : memref<!tpu.dma_semaphore, #tpu.memory_space<semaphore_mem>>) {add = true}
      %dma_wait3A_657 = arith.constant 0 : i32
      %dma_wait3A_658 = arith.constant 0 : i32
      %dma_wait3A_659 = tpu.memref_slice %arg15[%dma_wait3A_657, %dma_wait3A_658] : memref<1024x128xf32, #tpu.memory_space<vmem_shared>> -> memref<1024x128xf32, #tpu.memory_space<vmem_shared>>
      tpu.wait_indirect_dma semaphore(%run_scoped3A : memref<!tpu.dma_semaphore, #tpu.memory_space<semaphore_mem>>) src(%arg7 : memref<128x128xf32, #tpu.memory_space<vmem>>) dst(%dma_wait3A_659 : memref<1024x128xf32, #tpu.memory_space<vmem_shared>>)
      tpu.yield
    }) : () -> ()
    %scan3A_304 = arith.constant 0 : i32
    %scan3A_305 = arith.constant 0 : i32
    %scan3A_306 = arith.constant 8 : i32
    %scan3A_307 = arith.addi %scan3A_305, %scan3A_306 : i32
    %scan3A_308 = arith.constant 1 : i32
    scf.for %scan3A_654 = %scan3A_305 to %scan3A_307 step %scan3A_308  : i32 {
      %mul3A_655 = arith.constant 16 : i32
      %mul3A_656 = arith.muli %scan3A_654, %mul3A_655 : i32
      %get3A = arith.index_cast %mul3A_656 : i32 to index
      %get3A_657 = tpu.vector_load %arg12[%get3A] {strides = array<i32>} : memref<144xi32, #tpu.memory_space<vmem>>, vector<16xi32>,
      %add3A_658 = arith.constant 1 : i32
      %add3A_659 = arith.addi %mul3A_656, %add3A_658 : i32
      %get3A_660 = arith.index_cast %add3A_659 : i32 to index
      %get3A_661 = tpu.vector_load %arg12[%get3A_660] {strides = array<i32>} : memref<144xi32, #tpu.memory_space<vmem>>, vector<16xi32>,
      %ne3A = arith.cmpi ne, %get3A_657, %get3A_661 : vector<16xi32>
      %or3A = arith.ori %ne3A, %eq3A_15 : vector<16xi1>
      %not3A = arith.constant dense<true> : vector<16xi1>
      %not3A_662 = arith.xori %eq3A_15, %not3A : vector<16xi1>
      %and3A = arith.andi %ne3A, %not3A_662 : vector<16xi1>
      tpu.vector_store_idx %arg14[%get3A_657], %add3A_13 masked %or3A {add = true} : memref<1040xf32, #tpu.memory_space<vmem>>[vector<16xi32>], vector<16xf32>, vector<16xi1>
      %neg3A = arith.constant 0.000000e+00 : f32
      %neg3A_663 = vector.broadcast %neg3A : f32 to vector<16xf32>
      %neg3A_664 = arith.subf %neg3A_663, %add3A_13 : vector<16xf32>
      tpu.vector_store_idx %arg14[%get3A_661], %neg3A_664 masked %and3A {add = true} : memref<1040xf32, #tpu.memory_space<vmem>>[vector<16xi32>], vector<16xf32>, vector<16xi1>
    }
    %scan3A_309 = arith.constant 8 : i32
    %add3A_310 = arith.constant 384 : i32
    %add3A_311 = arith.addi %add3A_310, %add3A : i32
    %mul3A_312 = arith.constant 128 : i32
    %mul3A_313 = arith.muli %add3A_311, %mul3A_312 : i32
    %dma_start3A_314 = arith.constant 0 : i32
    %dma_start3A_315 = tpu.memref_slice %arg2[%mul3A_313, %dma_start3A_314] : memref<100000x128xf32, #tpu.memory_space<hbm>> -> memref<128x128xf32, #tpu.memory_space<hbm>>
    %dma_start3A_316 = arith.constant 0 : i32
    %dma_start3A_317 = tpu.memref_slice %arg2[%mul3A_313, %dma_start3A_316] : memref<100000x128xf32, #tpu.memory_space<hbm>> -> memref<128x128xf32, #tpu.memory_space<hbm>>
    tpu.enqueue_dma source(%dma_start3A_317 : memref<128x128xf32, #tpu.memory_space<hbm>>) target(%arg7 : memref<128x128xf32, #tpu.memory_space<vmem>>) target_semaphore(%arg16 : memref<!tpu.dma_semaphore, #tpu.memory_space<semaphore_mem>>)
    %dma_start3A_318 = tpu.memref_slice %arg3[%mul3A_313] : memref<100016xi32, #tpu.memory_space<hbm>> -> memref<128xi32, #tpu.memory_space<hbm>>
    %dma_start3A_319 = tpu.memref_slice %arg3[%mul3A_313] : memref<100016xi32, #tpu.memory_space<hbm>> -> memref<128xi32, #tpu.memory_space<hbm>>
    tpu.enqueue_dma source(%dma_start3A_319 : memref<128xi32, #tpu.memory_space<hbm>>) target(%arg9 : memref<128xi32, #tpu.memory_space<vmem>>) target_semaphore(%arg16 : memref<!tpu.dma_semaphore, #tpu.memory_space<semaphore_mem>>)
    %dma_start3A_320 = tpu.memref_slice %arg3[%mul3A_313] : memref<100016xi32, #tpu.memory_space<hbm>> -> memref<144xi32, #tpu.memory_space<hbm>>
    %dma_start3A_321 = tpu.memref_slice %arg3[%mul3A_313] : memref<100016xi32, #tpu.memory_space<hbm>> -> memref<144xi32, #tpu.memory_space<hbm>>
    tpu.enqueue_dma source(%dma_start3A_321 : memref<144xi32, #tpu.memory_space<hbm>>) target(%arg12 : memref<144xi32, #tpu.memory_space<vmem>>) target_semaphore(%arg16 : memref<!tpu.dma_semaphore, #tpu.memory_space<semaphore_mem>>)
    %dma_wait3A_322 = arith.constant 0 : i32
    %dma_wait3A_323 = tpu.memref_slice %arg2[%mul3A_287, %dma_wait3A_322] : memref<100000x128xf32, #tpu.memory_space<hbm>> -> memref<128x128xf32, #tpu.memory_space<hbm>>
    %dma_wait3A_324 = arith.constant 0 : i32
    %dma_wait3A_325 = tpu.memref_slice %arg2[%mul3A_287, %dma_wait3A_324] : memref<100000x128xf32, #tpu.memory_space<hbm>> -> memref<128x128xf32, #tpu.memory_space<hbm>>
    tpu.wait_dma2 semaphore(%arg17 : memref<!tpu.dma_semaphore, #tpu.memory_space<semaphore_mem>>) src(%dma_wait3A_325 : memref<128x128xf32, #tpu.memory_space<hbm>>) dst(%arg8 : memref<128x128xf32, #tpu.memory_space<vmem>>)
    %dma_wait3A_326 = tpu.memref_slice %arg3[%mul3A_287] : memref<100016xi32, #tpu.memory_space<hbm>> -> memref<128xi32, #tpu.memory_space<hbm>>
    %dma_wait3A_327 = tpu.memref_slice %arg3[%mul3A_287] : memref<100016xi32, #tpu.memory_space<hbm>> -> memref<128xi32, #tpu.memory_space<hbm>>
    tpu.wait_dma2 semaphore(%arg17 : memref<!tpu.dma_semaphore, #tpu.memory_space<semaphore_mem>>) src(%dma_wait3A_327 : memref<128xi32, #tpu.memory_space<hbm>>) dst(%arg10 : memref<128xi32, #tpu.memory_space<vmem>>)
    %dma_wait3A_328 = tpu.memref_slice %arg3[%mul3A_287] : memref<100016xi32, #tpu.memory_space<hbm>> -> memref<144xi32, #tpu.memory_space<hbm>>
    %dma_wait3A_329 = tpu.memref_slice %arg3[%mul3A_287] : memref<100016xi32, #tpu.memory_space<hbm>> -> memref<144xi32, #tpu.memory_space<hbm>>
    tpu.wait_dma2 semaphore(%arg17 : memref<!tpu.dma_semaphore, #tpu.memory_space<semaphore_mem>>) src(%dma_wait3A_329 : memref<144xi32, #tpu.memory_space<hbm>>) dst(%arg13 : memref<144xi32, #tpu.memory_space<vmem>>)
    "tpu.region"() ({
      %run_scoped3A = tpu.sem_alloc : memref<!tpu.dma_semaphore, #tpu.memory_space<semaphore_mem>>
      %dma_start3A_654 = arith.constant 0 : i32
      %dma_start3A_655 = arith.constant 0 : i32
      %dma_start3A_656 = tpu.memref_slice %arg15[%dma_start3A_654, %dma_start3A_655] : memref<1024x128xf32, #tpu.memory_space<vmem_shared>> -> memref<1024x128xf32, #tpu.memory_space<vmem_shared>>
      tpu.enqueue_indirect_dma source(%arg8 : memref<128x128xf32, #tpu.memory_space<vmem>>) target(%dma_start3A_656 : memref<1024x128xf32, #tpu.memory_space<vmem_shared>>) offsets(%arg10 : memref<128xi32, #tpu.memory_space<vmem>>) semaphore(%run_scoped3A : memref<!tpu.dma_semaphore, #tpu.memory_space<semaphore_mem>>) {add = true}
      %dma_wait3A_657 = arith.constant 0 : i32
      %dma_wait3A_658 = arith.constant 0 : i32
      %dma_wait3A_659 = tpu.memref_slice %arg15[%dma_wait3A_657, %dma_wait3A_658] : memref<1024x128xf32, #tpu.memory_space<vmem_shared>> -> memref<1024x128xf32, #tpu.memory_space<vmem_shared>>
      tpu.wait_indirect_dma semaphore(%run_scoped3A : memref<!tpu.dma_semaphore, #tpu.memory_space<semaphore_mem>>) src(%arg8 : memref<128x128xf32, #tpu.memory_space<vmem>>) dst(%dma_wait3A_659 : memref<1024x128xf32, #tpu.memory_space<vmem_shared>>)
      tpu.yield
    }) : () -> ()
    %scan3A_330 = arith.constant 0 : i32
    %scan3A_331 = arith.constant 0 : i32
    %scan3A_332 = arith.constant 8 : i32
    %scan3A_333 = arith.addi %scan3A_331, %scan3A_332 : i32
    %scan3A_334 = arith.constant 1 : i32
    scf.for %scan3A_654 = %scan3A_331 to %scan3A_333 step %scan3A_334  : i32 {
      %mul3A_655 = arith.constant 16 : i32
      %mul3A_656 = arith.muli %scan3A_654, %mul3A_655 : i32
      %get3A = arith.index_cast %mul3A_656 : i32 to index
      %get3A_657 = tpu.vector_load %arg13[%get3A] {strides = array<i32>} : memref<144xi32, #tpu.memory_space<vmem>>, vector<16xi32>,
      %add3A_658 = arith.constant 1 : i32
      %add3A_659 = arith.addi %mul3A_656, %add3A_658 : i32
      %get3A_660 = arith.index_cast %add3A_659 : i32 to index
      %get3A_661 = tpu.vector_load %arg13[%get3A_660] {strides = array<i32>} : memref<144xi32, #tpu.memory_space<vmem>>, vector<16xi32>,
      %ne3A = arith.cmpi ne, %get3A_657, %get3A_661 : vector<16xi32>
      %or3A = arith.ori %ne3A, %eq3A_15 : vector<16xi1>
      %not3A = arith.constant dense<true> : vector<16xi1>
      %not3A_662 = arith.xori %eq3A_15, %not3A : vector<16xi1>
      %and3A = arith.andi %ne3A, %not3A_662 : vector<16xi1>
      tpu.vector_store_idx %arg14[%get3A_657], %add3A_13 masked %or3A {add = true} : memref<1040xf32, #tpu.memory_space<vmem>>[vector<16xi32>], vector<16xf32>, vector<16xi1>
      %neg3A = arith.constant 0.000000e+00 : f32
      %neg3A_663 = vector.broadcast %neg3A : f32 to vector<16xf32>
      %neg3A_664 = arith.subf %neg3A_663, %add3A_13 : vector<16xf32>
      tpu.vector_store_idx %arg14[%get3A_661], %neg3A_664 masked %and3A {add = true} : memref<1040xf32, #tpu.memory_space<vmem>>[vector<16xi32>], vector<16xf32>, vector<16xi1>
    }
    %scan3A_335 = arith.constant 8 : i32
    %add3A_336 = arith.constant 416 : i32
    %add3A_337 = arith.addi %add3A_336, %add3A : i32
    %mul3A_338 = arith.constant 128 : i32
    %mul3A_339 = arith.muli %add3A_337, %mul3A_338 : i32
    %dma_start3A_340 = arith.constant 0 : i32
    %dma_start3A_341 = tpu.memref_slice %arg2[%mul3A_339, %dma_start3A_340] : memref<100000x128xf32, #tpu.memory_space<hbm>> -> memref<128x128xf32, #tpu.memory_space<hbm>>
    %dma_start3A_342 = arith.constant 0 : i32
    %dma_start3A_343 = tpu.memref_slice %arg2[%mul3A_339, %dma_start3A_342] : memref<100000x128xf32, #tpu.memory_space<hbm>> -> memref<128x128xf32, #tpu.memory_space<hbm>>
    tpu.enqueue_dma source(%dma_start3A_343 : memref<128x128xf32, #tpu.memory_space<hbm>>) target(%arg8 : memref<128x128xf32, #tpu.memory_space<vmem>>) target_semaphore(%arg17 : memref<!tpu.dma_semaphore, #tpu.memory_space<semaphore_mem>>)
    %dma_start3A_344 = tpu.memref_slice %arg3[%mul3A_339] : memref<100016xi32, #tpu.memory_space<hbm>> -> memref<128xi32, #tpu.memory_space<hbm>>
    %dma_start3A_345 = tpu.memref_slice %arg3[%mul3A_339] : memref<100016xi32, #tpu.memory_space<hbm>> -> memref<128xi32, #tpu.memory_space<hbm>>
    tpu.enqueue_dma source(%dma_start3A_345 : memref<128xi32, #tpu.memory_space<hbm>>) target(%arg10 : memref<128xi32, #tpu.memory_space<vmem>>) target_semaphore(%arg17 : memref<!tpu.dma_semaphore, #tpu.memory_space<semaphore_mem>>)
    %dma_start3A_346 = tpu.memref_slice %arg3[%mul3A_339] : memref<100016xi32, #tpu.memory_space<hbm>> -> memref<144xi32, #tpu.memory_space<hbm>>
    %dma_start3A_347 = tpu.memref_slice %arg3[%mul3A_339] : memref<100016xi32, #tpu.memory_space<hbm>> -> memref<144xi32, #tpu.memory_space<hbm>>
    tpu.enqueue_dma source(%dma_start3A_347 : memref<144xi32, #tpu.memory_space<hbm>>) target(%arg13 : memref<144xi32, #tpu.memory_space<vmem>>) target_semaphore(%arg17 : memref<!tpu.dma_semaphore, #tpu.memory_space<semaphore_mem>>)
    %dma_wait3A_348 = arith.constant 0 : i32
    %dma_wait3A_349 = tpu.memref_slice %arg2[%mul3A_313, %dma_wait3A_348] : memref<100000x128xf32, #tpu.memory_space<hbm>> -> memref<128x128xf32, #tpu.memory_space<hbm>>
    %dma_wait3A_350 = arith.constant 0 : i32
    %dma_wait3A_351 = tpu.memref_slice %arg2[%mul3A_313, %dma_wait3A_350] : memref<100000x128xf32, #tpu.memory_space<hbm>> -> memref<128x128xf32, #tpu.memory_space<hbm>>
    tpu.wait_dma2 semaphore(%arg16 : memref<!tpu.dma_semaphore, #tpu.memory_space<semaphore_mem>>) src(%dma_wait3A_351 : memref<128x128xf32, #tpu.memory_space<hbm>>) dst(%arg7 : memref<128x128xf32, #tpu.memory_space<vmem>>)
    %dma_wait3A_352 = tpu.memref_slice %arg3[%mul3A_313] : memref<100016xi32, #tpu.memory_space<hbm>> -> memref<128xi32, #tpu.memory_space<hbm>>
    %dma_wait3A_353 = tpu.memref_slice %arg3[%mul3A_313] : memref<100016xi32, #tpu.memory_space<hbm>> -> memref<128xi32, #tpu.memory_space<hbm>>
    tpu.wait_dma2 semaphore(%arg16 : memref<!tpu.dma_semaphore, #tpu.memory_space<semaphore_mem>>) src(%dma_wait3A_353 : memref<128xi32, #tpu.memory_space<hbm>>) dst(%arg9 : memref<128xi32, #tpu.memory_space<vmem>>)
    %dma_wait3A_354 = tpu.memref_slice %arg3[%mul3A_313] : memref<100016xi32, #tpu.memory_space<hbm>> -> memref<144xi32, #tpu.memory_space<hbm>>
    %dma_wait3A_355 = tpu.memref_slice %arg3[%mul3A_313] : memref<100016xi32, #tpu.memory_space<hbm>> -> memref<144xi32, #tpu.memory_space<hbm>>
    tpu.wait_dma2 semaphore(%arg16 : memref<!tpu.dma_semaphore, #tpu.memory_space<semaphore_mem>>) src(%dma_wait3A_355 : memref<144xi32, #tpu.memory_space<hbm>>) dst(%arg12 : memref<144xi32, #tpu.memory_space<vmem>>)
    "tpu.region"() ({
      %run_scoped3A = tpu.sem_alloc : memref<!tpu.dma_semaphore, #tpu.memory_space<semaphore_mem>>
      %dma_start3A_654 = arith.constant 0 : i32
      %dma_start3A_655 = arith.constant 0 : i32
      %dma_start3A_656 = tpu.memref_slice %arg15[%dma_start3A_654, %dma_start3A_655] : memref<1024x128xf32, #tpu.memory_space<vmem_shared>> -> memref<1024x128xf32, #tpu.memory_space<vmem_shared>>
      tpu.enqueue_indirect_dma source(%arg7 : memref<128x128xf32, #tpu.memory_space<vmem>>) target(%dma_start3A_656 : memref<1024x128xf32, #tpu.memory_space<vmem_shared>>) offsets(%arg9 : memref<128xi32, #tpu.memory_space<vmem>>) semaphore(%run_scoped3A : memref<!tpu.dma_semaphore, #tpu.memory_space<semaphore_mem>>) {add = true}
      %dma_wait3A_657 = arith.constant 0 : i32
      %dma_wait3A_658 = arith.constant 0 : i32
      %dma_wait3A_659 = tpu.memref_slice %arg15[%dma_wait3A_657, %dma_wait3A_658] : memref<1024x128xf32, #tpu.memory_space<vmem_shared>> -> memref<1024x128xf32, #tpu.memory_space<vmem_shared>>
      tpu.wait_indirect_dma semaphore(%run_scoped3A : memref<!tpu.dma_semaphore, #tpu.memory_space<semaphore_mem>>) src(%arg7 : memref<128x128xf32, #tpu.memory_space<vmem>>) dst(%dma_wait3A_659 : memref<1024x128xf32, #tpu.memory_space<vmem_shared>>)
      tpu.yield
    }) : () -> ()
    %scan3A_356 = arith.constant 0 : i32
    %scan3A_357 = arith.constant 0 : i32
    %scan3A_358 = arith.constant 8 : i32
    %scan3A_359 = arith.addi %scan3A_357, %scan3A_358 : i32
    %scan3A_360 = arith.constant 1 : i32
    scf.for %scan3A_654 = %scan3A_357 to %scan3A_359 step %scan3A_360  : i32 {
      %mul3A_655 = arith.constant 16 : i32
      %mul3A_656 = arith.muli %scan3A_654, %mul3A_655 : i32
      %get3A = arith.index_cast %mul3A_656 : i32 to index
      %get3A_657 = tpu.vector_load %arg12[%get3A] {strides = array<i32>} : memref<144xi32, #tpu.memory_space<vmem>>, vector<16xi32>,
      %add3A_658 = arith.constant 1 : i32
      %add3A_659 = arith.addi %mul3A_656, %add3A_658 : i32
      %get3A_660 = arith.index_cast %add3A_659 : i32 to index
      %get3A_661 = tpu.vector_load %arg12[%get3A_660] {strides = array<i32>} : memref<144xi32, #tpu.memory_space<vmem>>, vector<16xi32>,
      %ne3A = arith.cmpi ne, %get3A_657, %get3A_661 : vector<16xi32>
      %or3A = arith.ori %ne3A, %eq3A_15 : vector<16xi1>
      %not3A = arith.constant dense<true> : vector<16xi1>
      %not3A_662 = arith.xori %eq3A_15, %not3A : vector<16xi1>
      %and3A = arith.andi %ne3A, %not3A_662 : vector<16xi1>
      tpu.vector_store_idx %arg14[%get3A_657], %add3A_13 masked %or3A {add = true} : memref<1040xf32, #tpu.memory_space<vmem>>[vector<16xi32>], vector<16xf32>, vector<16xi1>
      %neg3A = arith.constant 0.000000e+00 : f32
      %neg3A_663 = vector.broadcast %neg3A : f32 to vector<16xf32>
      %neg3A_664 = arith.subf %neg3A_663, %add3A_13 : vector<16xf32>
      tpu.vector_store_idx %arg14[%get3A_661], %neg3A_664 masked %and3A {add = true} : memref<1040xf32, #tpu.memory_space<vmem>>[vector<16xi32>], vector<16xf32>, vector<16xi1>
    }
    %scan3A_361 = arith.constant 8 : i32
    %add3A_362 = arith.constant 448 : i32
    %add3A_363 = arith.addi %add3A_362, %add3A : i32
    %mul3A_364 = arith.constant 128 : i32
    %mul3A_365 = arith.muli %add3A_363, %mul3A_364 : i32
    %dma_start3A_366 = arith.constant 0 : i32
    %dma_start3A_367 = tpu.memref_slice %arg2[%mul3A_365, %dma_start3A_366] : memref<100000x128xf32, #tpu.memory_space<hbm>> -> memref<128x128xf32, #tpu.memory_space<hbm>>
    %dma_start3A_368 = arith.constant 0 : i32
    %dma_start3A_369 = tpu.memref_slice %arg2[%mul3A_365, %dma_start3A_368] : memref<100000x128xf32, #tpu.memory_space<hbm>> -> memref<128x128xf32, #tpu.memory_space<hbm>>
    tpu.enqueue_dma source(%dma_start3A_369 : memref<128x128xf32, #tpu.memory_space<hbm>>) target(%arg7 : memref<128x128xf32, #tpu.memory_space<vmem>>) target_semaphore(%arg16 : memref<!tpu.dma_semaphore, #tpu.memory_space<semaphore_mem>>)
    %dma_start3A_370 = tpu.memref_slice %arg3[%mul3A_365] : memref<100016xi32, #tpu.memory_space<hbm>> -> memref<128xi32, #tpu.memory_space<hbm>>
    %dma_start3A_371 = tpu.memref_slice %arg3[%mul3A_365] : memref<100016xi32, #tpu.memory_space<hbm>> -> memref<128xi32, #tpu.memory_space<hbm>>
    tpu.enqueue_dma source(%dma_start3A_371 : memref<128xi32, #tpu.memory_space<hbm>>) target(%arg9 : memref<128xi32, #tpu.memory_space<vmem>>) target_semaphore(%arg16 : memref<!tpu.dma_semaphore, #tpu.memory_space<semaphore_mem>>)
    %dma_start3A_372 = tpu.memref_slice %arg3[%mul3A_365] : memref<100016xi32, #tpu.memory_space<hbm>> -> memref<144xi32, #tpu.memory_space<hbm>>
    %dma_start3A_373 = tpu.memref_slice %arg3[%mul3A_365] : memref<100016xi32, #tpu.memory_space<hbm>> -> memref<144xi32, #tpu.memory_space<hbm>>
    tpu.enqueue_dma source(%dma_start3A_373 : memref<144xi32, #tpu.memory_space<hbm>>) target(%arg12 : memref<144xi32, #tpu.memory_space<vmem>>) target_semaphore(%arg16 : memref<!tpu.dma_semaphore, #tpu.memory_space<semaphore_mem>>)
    %dma_wait3A_374 = arith.constant 0 : i32
    %dma_wait3A_375 = tpu.memref_slice %arg2[%mul3A_339, %dma_wait3A_374] : memref<100000x128xf32, #tpu.memory_space<hbm>> -> memref<128x128xf32, #tpu.memory_space<hbm>>
    %dma_wait3A_376 = arith.constant 0 : i32
    %dma_wait3A_377 = tpu.memref_slice %arg2[%mul3A_339, %dma_wait3A_376] : memref<100000x128xf32, #tpu.memory_space<hbm>> -> memref<128x128xf32, #tpu.memory_space<hbm>>
    tpu.wait_dma2 semaphore(%arg17 : memref<!tpu.dma_semaphore, #tpu.memory_space<semaphore_mem>>) src(%dma_wait3A_377 : memref<128x128xf32, #tpu.memory_space<hbm>>) dst(%arg8 : memref<128x128xf32, #tpu.memory_space<vmem>>)
    %dma_wait3A_378 = tpu.memref_slice %arg3[%mul3A_339] : memref<100016xi32, #tpu.memory_space<hbm>> -> memref<128xi32, #tpu.memory_space<hbm>>
    %dma_wait3A_379 = tpu.memref_slice %arg3[%mul3A_339] : memref<100016xi32, #tpu.memory_space<hbm>> -> memref<128xi32, #tpu.memory_space<hbm>>
    tpu.wait_dma2 semaphore(%arg17 : memref<!tpu.dma_semaphore, #tpu.memory_space<semaphore_mem>>) src(%dma_wait3A_379 : memref<128xi32, #tpu.memory_space<hbm>>) dst(%arg10 : memref<128xi32, #tpu.memory_space<vmem>>)
    %dma_wait3A_380 = tpu.memref_slice %arg3[%mul3A_339] : memref<100016xi32, #tpu.memory_space<hbm>> -> memref<144xi32, #tpu.memory_space<hbm>>
    %dma_wait3A_381 = tpu.memref_slice %arg3[%mul3A_339] : memref<100016xi32, #tpu.memory_space<hbm>> -> memref<144xi32, #tpu.memory_space<hbm>>
    tpu.wait_dma2 semaphore(%arg17 : memref<!tpu.dma_semaphore, #tpu.memory_space<semaphore_mem>>) src(%dma_wait3A_381 : memref<144xi32, #tpu.memory_space<hbm>>) dst(%arg13 : memref<144xi32, #tpu.memory_space<vmem>>)
    "tpu.region"() ({
      %run_scoped3A = tpu.sem_alloc : memref<!tpu.dma_semaphore, #tpu.memory_space<semaphore_mem>>
      %dma_start3A_654 = arith.constant 0 : i32
      %dma_start3A_655 = arith.constant 0 : i32
      %dma_start3A_656 = tpu.memref_slice %arg15[%dma_start3A_654, %dma_start3A_655] : memref<1024x128xf32, #tpu.memory_space<vmem_shared>> -> memref<1024x128xf32, #tpu.memory_space<vmem_shared>>
      tpu.enqueue_indirect_dma source(%arg8 : memref<128x128xf32, #tpu.memory_space<vmem>>) target(%dma_start3A_656 : memref<1024x128xf32, #tpu.memory_space<vmem_shared>>) offsets(%arg10 : memref<128xi32, #tpu.memory_space<vmem>>) semaphore(%run_scoped3A : memref<!tpu.dma_semaphore, #tpu.memory_space<semaphore_mem>>) {add = true}
      %dma_wait3A_657 = arith.constant 0 : i32
      %dma_wait3A_658 = arith.constant 0 : i32
      %dma_wait3A_659 = tpu.memref_slice %arg15[%dma_wait3A_657, %dma_wait3A_658] : memref<1024x128xf32, #tpu.memory_space<vmem_shared>> -> memref<1024x128xf32, #tpu.memory_space<vmem_shared>>
      tpu.wait_indirect_dma semaphore(%run_scoped3A : memref<!tpu.dma_semaphore, #tpu.memory_space<semaphore_mem>>) src(%arg8 : memref<128x128xf32, #tpu.memory_space<vmem>>) dst(%dma_wait3A_659 : memref<1024x128xf32, #tpu.memory_space<vmem_shared>>)
      tpu.yield
    }) : () -> ()
    %scan3A_382 = arith.constant 0 : i32
    %scan3A_383 = arith.constant 0 : i32
    %scan3A_384 = arith.constant 8 : i32
    %scan3A_385 = arith.addi %scan3A_383, %scan3A_384 : i32
    %scan3A_386 = arith.constant 1 : i32
    scf.for %scan3A_654 = %scan3A_383 to %scan3A_385 step %scan3A_386  : i32 {
      %mul3A_655 = arith.constant 16 : i32
      %mul3A_656 = arith.muli %scan3A_654, %mul3A_655 : i32
      %get3A = arith.index_cast %mul3A_656 : i32 to index
      %get3A_657 = tpu.vector_load %arg13[%get3A] {strides = array<i32>} : memref<144xi32, #tpu.memory_space<vmem>>, vector<16xi32>,
      %add3A_658 = arith.constant 1 : i32
      %add3A_659 = arith.addi %mul3A_656, %add3A_658 : i32
      %get3A_660 = arith.index_cast %add3A_659 : i32 to index
      %get3A_661 = tpu.vector_load %arg13[%get3A_660] {strides = array<i32>} : memref<144xi32, #tpu.memory_space<vmem>>, vector<16xi32>,
      %ne3A = arith.cmpi ne, %get3A_657, %get3A_661 : vector<16xi32>
      %or3A = arith.ori %ne3A, %eq3A_15 : vector<16xi1>
      %not3A = arith.constant dense<true> : vector<16xi1>
      %not3A_662 = arith.xori %eq3A_15, %not3A : vector<16xi1>
      %and3A = arith.andi %ne3A, %not3A_662 : vector<16xi1>
      tpu.vector_store_idx %arg14[%get3A_657], %add3A_13 masked %or3A {add = true} : memref<1040xf32, #tpu.memory_space<vmem>>[vector<16xi32>], vector<16xf32>, vector<16xi1>
      %neg3A = arith.constant 0.000000e+00 : f32
      %neg3A_663 = vector.broadcast %neg3A : f32 to vector<16xf32>
      %neg3A_664 = arith.subf %neg3A_663, %add3A_13 : vector<16xf32>
      tpu.vector_store_idx %arg14[%get3A_661], %neg3A_664 masked %and3A {add = true} : memref<1040xf32, #tpu.memory_space<vmem>>[vector<16xi32>], vector<16xf32>, vector<16xi1>
    }
    %scan3A_387 = arith.constant 8 : i32
    %add3A_388 = arith.constant 480 : i32
    %add3A_389 = arith.addi %add3A_388, %add3A : i32
    %mul3A_390 = arith.constant 128 : i32
    %mul3A_391 = arith.muli %add3A_389, %mul3A_390 : i32
    %dma_start3A_392 = arith.constant 0 : i32
    %dma_start3A_393 = tpu.memref_slice %arg2[%mul3A_391, %dma_start3A_392] : memref<100000x128xf32, #tpu.memory_space<hbm>> -> memref<128x128xf32, #tpu.memory_space<hbm>>
    %dma_start3A_394 = arith.constant 0 : i32
    %dma_start3A_395 = tpu.memref_slice %arg2[%mul3A_391, %dma_start3A_394] : memref<100000x128xf32, #tpu.memory_space<hbm>> -> memref<128x128xf32, #tpu.memory_space<hbm>>
    tpu.enqueue_dma source(%dma_start3A_395 : memref<128x128xf32, #tpu.memory_space<hbm>>) target(%arg8 : memref<128x128xf32, #tpu.memory_space<vmem>>) target_semaphore(%arg17 : memref<!tpu.dma_semaphore, #tpu.memory_space<semaphore_mem>>)
    %dma_start3A_396 = tpu.memref_slice %arg3[%mul3A_391] : memref<100016xi32, #tpu.memory_space<hbm>> -> memref<128xi32, #tpu.memory_space<hbm>>
    %dma_start3A_397 = tpu.memref_slice %arg3[%mul3A_391] : memref<100016xi32, #tpu.memory_space<hbm>> -> memref<128xi32, #tpu.memory_space<hbm>>
    tpu.enqueue_dma source(%dma_start3A_397 : memref<128xi32, #tpu.memory_space<hbm>>) target(%arg10 : memref<128xi32, #tpu.memory_space<vmem>>) target_semaphore(%arg17 : memref<!tpu.dma_semaphore, #tpu.memory_space<semaphore_mem>>)
    %dma_start3A_398 = tpu.memref_slice %arg3[%mul3A_391] : memref<100016xi32, #tpu.memory_space<hbm>> -> memref<144xi32, #tpu.memory_space<hbm>>
    %dma_start3A_399 = tpu.memref_slice %arg3[%mul3A_391] : memref<100016xi32, #tpu.memory_space<hbm>> -> memref<144xi32, #tpu.memory_space<hbm>>
    tpu.enqueue_dma source(%dma_start3A_399 : memref<144xi32, #tpu.memory_space<hbm>>) target(%arg13 : memref<144xi32, #tpu.memory_space<vmem>>) target_semaphore(%arg17 : memref<!tpu.dma_semaphore, #tpu.memory_space<semaphore_mem>>)
    %dma_wait3A_400 = arith.constant 0 : i32
    %dma_wait3A_401 = tpu.memref_slice %arg2[%mul3A_365, %dma_wait3A_400] : memref<100000x128xf32, #tpu.memory_space<hbm>> -> memref<128x128xf32, #tpu.memory_space<hbm>>
    %dma_wait3A_402 = arith.constant 0 : i32
    %dma_wait3A_403 = tpu.memref_slice %arg2[%mul3A_365, %dma_wait3A_402] : memref<100000x128xf32, #tpu.memory_space<hbm>> -> memref<128x128xf32, #tpu.memory_space<hbm>>
    tpu.wait_dma2 semaphore(%arg16 : memref<!tpu.dma_semaphore, #tpu.memory_space<semaphore_mem>>) src(%dma_wait3A_403 : memref<128x128xf32, #tpu.memory_space<hbm>>) dst(%arg7 : memref<128x128xf32, #tpu.memory_space<vmem>>)
    %dma_wait3A_404 = tpu.memref_slice %arg3[%mul3A_365] : memref<100016xi32, #tpu.memory_space<hbm>> -> memref<128xi32, #tpu.memory_space<hbm>>
    %dma_wait3A_405 = tpu.memref_slice %arg3[%mul3A_365] : memref<100016xi32, #tpu.memory_space<hbm>> -> memref<128xi32, #tpu.memory_space<hbm>>
    tpu.wait_dma2 semaphore(%arg16 : memref<!tpu.dma_semaphore, #tpu.memory_space<semaphore_mem>>) src(%dma_wait3A_405 : memref<128xi32, #tpu.memory_space<hbm>>) dst(%arg9 : memref<128xi32, #tpu.memory_space<vmem>>)
    %dma_wait3A_406 = tpu.memref_slice %arg3[%mul3A_365] : memref<100016xi32, #tpu.memory_space<hbm>> -> memref<144xi32, #tpu.memory_space<hbm>>
    %dma_wait3A_407 = tpu.memref_slice %arg3[%mul3A_365] : memref<100016xi32, #tpu.memory_space<hbm>> -> memref<144xi32, #tpu.memory_space<hbm>>
    tpu.wait_dma2 semaphore(%arg16 : memref<!tpu.dma_semaphore, #tpu.memory_space<semaphore_mem>>) src(%dma_wait3A_407 : memref<144xi32, #tpu.memory_space<hbm>>) dst(%arg12 : memref<144xi32, #tpu.memory_space<vmem>>)
    "tpu.region"() ({
      %run_scoped3A = tpu.sem_alloc : memref<!tpu.dma_semaphore, #tpu.memory_space<semaphore_mem>>
      %dma_start3A_654 = arith.constant 0 : i32
      %dma_start3A_655 = arith.constant 0 : i32
      %dma_start3A_656 = tpu.memref_slice %arg15[%dma_start3A_654, %dma_start3A_655] : memref<1024x128xf32, #tpu.memory_space<vmem_shared>> -> memref<1024x128xf32, #tpu.memory_space<vmem_shared>>
      tpu.enqueue_indirect_dma source(%arg7 : memref<128x128xf32, #tpu.memory_space<vmem>>) target(%dma_start3A_656 : memref<1024x128xf32, #tpu.memory_space<vmem_shared>>) offsets(%arg9 : memref<128xi32, #tpu.memory_space<vmem>>) semaphore(%run_scoped3A : memref<!tpu.dma_semaphore, #tpu.memory_space<semaphore_mem>>) {add = true}
      %dma_wait3A_657 = arith.constant 0 : i32
      %dma_wait3A_658 = arith.constant 0 : i32
      %dma_wait3A_659 = tpu.memref_slice %arg15[%dma_wait3A_657, %dma_wait3A_658] : memref<1024x128xf32, #tpu.memory_space<vmem_shared>> -> memref<1024x128xf32, #tpu.memory_space<vmem_shared>>
      tpu.wait_indirect_dma semaphore(%run_scoped3A : memref<!tpu.dma_semaphore, #tpu.memory_space<semaphore_mem>>) src(%arg7 : memref<128x128xf32, #tpu.memory_space<vmem>>) dst(%dma_wait3A_659 : memref<1024x128xf32, #tpu.memory_space<vmem_shared>>)
      tpu.yield
    }) : () -> ()
    %scan3A_408 = arith.constant 0 : i32
    %scan3A_409 = arith.constant 0 : i32
    %scan3A_410 = arith.constant 8 : i32
    %scan3A_411 = arith.addi %scan3A_409, %scan3A_410 : i32
    %scan3A_412 = arith.constant 1 : i32
    scf.for %scan3A_654 = %scan3A_409 to %scan3A_411 step %scan3A_412  : i32 {
      %mul3A_655 = arith.constant 16 : i32
      %mul3A_656 = arith.muli %scan3A_654, %mul3A_655 : i32
      %get3A = arith.index_cast %mul3A_656 : i32 to index
      %get3A_657 = tpu.vector_load %arg12[%get3A] {strides = array<i32>} : memref<144xi32, #tpu.memory_space<vmem>>, vector<16xi32>,
      %add3A_658 = arith.constant 1 : i32
      %add3A_659 = arith.addi %mul3A_656, %add3A_658 : i32
      %get3A_660 = arith.index_cast %add3A_659 : i32 to index
      %get3A_661 = tpu.vector_load %arg12[%get3A_660] {strides = array<i32>} : memref<144xi32, #tpu.memory_space<vmem>>, vector<16xi32>,
      %ne3A = arith.cmpi ne, %get3A_657, %get3A_661 : vector<16xi32>
      %or3A = arith.ori %ne3A, %eq3A_15 : vector<16xi1>
      %not3A = arith.constant dense<true> : vector<16xi1>
      %not3A_662 = arith.xori %eq3A_15, %not3A : vector<16xi1>
      %and3A = arith.andi %ne3A, %not3A_662 : vector<16xi1>
      tpu.vector_store_idx %arg14[%get3A_657], %add3A_13 masked %or3A {add = true} : memref<1040xf32, #tpu.memory_space<vmem>>[vector<16xi32>], vector<16xf32>, vector<16xi1>
      %neg3A = arith.constant 0.000000e+00 : f32
      %neg3A_663 = vector.broadcast %neg3A : f32 to vector<16xf32>
      %neg3A_664 = arith.subf %neg3A_663, %add3A_13 : vector<16xf32>
      tpu.vector_store_idx %arg14[%get3A_661], %neg3A_664 masked %and3A {add = true} : memref<1040xf32, #tpu.memory_space<vmem>>[vector<16xi32>], vector<16xf32>, vector<16xi1>
    }
    %scan3A_413 = arith.constant 8 : i32
    %add3A_414 = arith.constant 512 : i32
    %add3A_415 = arith.addi %add3A_414, %add3A : i32
    %mul3A_416 = arith.constant 128 : i32
    %mul3A_417 = arith.muli %add3A_415, %mul3A_416 : i32
    %dma_start3A_418 = arith.constant 0 : i32
    %dma_start3A_419 = tpu.memref_slice %arg2[%mul3A_417, %dma_start3A_418] : memref<100000x128xf32, #tpu.memory_space<hbm>> -> memref<128x128xf32, #tpu.memory_space<hbm>>
    %dma_start3A_420 = arith.constant 0 : i32
    %dma_start3A_421 = tpu.memref_slice %arg2[%mul3A_417, %dma_start3A_420] : memref<100000x128xf32, #tpu.memory_space<hbm>> -> memref<128x128xf32, #tpu.memory_space<hbm>>
    tpu.enqueue_dma source(%dma_start3A_421 : memref<128x128xf32, #tpu.memory_space<hbm>>) target(%arg7 : memref<128x128xf32, #tpu.memory_space<vmem>>) target_semaphore(%arg16 : memref<!tpu.dma_semaphore, #tpu.memory_space<semaphore_mem>>)
    %dma_start3A_422 = tpu.memref_slice %arg3[%mul3A_417] : memref<100016xi32, #tpu.memory_space<hbm>> -> memref<128xi32, #tpu.memory_space<hbm>>
    %dma_start3A_423 = tpu.memref_slice %arg3[%mul3A_417] : memref<100016xi32, #tpu.memory_space<hbm>> -> memref<128xi32, #tpu.memory_space<hbm>>
    tpu.enqueue_dma source(%dma_start3A_423 : memref<128xi32, #tpu.memory_space<hbm>>) target(%arg9 : memref<128xi32, #tpu.memory_space<vmem>>) target_semaphore(%arg16 : memref<!tpu.dma_semaphore, #tpu.memory_space<semaphore_mem>>)
    %dma_start3A_424 = tpu.memref_slice %arg3[%mul3A_417] : memref<100016xi32, #tpu.memory_space<hbm>> -> memref<144xi32, #tpu.memory_space<hbm>>
    %dma_start3A_425 = tpu.memref_slice %arg3[%mul3A_417] : memref<100016xi32, #tpu.memory_space<hbm>> -> memref<144xi32, #tpu.memory_space<hbm>>
    tpu.enqueue_dma source(%dma_start3A_425 : memref<144xi32, #tpu.memory_space<hbm>>) target(%arg12 : memref<144xi32, #tpu.memory_space<vmem>>) target_semaphore(%arg16 : memref<!tpu.dma_semaphore, #tpu.memory_space<semaphore_mem>>)
    %dma_wait3A_426 = arith.constant 0 : i32
    %dma_wait3A_427 = tpu.memref_slice %arg2[%mul3A_391, %dma_wait3A_426] : memref<100000x128xf32, #tpu.memory_space<hbm>> -> memref<128x128xf32, #tpu.memory_space<hbm>>
    %dma_wait3A_428 = arith.constant 0 : i32
    %dma_wait3A_429 = tpu.memref_slice %arg2[%mul3A_391, %dma_wait3A_428] : memref<100000x128xf32, #tpu.memory_space<hbm>> -> memref<128x128xf32, #tpu.memory_space<hbm>>
    tpu.wait_dma2 semaphore(%arg17 : memref<!tpu.dma_semaphore, #tpu.memory_space<semaphore_mem>>) src(%dma_wait3A_429 : memref<128x128xf32, #tpu.memory_space<hbm>>) dst(%arg8 : memref<128x128xf32, #tpu.memory_space<vmem>>)
    %dma_wait3A_430 = tpu.memref_slice %arg3[%mul3A_391] : memref<100016xi32, #tpu.memory_space<hbm>> -> memref<128xi32, #tpu.memory_space<hbm>>
    %dma_wait3A_431 = tpu.memref_slice %arg3[%mul3A_391] : memref<100016xi32, #tpu.memory_space<hbm>> -> memref<128xi32, #tpu.memory_space<hbm>>
    tpu.wait_dma2 semaphore(%arg17 : memref<!tpu.dma_semaphore, #tpu.memory_space<semaphore_mem>>) src(%dma_wait3A_431 : memref<128xi32, #tpu.memory_space<hbm>>) dst(%arg10 : memref<128xi32, #tpu.memory_space<vmem>>)
    %dma_wait3A_432 = tpu.memref_slice %arg3[%mul3A_391] : memref<100016xi32, #tpu.memory_space<hbm>> -> memref<144xi32, #tpu.memory_space<hbm>>
    %dma_wait3A_433 = tpu.memref_slice %arg3[%mul3A_391] : memref<100016xi32, #tpu.memory_space<hbm>> -> memref<144xi32, #tpu.memory_space<hbm>>
    tpu.wait_dma2 semaphore(%arg17 : memref<!tpu.dma_semaphore, #tpu.memory_space<semaphore_mem>>) src(%dma_wait3A_433 : memref<144xi32, #tpu.memory_space<hbm>>) dst(%arg13 : memref<144xi32, #tpu.memory_space<vmem>>)
    "tpu.region"() ({
      %run_scoped3A = tpu.sem_alloc : memref<!tpu.dma_semaphore, #tpu.memory_space<semaphore_mem>>
      %dma_start3A_654 = arith.constant 0 : i32
      %dma_start3A_655 = arith.constant 0 : i32
      %dma_start3A_656 = tpu.memref_slice %arg15[%dma_start3A_654, %dma_start3A_655] : memref<1024x128xf32, #tpu.memory_space<vmem_shared>> -> memref<1024x128xf32, #tpu.memory_space<vmem_shared>>
      tpu.enqueue_indirect_dma source(%arg8 : memref<128x128xf32, #tpu.memory_space<vmem>>) target(%dma_start3A_656 : memref<1024x128xf32, #tpu.memory_space<vmem_shared>>) offsets(%arg10 : memref<128xi32, #tpu.memory_space<vmem>>) semaphore(%run_scoped3A : memref<!tpu.dma_semaphore, #tpu.memory_space<semaphore_mem>>) {add = true}
      %dma_wait3A_657 = arith.constant 0 : i32
      %dma_wait3A_658 = arith.constant 0 : i32
      %dma_wait3A_659 = tpu.memref_slice %arg15[%dma_wait3A_657, %dma_wait3A_658] : memref<1024x128xf32, #tpu.memory_space<vmem_shared>> -> memref<1024x128xf32, #tpu.memory_space<vmem_shared>>
      tpu.wait_indirect_dma semaphore(%run_scoped3A : memref<!tpu.dma_semaphore, #tpu.memory_space<semaphore_mem>>) src(%arg8 : memref<128x128xf32, #tpu.memory_space<vmem>>) dst(%dma_wait3A_659 : memref<1024x128xf32, #tpu.memory_space<vmem_shared>>)
      tpu.yield
    }) : () -> ()
    %scan3A_434 = arith.constant 0 : i32
    %scan3A_435 = arith.constant 0 : i32
    %scan3A_436 = arith.constant 8 : i32
    %scan3A_437 = arith.addi %scan3A_435, %scan3A_436 : i32
    %scan3A_438 = arith.constant 1 : i32
    scf.for %scan3A_654 = %scan3A_435 to %scan3A_437 step %scan3A_438  : i32 {
      %mul3A_655 = arith.constant 16 : i32
      %mul3A_656 = arith.muli %scan3A_654, %mul3A_655 : i32
      %get3A = arith.index_cast %mul3A_656 : i32 to index
      %get3A_657 = tpu.vector_load %arg13[%get3A] {strides = array<i32>} : memref<144xi32, #tpu.memory_space<vmem>>, vector<16xi32>,
      %add3A_658 = arith.constant 1 : i32
      %add3A_659 = arith.addi %mul3A_656, %add3A_658 : i32
      %get3A_660 = arith.index_cast %add3A_659 : i32 to index
      %get3A_661 = tpu.vector_load %arg13[%get3A_660] {strides = array<i32>} : memref<144xi32, #tpu.memory_space<vmem>>, vector<16xi32>,
      %ne3A = arith.cmpi ne, %get3A_657, %get3A_661 : vector<16xi32>
      %or3A = arith.ori %ne3A, %eq3A_15 : vector<16xi1>
      %not3A = arith.constant dense<true> : vector<16xi1>
      %not3A_662 = arith.xori %eq3A_15, %not3A : vector<16xi1>
      %and3A = arith.andi %ne3A, %not3A_662 : vector<16xi1>
      tpu.vector_store_idx %arg14[%get3A_657], %add3A_13 masked %or3A {add = true} : memref<1040xf32, #tpu.memory_space<vmem>>[vector<16xi32>], vector<16xf32>, vector<16xi1>
      %neg3A = arith.constant 0.000000e+00 : f32
      %neg3A_663 = vector.broadcast %neg3A : f32 to vector<16xf32>
      %neg3A_664 = arith.subf %neg3A_663, %add3A_13 : vector<16xf32>
      tpu.vector_store_idx %arg14[%get3A_661], %neg3A_664 masked %and3A {add = true} : memref<1040xf32, #tpu.memory_space<vmem>>[vector<16xi32>], vector<16xf32>, vector<16xi1>
    }
    %scan3A_439 = arith.constant 8 : i32
    %add3A_440 = arith.constant 544 : i32
    %add3A_441 = arith.addi %add3A_440, %add3A : i32
    %mul3A_442 = arith.constant 128 : i32
    %mul3A_443 = arith.muli %add3A_441, %mul3A_442 : i32
    %dma_start3A_444 = arith.constant 0 : i32
    %dma_start3A_445 = tpu.memref_slice %arg2[%mul3A_443, %dma_start3A_444] : memref<100000x128xf32, #tpu.memory_space<hbm>> -> memref<128x128xf32, #tpu.memory_space<hbm>>
    %dma_start3A_446 = arith.constant 0 : i32
    %dma_start3A_447 = tpu.memref_slice %arg2[%mul3A_443, %dma_start3A_446] : memref<100000x128xf32, #tpu.memory_space<hbm>> -> memref<128x128xf32, #tpu.memory_space<hbm>>
    tpu.enqueue_dma source(%dma_start3A_447 : memref<128x128xf32, #tpu.memory_space<hbm>>) target(%arg8 : memref<128x128xf32, #tpu.memory_space<vmem>>) target_semaphore(%arg17 : memref<!tpu.dma_semaphore, #tpu.memory_space<semaphore_mem>>)
    %dma_start3A_448 = tpu.memref_slice %arg3[%mul3A_443] : memref<100016xi32, #tpu.memory_space<hbm>> -> memref<128xi32, #tpu.memory_space<hbm>>
    %dma_start3A_449 = tpu.memref_slice %arg3[%mul3A_443] : memref<100016xi32, #tpu.memory_space<hbm>> -> memref<128xi32, #tpu.memory_space<hbm>>
    tpu.enqueue_dma source(%dma_start3A_449 : memref<128xi32, #tpu.memory_space<hbm>>) target(%arg10 : memref<128xi32, #tpu.memory_space<vmem>>) target_semaphore(%arg17 : memref<!tpu.dma_semaphore, #tpu.memory_space<semaphore_mem>>)
    %dma_start3A_450 = tpu.memref_slice %arg3[%mul3A_443] : memref<100016xi32, #tpu.memory_space<hbm>> -> memref<144xi32, #tpu.memory_space<hbm>>
    %dma_start3A_451 = tpu.memref_slice %arg3[%mul3A_443] : memref<100016xi32, #tpu.memory_space<hbm>> -> memref<144xi32, #tpu.memory_space<hbm>>
    tpu.enqueue_dma source(%dma_start3A_451 : memref<144xi32, #tpu.memory_space<hbm>>) target(%arg13 : memref<144xi32, #tpu.memory_space<vmem>>) target_semaphore(%arg17 : memref<!tpu.dma_semaphore, #tpu.memory_space<semaphore_mem>>)
    %dma_wait3A_452 = arith.constant 0 : i32
    %dma_wait3A_453 = tpu.memref_slice %arg2[%mul3A_417, %dma_wait3A_452] : memref<100000x128xf32, #tpu.memory_space<hbm>> -> memref<128x128xf32, #tpu.memory_space<hbm>>
    %dma_wait3A_454 = arith.constant 0 : i32
    %dma_wait3A_455 = tpu.memref_slice %arg2[%mul3A_417, %dma_wait3A_454] : memref<100000x128xf32, #tpu.memory_space<hbm>> -> memref<128x128xf32, #tpu.memory_space<hbm>>
    tpu.wait_dma2 semaphore(%arg16 : memref<!tpu.dma_semaphore, #tpu.memory_space<semaphore_mem>>) src(%dma_wait3A_455 : memref<128x128xf32, #tpu.memory_space<hbm>>) dst(%arg7 : memref<128x128xf32, #tpu.memory_space<vmem>>)
    %dma_wait3A_456 = tpu.memref_slice %arg3[%mul3A_417] : memref<100016xi32, #tpu.memory_space<hbm>> -> memref<128xi32, #tpu.memory_space<hbm>>
    %dma_wait3A_457 = tpu.memref_slice %arg3[%mul3A_417] : memref<100016xi32, #tpu.memory_space<hbm>> -> memref<128xi32, #tpu.memory_space<hbm>>
    tpu.wait_dma2 semaphore(%arg16 : memref<!tpu.dma_semaphore, #tpu.memory_space<semaphore_mem>>) src(%dma_wait3A_457 : memref<128xi32, #tpu.memory_space<hbm>>) dst(%arg9 : memref<128xi32, #tpu.memory_space<vmem>>)
    %dma_wait3A_458 = tpu.memref_slice %arg3[%mul3A_417] : memref<100016xi32, #tpu.memory_space<hbm>> -> memref<144xi32, #tpu.memory_space<hbm>>
    %dma_wait3A_459 = tpu.memref_slice %arg3[%mul3A_417] : memref<100016xi32, #tpu.memory_space<hbm>> -> memref<144xi32, #tpu.memory_space<hbm>>
    tpu.wait_dma2 semaphore(%arg16 : memref<!tpu.dma_semaphore, #tpu.memory_space<semaphore_mem>>) src(%dma_wait3A_459 : memref<144xi32, #tpu.memory_space<hbm>>) dst(%arg12 : memref<144xi32, #tpu.memory_space<vmem>>)
    "tpu.region"() ({
      %run_scoped3A = tpu.sem_alloc : memref<!tpu.dma_semaphore, #tpu.memory_space<semaphore_mem>>
      %dma_start3A_654 = arith.constant 0 : i32
      %dma_start3A_655 = arith.constant 0 : i32
      %dma_start3A_656 = tpu.memref_slice %arg15[%dma_start3A_654, %dma_start3A_655] : memref<1024x128xf32, #tpu.memory_space<vmem_shared>> -> memref<1024x128xf32, #tpu.memory_space<vmem_shared>>
      tpu.enqueue_indirect_dma source(%arg7 : memref<128x128xf32, #tpu.memory_space<vmem>>) target(%dma_start3A_656 : memref<1024x128xf32, #tpu.memory_space<vmem_shared>>) offsets(%arg9 : memref<128xi32, #tpu.memory_space<vmem>>) semaphore(%run_scoped3A : memref<!tpu.dma_semaphore, #tpu.memory_space<semaphore_mem>>) {add = true}
      %dma_wait3A_657 = arith.constant 0 : i32
      %dma_wait3A_658 = arith.constant 0 : i32
      %dma_wait3A_659 = tpu.memref_slice %arg15[%dma_wait3A_657, %dma_wait3A_658] : memref<1024x128xf32, #tpu.memory_space<vmem_shared>> -> memref<1024x128xf32, #tpu.memory_space<vmem_shared>>
      tpu.wait_indirect_dma semaphore(%run_scoped3A : memref<!tpu.dma_semaphore, #tpu.memory_space<semaphore_mem>>) src(%arg7 : memref<128x128xf32, #tpu.memory_space<vmem>>) dst(%dma_wait3A_659 : memref<1024x128xf32, #tpu.memory_space<vmem_shared>>)
      tpu.yield
    }) : () -> ()
    %scan3A_460 = arith.constant 0 : i32
    %scan3A_461 = arith.constant 0 : i32
    %scan3A_462 = arith.constant 8 : i32
    %scan3A_463 = arith.addi %scan3A_461, %scan3A_462 : i32
    %scan3A_464 = arith.constant 1 : i32
    scf.for %scan3A_654 = %scan3A_461 to %scan3A_463 step %scan3A_464  : i32 {
      %mul3A_655 = arith.constant 16 : i32
      %mul3A_656 = arith.muli %scan3A_654, %mul3A_655 : i32
      %get3A = arith.index_cast %mul3A_656 : i32 to index
      %get3A_657 = tpu.vector_load %arg12[%get3A] {strides = array<i32>} : memref<144xi32, #tpu.memory_space<vmem>>, vector<16xi32>,
      %add3A_658 = arith.constant 1 : i32
      %add3A_659 = arith.addi %mul3A_656, %add3A_658 : i32
      %get3A_660 = arith.index_cast %add3A_659 : i32 to index
      %get3A_661 = tpu.vector_load %arg12[%get3A_660] {strides = array<i32>} : memref<144xi32, #tpu.memory_space<vmem>>, vector<16xi32>,
      %ne3A = arith.cmpi ne, %get3A_657, %get3A_661 : vector<16xi32>
      %or3A = arith.ori %ne3A, %eq3A_15 : vector<16xi1>
      %not3A = arith.constant dense<true> : vector<16xi1>
      %not3A_662 = arith.xori %eq3A_15, %not3A : vector<16xi1>
      %and3A = arith.andi %ne3A, %not3A_662 : vector<16xi1>
      tpu.vector_store_idx %arg14[%get3A_657], %add3A_13 masked %or3A {add = true} : memref<1040xf32, #tpu.memory_space<vmem>>[vector<16xi32>], vector<16xf32>, vector<16xi1>
      %neg3A = arith.constant 0.000000e+00 : f32
      %neg3A_663 = vector.broadcast %neg3A : f32 to vector<16xf32>
      %neg3A_664 = arith.subf %neg3A_663, %add3A_13 : vector<16xf32>
      tpu.vector_store_idx %arg14[%get3A_661], %neg3A_664 masked %and3A {add = true} : memref<1040xf32, #tpu.memory_space<vmem>>[vector<16xi32>], vector<16xf32>, vector<16xi1>
    }
    %scan3A_465 = arith.constant 8 : i32
    %add3A_466 = arith.constant 576 : i32
    %add3A_467 = arith.addi %add3A_466, %add3A : i32
    %mul3A_468 = arith.constant 128 : i32
    %mul3A_469 = arith.muli %add3A_467, %mul3A_468 : i32
    %dma_start3A_470 = arith.constant 0 : i32
    %dma_start3A_471 = tpu.memref_slice %arg2[%mul3A_469, %dma_start3A_470] : memref<100000x128xf32, #tpu.memory_space<hbm>> -> memref<128x128xf32, #tpu.memory_space<hbm>>
    %dma_start3A_472 = arith.constant 0 : i32
    %dma_start3A_473 = tpu.memref_slice %arg2[%mul3A_469, %dma_start3A_472] : memref<100000x128xf32, #tpu.memory_space<hbm>> -> memref<128x128xf32, #tpu.memory_space<hbm>>
    tpu.enqueue_dma source(%dma_start3A_473 : memref<128x128xf32, #tpu.memory_space<hbm>>) target(%arg7 : memref<128x128xf32, #tpu.memory_space<vmem>>) target_semaphore(%arg16 : memref<!tpu.dma_semaphore, #tpu.memory_space<semaphore_mem>>)
    %dma_start3A_474 = tpu.memref_slice %arg3[%mul3A_469] : memref<100016xi32, #tpu.memory_space<hbm>> -> memref<128xi32, #tpu.memory_space<hbm>>
    %dma_start3A_475 = tpu.memref_slice %arg3[%mul3A_469] : memref<100016xi32, #tpu.memory_space<hbm>> -> memref<128xi32, #tpu.memory_space<hbm>>
    tpu.enqueue_dma source(%dma_start3A_475 : memref<128xi32, #tpu.memory_space<hbm>>) target(%arg9 : memref<128xi32, #tpu.memory_space<vmem>>) target_semaphore(%arg16 : memref<!tpu.dma_semaphore, #tpu.memory_space<semaphore_mem>>)
    %dma_start3A_476 = tpu.memref_slice %arg3[%mul3A_469] : memref<100016xi32, #tpu.memory_space<hbm>> -> memref<144xi32, #tpu.memory_space<hbm>>
    %dma_start3A_477 = tpu.memref_slice %arg3[%mul3A_469] : memref<100016xi32, #tpu.memory_space<hbm>> -> memref<144xi32, #tpu.memory_space<hbm>>
    tpu.enqueue_dma source(%dma_start3A_477 : memref<144xi32, #tpu.memory_space<hbm>>) target(%arg12 : memref<144xi32, #tpu.memory_space<vmem>>) target_semaphore(%arg16 : memref<!tpu.dma_semaphore, #tpu.memory_space<semaphore_mem>>)
    %dma_wait3A_478 = arith.constant 0 : i32
    %dma_wait3A_479 = tpu.memref_slice %arg2[%mul3A_443, %dma_wait3A_478] : memref<100000x128xf32, #tpu.memory_space<hbm>> -> memref<128x128xf32, #tpu.memory_space<hbm>>
    %dma_wait3A_480 = arith.constant 0 : i32
    %dma_wait3A_481 = tpu.memref_slice %arg2[%mul3A_443, %dma_wait3A_480] : memref<100000x128xf32, #tpu.memory_space<hbm>> -> memref<128x128xf32, #tpu.memory_space<hbm>>
    tpu.wait_dma2 semaphore(%arg17 : memref<!tpu.dma_semaphore, #tpu.memory_space<semaphore_mem>>) src(%dma_wait3A_481 : memref<128x128xf32, #tpu.memory_space<hbm>>) dst(%arg8 : memref<128x128xf32, #tpu.memory_space<vmem>>)
    %dma_wait3A_482 = tpu.memref_slice %arg3[%mul3A_443] : memref<100016xi32, #tpu.memory_space<hbm>> -> memref<128xi32, #tpu.memory_space<hbm>>
    %dma_wait3A_483 = tpu.memref_slice %arg3[%mul3A_443] : memref<100016xi32, #tpu.memory_space<hbm>> -> memref<128xi32, #tpu.memory_space<hbm>>
    tpu.wait_dma2 semaphore(%arg17 : memref<!tpu.dma_semaphore, #tpu.memory_space<semaphore_mem>>) src(%dma_wait3A_483 : memref<128xi32, #tpu.memory_space<hbm>>) dst(%arg10 : memref<128xi32, #tpu.memory_space<vmem>>)
    %dma_wait3A_484 = tpu.memref_slice %arg3[%mul3A_443] : memref<100016xi32, #tpu.memory_space<hbm>> -> memref<144xi32, #tpu.memory_space<hbm>>
    %dma_wait3A_485 = tpu.memref_slice %arg3[%mul3A_443] : memref<100016xi32, #tpu.memory_space<hbm>> -> memref<144xi32, #tpu.memory_space<hbm>>
    tpu.wait_dma2 semaphore(%arg17 : memref<!tpu.dma_semaphore, #tpu.memory_space<semaphore_mem>>) src(%dma_wait3A_485 : memref<144xi32, #tpu.memory_space<hbm>>) dst(%arg13 : memref<144xi32, #tpu.memory_space<vmem>>)
    "tpu.region"() ({
      %run_scoped3A = tpu.sem_alloc : memref<!tpu.dma_semaphore, #tpu.memory_space<semaphore_mem>>
      %dma_start3A_654 = arith.constant 0 : i32
      %dma_start3A_655 = arith.constant 0 : i32
      %dma_start3A_656 = tpu.memref_slice %arg15[%dma_start3A_654, %dma_start3A_655] : memref<1024x128xf32, #tpu.memory_space<vmem_shared>> -> memref<1024x128xf32, #tpu.memory_space<vmem_shared>>
      tpu.enqueue_indirect_dma source(%arg8 : memref<128x128xf32, #tpu.memory_space<vmem>>) target(%dma_start3A_656 : memref<1024x128xf32, #tpu.memory_space<vmem_shared>>) offsets(%arg10 : memref<128xi32, #tpu.memory_space<vmem>>) semaphore(%run_scoped3A : memref<!tpu.dma_semaphore, #tpu.memory_space<semaphore_mem>>) {add = true}
      %dma_wait3A_657 = arith.constant 0 : i32
      %dma_wait3A_658 = arith.constant 0 : i32
      %dma_wait3A_659 = tpu.memref_slice %arg15[%dma_wait3A_657, %dma_wait3A_658] : memref<1024x128xf32, #tpu.memory_space<vmem_shared>> -> memref<1024x128xf32, #tpu.memory_space<vmem_shared>>
      tpu.wait_indirect_dma semaphore(%run_scoped3A : memref<!tpu.dma_semaphore, #tpu.memory_space<semaphore_mem>>) src(%arg8 : memref<128x128xf32, #tpu.memory_space<vmem>>) dst(%dma_wait3A_659 : memref<1024x128xf32, #tpu.memory_space<vmem_shared>>)
      tpu.yield
    }) : () -> ()
    %scan3A_486 = arith.constant 0 : i32
    %scan3A_487 = arith.constant 0 : i32
    %scan3A_488 = arith.constant 8 : i32
    %scan3A_489 = arith.addi %scan3A_487, %scan3A_488 : i32
    %scan3A_490 = arith.constant 1 : i32
    scf.for %scan3A_654 = %scan3A_487 to %scan3A_489 step %scan3A_490  : i32 {
      %mul3A_655 = arith.constant 16 : i32
      %mul3A_656 = arith.muli %scan3A_654, %mul3A_655 : i32
      %get3A = arith.index_cast %mul3A_656 : i32 to index
      %get3A_657 = tpu.vector_load %arg13[%get3A] {strides = array<i32>} : memref<144xi32, #tpu.memory_space<vmem>>, vector<16xi32>,
      %add3A_658 = arith.constant 1 : i32
      %add3A_659 = arith.addi %mul3A_656, %add3A_658 : i32
      %get3A_660 = arith.index_cast %add3A_659 : i32 to index
      %get3A_661 = tpu.vector_load %arg13[%get3A_660] {strides = array<i32>} : memref<144xi32, #tpu.memory_space<vmem>>, vector<16xi32>,
      %ne3A = arith.cmpi ne, %get3A_657, %get3A_661 : vector<16xi32>
      %or3A = arith.ori %ne3A, %eq3A_15 : vector<16xi1>
      %not3A = arith.constant dense<true> : vector<16xi1>
      %not3A_662 = arith.xori %eq3A_15, %not3A : vector<16xi1>
      %and3A = arith.andi %ne3A, %not3A_662 : vector<16xi1>
      tpu.vector_store_idx %arg14[%get3A_657], %add3A_13 masked %or3A {add = true} : memref<1040xf32, #tpu.memory_space<vmem>>[vector<16xi32>], vector<16xf32>, vector<16xi1>
      %neg3A = arith.constant 0.000000e+00 : f32
      %neg3A_663 = vector.broadcast %neg3A : f32 to vector<16xf32>
      %neg3A_664 = arith.subf %neg3A_663, %add3A_13 : vector<16xf32>
      tpu.vector_store_idx %arg14[%get3A_661], %neg3A_664 masked %and3A {add = true} : memref<1040xf32, #tpu.memory_space<vmem>>[vector<16xi32>], vector<16xf32>, vector<16xi1>
    }
    %scan3A_491 = arith.constant 8 : i32
    %add3A_492 = arith.constant 608 : i32
    %add3A_493 = arith.addi %add3A_492, %add3A : i32
    %mul3A_494 = arith.constant 128 : i32
    %mul3A_495 = arith.muli %add3A_493, %mul3A_494 : i32
    %dma_start3A_496 = arith.constant 0 : i32
    %dma_start3A_497 = tpu.memref_slice %arg2[%mul3A_495, %dma_start3A_496] : memref<100000x128xf32, #tpu.memory_space<hbm>> -> memref<128x128xf32, #tpu.memory_space<hbm>>
    %dma_start3A_498 = arith.constant 0 : i32
    %dma_start3A_499 = tpu.memref_slice %arg2[%mul3A_495, %dma_start3A_498] : memref<100000x128xf32, #tpu.memory_space<hbm>> -> memref<128x128xf32, #tpu.memory_space<hbm>>
    tpu.enqueue_dma source(%dma_start3A_499 : memref<128x128xf32, #tpu.memory_space<hbm>>) target(%arg8 : memref<128x128xf32, #tpu.memory_space<vmem>>) target_semaphore(%arg17 : memref<!tpu.dma_semaphore, #tpu.memory_space<semaphore_mem>>)
    %dma_start3A_500 = tpu.memref_slice %arg3[%mul3A_495] : memref<100016xi32, #tpu.memory_space<hbm>> -> memref<128xi32, #tpu.memory_space<hbm>>
    %dma_start3A_501 = tpu.memref_slice %arg3[%mul3A_495] : memref<100016xi32, #tpu.memory_space<hbm>> -> memref<128xi32, #tpu.memory_space<hbm>>
    tpu.enqueue_dma source(%dma_start3A_501 : memref<128xi32, #tpu.memory_space<hbm>>) target(%arg10 : memref<128xi32, #tpu.memory_space<vmem>>) target_semaphore(%arg17 : memref<!tpu.dma_semaphore, #tpu.memory_space<semaphore_mem>>)
    %dma_start3A_502 = tpu.memref_slice %arg3[%mul3A_495] : memref<100016xi32, #tpu.memory_space<hbm>> -> memref<144xi32, #tpu.memory_space<hbm>>
    %dma_start3A_503 = tpu.memref_slice %arg3[%mul3A_495] : memref<100016xi32, #tpu.memory_space<hbm>> -> memref<144xi32, #tpu.memory_space<hbm>>
    tpu.enqueue_dma source(%dma_start3A_503 : memref<144xi32, #tpu.memory_space<hbm>>) target(%arg13 : memref<144xi32, #tpu.memory_space<vmem>>) target_semaphore(%arg17 : memref<!tpu.dma_semaphore, #tpu.memory_space<semaphore_mem>>)
    %dma_wait3A_504 = arith.constant 0 : i32
    %dma_wait3A_505 = tpu.memref_slice %arg2[%mul3A_469, %dma_wait3A_504] : memref<100000x128xf32, #tpu.memory_space<hbm>> -> memref<128x128xf32, #tpu.memory_space<hbm>>
    %dma_wait3A_506 = arith.constant 0 : i32
    %dma_wait3A_507 = tpu.memref_slice %arg2[%mul3A_469, %dma_wait3A_506] : memref<100000x128xf32, #tpu.memory_space<hbm>> -> memref<128x128xf32, #tpu.memory_space<hbm>>
    tpu.wait_dma2 semaphore(%arg16 : memref<!tpu.dma_semaphore, #tpu.memory_space<semaphore_mem>>) src(%dma_wait3A_507 : memref<128x128xf32, #tpu.memory_space<hbm>>) dst(%arg7 : memref<128x128xf32, #tpu.memory_space<vmem>>)
    %dma_wait3A_508 = tpu.memref_slice %arg3[%mul3A_469] : memref<100016xi32, #tpu.memory_space<hbm>> -> memref<128xi32, #tpu.memory_space<hbm>>
    %dma_wait3A_509 = tpu.memref_slice %arg3[%mul3A_469] : memref<100016xi32, #tpu.memory_space<hbm>> -> memref<128xi32, #tpu.memory_space<hbm>>
    tpu.wait_dma2 semaphore(%arg16 : memref<!tpu.dma_semaphore, #tpu.memory_space<semaphore_mem>>) src(%dma_wait3A_509 : memref<128xi32, #tpu.memory_space<hbm>>) dst(%arg9 : memref<128xi32, #tpu.memory_space<vmem>>)
    %dma_wait3A_510 = tpu.memref_slice %arg3[%mul3A_469] : memref<100016xi32, #tpu.memory_space<hbm>> -> memref<144xi32, #tpu.memory_space<hbm>>
    %dma_wait3A_511 = tpu.memref_slice %arg3[%mul3A_469] : memref<100016xi32, #tpu.memory_space<hbm>> -> memref<144xi32, #tpu.memory_space<hbm>>
    tpu.wait_dma2 semaphore(%arg16 : memref<!tpu.dma_semaphore, #tpu.memory_space<semaphore_mem>>) src(%dma_wait3A_511 : memref<144xi32, #tpu.memory_space<hbm>>) dst(%arg12 : memref<144xi32, #tpu.memory_space<vmem>>)
    "tpu.region"() ({
      %run_scoped3A = tpu.sem_alloc : memref<!tpu.dma_semaphore, #tpu.memory_space<semaphore_mem>>
      %dma_start3A_654 = arith.constant 0 : i32
      %dma_start3A_655 = arith.constant 0 : i32
      %dma_start3A_656 = tpu.memref_slice %arg15[%dma_start3A_654, %dma_start3A_655] : memref<1024x128xf32, #tpu.memory_space<vmem_shared>> -> memref<1024x128xf32, #tpu.memory_space<vmem_shared>>
      tpu.enqueue_indirect_dma source(%arg7 : memref<128x128xf32, #tpu.memory_space<vmem>>) target(%dma_start3A_656 : memref<1024x128xf32, #tpu.memory_space<vmem_shared>>) offsets(%arg9 : memref<128xi32, #tpu.memory_space<vmem>>) semaphore(%run_scoped3A : memref<!tpu.dma_semaphore, #tpu.memory_space<semaphore_mem>>) {add = true}
      %dma_wait3A_657 = arith.constant 0 : i32
      %dma_wait3A_658 = arith.constant 0 : i32
      %dma_wait3A_659 = tpu.memref_slice %arg15[%dma_wait3A_657, %dma_wait3A_658] : memref<1024x128xf32, #tpu.memory_space<vmem_shared>> -> memref<1024x128xf32, #tpu.memory_space<vmem_shared>>
      tpu.wait_indirect_dma semaphore(%run_scoped3A : memref<!tpu.dma_semaphore, #tpu.memory_space<semaphore_mem>>) src(%arg7 : memref<128x128xf32, #tpu.memory_space<vmem>>) dst(%dma_wait3A_659 : memref<1024x128xf32, #tpu.memory_space<vmem_shared>>)
      tpu.yield
    }) : () -> ()
    %scan3A_512 = arith.constant 0 : i32
    %scan3A_513 = arith.constant 0 : i32
    %scan3A_514 = arith.constant 8 : i32
    %scan3A_515 = arith.addi %scan3A_513, %scan3A_514 : i32
    %scan3A_516 = arith.constant 1 : i32
    scf.for %scan3A_654 = %scan3A_513 to %scan3A_515 step %scan3A_516  : i32 {
      %mul3A_655 = arith.constant 16 : i32
      %mul3A_656 = arith.muli %scan3A_654, %mul3A_655 : i32
      %get3A = arith.index_cast %mul3A_656 : i32 to index
      %get3A_657 = tpu.vector_load %arg12[%get3A] {strides = array<i32>} : memref<144xi32, #tpu.memory_space<vmem>>, vector<16xi32>,
      %add3A_658 = arith.constant 1 : i32
      %add3A_659 = arith.addi %mul3A_656, %add3A_658 : i32
      %get3A_660 = arith.index_cast %add3A_659 : i32 to index
      %get3A_661 = tpu.vector_load %arg12[%get3A_660] {strides = array<i32>} : memref<144xi32, #tpu.memory_space<vmem>>, vector<16xi32>,
      %ne3A = arith.cmpi ne, %get3A_657, %get3A_661 : vector<16xi32>
      %or3A = arith.ori %ne3A, %eq3A_15 : vector<16xi1>
      %not3A = arith.constant dense<true> : vector<16xi1>
      %not3A_662 = arith.xori %eq3A_15, %not3A : vector<16xi1>
      %and3A = arith.andi %ne3A, %not3A_662 : vector<16xi1>
      tpu.vector_store_idx %arg14[%get3A_657], %add3A_13 masked %or3A {add = true} : memref<1040xf32, #tpu.memory_space<vmem>>[vector<16xi32>], vector<16xf32>, vector<16xi1>
      %neg3A = arith.constant 0.000000e+00 : f32
      %neg3A_663 = vector.broadcast %neg3A : f32 to vector<16xf32>
      %neg3A_664 = arith.subf %neg3A_663, %add3A_13 : vector<16xf32>
      tpu.vector_store_idx %arg14[%get3A_661], %neg3A_664 masked %and3A {add = true} : memref<1040xf32, #tpu.memory_space<vmem>>[vector<16xi32>], vector<16xf32>, vector<16xi1>
    }
    %scan3A_517 = arith.constant 8 : i32
    %add3A_518 = arith.constant 640 : i32
    %add3A_519 = arith.addi %add3A_518, %add3A : i32
    %mul3A_520 = arith.constant 128 : i32
    %mul3A_521 = arith.muli %add3A_519, %mul3A_520 : i32
    %dma_start3A_522 = arith.constant 0 : i32
    %dma_start3A_523 = tpu.memref_slice %arg2[%mul3A_521, %dma_start3A_522] : memref<100000x128xf32, #tpu.memory_space<hbm>> -> memref<128x128xf32, #tpu.memory_space<hbm>>
    %dma_start3A_524 = arith.constant 0 : i32
    %dma_start3A_525 = tpu.memref_slice %arg2[%mul3A_521, %dma_start3A_524] : memref<100000x128xf32, #tpu.memory_space<hbm>> -> memref<128x128xf32, #tpu.memory_space<hbm>>
    tpu.enqueue_dma source(%dma_start3A_525 : memref<128x128xf32, #tpu.memory_space<hbm>>) target(%arg7 : memref<128x128xf32, #tpu.memory_space<vmem>>) target_semaphore(%arg16 : memref<!tpu.dma_semaphore, #tpu.memory_space<semaphore_mem>>)
    %dma_start3A_526 = tpu.memref_slice %arg3[%mul3A_521] : memref<100016xi32, #tpu.memory_space<hbm>> -> memref<128xi32, #tpu.memory_space<hbm>>
    %dma_start3A_527 = tpu.memref_slice %arg3[%mul3A_521] : memref<100016xi32, #tpu.memory_space<hbm>> -> memref<128xi32, #tpu.memory_space<hbm>>
    tpu.enqueue_dma source(%dma_start3A_527 : memref<128xi32, #tpu.memory_space<hbm>>) target(%arg9 : memref<128xi32, #tpu.memory_space<vmem>>) target_semaphore(%arg16 : memref<!tpu.dma_semaphore, #tpu.memory_space<semaphore_mem>>)
    %dma_start3A_528 = tpu.memref_slice %arg3[%mul3A_521] : memref<100016xi32, #tpu.memory_space<hbm>> -> memref<144xi32, #tpu.memory_space<hbm>>
    %dma_start3A_529 = tpu.memref_slice %arg3[%mul3A_521] : memref<100016xi32, #tpu.memory_space<hbm>> -> memref<144xi32, #tpu.memory_space<hbm>>
    tpu.enqueue_dma source(%dma_start3A_529 : memref<144xi32, #tpu.memory_space<hbm>>) target(%arg12 : memref<144xi32, #tpu.memory_space<vmem>>) target_semaphore(%arg16 : memref<!tpu.dma_semaphore, #tpu.memory_space<semaphore_mem>>)
    %dma_wait3A_530 = arith.constant 0 : i32
    %dma_wait3A_531 = tpu.memref_slice %arg2[%mul3A_495, %dma_wait3A_530] : memref<100000x128xf32, #tpu.memory_space<hbm>> -> memref<128x128xf32, #tpu.memory_space<hbm>>
    %dma_wait3A_532 = arith.constant 0 : i32
    %dma_wait3A_533 = tpu.memref_slice %arg2[%mul3A_495, %dma_wait3A_532] : memref<100000x128xf32, #tpu.memory_space<hbm>> -> memref<128x128xf32, #tpu.memory_space<hbm>>
    tpu.wait_dma2 semaphore(%arg17 : memref<!tpu.dma_semaphore, #tpu.memory_space<semaphore_mem>>) src(%dma_wait3A_533 : memref<128x128xf32, #tpu.memory_space<hbm>>) dst(%arg8 : memref<128x128xf32, #tpu.memory_space<vmem>>)
    %dma_wait3A_534 = tpu.memref_slice %arg3[%mul3A_495] : memref<100016xi32, #tpu.memory_space<hbm>> -> memref<128xi32, #tpu.memory_space<hbm>>
    %dma_wait3A_535 = tpu.memref_slice %arg3[%mul3A_495] : memref<100016xi32, #tpu.memory_space<hbm>> -> memref<128xi32, #tpu.memory_space<hbm>>
    tpu.wait_dma2 semaphore(%arg17 : memref<!tpu.dma_semaphore, #tpu.memory_space<semaphore_mem>>) src(%dma_wait3A_535 : memref<128xi32, #tpu.memory_space<hbm>>) dst(%arg10 : memref<128xi32, #tpu.memory_space<vmem>>)
    %dma_wait3A_536 = tpu.memref_slice %arg3[%mul3A_495] : memref<100016xi32, #tpu.memory_space<hbm>> -> memref<144xi32, #tpu.memory_space<hbm>>
    %dma_wait3A_537 = tpu.memref_slice %arg3[%mul3A_495] : memref<100016xi32, #tpu.memory_space<hbm>> -> memref<144xi32, #tpu.memory_space<hbm>>
    tpu.wait_dma2 semaphore(%arg17 : memref<!tpu.dma_semaphore, #tpu.memory_space<semaphore_mem>>) src(%dma_wait3A_537 : memref<144xi32, #tpu.memory_space<hbm>>) dst(%arg13 : memref<144xi32, #tpu.memory_space<vmem>>)
    "tpu.region"() ({
      %run_scoped3A = tpu.sem_alloc : memref<!tpu.dma_semaphore, #tpu.memory_space<semaphore_mem>>
      %dma_start3A_654 = arith.constant 0 : i32
      %dma_start3A_655 = arith.constant 0 : i32
      %dma_start3A_656 = tpu.memref_slice %arg15[%dma_start3A_654, %dma_start3A_655] : memref<1024x128xf32, #tpu.memory_space<vmem_shared>> -> memref<1024x128xf32, #tpu.memory_space<vmem_shared>>
      tpu.enqueue_indirect_dma source(%arg8 : memref<128x128xf32, #tpu.memory_space<vmem>>) target(%dma_start3A_656 : memref<1024x128xf32, #tpu.memory_space<vmem_shared>>) offsets(%arg10 : memref<128xi32, #tpu.memory_space<vmem>>) semaphore(%run_scoped3A : memref<!tpu.dma_semaphore, #tpu.memory_space<semaphore_mem>>) {add = true}
      %dma_wait3A_657 = arith.constant 0 : i32
      %dma_wait3A_658 = arith.constant 0 : i32
      %dma_wait3A_659 = tpu.memref_slice %arg15[%dma_wait3A_657, %dma_wait3A_658] : memref<1024x128xf32, #tpu.memory_space<vmem_shared>> -> memref<1024x128xf32, #tpu.memory_space<vmem_shared>>
      tpu.wait_indirect_dma semaphore(%run_scoped3A : memref<!tpu.dma_semaphore, #tpu.memory_space<semaphore_mem>>) src(%arg8 : memref<128x128xf32, #tpu.memory_space<vmem>>) dst(%dma_wait3A_659 : memref<1024x128xf32, #tpu.memory_space<vmem_shared>>)
      tpu.yield
    }) : () -> ()
    %scan3A_538 = arith.constant 0 : i32
    %scan3A_539 = arith.constant 0 : i32
    %scan3A_540 = arith.constant 8 : i32
    %scan3A_541 = arith.addi %scan3A_539, %scan3A_540 : i32
    %scan3A_542 = arith.constant 1 : i32
    scf.for %scan3A_654 = %scan3A_539 to %scan3A_541 step %scan3A_542  : i32 {
      %mul3A_655 = arith.constant 16 : i32
      %mul3A_656 = arith.muli %scan3A_654, %mul3A_655 : i32
      %get3A = arith.index_cast %mul3A_656 : i32 to index
      %get3A_657 = tpu.vector_load %arg13[%get3A] {strides = array<i32>} : memref<144xi32, #tpu.memory_space<vmem>>, vector<16xi32>,
      %add3A_658 = arith.constant 1 : i32
      %add3A_659 = arith.addi %mul3A_656, %add3A_658 : i32
      %get3A_660 = arith.index_cast %add3A_659 : i32 to index
      %get3A_661 = tpu.vector_load %arg13[%get3A_660] {strides = array<i32>} : memref<144xi32, #tpu.memory_space<vmem>>, vector<16xi32>,
      %ne3A = arith.cmpi ne, %get3A_657, %get3A_661 : vector<16xi32>
      %or3A = arith.ori %ne3A, %eq3A_15 : vector<16xi1>
      %not3A = arith.constant dense<true> : vector<16xi1>
      %not3A_662 = arith.xori %eq3A_15, %not3A : vector<16xi1>
      %and3A = arith.andi %ne3A, %not3A_662 : vector<16xi1>
      tpu.vector_store_idx %arg14[%get3A_657], %add3A_13 masked %or3A {add = true} : memref<1040xf32, #tpu.memory_space<vmem>>[vector<16xi32>], vector<16xf32>, vector<16xi1>
      %neg3A = arith.constant 0.000000e+00 : f32
      %neg3A_663 = vector.broadcast %neg3A : f32 to vector<16xf32>
      %neg3A_664 = arith.subf %neg3A_663, %add3A_13 : vector<16xf32>
      tpu.vector_store_idx %arg14[%get3A_661], %neg3A_664 masked %and3A {add = true} : memref<1040xf32, #tpu.memory_space<vmem>>[vector<16xi32>], vector<16xf32>, vector<16xi1>
    }
    %scan3A_543 = arith.constant 8 : i32
    %add3A_544 = arith.constant 672 : i32
    %add3A_545 = arith.addi %add3A_544, %add3A : i32
    %mul3A_546 = arith.constant 128 : i32
    %mul3A_547 = arith.muli %add3A_545, %mul3A_546 : i32
    %dma_start3A_548 = arith.constant 0 : i32
    %dma_start3A_549 = tpu.memref_slice %arg2[%mul3A_547, %dma_start3A_548] : memref<100000x128xf32, #tpu.memory_space<hbm>> -> memref<128x128xf32, #tpu.memory_space<hbm>>
    %dma_start3A_550 = arith.constant 0 : i32
    %dma_start3A_551 = tpu.memref_slice %arg2[%mul3A_547, %dma_start3A_550] : memref<100000x128xf32, #tpu.memory_space<hbm>> -> memref<128x128xf32, #tpu.memory_space<hbm>>
    tpu.enqueue_dma source(%dma_start3A_551 : memref<128x128xf32, #tpu.memory_space<hbm>>) target(%arg8 : memref<128x128xf32, #tpu.memory_space<vmem>>) target_semaphore(%arg17 : memref<!tpu.dma_semaphore, #tpu.memory_space<semaphore_mem>>)
    %dma_start3A_552 = tpu.memref_slice %arg3[%mul3A_547] : memref<100016xi32, #tpu.memory_space<hbm>> -> memref<128xi32, #tpu.memory_space<hbm>>
    %dma_start3A_553 = tpu.memref_slice %arg3[%mul3A_547] : memref<100016xi32, #tpu.memory_space<hbm>> -> memref<128xi32, #tpu.memory_space<hbm>>
    tpu.enqueue_dma source(%dma_start3A_553 : memref<128xi32, #tpu.memory_space<hbm>>) target(%arg10 : memref<128xi32, #tpu.memory_space<vmem>>) target_semaphore(%arg17 : memref<!tpu.dma_semaphore, #tpu.memory_space<semaphore_mem>>)
    %dma_start3A_554 = tpu.memref_slice %arg3[%mul3A_547] : memref<100016xi32, #tpu.memory_space<hbm>> -> memref<144xi32, #tpu.memory_space<hbm>>
    %dma_start3A_555 = tpu.memref_slice %arg3[%mul3A_547] : memref<100016xi32, #tpu.memory_space<hbm>> -> memref<144xi32, #tpu.memory_space<hbm>>
    tpu.enqueue_dma source(%dma_start3A_555 : memref<144xi32, #tpu.memory_space<hbm>>) target(%arg13 : memref<144xi32, #tpu.memory_space<vmem>>) target_semaphore(%arg17 : memref<!tpu.dma_semaphore, #tpu.memory_space<semaphore_mem>>)
    %dma_wait3A_556 = arith.constant 0 : i32
    %dma_wait3A_557 = tpu.memref_slice %arg2[%mul3A_521, %dma_wait3A_556] : memref<100000x128xf32, #tpu.memory_space<hbm>> -> memref<128x128xf32, #tpu.memory_space<hbm>>
    %dma_wait3A_558 = arith.constant 0 : i32
    %dma_wait3A_559 = tpu.memref_slice %arg2[%mul3A_521, %dma_wait3A_558] : memref<100000x128xf32, #tpu.memory_space<hbm>> -> memref<128x128xf32, #tpu.memory_space<hbm>>
    tpu.wait_dma2 semaphore(%arg16 : memref<!tpu.dma_semaphore, #tpu.memory_space<semaphore_mem>>) src(%dma_wait3A_559 : memref<128x128xf32, #tpu.memory_space<hbm>>) dst(%arg7 : memref<128x128xf32, #tpu.memory_space<vmem>>)
    %dma_wait3A_560 = tpu.memref_slice %arg3[%mul3A_521] : memref<100016xi32, #tpu.memory_space<hbm>> -> memref<128xi32, #tpu.memory_space<hbm>>
    %dma_wait3A_561 = tpu.memref_slice %arg3[%mul3A_521] : memref<100016xi32, #tpu.memory_space<hbm>> -> memref<128xi32, #tpu.memory_space<hbm>>
    tpu.wait_dma2 semaphore(%arg16 : memref<!tpu.dma_semaphore, #tpu.memory_space<semaphore_mem>>) src(%dma_wait3A_561 : memref<128xi32, #tpu.memory_space<hbm>>) dst(%arg9 : memref<128xi32, #tpu.memory_space<vmem>>)
    %dma_wait3A_562 = tpu.memref_slice %arg3[%mul3A_521] : memref<100016xi32, #tpu.memory_space<hbm>> -> memref<144xi32, #tpu.memory_space<hbm>>
    %dma_wait3A_563 = tpu.memref_slice %arg3[%mul3A_521] : memref<100016xi32, #tpu.memory_space<hbm>> -> memref<144xi32, #tpu.memory_space<hbm>>
    tpu.wait_dma2 semaphore(%arg16 : memref<!tpu.dma_semaphore, #tpu.memory_space<semaphore_mem>>) src(%dma_wait3A_563 : memref<144xi32, #tpu.memory_space<hbm>>) dst(%arg12 : memref<144xi32, #tpu.memory_space<vmem>>)
    "tpu.region"() ({
      %run_scoped3A = tpu.sem_alloc : memref<!tpu.dma_semaphore, #tpu.memory_space<semaphore_mem>>
      %dma_start3A_654 = arith.constant 0 : i32
      %dma_start3A_655 = arith.constant 0 : i32
      %dma_start3A_656 = tpu.memref_slice %arg15[%dma_start3A_654, %dma_start3A_655] : memref<1024x128xf32, #tpu.memory_space<vmem_shared>> -> memref<1024x128xf32, #tpu.memory_space<vmem_shared>>
      tpu.enqueue_indirect_dma source(%arg7 : memref<128x128xf32, #tpu.memory_space<vmem>>) target(%dma_start3A_656 : memref<1024x128xf32, #tpu.memory_space<vmem_shared>>) offsets(%arg9 : memref<128xi32, #tpu.memory_space<vmem>>) semaphore(%run_scoped3A : memref<!tpu.dma_semaphore, #tpu.memory_space<semaphore_mem>>) {add = true}
      %dma_wait3A_657 = arith.constant 0 : i32
      %dma_wait3A_658 = arith.constant 0 : i32
      %dma_wait3A_659 = tpu.memref_slice %arg15[%dma_wait3A_657, %dma_wait3A_658] : memref<1024x128xf32, #tpu.memory_space<vmem_shared>> -> memref<1024x128xf32, #tpu.memory_space<vmem_shared>>
      tpu.wait_indirect_dma semaphore(%run_scoped3A : memref<!tpu.dma_semaphore, #tpu.memory_space<semaphore_mem>>) src(%arg7 : memref<128x128xf32, #tpu.memory_space<vmem>>) dst(%dma_wait3A_659 : memref<1024x128xf32, #tpu.memory_space<vmem_shared>>)
      tpu.yield
    }) : () -> ()
    %scan3A_564 = arith.constant 0 : i32
    %scan3A_565 = arith.constant 0 : i32
    %scan3A_566 = arith.constant 8 : i32
    %scan3A_567 = arith.addi %scan3A_565, %scan3A_566 : i32
    %scan3A_568 = arith.constant 1 : i32
    scf.for %scan3A_654 = %scan3A_565 to %scan3A_567 step %scan3A_568  : i32 {
      %mul3A_655 = arith.constant 16 : i32
      %mul3A_656 = arith.muli %scan3A_654, %mul3A_655 : i32
      %get3A = arith.index_cast %mul3A_656 : i32 to index
      %get3A_657 = tpu.vector_load %arg12[%get3A] {strides = array<i32>} : memref<144xi32, #tpu.memory_space<vmem>>, vector<16xi32>,
      %add3A_658 = arith.constant 1 : i32
      %add3A_659 = arith.addi %mul3A_656, %add3A_658 : i32
      %get3A_660 = arith.index_cast %add3A_659 : i32 to index
      %get3A_661 = tpu.vector_load %arg12[%get3A_660] {strides = array<i32>} : memref<144xi32, #tpu.memory_space<vmem>>, vector<16xi32>,
      %ne3A = arith.cmpi ne, %get3A_657, %get3A_661 : vector<16xi32>
      %or3A = arith.ori %ne3A, %eq3A_15 : vector<16xi1>
      %not3A = arith.constant dense<true> : vector<16xi1>
      %not3A_662 = arith.xori %eq3A_15, %not3A : vector<16xi1>
      %and3A = arith.andi %ne3A, %not3A_662 : vector<16xi1>
      tpu.vector_store_idx %arg14[%get3A_657], %add3A_13 masked %or3A {add = true} : memref<1040xf32, #tpu.memory_space<vmem>>[vector<16xi32>], vector<16xf32>, vector<16xi1>
      %neg3A = arith.constant 0.000000e+00 : f32
      %neg3A_663 = vector.broadcast %neg3A : f32 to vector<16xf32>
      %neg3A_664 = arith.subf %neg3A_663, %add3A_13 : vector<16xf32>
      tpu.vector_store_idx %arg14[%get3A_661], %neg3A_664 masked %and3A {add = true} : memref<1040xf32, #tpu.memory_space<vmem>>[vector<16xi32>], vector<16xf32>, vector<16xi1>
    }
    %scan3A_569 = arith.constant 8 : i32
    %add3A_570 = arith.constant 704 : i32
    %add3A_571 = arith.addi %add3A_570, %add3A : i32
    %mul3A_572 = arith.constant 128 : i32
    %mul3A_573 = arith.muli %add3A_571, %mul3A_572 : i32
    %dma_start3A_574 = arith.constant 0 : i32
    %dma_start3A_575 = tpu.memref_slice %arg2[%mul3A_573, %dma_start3A_574] : memref<100000x128xf32, #tpu.memory_space<hbm>> -> memref<128x128xf32, #tpu.memory_space<hbm>>
    %dma_start3A_576 = arith.constant 0 : i32
    %dma_start3A_577 = tpu.memref_slice %arg2[%mul3A_573, %dma_start3A_576] : memref<100000x128xf32, #tpu.memory_space<hbm>> -> memref<128x128xf32, #tpu.memory_space<hbm>>
    tpu.enqueue_dma source(%dma_start3A_577 : memref<128x128xf32, #tpu.memory_space<hbm>>) target(%arg7 : memref<128x128xf32, #tpu.memory_space<vmem>>) target_semaphore(%arg16 : memref<!tpu.dma_semaphore, #tpu.memory_space<semaphore_mem>>)
    %dma_start3A_578 = tpu.memref_slice %arg3[%mul3A_573] : memref<100016xi32, #tpu.memory_space<hbm>> -> memref<128xi32, #tpu.memory_space<hbm>>
    %dma_start3A_579 = tpu.memref_slice %arg3[%mul3A_573] : memref<100016xi32, #tpu.memory_space<hbm>> -> memref<128xi32, #tpu.memory_space<hbm>>
    tpu.enqueue_dma source(%dma_start3A_579 : memref<128xi32, #tpu.memory_space<hbm>>) target(%arg9 : memref<128xi32, #tpu.memory_space<vmem>>) target_semaphore(%arg16 : memref<!tpu.dma_semaphore, #tpu.memory_space<semaphore_mem>>)
    %dma_start3A_580 = tpu.memref_slice %arg3[%mul3A_573] : memref<100016xi32, #tpu.memory_space<hbm>> -> memref<144xi32, #tpu.memory_space<hbm>>
    %dma_start3A_581 = tpu.memref_slice %arg3[%mul3A_573] : memref<100016xi32, #tpu.memory_space<hbm>> -> memref<144xi32, #tpu.memory_space<hbm>>
    tpu.enqueue_dma source(%dma_start3A_581 : memref<144xi32, #tpu.memory_space<hbm>>) target(%arg12 : memref<144xi32, #tpu.memory_space<vmem>>) target_semaphore(%arg16 : memref<!tpu.dma_semaphore, #tpu.memory_space<semaphore_mem>>)
    %dma_wait3A_582 = arith.constant 0 : i32
    %dma_wait3A_583 = tpu.memref_slice %arg2[%mul3A_547, %dma_wait3A_582] : memref<100000x128xf32, #tpu.memory_space<hbm>> -> memref<128x128xf32, #tpu.memory_space<hbm>>
    %dma_wait3A_584 = arith.constant 0 : i32
    %dma_wait3A_585 = tpu.memref_slice %arg2[%mul3A_547, %dma_wait3A_584] : memref<100000x128xf32, #tpu.memory_space<hbm>> -> memref<128x128xf32, #tpu.memory_space<hbm>>
    tpu.wait_dma2 semaphore(%arg17 : memref<!tpu.dma_semaphore, #tpu.memory_space<semaphore_mem>>) src(%dma_wait3A_585 : memref<128x128xf32, #tpu.memory_space<hbm>>) dst(%arg8 : memref<128x128xf32, #tpu.memory_space<vmem>>)
    %dma_wait3A_586 = tpu.memref_slice %arg3[%mul3A_547] : memref<100016xi32, #tpu.memory_space<hbm>> -> memref<128xi32, #tpu.memory_space<hbm>>
    %dma_wait3A_587 = tpu.memref_slice %arg3[%mul3A_547] : memref<100016xi32, #tpu.memory_space<hbm>> -> memref<128xi32, #tpu.memory_space<hbm>>
    tpu.wait_dma2 semaphore(%arg17 : memref<!tpu.dma_semaphore, #tpu.memory_space<semaphore_mem>>) src(%dma_wait3A_587 : memref<128xi32, #tpu.memory_space<hbm>>) dst(%arg10 : memref<128xi32, #tpu.memory_space<vmem>>)
    %dma_wait3A_588 = tpu.memref_slice %arg3[%mul3A_547] : memref<100016xi32, #tpu.memory_space<hbm>> -> memref<144xi32, #tpu.memory_space<hbm>>
    %dma_wait3A_589 = tpu.memref_slice %arg3[%mul3A_547] : memref<100016xi32, #tpu.memory_space<hbm>> -> memref<144xi32, #tpu.memory_space<hbm>>
    tpu.wait_dma2 semaphore(%arg17 : memref<!tpu.dma_semaphore, #tpu.memory_space<semaphore_mem>>) src(%dma_wait3A_589 : memref<144xi32, #tpu.memory_space<hbm>>) dst(%arg13 : memref<144xi32, #tpu.memory_space<vmem>>)
    "tpu.region"() ({
      %run_scoped3A = tpu.sem_alloc : memref<!tpu.dma_semaphore, #tpu.memory_space<semaphore_mem>>
      %dma_start3A_654 = arith.constant 0 : i32
      %dma_start3A_655 = arith.constant 0 : i32
      %dma_start3A_656 = tpu.memref_slice %arg15[%dma_start3A_654, %dma_start3A_655] : memref<1024x128xf32, #tpu.memory_space<vmem_shared>> -> memref<1024x128xf32, #tpu.memory_space<vmem_shared>>
      tpu.enqueue_indirect_dma source(%arg8 : memref<128x128xf32, #tpu.memory_space<vmem>>) target(%dma_start3A_656 : memref<1024x128xf32, #tpu.memory_space<vmem_shared>>) offsets(%arg10 : memref<128xi32, #tpu.memory_space<vmem>>) semaphore(%run_scoped3A : memref<!tpu.dma_semaphore, #tpu.memory_space<semaphore_mem>>) {add = true}
      %dma_wait3A_657 = arith.constant 0 : i32
      %dma_wait3A_658 = arith.constant 0 : i32
      %dma_wait3A_659 = tpu.memref_slice %arg15[%dma_wait3A_657, %dma_wait3A_658] : memref<1024x128xf32, #tpu.memory_space<vmem_shared>> -> memref<1024x128xf32, #tpu.memory_space<vmem_shared>>
      tpu.wait_indirect_dma semaphore(%run_scoped3A : memref<!tpu.dma_semaphore, #tpu.memory_space<semaphore_mem>>) src(%arg8 : memref<128x128xf32, #tpu.memory_space<vmem>>) dst(%dma_wait3A_659 : memref<1024x128xf32, #tpu.memory_space<vmem_shared>>)
      tpu.yield
    }) : () -> ()
    %scan3A_590 = arith.constant 0 : i32
    %scan3A_591 = arith.constant 0 : i32
    %scan3A_592 = arith.constant 8 : i32
    %scan3A_593 = arith.addi %scan3A_591, %scan3A_592 : i32
    %scan3A_594 = arith.constant 1 : i32
    scf.for %scan3A_654 = %scan3A_591 to %scan3A_593 step %scan3A_594  : i32 {
      %mul3A_655 = arith.constant 16 : i32
      %mul3A_656 = arith.muli %scan3A_654, %mul3A_655 : i32
      %get3A = arith.index_cast %mul3A_656 : i32 to index
      %get3A_657 = tpu.vector_load %arg13[%get3A] {strides = array<i32>} : memref<144xi32, #tpu.memory_space<vmem>>, vector<16xi32>,
      %add3A_658 = arith.constant 1 : i32
      %add3A_659 = arith.addi %mul3A_656, %add3A_658 : i32
      %get3A_660 = arith.index_cast %add3A_659 : i32 to index
      %get3A_661 = tpu.vector_load %arg13[%get3A_660] {strides = array<i32>} : memref<144xi32, #tpu.memory_space<vmem>>, vector<16xi32>,
      %ne3A = arith.cmpi ne, %get3A_657, %get3A_661 : vector<16xi32>
      %or3A = arith.ori %ne3A, %eq3A_15 : vector<16xi1>
      %not3A = arith.constant dense<true> : vector<16xi1>
      %not3A_662 = arith.xori %eq3A_15, %not3A : vector<16xi1>
      %and3A = arith.andi %ne3A, %not3A_662 : vector<16xi1>
      tpu.vector_store_idx %arg14[%get3A_657], %add3A_13 masked %or3A {add = true} : memref<1040xf32, #tpu.memory_space<vmem>>[vector<16xi32>], vector<16xf32>, vector<16xi1>
      %neg3A = arith.constant 0.000000e+00 : f32
      %neg3A_663 = vector.broadcast %neg3A : f32 to vector<16xf32>
      %neg3A_664 = arith.subf %neg3A_663, %add3A_13 : vector<16xf32>
      tpu.vector_store_idx %arg14[%get3A_661], %neg3A_664 masked %and3A {add = true} : memref<1040xf32, #tpu.memory_space<vmem>>[vector<16xi32>], vector<16xf32>, vector<16xi1>
    }
    %scan3A_595 = arith.constant 8 : i32
    %add3A_596 = arith.constant 736 : i32
    %add3A_597 = arith.addi %add3A_596, %add3A : i32
    %mul3A_598 = arith.constant 128 : i32
    %mul3A_599 = arith.muli %add3A_597, %mul3A_598 : i32
    %dma_start3A_600 = arith.constant 0 : i32
    %dma_start3A_601 = tpu.memref_slice %arg2[%mul3A_599, %dma_start3A_600] : memref<100000x128xf32, #tpu.memory_space<hbm>> -> memref<128x128xf32, #tpu.memory_space<hbm>>
    %dma_start3A_602 = arith.constant 0 : i32
    %dma_start3A_603 = tpu.memref_slice %arg2[%mul3A_599, %dma_start3A_602] : memref<100000x128xf32, #tpu.memory_space<hbm>> -> memref<128x128xf32, #tpu.memory_space<hbm>>
    tpu.enqueue_dma source(%dma_start3A_603 : memref<128x128xf32, #tpu.memory_space<hbm>>) target(%arg8 : memref<128x128xf32, #tpu.memory_space<vmem>>) target_semaphore(%arg17 : memref<!tpu.dma_semaphore, #tpu.memory_space<semaphore_mem>>)
    %dma_start3A_604 = tpu.memref_slice %arg3[%mul3A_599] : memref<100016xi32, #tpu.memory_space<hbm>> -> memref<128xi32, #tpu.memory_space<hbm>>
    %dma_start3A_605 = tpu.memref_slice %arg3[%mul3A_599] : memref<100016xi32, #tpu.memory_space<hbm>> -> memref<128xi32, #tpu.memory_space<hbm>>
    tpu.enqueue_dma source(%dma_start3A_605 : memref<128xi32, #tpu.memory_space<hbm>>) target(%arg10 : memref<128xi32, #tpu.memory_space<vmem>>) target_semaphore(%arg17 : memref<!tpu.dma_semaphore, #tpu.memory_space<semaphore_mem>>)
    %dma_start3A_606 = tpu.memref_slice %arg3[%mul3A_599] : memref<100016xi32, #tpu.memory_space<hbm>> -> memref<144xi32, #tpu.memory_space<hbm>>
    %dma_start3A_607 = tpu.memref_slice %arg3[%mul3A_599] : memref<100016xi32, #tpu.memory_space<hbm>> -> memref<144xi32, #tpu.memory_space<hbm>>
    tpu.enqueue_dma source(%dma_start3A_607 : memref<144xi32, #tpu.memory_space<hbm>>) target(%arg13 : memref<144xi32, #tpu.memory_space<vmem>>) target_semaphore(%arg17 : memref<!tpu.dma_semaphore, #tpu.memory_space<semaphore_mem>>)
    %dma_wait3A_608 = arith.constant 0 : i32
    %dma_wait3A_609 = tpu.memref_slice %arg2[%mul3A_573, %dma_wait3A_608] : memref<100000x128xf32, #tpu.memory_space<hbm>> -> memref<128x128xf32, #tpu.memory_space<hbm>>
    %dma_wait3A_610 = arith.constant 0 : i32
    %dma_wait3A_611 = tpu.memref_slice %arg2[%mul3A_573, %dma_wait3A_610] : memref<100000x128xf32, #tpu.memory_space<hbm>> -> memref<128x128xf32, #tpu.memory_space<hbm>>
    tpu.wait_dma2 semaphore(%arg16 : memref<!tpu.dma_semaphore, #tpu.memory_space<semaphore_mem>>) src(%dma_wait3A_611 : memref<128x128xf32, #tpu.memory_space<hbm>>) dst(%arg7 : memref<128x128xf32, #tpu.memory_space<vmem>>)
    %dma_wait3A_612 = tpu.memref_slice %arg3[%mul3A_573] : memref<100016xi32, #tpu.memory_space<hbm>> -> memref<128xi32, #tpu.memory_space<hbm>>
    %dma_wait3A_613 = tpu.memref_slice %arg3[%mul3A_573] : memref<100016xi32, #tpu.memory_space<hbm>> -> memref<128xi32, #tpu.memory_space<hbm>>
    tpu.wait_dma2 semaphore(%arg16 : memref<!tpu.dma_semaphore, #tpu.memory_space<semaphore_mem>>) src(%dma_wait3A_613 : memref<128xi32, #tpu.memory_space<hbm>>) dst(%arg9 : memref<128xi32, #tpu.memory_space<vmem>>)
    %dma_wait3A_614 = tpu.memref_slice %arg3[%mul3A_573] : memref<100016xi32, #tpu.memory_space<hbm>> -> memref<144xi32, #tpu.memory_space<hbm>>
    %dma_wait3A_615 = tpu.memref_slice %arg3[%mul3A_573] : memref<100016xi32, #tpu.memory_space<hbm>> -> memref<144xi32, #tpu.memory_space<hbm>>
    tpu.wait_dma2 semaphore(%arg16 : memref<!tpu.dma_semaphore, #tpu.memory_space<semaphore_mem>>) src(%dma_wait3A_615 : memref<144xi32, #tpu.memory_space<hbm>>) dst(%arg12 : memref<144xi32, #tpu.memory_space<vmem>>)
    "tpu.region"() ({
      %run_scoped3A = tpu.sem_alloc : memref<!tpu.dma_semaphore, #tpu.memory_space<semaphore_mem>>
      %dma_start3A_654 = arith.constant 0 : i32
      %dma_start3A_655 = arith.constant 0 : i32
      %dma_start3A_656 = tpu.memref_slice %arg15[%dma_start3A_654, %dma_start3A_655] : memref<1024x128xf32, #tpu.memory_space<vmem_shared>> -> memref<1024x128xf32, #tpu.memory_space<vmem_shared>>
      tpu.enqueue_indirect_dma source(%arg7 : memref<128x128xf32, #tpu.memory_space<vmem>>) target(%dma_start3A_656 : memref<1024x128xf32, #tpu.memory_space<vmem_shared>>) offsets(%arg9 : memref<128xi32, #tpu.memory_space<vmem>>) semaphore(%run_scoped3A : memref<!tpu.dma_semaphore, #tpu.memory_space<semaphore_mem>>) {add = true}
      %dma_wait3A_657 = arith.constant 0 : i32
      %dma_wait3A_658 = arith.constant 0 : i32
      %dma_wait3A_659 = tpu.memref_slice %arg15[%dma_wait3A_657, %dma_wait3A_658] : memref<1024x128xf32, #tpu.memory_space<vmem_shared>> -> memref<1024x128xf32, #tpu.memory_space<vmem_shared>>
      tpu.wait_indirect_dma semaphore(%run_scoped3A : memref<!tpu.dma_semaphore, #tpu.memory_space<semaphore_mem>>) src(%arg7 : memref<128x128xf32, #tpu.memory_space<vmem>>) dst(%dma_wait3A_659 : memref<1024x128xf32, #tpu.memory_space<vmem_shared>>)
      tpu.yield
    }) : () -> ()
    %scan3A_616 = arith.constant 0 : i32
    %scan3A_617 = arith.constant 0 : i32
    %scan3A_618 = arith.constant 8 : i32
    %scan3A_619 = arith.addi %scan3A_617, %scan3A_618 : i32
    %scan3A_620 = arith.constant 1 : i32
    scf.for %scan3A_654 = %scan3A_617 to %scan3A_619 step %scan3A_620  : i32 {
      %mul3A_655 = arith.constant 16 : i32
      %mul3A_656 = arith.muli %scan3A_654, %mul3A_655 : i32
      %get3A = arith.index_cast %mul3A_656 : i32 to index
      %get3A_657 = tpu.vector_load %arg12[%get3A] {strides = array<i32>} : memref<144xi32, #tpu.memory_space<vmem>>, vector<16xi32>,
      %add3A_658 = arith.constant 1 : i32
      %add3A_659 = arith.addi %mul3A_656, %add3A_658 : i32
      %get3A_660 = arith.index_cast %add3A_659 : i32 to index
      %get3A_661 = tpu.vector_load %arg12[%get3A_660] {strides = array<i32>} : memref<144xi32, #tpu.memory_space<vmem>>, vector<16xi32>,
      %ne3A = arith.cmpi ne, %get3A_657, %get3A_661 : vector<16xi32>
      %or3A = arith.ori %ne3A, %eq3A_15 : vector<16xi1>
      %not3A = arith.constant dense<true> : vector<16xi1>
      %not3A_662 = arith.xori %eq3A_15, %not3A : vector<16xi1>
      %and3A = arith.andi %ne3A, %not3A_662 : vector<16xi1>
      tpu.vector_store_idx %arg14[%get3A_657], %add3A_13 masked %or3A {add = true} : memref<1040xf32, #tpu.memory_space<vmem>>[vector<16xi32>], vector<16xf32>, vector<16xi1>
      %neg3A = arith.constant 0.000000e+00 : f32
      %neg3A_663 = vector.broadcast %neg3A : f32 to vector<16xf32>
      %neg3A_664 = arith.subf %neg3A_663, %add3A_13 : vector<16xf32>
      tpu.vector_store_idx %arg14[%get3A_661], %neg3A_664 masked %and3A {add = true} : memref<1040xf32, #tpu.memory_space<vmem>>[vector<16xi32>], vector<16xf32>, vector<16xi1>
    }
    %scan3A_621 = arith.constant 8 : i32
    %dma_wait3A_622 = arith.constant 0 : i32
    %dma_wait3A_623 = tpu.memref_slice %arg2[%mul3A_599, %dma_wait3A_622] : memref<100000x128xf32, #tpu.memory_space<hbm>> -> memref<128x128xf32, #tpu.memory_space<hbm>>
    %dma_wait3A_624 = arith.constant 0 : i32
    %dma_wait3A_625 = tpu.memref_slice %arg2[%mul3A_599, %dma_wait3A_624] : memref<100000x128xf32, #tpu.memory_space<hbm>> -> memref<128x128xf32, #tpu.memory_space<hbm>>
    tpu.wait_dma2 semaphore(%arg17 : memref<!tpu.dma_semaphore, #tpu.memory_space<semaphore_mem>>) src(%dma_wait3A_625 : memref<128x128xf32, #tpu.memory_space<hbm>>) dst(%arg8 : memref<128x128xf32, #tpu.memory_space<vmem>>)
    %dma_wait3A_626 = tpu.memref_slice %arg3[%mul3A_599] : memref<100016xi32, #tpu.memory_space<hbm>> -> memref<128xi32, #tpu.memory_space<hbm>>
    %dma_wait3A_627 = tpu.memref_slice %arg3[%mul3A_599] : memref<100016xi32, #tpu.memory_space<hbm>> -> memref<128xi32, #tpu.memory_space<hbm>>
    tpu.wait_dma2 semaphore(%arg17 : memref<!tpu.dma_semaphore, #tpu.memory_space<semaphore_mem>>) src(%dma_wait3A_627 : memref<128xi32, #tpu.memory_space<hbm>>) dst(%arg10 : memref<128xi32, #tpu.memory_space<vmem>>)
    %dma_wait3A_628 = tpu.memref_slice %arg3[%mul3A_599] : memref<100016xi32, #tpu.memory_space<hbm>> -> memref<144xi32, #tpu.memory_space<hbm>>
    %dma_wait3A_629 = tpu.memref_slice %arg3[%mul3A_599] : memref<100016xi32, #tpu.memory_space<hbm>> -> memref<144xi32, #tpu.memory_space<hbm>>
    tpu.wait_dma2 semaphore(%arg17 : memref<!tpu.dma_semaphore, #tpu.memory_space<semaphore_mem>>) src(%dma_wait3A_629 : memref<144xi32, #tpu.memory_space<hbm>>) dst(%arg13 : memref<144xi32, #tpu.memory_space<vmem>>)
    "tpu.region"() ({
      %run_scoped3A = tpu.sem_alloc : memref<!tpu.dma_semaphore, #tpu.memory_space<semaphore_mem>>
      %dma_start3A_654 = arith.constant 0 : i32
      %dma_start3A_655 = arith.constant 0 : i32
      %dma_start3A_656 = tpu.memref_slice %arg15[%dma_start3A_654, %dma_start3A_655] : memref<1024x128xf32, #tpu.memory_space<vmem_shared>> -> memref<1024x128xf32, #tpu.memory_space<vmem_shared>>
      tpu.enqueue_indirect_dma source(%arg8 : memref<128x128xf32, #tpu.memory_space<vmem>>) target(%dma_start3A_656 : memref<1024x128xf32, #tpu.memory_space<vmem_shared>>) offsets(%arg10 : memref<128xi32, #tpu.memory_space<vmem>>) semaphore(%run_scoped3A : memref<!tpu.dma_semaphore, #tpu.memory_space<semaphore_mem>>) {add = true}
      %dma_wait3A_657 = arith.constant 0 : i32
      %dma_wait3A_658 = arith.constant 0 : i32
      %dma_wait3A_659 = tpu.memref_slice %arg15[%dma_wait3A_657, %dma_wait3A_658] : memref<1024x128xf32, #tpu.memory_space<vmem_shared>> -> memref<1024x128xf32, #tpu.memory_space<vmem_shared>>
      tpu.wait_indirect_dma semaphore(%run_scoped3A : memref<!tpu.dma_semaphore, #tpu.memory_space<semaphore_mem>>) src(%arg8 : memref<128x128xf32, #tpu.memory_space<vmem>>) dst(%dma_wait3A_659 : memref<1024x128xf32, #tpu.memory_space<vmem_shared>>)
      tpu.yield
    }) : () -> ()
    %scan3A_630 = arith.constant 0 : i32
    %scan3A_631 = arith.constant 0 : i32
    %scan3A_632 = arith.constant 8 : i32
    %scan3A_633 = arith.addi %scan3A_631, %scan3A_632 : i32
    %scan3A_634 = arith.constant 1 : i32
    scf.for %scan3A_654 = %scan3A_631 to %scan3A_633 step %scan3A_634  : i32 {
      %mul3A_655 = arith.constant 16 : i32
      %mul3A_656 = arith.muli %scan3A_654, %mul3A_655 : i32
      %get3A = arith.index_cast %mul3A_656 : i32 to index
      %get3A_657 = tpu.vector_load %arg13[%get3A] {strides = array<i32>} : memref<144xi32, #tpu.memory_space<vmem>>, vector<16xi32>,
      %add3A_658 = arith.constant 1 : i32
      %add3A_659 = arith.addi %mul3A_656, %add3A_658 : i32
      %get3A_660 = arith.index_cast %add3A_659 : i32 to index
      %get3A_661 = tpu.vector_load %arg13[%get3A_660] {strides = array<i32>} : memref<144xi32, #tpu.memory_space<vmem>>, vector<16xi32>,
      %ne3A = arith.cmpi ne, %get3A_657, %get3A_661 : vector<16xi32>
      %or3A = arith.ori %ne3A, %eq3A_15 : vector<16xi1>
      %not3A = arith.constant dense<true> : vector<16xi1>
      %not3A_662 = arith.xori %eq3A_15, %not3A : vector<16xi1>
      %and3A = arith.andi %ne3A, %not3A_662 : vector<16xi1>
      tpu.vector_store_idx %arg14[%get3A_657], %add3A_13 masked %or3A {add = true} : memref<1040xf32, #tpu.memory_space<vmem>>[vector<16xi32>], vector<16xf32>, vector<16xi1>
      %neg3A = arith.constant 0.000000e+00 : f32
      %neg3A_663 = vector.broadcast %neg3A : f32 to vector<16xf32>
      %neg3A_664 = arith.subf %neg3A_663, %add3A_13 : vector<16xf32>
      tpu.vector_store_idx %arg14[%get3A_661], %neg3A_664 masked %and3A {add = true} : memref<1040xf32, #tpu.memory_space<vmem>>[vector<16xi32>], vector<16xf32>, vector<16xi1>
    }
    %scan3A_635 = arith.constant 8 : i32
    %lt3A = arith.constant 13 : i32
    %lt3A_636 = arith.cmpi slt, %add3A, %lt3A : i32
    %convert_element_type3A_637 = arith.extui %lt3A_636 : i1 to i32
    %cond3A = arith.constant 0 : i32
    %cond3A_638 = arith.cmpi ne, %convert_element_type3A_637, %cond3A : i32
    scf.if %cond3A_638 {
      %add3A_654 = arith.constant 768 : i32
      %add3A_655 = arith.addi %add3A_654, %add3A : i32
      %mul3A_656 = arith.constant 128 : i32
      %mul3A_657 = arith.muli %add3A_655, %mul3A_656 : i32
      %dma_start3A_658 = arith.constant 0 : i32
      %dma_start3A_659 = tpu.memref_slice %arg2[%mul3A_657, %dma_start3A_658] : memref<100000x128xf32, #tpu.memory_space<hbm>> -> memref<128x128xf32, #tpu.memory_space<hbm>>
      %dma_start3A_660 = arith.constant 0 : i32
      %dma_start3A_661 = tpu.memref_slice %arg2[%mul3A_657, %dma_start3A_660] : memref<100000x128xf32, #tpu.memory_space<hbm>> -> memref<128x128xf32, #tpu.memory_space<hbm>>
      tpu.enqueue_dma source(%dma_start3A_661 : memref<128x128xf32, #tpu.memory_space<hbm>>) target(%arg7 : memref<128x128xf32, #tpu.memory_space<vmem>>) target_semaphore(%arg16 : memref<!tpu.dma_semaphore, #tpu.memory_space<semaphore_mem>>)
      %dma_start3A_662 = tpu.memref_slice %arg3[%mul3A_657] : memref<100016xi32, #tpu.memory_space<hbm>> -> memref<128xi32, #tpu.memory_space<hbm>>
      %dma_start3A_663 = tpu.memref_slice %arg3[%mul3A_657] : memref<100016xi32, #tpu.memory_space<hbm>> -> memref<128xi32, #tpu.memory_space<hbm>>
      tpu.enqueue_dma source(%dma_start3A_663 : memref<128xi32, #tpu.memory_space<hbm>>) target(%arg9 : memref<128xi32, #tpu.memory_space<vmem>>) target_semaphore(%arg16 : memref<!tpu.dma_semaphore, #tpu.memory_space<semaphore_mem>>)
      %dma_start3A_664 = tpu.memref_slice %arg3[%mul3A_657] : memref<100016xi32, #tpu.memory_space<hbm>> -> memref<144xi32, #tpu.memory_space<hbm>>
      %dma_start3A_665 = tpu.memref_slice %arg3[%mul3A_657] : memref<100016xi32, #tpu.memory_space<hbm>> -> memref<144xi32, #tpu.memory_space<hbm>>
      tpu.enqueue_dma source(%dma_start3A_665 : memref<144xi32, #tpu.memory_space<hbm>>) target(%arg12 : memref<144xi32, #tpu.memory_space<vmem>>) target_semaphore(%arg16 : memref<!tpu.dma_semaphore, #tpu.memory_space<semaphore_mem>>)
      %dma_wait3A_666 = arith.constant 0 : i32
      %dma_wait3A_667 = tpu.memref_slice %arg2[%mul3A_657, %dma_wait3A_666] : memref<100000x128xf32, #tpu.memory_space<hbm>> -> memref<128x128xf32, #tpu.memory_space<hbm>>
      %dma_wait3A_668 = arith.constant 0 : i32
      %dma_wait3A_669 = tpu.memref_slice %arg2[%mul3A_657, %dma_wait3A_668] : memref<100000x128xf32, #tpu.memory_space<hbm>> -> memref<128x128xf32, #tpu.memory_space<hbm>>
      tpu.wait_dma2 semaphore(%arg16 : memref<!tpu.dma_semaphore, #tpu.memory_space<semaphore_mem>>) src(%dma_wait3A_669 : memref<128x128xf32, #tpu.memory_space<hbm>>) dst(%arg7 : memref<128x128xf32, #tpu.memory_space<vmem>>)
      %dma_wait3A_670 = tpu.memref_slice %arg3[%mul3A_657] : memref<100016xi32, #tpu.memory_space<hbm>> -> memref<128xi32, #tpu.memory_space<hbm>>
      %dma_wait3A_671 = tpu.memref_slice %arg3[%mul3A_657] : memref<100016xi32, #tpu.memory_space<hbm>> -> memref<128xi32, #tpu.memory_space<hbm>>
      tpu.wait_dma2 semaphore(%arg16 : memref<!tpu.dma_semaphore, #tpu.memory_space<semaphore_mem>>) src(%dma_wait3A_671 : memref<128xi32, #tpu.memory_space<hbm>>) dst(%arg9 : memref<128xi32, #tpu.memory_space<vmem>>)
      %dma_wait3A_672 = tpu.memref_slice %arg3[%mul3A_657] : memref<100016xi32, #tpu.memory_space<hbm>> -> memref<144xi32, #tpu.memory_space<hbm>>
      %dma_wait3A_673 = tpu.memref_slice %arg3[%mul3A_657] : memref<100016xi32, #tpu.memory_space<hbm>> -> memref<144xi32, #tpu.memory_space<hbm>>
      tpu.wait_dma2 semaphore(%arg16 : memref<!tpu.dma_semaphore, #tpu.memory_space<semaphore_mem>>) src(%dma_wait3A_673 : memref<144xi32, #tpu.memory_space<hbm>>) dst(%arg12 : memref<144xi32, #tpu.memory_space<vmem>>)
      "tpu.region"() ({
        %run_scoped3A = tpu.sem_alloc : memref<!tpu.dma_semaphore, #tpu.memory_space<semaphore_mem>>
        %dma_start3A_680 = arith.constant 0 : i32
        %dma_start3A_681 = arith.constant 0 : i32
        %dma_start3A_682 = tpu.memref_slice %arg15[%dma_start3A_680, %dma_start3A_681] : memref<1024x128xf32, #tpu.memory_space<vmem_shared>> -> memref<1024x128xf32, #tpu.memory_space<vmem_shared>>
        tpu.enqueue_indirect_dma source(%arg7 : memref<128x128xf32, #tpu.memory_space<vmem>>) target(%dma_start3A_682 : memref<1024x128xf32, #tpu.memory_space<vmem_shared>>) offsets(%arg9 : memref<128xi32, #tpu.memory_space<vmem>>) semaphore(%run_scoped3A : memref<!tpu.dma_semaphore, #tpu.memory_space<semaphore_mem>>) {add = true}
        %dma_wait3A_683 = arith.constant 0 : i32
        %dma_wait3A_684 = arith.constant 0 : i32
        %dma_wait3A_685 = tpu.memref_slice %arg15[%dma_wait3A_683, %dma_wait3A_684] : memref<1024x128xf32, #tpu.memory_space<vmem_shared>> -> memref<1024x128xf32, #tpu.memory_space<vmem_shared>>
        tpu.wait_indirect_dma semaphore(%run_scoped3A : memref<!tpu.dma_semaphore, #tpu.memory_space<semaphore_mem>>) src(%arg7 : memref<128x128xf32, #tpu.memory_space<vmem>>) dst(%dma_wait3A_685 : memref<1024x128xf32, #tpu.memory_space<vmem_shared>>)
        tpu.yield
      }) : () -> ()
      %scan3A_674 = arith.constant 0 : i32
      %scan3A_675 = arith.constant 0 : i32
      %scan3A_676 = arith.constant 8 : i32
      %scan3A_677 = arith.addi %scan3A_675, %scan3A_676 : i32
      %scan3A_678 = arith.constant 1 : i32
      scf.for %scan3A_680 = %scan3A_675 to %scan3A_677 step %scan3A_678  : i32 {
        %mul3A_681 = arith.constant 16 : i32
        %mul3A_682 = arith.muli %scan3A_680, %mul3A_681 : i32
        %get3A = arith.index_cast %mul3A_682 : i32 to index
        %get3A_683 = tpu.vector_load %arg12[%get3A] {strides = array<i32>} : memref<144xi32, #tpu.memory_space<vmem>>, vector<16xi32>,
        %add3A_684 = arith.constant 1 : i32
        %add3A_685 = arith.addi %mul3A_682, %add3A_684 : i32
        %get3A_686 = arith.index_cast %add3A_685 : i32 to index
        %get3A_687 = tpu.vector_load %arg12[%get3A_686] {strides = array<i32>} : memref<144xi32, #tpu.memory_space<vmem>>, vector<16xi32>,
        %ne3A = arith.cmpi ne, %get3A_683, %get3A_687 : vector<16xi32>
        %or3A = arith.ori %ne3A, %eq3A_15 : vector<16xi1>
        %not3A = arith.constant dense<true> : vector<16xi1>
        %not3A_688 = arith.xori %eq3A_15, %not3A : vector<16xi1>
        %and3A = arith.andi %ne3A, %not3A_688 : vector<16xi1>
        tpu.vector_store_idx %arg14[%get3A_683], %add3A_13 masked %or3A {add = true} : memref<1040xf32, #tpu.memory_space<vmem>>[vector<16xi32>], vector<16xf32>, vector<16xi1>
        %neg3A = arith.constant 0.000000e+00 : f32
        %neg3A_689 = vector.broadcast %neg3A : f32 to vector<16xf32>
        %neg3A_690 = arith.subf %neg3A_689, %add3A_13 : vector<16xf32>
        tpu.vector_store_idx %arg14[%get3A_687], %neg3A_690 masked %and3A {add = true} : memref<1040xf32, #tpu.memory_space<vmem>>[vector<16xi32>], vector<16xf32>, vector<16xi1>
      }
      %scan3A_679 = arith.constant 8 : i32
    } else {
    }
    %eq3A_639 = arith.constant 13 : i32
    %eq3A_640 = arith.cmpi eq, %add3A, %eq3A_639 : i32
    %convert_element_type3A_641 = arith.extui %eq3A_640 : i1 to i32
    %cond3A_642 = arith.constant 0 : i32
    %cond3A_643 = arith.cmpi ne, %convert_element_type3A_641, %cond3A_642 : i32
    scf.if %cond3A_643 {
      %dma_start3A_654 = arith.constant 0 : i32
      %dma_start3A_655 = arith.constant 0 : i32
      %dma_start3A_656 = tpu.memref_slice %arg8[%dma_start3A_654, %dma_start3A_655] : memref<128x128xf32, #tpu.memory_space<vmem>> -> memref<32x128xf32, #tpu.memory_space<vmem>>
      %dma_start3A_657 = arith.constant 99968 : i32
      %dma_start3A_658 = arith.constant 0 : i32
      %dma_start3A_659 = tpu.memref_slice %arg2[%dma_start3A_657, %dma_start3A_658] : memref<100000x128xf32, #tpu.memory_space<hbm>> -> memref<32x128xf32, #tpu.memory_space<hbm>>
      %dma_start3A_660 = arith.constant 0 : i32
      %dma_start3A_661 = arith.constant 0 : i32
      %dma_start3A_662 = tpu.memref_slice %arg8[%dma_start3A_660, %dma_start3A_661] : memref<128x128xf32, #tpu.memory_space<vmem>> -> memref<32x128xf32, #tpu.memory_space<vmem>>
      %dma_start3A_663 = arith.constant 99968 : i32
      %dma_start3A_664 = arith.constant 0 : i32
      %dma_start3A_665 = tpu.memref_slice %arg2[%dma_start3A_663, %dma_start3A_664] : memref<100000x128xf32, #tpu.memory_space<hbm>> -> memref<32x128xf32, #tpu.memory_space<hbm>>
      tpu.enqueue_dma source(%dma_start3A_665 : memref<32x128xf32, #tpu.memory_space<hbm>>) target(%dma_start3A_662 : memref<32x128xf32, #tpu.memory_space<vmem>>) target_semaphore(%arg17 : memref<!tpu.dma_semaphore, #tpu.memory_space<semaphore_mem>>)
      %dma_start3A_666 = arith.constant 99968 : i32
      %dma_start3A_667 = tpu.memref_slice %arg3[%dma_start3A_666] : memref<100016xi32, #tpu.memory_space<hbm>> -> memref<32xi32, #tpu.memory_space<hbm>>
      %dma_start3A_668 = arith.constant 99968 : i32
      %dma_start3A_669 = tpu.memref_slice %arg3[%dma_start3A_668] : memref<100016xi32, #tpu.memory_space<hbm>> -> memref<32xi32, #tpu.memory_space<hbm>>
      tpu.enqueue_dma source(%dma_start3A_669 : memref<32xi32, #tpu.memory_space<hbm>>) target(%arg11 : memref<32xi32, #tpu.memory_space<vmem>>) target_semaphore(%arg17 : memref<!tpu.dma_semaphore, #tpu.memory_space<semaphore_mem>>)
      %dma_start3A_670 = arith.constant 0 : i32
      %dma_start3A_671 = tpu.memref_slice %arg13[%dma_start3A_670] : memref<144xi32, #tpu.memory_space<vmem>> -> memref<48xi32, #tpu.memory_space<vmem>>
      %dma_start3A_672 = arith.constant 99968 : i32
      %dma_start3A_673 = tpu.memref_slice %arg3[%dma_start3A_672] : memref<100016xi32, #tpu.memory_space<hbm>> -> memref<48xi32, #tpu.memory_space<hbm>>
      %dma_start3A_674 = arith.constant 0 : i32
      %dma_start3A_675 = tpu.memref_slice %arg13[%dma_start3A_674] : memref<144xi32, #tpu.memory_space<vmem>> -> memref<48xi32, #tpu.memory_space<vmem>>
      %dma_start3A_676 = arith.constant 99968 : i32
      %dma_start3A_677 = tpu.memref_slice %arg3[%dma_start3A_676] : memref<100016xi32, #tpu.memory_space<hbm>> -> memref<48xi32, #tpu.memory_space<hbm>>
      tpu.enqueue_dma source(%dma_start3A_677 : memref<48xi32, #tpu.memory_space<hbm>>) target(%dma_start3A_675 : memref<48xi32, #tpu.memory_space<vmem>>) target_semaphore(%arg17 : memref<!tpu.dma_semaphore, #tpu.memory_space<semaphore_mem>>)
      %dma_wait3A_678 = arith.constant 0 : i32
      %dma_wait3A_679 = arith.constant 0 : i32
      %dma_wait3A_680 = tpu.memref_slice %arg8[%dma_wait3A_678, %dma_wait3A_679] : memref<128x128xf32, #tpu.memory_space<vmem>> -> memref<32x128xf32, #tpu.memory_space<vmem>>
      %dma_wait3A_681 = arith.constant 99968 : i32
      %dma_wait3A_682 = arith.constant 0 : i32
      %dma_wait3A_683 = tpu.memref_slice %arg2[%dma_wait3A_681, %dma_wait3A_682] : memref<100000x128xf32, #tpu.memory_space<hbm>> -> memref<32x128xf32, #tpu.memory_space<hbm>>
      %dma_wait3A_684 = arith.constant 0 : i32
      %dma_wait3A_685 = arith.constant 0 : i32
      %dma_wait3A_686 = tpu.memref_slice %arg8[%dma_wait3A_684, %dma_wait3A_685] : memref<128x128xf32, #tpu.memory_space<vmem>> -> memref<32x128xf32, #tpu.memory_space<vmem>>
      %dma_wait3A_687 = arith.constant 99968 : i32
      %dma_wait3A_688 = arith.constant 0 : i32
      %dma_wait3A_689 = tpu.memref_slice %arg2[%dma_wait3A_687, %dma_wait3A_688] : memref<100000x128xf32, #tpu.memory_space<hbm>> -> memref<32x128xf32, #tpu.memory_space<hbm>>
      tpu.wait_dma2 semaphore(%arg17 : memref<!tpu.dma_semaphore, #tpu.memory_space<semaphore_mem>>) src(%dma_wait3A_689 : memref<32x128xf32, #tpu.memory_space<hbm>>) dst(%dma_wait3A_686 : memref<32x128xf32, #tpu.memory_space<vmem>>)
      %dma_wait3A_690 = arith.constant 99968 : i32
      %dma_wait3A_691 = tpu.memref_slice %arg3[%dma_wait3A_690] : memref<100016xi32, #tpu.memory_space<hbm>> -> memref<32xi32, #tpu.memory_space<hbm>>
      %dma_wait3A_692 = arith.constant 99968 : i32
      %dma_wait3A_693 = tpu.memref_slice %arg3[%dma_wait3A_692] : memref<100016xi32, #tpu.memory_space<hbm>> -> memref<32xi32, #tpu.memory_space<hbm>>
      tpu.wait_dma2 semaphore(%arg17 : memref<!tpu.dma_semaphore, #tpu.memory_space<semaphore_mem>>) src(%dma_wait3A_693 : memref<32xi32, #tpu.memory_space<hbm>>) dst(%arg11 : memref<32xi32, #tpu.memory_space<vmem>>)
      %dma_wait3A_694 = arith.constant 0 : i32
      %dma_wait3A_695 = tpu.memref_slice %arg13[%dma_wait3A_694] : memref<144xi32, #tpu.memory_space<vmem>> -> memref<48xi32, #tpu.memory_space<vmem>>
      %dma_wait3A_696 = arith.constant 99968 : i32
      %dma_wait3A_697 = tpu.memref_slice %arg3[%dma_wait3A_696] : memref<100016xi32, #tpu.memory_space<hbm>> -> memref<48xi32, #tpu.memory_space<hbm>>
      %dma_wait3A_698 = arith.constant 0 : i32
      %dma_wait3A_699 = tpu.memref_slice %arg13[%dma_wait3A_698] : memref<144xi32, #tpu.memory_space<vmem>> -> memref<48xi32, #tpu.memory_space<vmem>>
      %dma_wait3A_700 = arith.constant 99968 : i32
      %dma_wait3A_701 = tpu.memref_slice %arg3[%dma_wait3A_700] : memref<100016xi32, #tpu.memory_space<hbm>> -> memref<48xi32, #tpu.memory_space<hbm>>
      tpu.wait_dma2 semaphore(%arg17 : memref<!tpu.dma_semaphore, #tpu.memory_space<semaphore_mem>>) src(%dma_wait3A_701 : memref<48xi32, #tpu.memory_space<hbm>>) dst(%dma_wait3A_699 : memref<48xi32, #tpu.memory_space<vmem>>)
      "tpu.region"() ({
        %run_scoped3A = tpu.sem_alloc : memref<!tpu.dma_semaphore, #tpu.memory_space<semaphore_mem>>
        %dma_start3A_708 = arith.constant 0 : i32
        %dma_start3A_709 = arith.constant 0 : i32
        %dma_start3A_710 = tpu.memref_slice %arg8[%dma_start3A_708, %dma_start3A_709] : memref<128x128xf32, #tpu.memory_space<vmem>> -> memref<32x128xf32, #tpu.memory_space<vmem>>
        %dma_start3A_711 = arith.constant 0 : i32
        %dma_start3A_712 = arith.constant 0 : i32
        %dma_start3A_713 = tpu.memref_slice %arg15[%dma_start3A_711, %dma_start3A_712] : memref<1024x128xf32, #tpu.memory_space<vmem_shared>> -> memref<1024x128xf32, #tpu.memory_space<vmem_shared>>
        tpu.enqueue_indirect_dma source(%dma_start3A_710 : memref<32x128xf32, #tpu.memory_space<vmem>>) target(%dma_start3A_713 : memref<1024x128xf32, #tpu.memory_space<vmem_shared>>) offsets(%arg11 : memref<32xi32, #tpu.memory_space<vmem>>) semaphore(%run_scoped3A : memref<!tpu.dma_semaphore, #tpu.memory_space<semaphore_mem>>) {add = true}
        %dma_wait3A_714 = arith.constant 0 : i32
        %dma_wait3A_715 = arith.constant 0 : i32
        %dma_wait3A_716 = tpu.memref_slice %arg8[%dma_wait3A_714, %dma_wait3A_715] : memref<128x128xf32, #tpu.memory_space<vmem>> -> memref<32x128xf32, #tpu.memory_space<vmem>>
        %dma_wait3A_717 = arith.constant 0 : i32
        %dma_wait3A_718 = arith.constant 0 : i32
        %dma_wait3A_719 = tpu.memref_slice %arg15[%dma_wait3A_717, %dma_wait3A_718] : memref<1024x128xf32, #tpu.memory_space<vmem_shared>> -> memref<1024x128xf32, #tpu.memory_space<vmem_shared>>
        tpu.wait_indirect_dma semaphore(%run_scoped3A : memref<!tpu.dma_semaphore, #tpu.memory_space<semaphore_mem>>) src(%dma_wait3A_716 : memref<32x128xf32, #tpu.memory_space<vmem>>) dst(%dma_wait3A_719 : memref<1024x128xf32, #tpu.memory_space<vmem_shared>>)
        tpu.yield
      }) : () -> ()
      %scan3A_702 = arith.constant 0 : i32
      %scan3A_703 = arith.constant 0 : i32
      %scan3A_704 = arith.constant 2 : i32
      %scan3A_705 = arith.addi %scan3A_703, %scan3A_704 : i32
      %scan3A_706 = arith.constant 1 : i32
      scf.for %scan3A_708 = %scan3A_703 to %scan3A_705 step %scan3A_706  : i32 {
        %mul3A_709 = arith.constant 16 : i32
        %mul3A_710 = arith.muli %scan3A_708, %mul3A_709 : i32
        %get3A = arith.index_cast %mul3A_710 : i32 to index
        %get3A_711 = tpu.vector_load %arg13[%get3A] {strides = array<i32>} : memref<144xi32, #tpu.memory_space<vmem>>, vector<16xi32>,
        %add3A_712 = arith.constant 1 : i32
        %add3A_713 = arith.addi %mul3A_710, %add3A_712 : i32
        %get3A_714 = arith.index_cast %add3A_713 : i32 to index
        %get3A_715 = tpu.vector_load %arg13[%get3A_714] {strides = array<i32>} : memref<144xi32, #tpu.memory_space<vmem>>, vector<16xi32>,
        %ne3A = arith.cmpi ne, %get3A_711, %get3A_715 : vector<16xi32>
        %or3A = arith.ori %ne3A, %eq3A_15 : vector<16xi1>
        %not3A = arith.constant dense<true> : vector<16xi1>
        %not3A_716 = arith.xori %eq3A_15, %not3A : vector<16xi1>
        %and3A = arith.andi %ne3A, %not3A_716 : vector<16xi1>
        tpu.vector_store_idx %arg14[%get3A_711], %add3A_13 masked %or3A {add = true} : memref<1040xf32, #tpu.memory_space<vmem>>[vector<16xi32>], vector<16xf32>, vector<16xi1>
        %neg3A = arith.constant 0.000000e+00 : f32
        %neg3A_717 = vector.broadcast %neg3A : f32 to vector<16xf32>
        %neg3A_718 = arith.subf %neg3A_717, %add3A_13 : vector<16xf32>
        tpu.vector_store_idx %arg14[%get3A_715], %neg3A_718 masked %and3A {add = true} : memref<1040xf32, #tpu.memory_space<vmem>>[vector<16xi32>], vector<16xf32>, vector<16xi1>
      }
      %scan3A_707 = arith.constant 2 : i32
    } else {
    }
    %mul3A_644 = arith.constant 1040 : i32
    %mul3A_645 = arith.muli %add3A, %mul3A_644 : i32
    "tpu.region"() ({
      %run_scoped3A = tpu.sem_alloc : memref<!tpu.dma_semaphore, #tpu.memory_space<semaphore_mem>>
      %dma_start3A_654 = tpu.memref_slice %arg6[%mul3A_645] : memref<33280xf32, #tpu.memory_space<hbm>> -> memref<1040xf32, #tpu.memory_space<hbm>>
      %dma_start3A_655 = tpu.memref_slice %arg6[%mul3A_645] : memref<33280xf32, #tpu.memory_space<hbm>> -> memref<1040xf32, #tpu.memory_space<hbm>>
      tpu.enqueue_dma source(%arg14 : memref<1040xf32, #tpu.memory_space<vmem>>) target(%dma_start3A_655 : memref<1040xf32, #tpu.memory_space<hbm>>) target_semaphore(%run_scoped3A : memref<!tpu.dma_semaphore, #tpu.memory_space<semaphore_mem>>)
      %dma_wait3A_656 = tpu.memref_slice %arg6[%mul3A_645] : memref<33280xf32, #tpu.memory_space<hbm>> -> memref<1040xf32, #tpu.memory_space<hbm>>
      %dma_wait3A_657 = tpu.memref_slice %arg6[%mul3A_645] : memref<33280xf32, #tpu.memory_space<hbm>> -> memref<1040xf32, #tpu.memory_space<hbm>>
      tpu.wait_dma2 semaphore(%run_scoped3A : memref<!tpu.dma_semaphore, #tpu.memory_space<semaphore_mem>>) src(%arg14 : memref<1040xf32, #tpu.memory_space<vmem>>) dst(%dma_wait3A_657 : memref<1040xf32, #tpu.memory_space<hbm>>)
      tpu.yield
    }) : () -> ()
    %barrier3A_646 = arith.constant 0 : index
    tpu.barrier barrier_id(%barrier3A_646)
    %mul3A_647 = arith.constant 64 : i32
    %mul3A_648 = arith.muli %arg1, %mul3A_647 : i32
    %mul3A_649 = arith.constant 1024 : i32
    %mul3A_650 = arith.muli %arg0, %mul3A_649 : i32
    %mul3A_651 = arith.constant 64 : i32
    %mul3A_652 = arith.muli %arg1, %mul3A_651 : i32
    %add3A_653 = arith.addi %mul3A_650, %mul3A_652 : i32
    "tpu.region"() ({
      %run_scoped3A = tpu.sem_alloc : memref<!tpu.dma_semaphore, #tpu.memory_space<semaphore_mem>>
      %dma_start3A_654 = arith.constant 0 : i32
      %dma_start3A_655 = tpu.memref_slice %arg5[%add3A_653, %dma_start3A_654] : memref<2048x128xf32, #tpu.memory_space<hbm>> -> memref<64x128xf32, #tpu.memory_space<hbm>>
      %dma_start3A_656 = arith.constant 0 : i32
      %dma_start3A_657 = tpu.memref_slice %arg15[%mul3A_648, %dma_start3A_656] : memref<1024x128xf32, #tpu.memory_space<vmem_shared>> -> memref<64x128xf32, #tpu.memory_space<vmem_shared>>
      tpu.enqueue_dma source(%dma_start3A_657 : memref<64x128xf32, #tpu.memory_space<vmem_shared>>) target(%dma_start3A_655 : memref<64x128xf32, #tpu.memory_space<hbm>>) target_semaphore(%run_scoped3A : memref<!tpu.dma_semaphore, #tpu.memory_space<semaphore_mem>>)
      %dma_wait3A_658 = arith.constant 0 : i32
      %dma_wait3A_659 = tpu.memref_slice %arg5[%add3A_653, %dma_wait3A_658] : memref<2048x128xf32, #tpu.memory_space<hbm>> -> memref<64x128xf32, #tpu.memory_space<hbm>>
      %dma_wait3A_660 = arith.constant 0 : i32
      %dma_wait3A_661 = tpu.memref_slice %arg15[%mul3A_648, %dma_wait3A_660] : memref<1024x128xf32, #tpu.memory_space<vmem_shared>> -> memref<64x128xf32, #tpu.memory_space<vmem_shared>>
      tpu.wait_dma2 semaphore(%run_scoped3A : memref<!tpu.dma_semaphore, #tpu.memory_space<semaphore_mem>>) src(%dma_wait3A_661 : memref<64x128xf32, #tpu.memory_space<vmem_shared>>) dst(%dma_wait3A_659 : memref<64x128xf32, #tpu.memory_space<hbm>>)
      tpu.yield
    }) : () -> ()
    return
  }
}

module attributes {stable_mosaic.version = 14 : i64} {
  func.func @_fin_body(%arg0: memref<2048x128xf32, #tpu.memory_space<vmem>>, %arg1: memref<33280xf32, #tpu.memory_space<vmem>>, %arg2: memref<1x128xf32, #tpu.memory_space<vmem>>, %arg3: memref<1x1xf32, #tpu.memory_space<vmem>>, %arg4: memref<1024x1xf32, #tpu.memory_space<vmem>>) attributes {dimension_semantics = [], scalar_prefetch = 0 : i64, scratch_operands = 0 : i64, tpu.core_type = #tpu.core_type<tc>} {
    %get3A = arith.constant 0 : index
    %get3A_0 = arith.constant 0 : index
    %get3A_1 = vector.load %arg0[%get3A, %get3A_0] : memref<2048x128xf32, #tpu.memory_space<vmem>>, vector<1024x128xf32>
    %get3A_2 = arith.constant 1024 : index
    %get3A_3 = arith.constant 0 : index
    %get3A_4 = vector.load %arg0[%get3A_2, %get3A_3] : memref<2048x128xf32, #tpu.memory_space<vmem>>, vector<1024x128xf32>
    %add3A = arith.addf %get3A_1, %get3A_4 : vector<1024x128xf32>
    %get3A_5 = arith.constant 0 : index
    %get3A_6 = arith.constant 0 : index
    %get3A_7 = vector.load %arg2[%get3A_5, %get3A_6] : memref<1x128xf32, #tpu.memory_space<vmem>>, vector<1x128xf32>
    %dot_general3A = arith.constant dense<0.000000e+00> : vector<1x1024xf32>
    %dot_general3A_8 = tpu.matmul %get3A_7, %add3A, %dot_general3A {dimension_numbers = #tpu.dot_dimension_numbers<[1], [1], [0], [0], [0, 0, 1, 0], [], []>, transpose_lhs_hint = false} : vector<1x128xf32>, vector<1024x128xf32>, vector<1x1024xf32> -> vector<1x1024xf32>
    %broadcast_in_dim3A = arith.constant 0.000000e+00 : f32
    %broadcast_in_dim3A_9 = vector.broadcast %broadcast_in_dim3A : f32 to vector<1024xf32>
    %get3A_10 = arith.constant 0 : index
    %get3A_11 = vector.load %arg1[%get3A_10] : memref<33280xf32, #tpu.memory_space<vmem>>, vector<1024xf32>
    %add3A_12 = arith.addf %broadcast_in_dim3A_9, %get3A_11 : vector<1024xf32>
    %get3A_13 = arith.constant 1040 : index
    %get3A_14 = vector.load %arg1[%get3A_13] : memref<33280xf32, #tpu.memory_space<vmem>>, vector<1024xf32>
    %add3A_15 = arith.addf %add3A_12, %get3A_14 : vector<1024xf32>
    %get3A_16 = arith.constant 2080 : index
    %get3A_17 = vector.load %arg1[%get3A_16] : memref<33280xf32, #tpu.memory_space<vmem>>, vector<1024xf32>
    %add3A_18 = arith.addf %add3A_15, %get3A_17 : vector<1024xf32>
    %get3A_19 = arith.constant 3120 : index
    %get3A_20 = vector.load %arg1[%get3A_19] : memref<33280xf32, #tpu.memory_space<vmem>>, vector<1024xf32>
    %add3A_21 = arith.addf %add3A_18, %get3A_20 : vector<1024xf32>
    %get3A_22 = arith.constant 4160 : index
    %get3A_23 = vector.load %arg1[%get3A_22] : memref<33280xf32, #tpu.memory_space<vmem>>, vector<1024xf32>
    %add3A_24 = arith.addf %add3A_21, %get3A_23 : vector<1024xf32>
    %get3A_25 = arith.constant 5200 : index
    %get3A_26 = vector.load %arg1[%get3A_25] : memref<33280xf32, #tpu.memory_space<vmem>>, vector<1024xf32>
    %add3A_27 = arith.addf %add3A_24, %get3A_26 : vector<1024xf32>
    %get3A_28 = arith.constant 6240 : index
    %get3A_29 = vector.load %arg1[%get3A_28] : memref<33280xf32, #tpu.memory_space<vmem>>, vector<1024xf32>
    %add3A_30 = arith.addf %add3A_27, %get3A_29 : vector<1024xf32>
    %get3A_31 = arith.constant 7280 : index
    %get3A_32 = vector.load %arg1[%get3A_31] : memref<33280xf32, #tpu.memory_space<vmem>>, vector<1024xf32>
    %add3A_33 = arith.addf %add3A_30, %get3A_32 : vector<1024xf32>
    %get3A_34 = arith.constant 8320 : index
    %get3A_35 = vector.load %arg1[%get3A_34] : memref<33280xf32, #tpu.memory_space<vmem>>, vector<1024xf32>
    %add3A_36 = arith.addf %add3A_33, %get3A_35 : vector<1024xf32>
    %get3A_37 = arith.constant 9360 : index
    %get3A_38 = vector.load %arg1[%get3A_37] : memref<33280xf32, #tpu.memory_space<vmem>>, vector<1024xf32>
    %add3A_39 = arith.addf %add3A_36, %get3A_38 : vector<1024xf32>
    %get3A_40 = arith.constant 10400 : index
    %get3A_41 = vector.load %arg1[%get3A_40] : memref<33280xf32, #tpu.memory_space<vmem>>, vector<1024xf32>
    %add3A_42 = arith.addf %add3A_39, %get3A_41 : vector<1024xf32>
    %get3A_43 = arith.constant 11440 : index
    %get3A_44 = vector.load %arg1[%get3A_43] : memref<33280xf32, #tpu.memory_space<vmem>>, vector<1024xf32>
    %add3A_45 = arith.addf %add3A_42, %get3A_44 : vector<1024xf32>
    %get3A_46 = arith.constant 12480 : index
    %get3A_47 = vector.load %arg1[%get3A_46] : memref<33280xf32, #tpu.memory_space<vmem>>, vector<1024xf32>
    %add3A_48 = arith.addf %add3A_45, %get3A_47 : vector<1024xf32>
    %get3A_49 = arith.constant 13520 : index
    %get3A_50 = vector.load %arg1[%get3A_49] : memref<33280xf32, #tpu.memory_space<vmem>>, vector<1024xf32>
    %add3A_51 = arith.addf %add3A_48, %get3A_50 : vector<1024xf32>
    %get3A_52 = arith.constant 14560 : index
    %get3A_53 = vector.load %arg1[%get3A_52] : memref<33280xf32, #tpu.memory_space<vmem>>, vector<1024xf32>
    %add3A_54 = arith.addf %add3A_51, %get3A_53 : vector<1024xf32>
    %get3A_55 = arith.constant 15600 : index
    %get3A_56 = vector.load %arg1[%get3A_55] : memref<33280xf32, #tpu.memory_space<vmem>>, vector<1024xf32>
    %add3A_57 = arith.addf %add3A_54, %get3A_56 : vector<1024xf32>
    %get3A_58 = arith.constant 16640 : index
    %get3A_59 = vector.load %arg1[%get3A_58] : memref<33280xf32, #tpu.memory_space<vmem>>, vector<1024xf32>
    %add3A_60 = arith.addf %add3A_57, %get3A_59 : vector<1024xf32>
    %get3A_61 = arith.constant 17680 : index
    %get3A_62 = vector.load %arg1[%get3A_61] : memref<33280xf32, #tpu.memory_space<vmem>>, vector<1024xf32>
    %add3A_63 = arith.addf %add3A_60, %get3A_62 : vector<1024xf32>
    %get3A_64 = arith.constant 18720 : index
    %get3A_65 = vector.load %arg1[%get3A_64] : memref<33280xf32, #tpu.memory_space<vmem>>, vector<1024xf32>
    %add3A_66 = arith.addf %add3A_63, %get3A_65 : vector<1024xf32>
    %get3A_67 = arith.constant 19760 : index
    %get3A_68 = vector.load %arg1[%get3A_67] : memref<33280xf32, #tpu.memory_space<vmem>>, vector<1024xf32>
    %add3A_69 = arith.addf %add3A_66, %get3A_68 : vector<1024xf32>
    %get3A_70 = arith.constant 20800 : index
    %get3A_71 = vector.load %arg1[%get3A_70] : memref<33280xf32, #tpu.memory_space<vmem>>, vector<1024xf32>
    %add3A_72 = arith.addf %add3A_69, %get3A_71 : vector<1024xf32>
    %get3A_73 = arith.constant 21840 : index
    %get3A_74 = vector.load %arg1[%get3A_73] : memref<33280xf32, #tpu.memory_space<vmem>>, vector<1024xf32>
    %add3A_75 = arith.addf %add3A_72, %get3A_74 : vector<1024xf32>
    %get3A_76 = arith.constant 22880 : index
    %get3A_77 = vector.load %arg1[%get3A_76] : memref<33280xf32, #tpu.memory_space<vmem>>, vector<1024xf32>
    %add3A_78 = arith.addf %add3A_75, %get3A_77 : vector<1024xf32>
    %get3A_79 = arith.constant 23920 : index
    %get3A_80 = vector.load %arg1[%get3A_79] : memref<33280xf32, #tpu.memory_space<vmem>>, vector<1024xf32>
    %add3A_81 = arith.addf %add3A_78, %get3A_80 : vector<1024xf32>
    %get3A_82 = arith.constant 24960 : index
    %get3A_83 = vector.load %arg1[%get3A_82] : memref<33280xf32, #tpu.memory_space<vmem>>, vector<1024xf32>
    %add3A_84 = arith.addf %add3A_81, %get3A_83 : vector<1024xf32>
    %get3A_85 = arith.constant 26000 : index
    %get3A_86 = vector.load %arg1[%get3A_85] : memref<33280xf32, #tpu.memory_space<vmem>>, vector<1024xf32>
    %add3A_87 = arith.addf %add3A_84, %get3A_86 : vector<1024xf32>
    %get3A_88 = arith.constant 27040 : index
    %get3A_89 = vector.load %arg1[%get3A_88] : memref<33280xf32, #tpu.memory_space<vmem>>, vector<1024xf32>
    %add3A_90 = arith.addf %add3A_87, %get3A_89 : vector<1024xf32>
    %get3A_91 = arith.constant 28080 : index
    %get3A_92 = vector.load %arg1[%get3A_91] : memref<33280xf32, #tpu.memory_space<vmem>>, vector<1024xf32>
    %add3A_93 = arith.addf %add3A_90, %get3A_92 : vector<1024xf32>
    %get3A_94 = arith.constant 29120 : index
    %get3A_95 = vector.load %arg1[%get3A_94] : memref<33280xf32, #tpu.memory_space<vmem>>, vector<1024xf32>
    %add3A_96 = arith.addf %add3A_93, %get3A_95 : vector<1024xf32>
    %get3A_97 = arith.constant 30160 : index
    %get3A_98 = vector.load %arg1[%get3A_97] : memref<33280xf32, #tpu.memory_space<vmem>>, vector<1024xf32>
    %add3A_99 = arith.addf %add3A_96, %get3A_98 : vector<1024xf32>
    %get3A_100 = arith.constant 31200 : index
    %get3A_101 = vector.load %arg1[%get3A_100] : memref<33280xf32, #tpu.memory_space<vmem>>, vector<1024xf32>
    %add3A_102 = arith.addf %add3A_99, %get3A_101 : vector<1024xf32>
    %get3A_103 = arith.constant 32240 : index
    %get3A_104 = vector.load %arg1[%get3A_103] : memref<33280xf32, #tpu.memory_space<vmem>>, vector<1024xf32>
    %add3A_105 = arith.addf %add3A_102, %get3A_104 : vector<1024xf32>
    %squeeze3A = vector.shape_cast %dot_general3A_8 : vector<1x1024xf32> to vector<1024xf32>
    %max3A = arith.constant 1.000000e+00 : f32
    %max3A_106 = vector.broadcast %max3A : f32 to vector<1024xf32>
    %max3A_107 = arith.maximumf %add3A_105, %max3A_106 : vector<1024xf32>
    %div3A = arith.divf %squeeze3A, %max3A_107 : vector<1024xf32>
    %get3A_108 = arith.constant 0 : index
    %get3A_109 = arith.constant 0 : index
    %get3A_110 = vector.load %arg3[%get3A_108, %get3A_109] : memref<1x1xf32, #tpu.memory_space<vmem>>, vector<1x1xf32>
    %get3A_111 = vector.extract %get3A_110[0, 0] : f32 from vector<1x1xf32>
    %add3A_112 = vector.broadcast %get3A_111 : f32 to vector<1024xf32>
    %add3A_113 = arith.addf %div3A, %add3A_112 : vector<1024xf32>
    %reshape3A = vector.shape_cast %add3A_113 : vector<1024xf32> to vector<1024x1xf32>
    %swap3A = arith.constant 0 : index
    %swap3A_114 = arith.constant 0 : index
    %swap3A_115 = vector.load %arg4[%swap3A, %swap3A_114] : memref<1024x1xf32, #tpu.memory_space<vmem>>, vector<1024x1xf32>
    tpu.vector_store %arg4[%swap3A, %swap3A_114], %reshape3A {strides = array<i32>} : memref<1024x1xf32, #tpu.memory_space<vmem>>, vector<1024x1xf32>,
    return
  }
}

</mosaic_0001>

<sc_bundles>
// kernel: kernel.4.cloned.1.call-start
scs
__scs_entry_jumppad:
0x0: {  	(pc) =	sbr.rel $0x88, $3  }
0x1: {  	(tag) =	ssettag $0x0;
	lr =	simm.s32 $0x1  }
0x2: {  	[smem:$0x3F9C] =	sst lr;
	_ =	strace $0xD0000000  }
0x3: {  	_ = 	snop  }
0x4: {  	_ = 	snop  }
0x5: {  	_ = 	snop  }
0x6: {  	_ = 	snop  }
0x7: {  	_ = 	snop  }
__scs_overlays_trampoline_lowered:
0x8: {  	[smem:$0x3FAB] =	sst s0  }
0x9: {  	[smem:$0x3FAC] =	sst s1  }
0xa: {  	[smem:$0x3FAD] =	sst s2  }
0xb: {  	[smem:$0x3FAE] =	sst s3  }
0xc: {  	[smem:$0x3FAF] =	sst s4  }
0xd: {  	[smem:$0x3FB0] =	sst s5  }
0xe: {  	[smem:$0x3FB1] =	sst s6  }
0xf: {  	[smem:$0x3FB2] =	sst s7  }
0x10: {  	[smem:$0x3FB3] =	sst s8  }
0x11: {  	[smem:$0x3FB4] =	sst s9;
	s0 =	simm.s32 @!p0 $0x0  }
0x12: {  	s1 =	sld [smem:$0x3F9A];
	s0 =	simm.s32 @p0 $0x1  }
0x13: {  	[smem:$0x3FB5] =	sst s0;
	s0 =	simm.s32 @!p1 $0x0  }
0x14: {  	s2 =	sld [smem:$0x3F99];
	s0 =	simm.s32 @p1 $0x1  }
0x15: {  	[smem:$0x3FB6] =	sst s0;
	s0 =	simm.s32 @!p2 $0x0  }
0x16: {  	s3 =	sld [smem:$0x3FDB];
	s0 =	simm.s32 @p2 $0x1  }
0x17: {  	s4 =	simm.s32 $0x1BF5;
	[smem:$0x3FB8] =	sst s0  }
0x18: {  	s0 =	sld [smem:$0x3F9B];
	_ =	swait.ge [sflag:s4], $0x0  }
0x19: {  	s7 =	sld [smem:$0x3F9C]  }
0x1a: {  	s8 =	sadd.s32 $0xFFFFE003, lr  }
0x1b: {  	s9 =	sadd.s32 $0xFFFFFEF7, lr;
	s5 =	simm.s32 $0xFFFFFFFF;
	p2 =	slt.u32 s8, $0xFFFFF086  }
0x1c: {  	p1 =	slt.u32 s9, $0xF7A;
	s5 =	simm.s32 @!p2 $0x0  }
0x1d: {  	s5 =	simm.s32 @p1 $0x1;
	p0 =	seq.s32 s7, s2  }
0x1e: {  	s7 =	smul.u32 @!p0 $0xF7A, s2;
	p2 =	seq.s32 @!p0 s5, $0x0  }
0x1f: {  	s9 =	smul.u32 $0xF7A, s1;
	s8 =	simm.s32 @!p0 $0x1BF5;
	p2 =	por !p2, p0  }
0x20: {  	[sflag:s8] =	ssyncset.s32 @!p0 $0xFFFFF086;
	s6 =	sadd.s32 @!p0 s3, s7;
	s7 =	simm.s32 @!p0 $0x108  }
0x21: {  	s3 =	sadd.s32 s3, s9;
	s6 =	sadd.s32 @!p0 $0x88, s6;
	s7 =	simm.s32 @p2 $0x1082  }
0x22: {  	[simem:s7], [sflag:s8] =	dma.local @!p0 [hbm:s6], $0xF7A  }
0x23: {  	s9 =	sor.u32 $0xD0000000, s2;
	s6 =	simm.s32 $0x108;
	_ =	swait.ge @!p0 [sflag:s8], $0x0  }
0x24: {  	s3 =	sadd.s32 $0x88, s3;
	s6 =	simm.s32 @!p1 $0x1082;
	[sflag:s4] =	ssyncset.s32 $0xFFFFF086  }
0x25: {  	[simem:s6], [sflag:s4] =	dma.local [hbm:s3], $0xF7A  }
0x26: {  	[smem:$0x3F9C] =	sst s1;
	(tag) =	ssettag s2;
	_ =	strace s9  }
0x27: {  	s1 =	sld [smem:$0x3FAC]  }
0x28: {  	s2 =	sld [smem:$0x3FAD]  }
0x29: {  	s4 =	sld [smem:$0x3FAF]  }
0x2a: {  	p0 =	seq.s32 s5, $0x0;
	s5 =	sld [smem:$0x3FB0]  }
0x2b: {  	s6 =	sld [smem:$0x3FB1]  }
0x2c: {  	s7 =	sld [smem:$0x3FB2]  }
0x2d: {  	s3 =	simm.s32 $0x108;
	s8 =	sld [smem:$0x3FB3]  }
0x2e: {  	s3 =	simm.s32 @!p0 $0x1082;
	s9 =	sld [smem:$0x3FB4]  }
0x2f: {  	lr =	sadd.s32 s0, s3;
	s0 =	sld [smem:$0x3FAB]  }
0x30: {  	s3 =	sld [smem:$0x3FAE]  }
0x31: {  	[smem:$0x3FB7] =	sst s10  }
0x32: {  	s10 =	sld [smem:$0x3FB5];
	_ =	sdelay $0x3  }
0x33: {  	p0 =	seq.s32 s10, $0x1;
	s10 =	sld [smem:$0x3FB7];
	_ =	sdelay $0x3  }
0x34: {  	[smem:$0x3FB7] =	sst s10  }
0x35: {  	s10 =	sld [smem:$0x3FB6];
	_ =	sdelay $0x3  }
0x36: {  	p1 =	seq.s32 s10, $0x1;
	s10 =	sld [smem:$0x3FB7];
	_ =	sdelay $0x3  }
0x37: {  	[smem:$0x3FB7] =	sst s10  }
0x38: {  	s10 =	sld [smem:$0x3FB8]  }
0x39: {  	_ = 	snop;
	(pc) =	sbr.ind lr, $3  }
0x3a: {  	_ = 	snop  }
0x3b: {  	_ = 	snop  }
0x3c: {  	p2 =	seq.s32 s10, $0x1;
	s10 =	sld [smem:$0x3FB7]  }
0x3d: {  	_ =	shalt  }
0x3e: {  	_ =	shalt  }
0x3f: {  	_ =	shalt  }
0x40: {  	_ =	shalt  }
0x41: {  	_ =	shalt  }
0x42: {  	_ =	shalt  }
0x43: {  	_ =	shalt  }
0x44: {  	_ =	shalt  }
0x45: {  	_ =	shalt  }
0x46: {  	_ =	shalt  }
0x47: {  	_ =	shalt  }
0x48: {  	_ =	shalt  }
0x49: {  	_ =	shalt  }
0x4a: {  	_ =	shalt  }
0x4b: {  	_ =	shalt  }
0x4c: {  	_ =	shalt  }
0x4d: {  	_ =	shalt  }
0x4e: {  	_ =	shalt  }
0x4f: {  	_ =	shalt  }
0x50: {  	_ =	shalt  }
0x51: {  	_ =	shalt  }
0x52: {  	_ =	shalt  }
0x53: {  	_ =	shalt  }
0x54: {  	_ =	shalt  }
0x55: {  	_ =	shalt  }
0x56: {  	_ =	shalt  }
0x57: {  	_ =	shalt  }
0x58: {  	_ =	shalt  }
0x59: {  	_ =	shalt  }
0x5a: {  	_ =	shalt  }
0x5b: {  	_ =	shalt  }
0x5c: {  	_ =	shalt  }
0x5d: {  	_ =	shalt  }
0x5e: {  	_ =	shalt  }
0x5f: {  	_ =	shalt  }
0x60: {  	_ =	shalt  }
0x61: {  	_ =	shalt  }
0x62: {  	_ =	shalt  }
0x63: {  	_ =	shalt  }
0x64: {  	_ =	shalt  }
0x65: {  	_ =	shalt  }
0x66: {  	_ =	shalt  }
0x67: {  	_ =	shalt  }
0x68: {  	_ =	shalt  }
0x69: {  	_ =	shalt  }
0x6a: {  	_ =	shalt  }
0x6b: {  	_ =	shalt  }
0x6c: {  	_ =	shalt  }
0x6d: {  	_ =	shalt  }
0x6e: {  	_ =	shalt  }
0x6f: {  	_ =	shalt  }
0x70: {  	_ =	shalt  }
0x71: {  	_ =	shalt  }
0x72: {  	_ =	shalt  }
0x73: {  	_ =	shalt  }
0x74: {  	_ =	shalt  }
0x75: {  	_ =	shalt  }
0x76: {  	_ =	shalt  }
0x77: {  	_ =	shalt  }
0x78: {  	_ =	shalt  }
0x79: {  	_ =	shalt  }
0x7a: {  	_ =	shalt  }
0x7b: {  	_ =	shalt  }
0x7c: {  	_ =	shalt  }
0x7d: {  	_ =	shalt  }
0x7e: {  	_ =	shalt  }
0x7f: {  	_ =	shalt  }
0x80: {  	_ =	shalt  }
0x81: {  	_ =	shalt  }
0x82: {  	_ =	shalt  }
0x83: {  	_ =	shalt  }
0x84: {  	_ =	shalt  }
0x85: {  	_ =	shalt  }
0x86: {  	_ =	shalt  }
0x87: {  	_ =	shalt  }
.Lfunc_end0:
.L_simem_size_0:
called_computation_lowered:
.L_overlay_start_0:
0x88: {  	s2 =	sld [smem:$0x3FD9]  }
0x89: {  	s3 =	sld [smem:$0x3FFE];
	_ =	sdelay $0x1  }
0x8a: {  	s1 =	srdreg.scid  }
0x8b: {  	s0 =	sand.u32 $0x1, s1  }
0x8c: {  	s17 =	sshll.u32 s0, $0xA;
	s2 =	sadd.s32 s3, s2  }
0x8d: {  	s2 =	sadd.s32 s2, s17  }
0x8e: {  	[smem:$0x3FC3] =	sst s2  }
0x8f: {  	_ = 	snop  }
0x90: {  	s2 =	sld [smem:$0x3FC9];
	(tm) =	ssettm $0x1  }
0x91: {  	s18 =	sld [smem:$0x3FFB];
	_ =	sdelay $0x3  }
0x92: {  	_ =	strace s18  }
0x93: {  	s3 =	sld [smem:$0x3FFC];
	_ =	sdelay $0x3  }
0x94: {  	_ =	strace s3  }
0x95: {  	s3 =	sld [smem:$0x3FFD];
	_ =	sdelay $0x3  }
0x96: {  	_ =	strace s3  }
0x97: {  	_ =	strace $0x8FFFFFFF  }
0x98: {  	s19 =	sld [smem:$0x3FDB];
	_ =	sdelay $0x1  }
0x99: {  	s4 =	simm.s32 $_scs_section_size  }
0x9a: {  	s5 =	simm.s32 $_size__tile_overlayer_lowered;
	s6 =	simm.s32 $_tile_overlayer_lowered  }
0x9b: {  	s22 =	simm.s32 $0x1BFF;
	s21 =	sshll.u32 s6, $0x1;
	s3 =	sadd.s32 s4, s19  }
0x9c: {  	s7 =	simm.s32 $0x0;
	s20 =	sshll.u32 s5, $0x1;
	s5 =	sadd.s32 s21, s3  }
0x9d: {  	[timem:s7], [sflag:s22] =	dma.local [hbm:s5], s20  }
0x9e: {  	_ =	swait.ge [sflag:s22], s20  }
0x9f: {  	s4 =	ssub.s32 $0x0, s20;
	[sflag:s22] =	ssyncset.done $0x0  }
0xa0: {  	[sflag:s22] =	ssyncadd.s32 s4;
	_ =	sdelay $0x1  }
0xa1: {  	s23 =	simm.s32 $0x1B8B  }
0xa2: {  	_ =	swait.ge [sflag:s23], $0x1  }
0xa3: {  	[sflag:s23] =	ssyncset.done $0x0  }
0xa4: {  	s25 =	simm.s32 $0x1B8E;
	s24 =	sld [smem:$0x3FFE];
	[sflag:s23] =	ssyncadd.s32 $0xFFFFFFFF  }
0xa5: {  	s26 =	simm.s32 $execute0_lowered;
	[smem:$0x3FD2] =	sst s25  }
0xa6: {  	s5 =	sshll.u32 s26, $0x1;
	_ =	strace $0x80000046;
	[dreg:$0x1] =	wrdreg $0xFFFFFFFF  }
0xa7: {  	s28 =	simm.s32 $_size_execute0_lowered;
	s3 =	sadd.s32 s3, s5;
	[dreg:$0x0] =	wrdreg $0x0  }
0xa8: {  	s5 =	sshll.u32 s28, $0x1;
	[dreg:$0x2] =	wrdreg s3  }
0xa9: {  	[dreg:$0x3] =	wrdreg s5  }
0xaa: {  	[dreg:$0x4] =	wrdreg $0xC0  }
0xab: {  	_ =	task [dreg:s7], $0x5FFFF  }
0xac: {  	[dreg:$0x1] =	wrdreg $0xFFFFFFFF  }
0xad: {  	[dreg:$0x0] =	wrdreg $0x60  }
0xae: {  	[dreg:$0x2] =	wrdreg s2  }
0xaf: {  	[dreg:$0x3] =	wrdreg s24  }
0xb0: {  	[dreg:$0x4] =	wrdreg $0x88000  }
0xb1: {  	[dreg:$0x5] =	wrdreg $0x9  }
0xb2: {  	_ =	task.clear_ibuf [dreg:s7], $0x6FFFF;
	_ =	strace $0x90000046  }
0xb3: {  	s29 =	simm.s32 $0x9;
	_ =	strace $0x80000048  }
0xb4: {  	_ =	swait.ge [sflag:s29], $0x1  }
0xb5: {  	[sflag:s29] =	ssyncadd.s32 $0xFFFFFFFF  }
0xb6: {  	_ =	strace $0x90000048  }
0xb7: {  	_ =	sfence  }
0xb8: {  	s30 =	sld [smem:$0x0];
	_ =	sdelay $0x2  }
0xb9: {  	s31 =	sshll.u32 s1, $0xD;
	s1 =	sshrl.u32 s1, $0x2  }
0xba: {  	s3 =	sand.u32 $0x4000, s31;
	s1 =	sadd.s32 s1, s30  }
0xbb: {  	s0 =	sor.u32 s3, s0;
	s1 =	sshll.u32 s1, $0x11  }
0xbc: {  	s0 =	sor.u32 s1, s0  }
0xbd: {  	s0 =	sadd.s32 $0x8F2B, s0  }
0xbe: {  	[sflag:s0] =	ssyncadd.remote.s32 $0x1  }
0xbf: {  	_ =	sfence.sel $0xFFFF  }
0xc0: {  	[dreg:$0x0] =	wrdreg $0xFFFFFFFF;
	(pc) =	sbr.abs _section_cstart, $3  }
0xc1: {  	[dreg:$0x1] =	wrdreg $0xFFFFFFFF  }
0xc2: {  	_ =	task.clear_ibuf [dreg:s7], $0x2FFFF;
	_ =	strace $0x9FFFFFFF  }
0xc3: {  	(tm) =	ssettm $0x7FFFFFFF  }
tec
execute0_lowered:
.L_overlay_start_1:
0x0: {  	(tag) =	ssettag $0x1  }
0x1: {  	s0 =	srdreg.scid  }
0x2: {  	s3 =	rddreg [dreg:$0x1];
	s2 =	stileid.u32;
	s6 =	sand.u32 $0x1, s0  }
0x3: {  	s1 =	simm.s32 $0x0;
	s2 =	sshll.u32 s2, $0x1;
	s18 =	ssub.s32 $0x2, s6  }
0x4: {  	[smem:$0x7FF] =	sst s1;
	s4 =	sor.u32 s6, s2;
	s19 =	sshrl.u32 s18, $0x1  }
0x5: {  	s0 =	sadd.s32 $0x1000, s3;
	s5 =	sshll.u32 s4, $0x4;
	s2 =	ssub.s32 s18, s19  }
0x6: {  	s10 =	sshll.u32 s4, $0x7;
	s20 =	sadd.s32 s0, s5;
	[smem:$0x7FC] =	sst s2  }
0x7: {  	s21 =	sor.u32 $0x1000, s10;
	[dreg:$0x4] =	wrdreg s20  }
0x8: {  	s22 =	sor.u32 $0x2000, s10;
	[smem:$0x7DB] =	sst s21  }
0x9: {  	p0 =	sgt.u32 s4, $0xC;
	s23 =	sor.u32 $0x3000, s10;
	[smem:$0x7DC] =	sst s22  }
0xa: {  	s3 =	sor.u32 $0x4000, s10;
	s5 =	sor.u32 $0x5000, s10;
	[smem:$0x7DD] =	sst s23  }
0xb: {  	s7 =	sor.u32 $0x6000, s10;
	s12 =	sor.u32 $0x7000, s10;
	[smem:$0x7DE] =	sst s3  }
0xc: {  	s29 =	sor.u32 $0x8000, s10;
	s13 =	sor.u32 $0x9000, s10;
	[smem:$0x7DF] =	sst s5  }
0xd: {  	s31 =	sor.u32 $0xC000, s10;
	s19 =	sor.u32 $0xF000, s10;
	[smem:$0x7E0] =	sst s7  }
0xe: {  	s2 =	sshrl.u32 s21, $0x3;
	s24 =	sshrl.u32 s22, $0x3;
	[smem:$0x7E1] =	sst s12  }
0xf: {  	s25 =	sshrl.u32 s23, $0x3;
	s8 =	sshrl.u32 s5, $0x3;
	[smem:$0x7E2] =	sst s13  }
0x10: {  	s9 =	sshrl.u32 s7, $0x3;
	[smem:$0x7E3] =	sst s19;
	s21 =	sor.u32 $0x10000, s10  }
0x11: {  	s14 =	sshrl.u32 s29, $0x3;
	s23 =	sor.u32 $0x11000, s10;
	[smem:$0x7E5] =	sst s21  }
0x12: {  	s7 =	sshrl.u32 s31, $0x3;
	s2 =	sadd.s32 s0, s2;
	[smem:$0x7E6] =	sst s23  }
0x13: {  	s26 =	sadd.s32 s0, s25;
	s11 =	sadd.s32 s0, s9;
	[dreg:$0x5] =	wrdreg s2  }
0x14: {  	s9 =	sor.u32 $0xA000, s10;
	s22 =	sshrl.u32 s21, $0x3;
	[dreg:$0x7] =	wrdreg s26  }
0x15: {  	s25 =	sor.u32 $0x12000, s10;
	s2 =	sadd.s32 s0, s24;
	[dreg:$0xa] =	wrdreg s11  }
0x16: {  	s16 =	sshrl.u32 s9, $0x3;
	s24 =	sor.u32 $0xD000, s10;
	[smem:$0x7E9] =	sst s25  }
0x17: {  	s11 =	sshrl.u32 s19, $0x3;
	s26 =	sshrl.u32 s23, $0x3;
	[dreg:$0x6] =	wrdreg s2  }
0x18: {  	s2 =	sshrl.u32 s3, $0x3;
	s3 =	sshrl.u32 s13, $0x3;
	s5 =	sadd.s32 s0, s16  }
0x19: {  	s18 =	sshrl.u32 s24, $0x3;
	s19 =	sadd.s32 s0, s26;
	s26 =	sor.u32 $0x16000, s10  }
0x1a: {  	s2 =	sadd.s32 s0, s2;
	s15 =	sadd.s32 s0, s3;
	[smem:$0x7F1] =	sst s26  }
0x1b: {  	s3 =	sor.u32 $0x13000, s10;
	[dreg:$0x8] =	wrdreg s2;
	s2 =	sadd.s32 s0, s8  }
0x1c: {  	[dreg:$0xd] =	wrdreg s15;
	s8 =	sor.u32 $0xB000, s10;
	s15 =	sadd.s32 s0, s18  }
0x1d: {  	s18 =	sadd.s32 s0, s22;
	[smem:$0x7EB] =	sst s3;
	s22 =	sor.u32 $0x15000, s10  }
0x1e: {  	[dreg:$0x9] =	wrdreg s2;
	s2 =	sshrl.u32 s12, $0x3;
	s17 =	sshrl.u32 s8, $0x3  }
0x1f: {  	s12 =	sor.u32 $0x14000, s10;
	[smem:$0x7EF] =	sst s22;
	s2 =	sadd.s32 s0, s2  }
0x20: {  	s13 =	sadd.s32 s0, s17;
	s17 =	sadd.s32 s0, s11;
	[smem:$0x7EC] =	sst s12  }
0x21: {  	s11 =	sshrl.u32 s3, $0x3;
	s23 =	sshrl.u32 s12, $0x3;
	s3 =	rddreg [dreg:$0x0]  }
0x22: {  	s12 =	sor.u32 $0x17000, s10;
	[dreg:$0xb] =	wrdreg s2;
	s2 =	sadd.s32 s0, s14  }
0x23: {  	s14 =	sadd.s32 s0, s7;
	s7 =	sor.u32 $0xE000, s10;
	[smem:$0x7F2] =	sst s12  }
0x24: {  	[dreg:$0xc] =	wrdreg s2;
	s20 =	sshrl.u32 s7, $0x3;
	s2 =	sshrl.u32 s25, $0x3  }
0x25: {  	s25 =	sshrl.u32 s22, $0x3;
	s22 =	sadd.s32 s0, s23;
	s16 =	sadd.s32 s0, s20  }
0x26: {  	s20 =	sadd.s32 s0, s2;
	s23 =	sadd.s32 s0, s25;
	s2 =	sshrl.u32 s26, $0x3  }
0x27: {  	s25 =	sadd.s32 s0, s2;
	s2 =	sshrl.u32 s12, $0x3;
	s12 =	sor.u32 $0x18000, s10  }
0x28: {  	s21 =	sadd.s32 s0, s11;
	s26 =	rddreg [dreg:$0x2];
	s30 =	sshrl.u32 s12, $0x3  }
0x29: {  	s28 =	sadd.s32 s0, s2;
	[smem:$0x7F5] =	sst s12;
	s0 =	sadd.s32 s0, s30  }
0x2a: {  	p1 =	sne.s32 s4, $0xD;
	s11 =	smul.u32 $0x82, s4;
	[dreg:$0xe] =	wrdreg s0  }
0x2b: {  	s2 =	stileid.u32;
	s12 =	smov.u32 s5;
	_ =	strace $0x80000047  }
0x2c: {  	s10 =	sshll.u32 s2, $0xA;
	s5 =	sshll.u32 s2, $0xD;
	s30 =	rddreg [dreg:$0x1]  }
0x2d: {  	s2 =	sshll.u32 s4, $0xB;
	s4 =	sld [smem:$0x7DB];
	s0 =	sadd.s32 s10, s30  }
0x2e: {  	s11 =	sadd.s32 s11, s30;
	s10 =	sadd.s32 s5, s26;
	s5 =	sld [smem:$0x7DC]  }
0x2f: {  	s6 =	sshll.u32 s6, $0xE;
	[smem:$0x7F9] =	sst s11  }
0x30: {  	[dreg:$0xf] =	wrdreg s10;
	s6 =	sadd.s32 s6, s0;
	s0 =	sadd.s32 $0x4200, s0  }
0x31: {  	[dreg:$0x10] =	wrdreg s0;
	s0 =	sadd.s32 s3, s2  }
0x32: {  	[dreg:$0x11] =	wrdreg s0  }
0x33: {  	s0 =	sshll.u32 s4, $0x4;
	s4 =	sld [smem:$0x7DD]  }
0x34: {  	s10 =	sshll.u32 s5, $0x4;
	s5 =	sld [smem:$0x7DE]  }
0x35: {  	s0 =	sadd.s32 s3, s0;
	s2 =	sadd.s32 s3, s10;
	s10 =	sld [smem:$0x7DF]  }
0x36: {  	[dreg:$0x12] =	wrdreg s0  }
0x37: {  	[dreg:$0x13] =	wrdreg s2;
	s0 =	sshll.u32 s4, $0x4  }
0x38: {  	s0 =	sadd.s32 s3, s0;
	s2 =	sshll.u32 s10, $0x4;
	s10 =	sld [smem:$0x7E1]  }
0x39: {  	[dreg:$0x14] =	wrdreg s0  }
0x3a: {  	s0 =	sshll.u32 s5, $0x4;
	s4 =	sadd.s32 s3, s2;
	s5 =	sld [smem:$0x7E0]  }
0x3b: {  	s2 =	sshll.u32 s29, $0x4;
	s0 =	sadd.s32 s3, s0;
	[dreg:$0x16] =	wrdreg s4  }
0x3c: {  	s4 =	sadd.s32 s3, s2;
	[dreg:$0x15] =	wrdreg s0  }
0x3d: {  	[dreg:$0x19] =	wrdreg s4;
	s0 =	sshll.u32 s5, $0x4  }
0x3e: {  	s5 =	sld [smem:$0x7E2];
	s0 =	sadd.s32 s3, s0  }
0x3f: {  	s7 =	sshll.u32 s7, $0x4;
	[dreg:$0x17] =	wrdreg s0;
	s0 =	sshll.u32 s10, $0x4  }
0x40: {  	s10 =	sshll.u32 s8, $0x4;
	s8 =	sadd.s32 s3, s7;
	s7 =	sld [smem:$0x7EC]  }
0x41: {  	[dreg:$0x1f] =	wrdreg s8  }
0x42: {  	s0 =	sadd.s32 s3, s0;
	s2 =	sadd.s32 s3, s10;
	s10 =	sld [smem:$0x7E5]  }
0x43: {  	[dreg:$0x18] =	wrdreg s0  }
0x44: {  	s0 =	sshll.u32 s5, $0x4;
	[dreg:$0x1c] =	wrdreg s2  }
0x45: {  	s5 =	sshll.u32 s24, $0x4;
	s24 =	sld [smem:$0x7E6];
	s0 =	sadd.s32 s3, s0  }
0x46: {  	s9 =	sshll.u32 s9, $0x4;
	[dreg:$0x1a] =	wrdreg s0  }
0x47: {  	s0 =	sadd.s32 s3, s9;
	s9 =	sld [smem:$0x7E3]  }
0x48: {  	s4 =	sshll.u32 s31, $0x4;
	[dreg:$0x1b] =	wrdreg s0  }
0x49: {  	s0 =	sadd.s32 s3, s4;
	s4 =	sld [smem:$0x7E9]  }
0x4a: {  	s2 =	sshll.u32 s24, $0x4;
	s24 =	sld [smem:$0x7F2]  }
0x4b: {  	[dreg:$0x1d] =	wrdreg s0  }
0x4c: {  	s0 =	sadd.s32 s3, s5;
	s5 =	sld [smem:$0x7EB]  }
0x4d: {  	s2 =	sadd.s32 s3, s2;
	[dreg:$0x1e] =	wrdreg s0  }
0x4e: {  	s0 =	sshll.u32 s9, $0x4;
	[smem:$0x7E8] =	sst s2  }
0x4f: {  	s2 =	sshll.u32 s7, $0x4;
	s9 =	sld [smem:$0x7EF];
	s7 =	sadd.s32 $0x186800, s3  }
0x50: {  	s11 =	smov.u32 s30;
	s0 =	sadd.s32 s3, s0;
	[smem:$0x7F7] =	sst s7  }
0x51: {  	v0 =	vimm.f32 $0.0e+00;
	vm0 =	vcmask $0x3F3C;
	s8 =	sadd.s32 s3, s2;
	s2 =	sshll.u32 s24, $0x4;
	s24 =	sld [smem:$0x7FC]  }
0x52: {  	v1 =	vimm.f32 $1.600000000e+01;
	vm1 =	vcmask $0x300;
	v2 =	vimm.f32 $-1.600000000e+01;
	s30 =	stileid.u32;
	s29 =	simm.s32 $0x4000;
	[smem:$0x7E4] =	sst s0  }
0x53: {  	v1 =	vsel vm1, $0x3F800000, v1;
	v2 =	vsel vm1, $0xBF800000, v2;
	vm1 =	vcmask $0x704;
	s7 =	simm.s32 $0x2;
	s0 =	sshll.u32 s10, $0x4;
	[smem:$0x7EE] =	sst s8  }
0x54: {  	v1 =	vsel vm1, $0x40000000, v1;
	v2 =	vsel vm1, $0xC0000000, v2;
	vm1 =	vcmask $0xB08;
	s10 =	sld [smem:$0x7F1];
	s8 =	sshll.u32 s30, $0x6;
	s0 =	sadd.s32 s3, s0  }
0x55: {  	v1 =	vsel vm1, $0x40400000, v1;
	v2 =	vsel vm1, $0xC0400000, v2;
	vm1 =	vcmask $0xF0C;
	[smem:$0x7E7] =	sst s0;
	s0 =	sshll.u32 s4, $0x4;
	s4 =	sadd.s32 s3, s2  }
0x56: {  	v1 =	vsel vm1, $0x40800000, v1;
	v2 =	vsel vm1, $0xC0800000, v2;
	vm1 =	vcmask $0x1310;
	s30 =	simm.s32 $0x3;
	s0 =	sadd.s32 s3, s0;
	[smem:$0x7F4] =	sst s4  }
0x57: {  	v1 =	vsel vm1, $0x40A00000, v1;
	v2 =	vsel vm1, $0xC0A00000, v2;
	vm1 =	vcmask $0x1714;
	s31 =	sor.u32 $0x1C03, s8;
	[smem:$0x7EA] =	sst s0;
	s0 =	sshll.u32 s5, $0x4  }
0x58: {  	v1 =	vsel vm1, $0x40C00000, v1;
	v2 =	vsel vm1, $0xC0C00000, v2;
	vm1 =	vcmask $0x1B18;
	s8 =	simm.s32 $0x0;
	s5 =	sld [smem:$0x7F5];
	s0 =	sadd.s32 s3, s0  }
0x59: {  	v1 =	vsel vm1, $0x40E00000, v1;
	v2 =	vsel vm1, $0xC0E00000, v2;
	vm1 =	vcmask $0x1F1C;
	[smem:$0x7ED] =	sst s0;
	s0 =	sshll.u32 s9, $0x4;
	s9 =	sadd.s32 $0x40D0, s11  }
0x5a: {  	v1 =	vsel vm1, $0x41000000, v1;
	v2 =	vsel vm1, $0xC1000000, v2;
	vm1 =	vcmask $0x2320;
	s2 =	simm.s32 $0x8080;
	s0 =	sadd.s32 s3, s0;
	[smem:$0x7F8] =	sst s9  }
0x5b: {  	v1 =	vsel vm1, $0x41100000, v1;
	v2 =	vsel vm1, $0xC1100000, v2;
	vm1 =	vcmask $0x2724;
	s4 =	simm.s32 $0x1;
	[smem:$0x7F0] =	sst s0;
	s0 =	sshll.u32 s10, $0x4  }
0x5c: {  	v1 =	vsel vm1, $0x41200000, v1;
	v2 =	vsel vm1, $0xC1200000, v2;
	vm1 =	vcmask $0x2B28;
	s11 =	sadd.s32 $0x8200, s6;
	s10 =	sld [smem:$0x7F9];
	s0 =	sadd.s32 s3, s0  }
.Ltmp0:
0x5d: {  	v1 =	vsel vm1, $0x41300000, v1;
	v2 =	vsel vm1, $0xC1300000, v2;
	vm1 =	vcmask $0x2F2C;
	[smem:$0x7F3] =	sst s0;
	s0 =	sshll.u32 s5, $0x4;
	(pc) =	sbr.rel .LBB2_1-.Ltmp0, $4  }
0x5e: {  	v1 =	vsel vm1, $0x41400000, v1;
	v2 =	vsel vm1, $0xC1400000, v2;
	vm1 =	vcmask $0x3330;
	s6 =	simm.s32 $0x8380;
	[smem:$0x7FB] =	sst s11;
	s0 =	sadd.s32 s3, s0  }
0x5f: {  	v1 =	vsel vm1, $0x41500000, v1;
	v2 =	vsel vm1, $0xC1500000, v2;
	vm1 =	vcmask $0x3734;
	s5 =	simm.s32 $0x80;
	[smem:$0x7F6] =	sst s0;
	s0 =	sadd.s32 $0x10200, s10  }
0x60: {  	v1 =	vsel vm1, $0x41600000, v1;
	v2 =	vsel vm1, $0xC1600000, v2;
	vm1 =	vcmask $0x3B38;
	s3 =	simm.s32 $0x8280;
	[smem:$0x7FA] =	sst s0;
	s0 =	smax.u32 s24, $0x1  }
0x61: {  	v1 =	vsel vm1, $0x41700000, v1;
	v2 =	vsel vm1, $0xC1700000, v2;
	vm1 =	vmmov $0x7fff;
	s24 =	simm.s32 $0x8000;
	[smem:$0x7FD] =	sst s0;
	s0 =	simm.s32 $0x8180  }
.LBB2_4:
0x62: {  	s10 =	sld [smem:$0x7F6];
	_ =	sdelay $0x2  }
0x63: {  	[tilespmem:s1], [sflag:$0x1] =	stream.linear.gather [hbm4b:s10+s1], $0x4000, $0x38;
	[tilespmem:$0xA800] =	vst v63  }
0x64: {  	s11 =	rddreg [dreg:$0xe]  }
0x65: {  	[tilespmem:s24], [sflag:$0x1] =	stream.linear.gather [hbm4b:s11+s1], $0x80, $0x38;
	[tilespmem:$0xA800] =	vst v63  }
0x66: {  	_ = 	snop  }
0x67: {  	[tilespmem:s0], [sflag:$0x1] =	stream.linear.gather [hbm4b:s11+s1], $0x90, $0x38;
	[tilespmem:$0xA800] =	vst v63  }
0x68: {  	_ =	swait.ge [sflag:s4], $0x4000  }
0x69: {  	[sflag:s4] =	ssyncset.done $0x0  }
0x6a: {  	[sflag:s4] =	ssyncadd.s32 $0xFFFFC000  }
0x6b: {  	_ =	swait.ge [sflag:s4], $0x80  }
0x6c: {  	[sflag:s4] =	ssyncset.done $0x0  }
0x6d: {  	[sflag:s4] =	ssyncadd.s32 $0xFFFFFF80  }
0x6e: {  	_ =	swait.ge [sflag:s4], $0x90  }
0x6f: {  	[sflag:s4] =	ssyncset.done $0x0  }
0x70: {  	[sflag:s4] =	ssyncadd.s32 $0xFFFFFF70  }
0x71: {  	[spmem:s26] =	stream.indirect.scatter.add.f32 [tilespmem:s1], [sflag:$0x3], $0x80, s24, s5, $0xb8;
	[tilespmem:$0xA800] =	vst v63  }
0x72: {  	_ =	swait.ge [sflag:s30], $0x4000  }
0x73: {  	[sflag:s30] =	ssyncset.done $0x0  }
0x74: {  	[sflag:s30] =	ssyncadd.s32 $0xFFFFC000  }
0x75: {  	v3 =	vld [tilespmem:$0x8180]  }
0x76: {  	v4 =	vld [tilespmem:$0x8181];
	_ =	sdelay $0x4  }
0x77: {  	vm2 =	vne.s32 v3, v4  }
0x78: {  	vm3 =	vmor vm2, vm0  }
0x79: {  	vm2 =	vmand vm2, vm1;
	_ =	sdelay $0x4  }
0x7a: {  	[tilespmem:v3+s6+$0x0] =	vst.idx.add.f32.msk vm3, v1  }
0x7b: {  	[tilespmem:v4+s6+$0x0] =	vst.idx.add.f32.msk vm2, v2  }
0x7c: {  	v3 =	vld [tilespmem:$0x8190]  }
0x7d: {  	v4 =	vld [tilespmem:$0x8191];
	_ =	sdelay $0x4  }
0x7e: {  	vm2 =	vne.s32 v3, v4  }
0x7f: {  	vm3 =	vmor vm2, vm0  }
0x80: {  	vm2 =	vmand vm2, vm1;
	_ =	sdelay $0x4  }
0x81: {  	[tilespmem:v3+s6+$0x0] =	vst.idx.add.f32.msk vm3, v1  }
0x82: {  	[tilespmem:v4+s6+$0x0] =	vst.idx.add.f32.msk vm2, v2  }
0x83: {  	v3 =	vld [tilespmem:$0x81A0]  }
0x84: {  	v4 =	vld [tilespmem:$0x81A1];
	_ =	sdelay $0x4  }
0x85: {  	vm2 =	vne.s32 v3, v4  }
0x86: {  	vm3 =	vmor vm2, vm0  }
0x87: {  	vm2 =	vmand vm2, vm1;
	_ =	sdelay $0x4  }
0x88: {  	[tilespmem:v3+s6+$0x0] =	vst.idx.add.f32.msk vm3, v1  }
0x89: {  	[tilespmem:v4+s6+$0x0] =	vst.idx.add.f32.msk vm2, v2  }
0x8a: {  	v3 =	vld [tilespmem:$0x81B0]  }
0x8b: {  	v4 =	vld [tilespmem:$0x81B1];
	_ =	sdelay $0x4  }
0x8c: {  	vm2 =	vne.s32 v3, v4  }
0x8d: {  	vm3 =	vmor vm2, vm0  }
0x8e: {  	vm2 =	vmand vm2, vm1;
	_ =	sdelay $0x4  }
0x8f: {  	[tilespmem:v3+s6+$0x0] =	vst.idx.add.f32.msk vm3, v1  }
0x90: {  	[tilespmem:v4+s6+$0x0] =	vst.idx.add.f32.msk vm2, v2  }
0x91: {  	v3 =	vld [tilespmem:$0x81C0]  }
0x92: {  	v4 =	vld [tilespmem:$0x81C1];
	_ =	sdelay $0x4  }
0x93: {  	vm2 =	vne.s32 v3, v4  }
0x94: {  	vm3 =	vmor vm2, vm0  }
0x95: {  	vm2 =	vmand vm2, vm1;
	_ =	sdelay $0x4  }
0x96: {  	[tilespmem:v3+s6+$0x0] =	vst.idx.add.f32.msk vm3, v1  }
0x97: {  	[tilespmem:v4+s6+$0x0] =	vst.idx.add.f32.msk vm2, v2  }
0x98: {  	v3 =	vld [tilespmem:$0x81D0]  }
0x99: {  	v4 =	vld [tilespmem:$0x81D1];
	_ =	sdelay $0x4  }
0x9a: {  	vm2 =	vne.s32 v3, v4  }
0x9b: {  	vm3 =	vmor vm2, vm0  }
0x9c: {  	vm2 =	vmand vm2, vm1;
	_ =	sdelay $0x4  }
0x9d: {  	[tilespmem:v3+s6+$0x0] =	vst.idx.add.f32.msk vm3, v1  }
0x9e: {  	[tilespmem:v4+s6+$0x0] =	vst.idx.add.f32.msk vm2, v2  }
0x9f: {  	v3 =	vld [tilespmem:$0x81E0]  }
0xa0: {  	v4 =	vld [tilespmem:$0x81E1];
	_ =	sdelay $0x4  }
0xa1: {  	vm2 =	vne.s32 v3, v4  }
0xa2: {  	vm3 =	vmor vm2, vm0  }
0xa3: {  	vm2 =	vmand vm2, vm1;
	_ =	sdelay $0x4  }
0xa4: {  	[tilespmem:v3+s6+$0x0] =	vst.idx.add.f32.msk vm3, v1  }
0xa5: {  	[tilespmem:v4+s6+$0x0] =	vst.idx.add.f32.msk vm2, v2  }
0xa6: {  	v3 =	vld [tilespmem:$0x81F0]  }
0xa7: {  	v4 =	vld [tilespmem:$0x81F1];
	_ =	sdelay $0x4  }
0xa8: {  	vm2 =	vne.s32 v3, v4  }
.LBB2_7:
0xa9: {  	vm3 =	vmor vm2, vm0  }
0xaa: {  	vm2 =	vmand vm2, vm1;
	_ =	sdelay $0x4  }
0xab: {  	[tilespmem:v3+s6+$0x0] =	vst.idx.add.f32.msk vm3, v1  }
0xac: {  	[tilespmem:v4+s6+$0x0] =	vst.idx.add.f32.msk vm2, v2  }
.LBB2_8:
0xad: {  	s10 =	sld [smem:$0x7FA];
	_ =	sdelay $0x2  }
0xae: {  	[hbm4b:s10+s1] =	stream.linear.scatter [tilespmem:s6], [sflag:$0x3], $0x410, $0x38;
	[tilespmem:$0xA800] =	vst v63  }
0xaf: {  	_ =	swait.ge [sflag:s30], $0x410  }
0xb0: {  	[sflag:s30] =	ssyncset.done $0x0  }
0xb1: {  	[sflag:s30] =	ssyncadd.s32 $0xFFFFFBF0  }
0xb2: {  	[bflag:$0x0] =	sbarrier.arrive $0xFFFF  }
0xb3: {  	s11 =	sld [smem:$0x7FB];
	_ =	sdelay $0x2  }
0xb4: {  	[hbm:s11], [sflag:s31] =	dma.local [spmem:s9], $0x400  }
0xb5: {  	_ =	swait.ge [sflag:s30], $0x400  }
0xb6: {  	s11 =	sld [smem:$0x7FD];
	_ =	sdelay $0x1  }
0xb7: {  	s8 =	sadd.s32 $0x1, s8  }
0xb8: {  	p2 =	sne.s32 s8, s11  }
.Ltmp1:
0xb9: {  	_ = 	snop;
	(pc) =	sbr.rel @!p2 .LBB2_9-.Ltmp1, $3  }
0xba: {  	_ =	sdelay $0x1  }
0xbb: {  	[sflag:s30] =	ssyncset.done $0x0  }
0xbc: {  	[sflag:s30] =	ssyncadd.s32 $0xFFFFFC00  }
.LBB2_1:
0xbd: {  	s9 =	rddreg [dreg:$0xf]  }
0xbe: {  	s10 =	rddreg [dreg:$0x10];
	s9 =	sshrl.u32 s9, $0x3  }
0xbf: {  	[spmem:s9], [sflag:s31] =	dma.local [hbm:s10], $0x400  }
0xc0: {  	_ =	swait.ge [sflag:s30], $0x400  }
0xc1: {  	[sflag:s30] =	ssyncset.done $0x0  }
0xc2: {  	s11 =	simm.s32 $0x0;
	s10 =	simm.s32 $0x40;
	[sflag:s30] =	ssyncadd.s32 $0xFFFFFC00  }
.LBB2_2:
0xc3: {  	p2 =	sne.s32 s10, $0x1000;
	[tilespmem:s11+$0x8380] =	vst v0;
	s11 =	smov.u32 s10;
	s10 =	sadd.s32 $0x40, s10  }
.Ltmp2:
0xc4: {  	(pc) =	sbr.rel @p2 .LBB2_2-.Ltmp2, $2  }
0xc5: {  	_ =	sdelay $0x2  }
0xc6: {  	s11 =	sshra.s32 s11, $0x2  }
0xc7: {  	[tilespmem:s11+$0x8380] =	vst v0  }
0xc8: {  	[bflag:$0x0] =	sbarrier.arrive $0xFFFF  }
0xc9: {  	s10 =	rddreg [dreg:$0x11]  }
0xca: {  	[tilespmem:s1], [sflag:$0x1] =	stream.linear.gather [hbm4b:s10+s1], $0x4000, $0x38;
	[tilespmem:$0xA800] =	vst v63  }
0xcb: {  	s11 =	rddreg [dreg:$0x4]  }
0xcc: {  	[tilespmem:s24], [sflag:$0x1] =	stream.linear.gather [hbm4b:s11+s1], $0x80, $0x38;
	[tilespmem:$0xA800] =	vst v63  }
0xcd: {  	_ = 	snop  }
0xce: {  	[tilespmem:s0], [sflag:$0x1] =	stream.linear.gather [hbm4b:s11+s1], $0x90, $0x38;
	[tilespmem:$0xA800] =	vst v63  }
0xcf: {  	s11 =	rddreg [dreg:$0x12]  }
0xd0: {  	[tilespmem:s29], [sflag:$0x2] =	stream.linear.gather [hbm4b:s11+s1], $0x4000, $0x38;
	[tilespmem:$0xA800] =	vst v63  }
0xd1: {  	s11 =	rddreg [dreg:$0x5]  }
0xd2: {  	[tilespmem:s2], [sflag:$0x2] =	stream.linear.gather [hbm4b:s11+s1], $0x80, $0x38;
	[tilespmem:$0xA800] =	vst v63  }
0xd3: {  	_ = 	snop  }
0xd4: {  	[tilespmem:s3], [sflag:$0x2] =	stream.linear.gather [hbm4b:s11+s1], $0x90, $0x38;
	[tilespmem:$0xA800] =	vst v63  }
0xd5: {  	_ =	swait.ge [sflag:s4], $0x4000  }
0xd6: {  	[sflag:s4] =	ssyncset.done $0x0  }
0xd7: {  	[sflag:s4] =	ssyncadd.s32 $0xFFFFC000  }
0xd8: {  	_ =	swait.ge [sflag:s4], $0x80  }
0xd9: {  	[sflag:s4] =	ssyncset.done $0x0  }
0xda: {  	[sflag:s4] =	ssyncadd.s32 $0xFFFFFF80  }
0xdb: {  	_ =	swait.ge [sflag:s4], $0x90  }
0xdc: {  	[sflag:s4] =	ssyncset.done $0x0  }
0xdd: {  	[sflag:s4] =	ssyncadd.s32 $0xFFFFFF70  }
0xde: {  	[spmem:s26] =	stream.indirect.scatter.add.f32 [tilespmem:s1], [sflag:$0x3], $0x80, s24, s5, $0xb8;
	[tilespmem:$0xA800] =	vst v63  }
0xdf: {  	_ =	swait.ge [sflag:s30], $0x4000  }
0xe0: {  	[sflag:s30] =	ssyncset.done $0x0  }
0xe1: {  	[sflag:s30] =	ssyncadd.s32 $0xFFFFC000  }
0xe2: {  	v3 =	vld [tilespmem:$0x8180]  }
0xe3: {  	v4 =	vld [tilespmem:$0x8181];
	_ =	sdelay $0x4  }
0xe4: {  	vm2 =	vne.s32 v3, v4  }
0xe5: {  	vm3 =	vmor vm2, vm0  }
0xe6: {  	vm2 =	vmand vm2, vm1;
	_ =	sdelay $0x4  }
0xe7: {  	[tilespmem:v3+s6+$0x0] =	vst.idx.add.f32.msk vm3, v1  }
0xe8: {  	[tilespmem:v4+s6+$0x0] =	vst.idx.add.f32.msk vm2, v2  }
0xe9: {  	v3 =	vld [tilespmem:$0x8190]  }
0xea: {  	v4 =	vld [tilespmem:$0x8191];
	_ =	sdelay $0x4  }
0xeb: {  	vm2 =	vne.s32 v3, v4  }
0xec: {  	vm3 =	vmor vm2, vm0  }
0xed: {  	vm2 =	vmand vm2, vm1;
	_ =	sdelay $0x4  }
0xee: {  	[tilespmem:v3+s6+$0x0] =	vst.idx.add.f32.msk vm3, v1  }
0xef: {  	[tilespmem:v4+s6+$0x0] =	vst.idx.add.f32.msk vm2, v2  }
0xf0: {  	v3 =	vld [tilespmem:$0x81A0]  }
0xf1: {  	v4 =	vld [tilespmem:$0x81A1];
	_ =	sdelay $0x4  }
0xf2: {  	vm2 =	vne.s32 v3, v4  }
0xf3: {  	vm3 =	vmor vm2, vm0  }
0xf4: {  	vm2 =	vmand vm2, vm1;
	_ =	sdelay $0x4  }
0xf5: {  	[tilespmem:v3+s6+$0x0] =	vst.idx.add.f32.msk vm3, v1  }
0xf6: {  	[tilespmem:v4+s6+$0x0] =	vst.idx.add.f32.msk vm2, v2  }
0xf7: {  	v3 =	vld [tilespmem:$0x81B0]  }
0xf8: {  	v4 =	vld [tilespmem:$0x81B1];
	_ =	sdelay $0x4  }
0xf9: {  	vm2 =	vne.s32 v3, v4  }
0xfa: {  	vm3 =	vmor vm2, vm0  }
0xfb: {  	vm2 =	vmand vm2, vm1;
	_ =	sdelay $0x4  }
0xfc: {  	[tilespmem:v3+s6+$0x0] =	vst.idx.add.f32.msk vm3, v1  }
0xfd: {  	[tilespmem:v4+s6+$0x0] =	vst.idx.add.f32.msk vm2, v2  }
0xfe: {  	v3 =	vld [tilespmem:$0x81C0]  }
0xff: {  	v4 =	vld [tilespmem:$0x81C1];
	_ =	sdelay $0x4  }
0x100: {  	vm2 =	vne.s32 v3, v4  }
0x101: {  	vm3 =	vmor vm2, vm0  }
0x102: {  	vm2 =	vmand vm2, vm1;
	_ =	sdelay $0x4  }
0x103: {  	[tilespmem:v3+s6+$0x0] =	vst.idx.add.f32.msk vm3, v1  }
0x104: {  	[tilespmem:v4+s6+$0x0] =	vst.idx.add.f32.msk vm2, v2  }
0x105: {  	v3 =	vld [tilespmem:$0x81D0]  }
0x106: {  	v4 =	vld [tilespmem:$0x81D1];
	_ =	sdelay $0x4  }
0x107: {  	vm2 =	vne.s32 v3, v4  }
0x108: {  	vm3 =	vmor vm2, vm0  }
0x109: {  	vm2 =	vmand vm2, vm1;
	_ =	sdelay $0x4  }
0x10a: {  	[tilespmem:v3+s6+$0x0] =	vst.idx.add.f32.msk vm3, v1  }
0x10b: {  	[tilespmem:v4+s6+$0x0] =	vst.idx.add.f32.msk vm2, v2  }
0x10c: {  	v3 =	vld [tilespmem:$0x81E0]  }
0x10d: {  	v4 =	vld [tilespmem:$0x81E1];
	_ =	sdelay $0x4  }
0x10e: {  	vm2 =	vne.s32 v3, v4  }
0x10f: {  	vm3 =	vmor vm2, vm0  }
0x110: {  	vm2 =	vmand vm2, vm1;
	_ =	sdelay $0x4  }
0x111: {  	[tilespmem:v3+s6+$0x0] =	vst.idx.add.f32.msk vm3, v1  }
0x112: {  	[tilespmem:v4+s6+$0x0] =	vst.idx.add.f32.msk vm2, v2  }
0x113: {  	v3 =	vld [tilespmem:$0x81F0]  }
0x114: {  	v4 =	vld [tilespmem:$0x81F1];
	_ =	sdelay $0x4  }
0x115: {  	vm2 =	vne.s32 v3, v4  }
0x116: {  	vm3 =	vmor vm2, vm0  }
0x117: {  	vm2 =	vmand vm2, vm1;
	_ =	sdelay $0x4  }
0x118: {  	[tilespmem:v3+s6+$0x0] =	vst.idx.add.f32.msk vm3, v1  }
0x119: {  	s11 =	rddreg [dreg:$0x13];
	[tilespmem:v4+s6+$0x0] =	vst.idx.add.f32.msk vm2, v2  }
0x11a: {  	[tilespmem:s1], [sflag:$0x1] =	stream.linear.gather [hbm4b:s11+s1], $0x4000, $0x38;
	[tilespmem:$0xA800] =	vst v63  }
0x11b: {  	s11 =	rddreg [dreg:$0x6]  }
0x11c: {  	[tilespmem:s24], [sflag:$0x1] =	stream.linear.gather [hbm4b:s11+s1], $0x80, $0x38;
	[tilespmem:$0xA800] =	vst v63  }
0x11d: {  	_ = 	snop  }
0x11e: {  	[tilespmem:s0], [sflag:$0x1] =	stream.linear.gather [hbm4b:s11+s1], $0x90, $0x38;
	[tilespmem:$0xA800] =	vst v63  }
0x11f: {  	_ =	swait.ge [sflag:s7], $0x4000  }
0x120: {  	[sflag:s7] =	ssyncset.done $0x0  }
0x121: {  	[sflag:s7] =	ssyncadd.s32 $0xFFFFC000  }
0x122: {  	_ =	swait.ge [sflag:s7], $0x80  }
0x123: {  	[sflag:s7] =	ssyncset.done $0x0  }
0x124: {  	[sflag:s7] =	ssyncadd.s32 $0xFFFFFF80  }
0x125: {  	_ =	swait.ge [sflag:s7], $0x90  }
0x126: {  	[sflag:s7] =	ssyncset.done $0x0  }
0x127: {  	[sflag:s7] =	ssyncadd.s32 $0xFFFFFF70  }
0x128: {  	[spmem:s26] =	stream.indirect.scatter.add.f32 [tilespmem:s29], [sflag:$0x3], $0x80, s2, s5, $0xb8;
	[tilespmem:$0xA800] =	vst v63  }
0x129: {  	_ =	swait.ge [sflag:s30], $0x4000  }
0x12a: {  	[sflag:s30] =	ssyncset.done $0x0  }
0x12b: {  	[sflag:s30] =	ssyncadd.s32 $0xFFFFC000  }
0x12c: {  	v3 =	vld [tilespmem:$0x8280]  }
0x12d: {  	v41 =	vld [tilespmem:$0x8281];
	_ =	sdelay $0x4  }
0x12e: {  	vm2 =	vne.s32 v3, v41  }
0x12f: {  	vm3 =	vmor vm2, vm0  }
0x130: {  	vm2 =	vmand vm2, vm1;
	_ =	sdelay $0x4  }
0x131: {  	[tilespmem:v3+s6+$0x0] =	vst.idx.add.f32.msk vm3, v1  }
0x132: {  	[tilespmem:v41+s6+$0x0] =	vst.idx.add.f32.msk vm2, v2  }
0x133: {  	v3 =	vld [tilespmem:$0x8290]  }
0x134: {  	v4 =	vld [tilespmem:$0x8291];
	_ =	sdelay $0x4  }
0x135: {  	vm2 =	vne.s32 v3, v4  }
0x136: {  	vm3 =	vmor vm2, vm0  }
0x137: {  	vm2 =	vmand vm2, vm1;
	_ =	sdelay $0x4  }
0x138: {  	[tilespmem:v3+s6+$0x0] =	vst.idx.add.f32.msk vm3, v1  }
0x139: {  	[tilespmem:v4+s6+$0x0] =	vst.idx.add.f32.msk vm2, v2  }
0x13a: {  	v3 =	vld [tilespmem:$0x82A0]  }
0x13b: {  	v4 =	vld [tilespmem:$0x82A1];
	_ =	sdelay $0x4  }
0x13c: {  	vm2 =	vne.s32 v3, v4  }
0x13d: {  	vm3 =	vmor vm2, vm0  }
0x13e: {  	vm2 =	vmand vm2, vm1;
	_ =	sdelay $0x4  }
0x13f: {  	[tilespmem:v3+s6+$0x0] =	vst.idx.add.f32.msk vm3, v1  }
0x140: {  	[tilespmem:v4+s6+$0x0] =	vst.idx.add.f32.msk vm2, v2  }
0x141: {  	v3 =	vld [tilespmem:$0x82B0]  }
0x142: {  	v4 =	vld [tilespmem:$0x82B1];
	_ =	sdelay $0x4  }
0x143: {  	vm2 =	vne.s32 v3, v4  }
0x144: {  	vm3 =	vmor vm2, vm0  }
0x145: {  	vm2 =	vmand vm2, vm1;
	_ =	sdelay $0x4  }
0x146: {  	[tilespmem:v3+s6+$0x0] =	vst.idx.add.f32.msk vm3, v1  }
0x147: {  	[tilespmem:v4+s6+$0x0] =	vst.idx.add.f32.msk vm2, v2  }
0x148: {  	v3 =	vld [tilespmem:$0x82C0]  }
0x149: {  	v4 =	vld [tilespmem:$0x82C1];
	_ =	sdelay $0x4  }
0x14a: {  	vm2 =	vne.s32 v3, v4  }
0x14b: {  	vm3 =	vmor vm2, vm0  }
0x14c: {  	vm2 =	vmand vm2, vm1;
	_ =	sdelay $0x4  }
0x14d: {  	[tilespmem:v3+s6+$0x0] =	vst.idx.add.f32.msk vm3, v1  }
0x14e: {  	[tilespmem:v4+s6+$0x0] =	vst.idx.add.f32.msk vm2, v2  }
0x14f: {  	v3 =	vld [tilespmem:$0x82D0]  }
0x150: {  	v4 =	vld [tilespmem:$0x82D1];
	_ =	sdelay $0x4  }
0x151: {  	vm2 =	vne.s32 v3, v4  }
0x152: {  	vm3 =	vmor vm2, vm0  }
0x153: {  	vm2 =	vmand vm2, vm1;
	_ =	sdelay $0x4  }
0x154: {  	[tilespmem:v3+s6+$0x0] =	vst.idx.add.f32.msk vm3, v1  }
0x155: {  	[tilespmem:v4+s6+$0x0] =	vst.idx.add.f32.msk vm2, v2  }
0x156: {  	v3 =	vld [tilespmem:$0x82E0]  }
0x157: {  	v4 =	vld [tilespmem:$0x82E1];
	_ =	sdelay $0x4  }
0x158: {  	vm2 =	vne.s32 v3, v4  }
0x159: {  	vm3 =	vmor vm2, vm0  }
0x15a: {  	vm2 =	vmand vm2, vm1;
	_ =	sdelay $0x4  }
0x15b: {  	[tilespmem:v3+s6+$0x0] =	vst.idx.add.f32.msk vm3, v1  }
0x15c: {  	[tilespmem:v4+s6+$0x0] =	vst.idx.add.f32.msk vm2, v2  }
0x15d: {  	v3 =	vld [tilespmem:$0x82F0]  }
0x15e: {  	v4 =	vld [tilespmem:$0x82F1];
	_ =	sdelay $0x4  }
0x15f: {  	vm2 =	vne.s32 v3, v4  }
0x160: {  	vm3 =	vmor vm2, vm0  }
0x161: {  	vm2 =	vmand vm2, vm1;
	_ =	sdelay $0x4  }
0x162: {  	[tilespmem:v3+s6+$0x0] =	vst.idx.add.f32.msk vm3, v1  }
0x163: {  	s11 =	rddreg [dreg:$0x14];
	[tilespmem:v4+s6+$0x0] =	vst.idx.add.f32.msk vm2, v2  }
0x164: {  	[tilespmem:s29], [sflag:$0x2] =	stream.linear.gather [hbm4b:s11+s1], $0x4000, $0x38;
	[tilespmem:$0xA800] =	vst v63  }
0x165: {  	s11 =	rddreg [dreg:$0x7]  }
0x166: {  	[tilespmem:s2], [sflag:$0x2] =	stream.linear.gather [hbm4b:s11+s1], $0x80, $0x38;
	[tilespmem:$0xA800] =	vst v63  }
0x167: {  	_ = 	snop  }
0x168: {  	[tilespmem:s3], [sflag:$0x2] =	stream.linear.gather [hbm4b:s11+s1], $0x90, $0x38;
	[tilespmem:$0xA800] =	vst v63  }
0x169: {  	_ =	swait.ge [sflag:s4], $0x4000  }
0x16a: {  	[sflag:s4] =	ssyncset.done $0x0  }
0x16b: {  	[sflag:s4] =	ssyncadd.s32 $0xFFFFC000  }
0x16c: {  	_ =	swait.ge [sflag:s4], $0x80  }
0x16d: {  	[sflag:s4] =	ssyncset.done $0x0  }
0x16e: {  	[sflag:s4] =	ssyncadd.s32 $0xFFFFFF80  }
0x16f: {  	_ =	swait.ge [sflag:s4], $0x90  }
0x170: {  	[sflag:s4] =	ssyncset.done $0x0  }
0x171: {  	[sflag:s4] =	ssyncadd.s32 $0xFFFFFF70  }
0x172: {  	[spmem:s26] =	stream.indirect.scatter.add.f32 [tilespmem:s1], [sflag:$0x3], $0x80, s24, s5, $0xb8;
	[tilespmem:$0xA800] =	vst v63  }
0x173: {  	_ =	swait.ge [sflag:s30], $0x4000  }
0x174: {  	[sflag:s30] =	ssyncset.done $0x0  }
0x175: {  	[sflag:s30] =	ssyncadd.s32 $0xFFFFC000  }
0x176: {  	v3 =	vld [tilespmem:$0x8180]  }
0x177: {  	v42 =	vld [tilespmem:$0x8181];
	_ =	sdelay $0x4  }
0x178: {  	vm2 =	vne.s32 v3, v42  }
0x179: {  	vm3 =	vmor vm2, vm0  }
0x17a: {  	vm2 =	vmand vm2, vm1;
	_ =	sdelay $0x4  }
0x17b: {  	[tilespmem:v3+s6+$0x0] =	vst.idx.add.f32.msk vm3, v1  }
0x17c: {  	[tilespmem:v42+s6+$0x0] =	vst.idx.add.f32.msk vm2, v2  }
0x17d: {  	v3 =	vld [tilespmem:$0x8190]  }
0x17e: {  	v4 =	vld [tilespmem:$0x8191];
	_ =	sdelay $0x4  }
0x17f: {  	vm2 =	vne.s32 v3, v4  }
0x180: {  	vm3 =	vmor vm2, vm0  }
0x181: {  	vm2 =	vmand vm2, vm1;
	_ =	sdelay $0x4  }
0x182: {  	[tilespmem:v3+s6+$0x0] =	vst.idx.add.f32.msk vm3, v1  }
0x183: {  	[tilespmem:v4+s6+$0x0] =	vst.idx.add.f32.msk vm2, v2  }
0x184: {  	v3 =	vld [tilespmem:$0x81A0]  }
0x185: {  	v4 =	vld [tilespmem:$0x81A1];
	_ =	sdelay $0x4  }
0x186: {  	vm2 =	vne.s32 v3, v4  }
0x187: {  	vm3 =	vmor vm2, vm0  }
0x188: {  	vm2 =	vmand vm2, vm1;
	_ =	sdelay $0x4  }
0x189: {  	[tilespmem:v3+s6+$0x0] =	vst.idx.add.f32.msk vm3, v1  }
0x18a: {  	[tilespmem:v4+s6+$0x0] =	vst.idx.add.f32.msk vm2, v2  }
0x18b: {  	v3 =	vld [tilespmem:$0x81B0]  }
0x18c: {  	v4 =	vld [tilespmem:$0x81B1];
	_ =	sdelay $0x4  }
0x18d: {  	vm2 =	vne.s32 v3, v4  }
0x18e: {  	vm3 =	vmor vm2, vm0  }
0x18f: {  	vm2 =	vmand vm2, vm1;
	_ =	sdelay $0x4  }
0x190: {  	[tilespmem:v3+s6+$0x0] =	vst.idx.add.f32.msk vm3, v1  }
0x191: {  	[tilespmem:v4+s6+$0x0] =	vst.idx.add.f32.msk vm2, v2  }
0x192: {  	v3 =	vld [tilespmem:$0x81C0]  }
0x193: {  	v4 =	vld [tilespmem:$0x81C1];
	_ =	sdelay $0x4  }
0x194: {  	vm2 =	vne.s32 v3, v4  }
0x195: {  	vm3 =	vmor vm2, vm0  }
0x196: {  	vm2 =	vmand vm2, vm1;
	_ =	sdelay $0x4  }
0x197: {  	[tilespmem:v3+s6+$0x0] =	vst.idx.add.f32.msk vm3, v1  }
0x198: {  	[tilespmem:v4+s6+$0x0] =	vst.idx.add.f32.msk vm2, v2  }
0x199: {  	v3 =	vld [tilespmem:$0x81D0]  }
0x19a: {  	v4 =	vld [tilespmem:$0x81D1];
	_ =	sdelay $0x4  }
0x19b: {  	vm2 =	vne.s32 v3, v4  }
0x19c: {  	vm3 =	vmor vm2, vm0  }
0x19d: {  	vm2 =	vmand vm2, vm1;
	_ =	sdelay $0x4  }
0x19e: {  	[tilespmem:v3+s6+$0x0] =	vst.idx.add.f32.msk vm3, v1  }
0x19f: {  	[tilespmem:v4+s6+$0x0] =	vst.idx.add.f32.msk vm2, v2  }
0x1a0: {  	v3 =	vld [tilespmem:$0x81E0]  }
0x1a1: {  	v4 =	vld [tilespmem:$0x81E1];
	_ =	sdelay $0x4  }
0x1a2: {  	vm2 =	vne.s32 v3, v4  }
0x1a3: {  	vm3 =	vmor vm2, vm0  }
0x1a4: {  	vm2 =	vmand vm2, vm1;
	_ =	sdelay $0x4  }
0x1a5: {  	[tilespmem:v3+s6+$0x0] =	vst.idx.add.f32.msk vm3, v1  }
0x1a6: {  	[tilespmem:v4+s6+$0x0] =	vst.idx.add.f32.msk vm2, v2  }
0x1a7: {  	v3 =	vld [tilespmem:$0x81F0]  }
0x1a8: {  	v4 =	vld [tilespmem:$0x81F1];
	_ =	sdelay $0x4  }
0x1a9: {  	vm2 =	vne.s32 v3, v4  }
0x1aa: {  	vm3 =	vmor vm2, vm0  }
0x1ab: {  	vm2 =	vmand vm2, vm1;
	_ =	sdelay $0x4  }
0x1ac: {  	[tilespmem:v3+s6+$0x0] =	vst.idx.add.f32.msk vm3, v1  }
0x1ad: {  	s11 =	rddreg [dreg:$0x15];
	[tilespmem:v4+s6+$0x0] =	vst.idx.add.f32.msk vm2, v2  }
0x1ae: {  	[tilespmem:s1], [sflag:$0x1] =	stream.linear.gather [hbm4b:s11+s1], $0x4000, $0x38;
	[tilespmem:$0xA800] =	vst v63  }
0x1af: {  	s11 =	rddreg [dreg:$0x8]  }
0x1b0: {  	[tilespmem:s24], [sflag:$0x1] =	stream.linear.gather [hbm4b:s11+s1], $0x80, $0x38;
	[tilespmem:$0xA800] =	vst v63  }
0x1b1: {  	_ = 	snop  }
0x1b2: {  	[tilespmem:s0], [sflag:$0x1] =	stream.linear.gather [hbm4b:s11+s1], $0x90, $0x38;
	[tilespmem:$0xA800] =	vst v63  }
0x1b3: {  	_ =	swait.ge [sflag:s7], $0x4000  }
0x1b4: {  	[sflag:s7] =	ssyncset.done $0x0  }
0x1b5: {  	[sflag:s7] =	ssyncadd.s32 $0xFFFFC000  }
0x1b6: {  	_ =	swait.ge [sflag:s7], $0x80  }
0x1b7: {  	[sflag:s7] =	ssyncset.done $0x0  }
0x1b8: {  	[sflag:s7] =	ssyncadd.s32 $0xFFFFFF80  }
0x1b9: {  	_ =	swait.ge [sflag:s7], $0x90  }
0x1ba: {  	[sflag:s7] =	ssyncset.done $0x0  }
0x1bb: {  	[sflag:s7] =	ssyncadd.s32 $0xFFFFFF70  }
0x1bc: {  	[spmem:s26] =	stream.indirect.scatter.add.f32 [tilespmem:s29], [sflag:$0x3], $0x80, s2, s5, $0xb8;
	[tilespmem:$0xA800] =	vst v63  }
0x1bd: {  	_ =	swait.ge [sflag:s30], $0x4000  }
0x1be: {  	[sflag:s30] =	ssyncset.done $0x0  }
0x1bf: {  	[sflag:s30] =	ssyncadd.s32 $0xFFFFC000  }
0x1c0: {  	v3 =	vld [tilespmem:$0x8280]  }
0x1c1: {  	v43 =	vld [tilespmem:$0x8281];
	_ =	sdelay $0x4  }
0x1c2: {  	vm2 =	vne.s32 v3, v43  }
0x1c3: {  	vm3 =	vmor vm2, vm0  }
0x1c4: {  	vm2 =	vmand vm2, vm1;
	_ =	sdelay $0x4  }
0x1c5: {  	[tilespmem:v3+s6+$0x0] =	vst.idx.add.f32.msk vm3, v1  }
0x1c6: {  	[tilespmem:v43+s6+$0x0] =	vst.idx.add.f32.msk vm2, v2  }
0x1c7: {  	v3 =	vld [tilespmem:$0x8290]  }
0x1c8: {  	v4 =	vld [tilespmem:$0x8291];
	_ =	sdelay $0x4  }
0x1c9: {  	vm2 =	vne.s32 v3, v4  }
0x1ca: {  	vm3 =	vmor vm2, vm0  }
0x1cb: {  	vm2 =	vmand vm2, vm1;
	_ =	sdelay $0x4  }
0x1cc: {  	[tilespmem:v3+s6+$0x0] =	vst.idx.add.f32.msk vm3, v1  }
0x1cd: {  	[tilespmem:v4+s6+$0x0] =	vst.idx.add.f32.msk vm2, v2  }
0x1ce: {  	v3 =	vld [tilespmem:$0x82A0]  }
0x1cf: {  	v4 =	vld [tilespmem:$0x82A1];
	_ =	sdelay $0x4  }
0x1d0: {  	vm2 =	vne.s32 v3, v4  }
0x1d1: {  	vm3 =	vmor vm2, vm0  }
0x1d2: {  	vm2 =	vmand vm2, vm1;
	_ =	sdelay $0x4  }
0x1d3: {  	[tilespmem:v3+s6+$0x0] =	vst.idx.add.f32.msk vm3, v1  }
0x1d4: {  	[tilespmem:v4+s6+$0x0] =	vst.idx.add.f32.msk vm2, v2  }
0x1d5: {  	v3 =	vld [tilespmem:$0x82B0]  }
0x1d6: {  	v4 =	vld [tilespmem:$0x82B1];
	_ =	sdelay $0x4  }
0x1d7: {  	vm2 =	vne.s32 v3, v4  }
0x1d8: {  	vm3 =	vmor vm2, vm0  }
0x1d9: {  	vm2 =	vmand vm2, vm1;
	_ =	sdelay $0x4  }
0x1da: {  	[tilespmem:v3+s6+$0x0] =	vst.idx.add.f32.msk vm3, v1  }
0x1db: {  	[tilespmem:v4+s6+$0x0] =	vst.idx.add.f32.msk vm2, v2  }
0x1dc: {  	v3 =	vld [tilespmem:$0x82C0]  }
0x1dd: {  	v4 =	vld [tilespmem:$0x82C1];
	_ =	sdelay $0x4  }
0x1de: {  	vm2 =	vne.s32 v3, v4  }
0x1df: {  	vm3 =	vmor vm2, vm0  }
0x1e0: {  	vm2 =	vmand vm2, vm1;
	_ =	sdelay $0x4  }
0x1e1: {  	[tilespmem:v3+s6+$0x0] =	vst.idx.add.f32.msk vm3, v1  }
0x1e2: {  	[tilespmem:v4+s6+$0x0] =	vst.idx.add.f32.msk vm2, v2  }
0x1e3: {  	v3 =	vld [tilespmem:$0x82D0]  }
0x1e4: {  	v4 =	vld [tilespmem:$0x82D1];
	_ =	sdelay $0x4  }
0x1e5: {  	vm2 =	vne.s32 v3, v4  }
0x1e6: {  	vm3 =	vmor vm2, vm0  }
0x1e7: {  	vm2 =	vmand vm2, vm1;
	_ =	sdelay $0x4  }
0x1e8: {  	[tilespmem:v3+s6+$0x0] =	vst.idx.add.f32.msk vm3, v1  }
0x1e9: {  	[tilespmem:v4+s6+$0x0] =	vst.idx.add.f32.msk vm2, v2  }
0x1ea: {  	v3 =	vld [tilespmem:$0x82E0]  }
0x1eb: {  	v4 =	vld [tilespmem:$0x82E1];
	_ =	sdelay $0x4  }
0x1ec: {  	vm2 =	vne.s32 v3, v4  }
0x1ed: {  	vm3 =	vmor vm2, vm0  }
0x1ee: {  	vm2 =	vmand vm2, vm1;
	_ =	sdelay $0x4  }
0x1ef: {  	[tilespmem:v3+s6+$0x0] =	vst.idx.add.f32.msk vm3, v1  }
0x1f0: {  	[tilespmem:v4+s6+$0x0] =	vst.idx.add.f32.msk vm2, v2  }
0x1f1: {  	v3 =	vld [tilespmem:$0x82F0]  }
0x1f2: {  	v4 =	vld [tilespmem:$0x82F1];
	_ =	sdelay $0x4  }
0x1f3: {  	vm2 =	vne.s32 v3, v4  }
0x1f4: {  	vm3 =	vmor vm2, vm0  }
0x1f5: {  	vm2 =	vmand vm2, vm1;
	_ =	sdelay $0x4  }
0x1f6: {  	[tilespmem:v3+s6+$0x0] =	vst.idx.add.f32.msk vm3, v1  }
0x1f7: {  	s11 =	rddreg [dreg:$0x16];
	[tilespmem:v4+s6+$0x0] =	vst.idx.add.f32.msk vm2, v2  }
0x1f8: {  	[tilespmem:s29], [sflag:$0x2] =	stream.linear.gather [hbm4b:s11+s1], $0x4000, $0x38;
	[tilespmem:$0xA800] =	vst v63  }
0x1f9: {  	s11 =	rddreg [dreg:$0x9]  }
0x1fa: {  	[tilespmem:s2], [sflag:$0x2] =	stream.linear.gather [hbm4b:s11+s1], $0x80, $0x38;
	[tilespmem:$0xA800] =	vst v63  }
0x1fb: {  	_ = 	snop  }
0x1fc: {  	[tilespmem:s3], [sflag:$0x2] =	stream.linear.gather [hbm4b:s11+s1], $0x90, $0x38;
	[tilespmem:$0xA800] =	vst v63  }
0x1fd: {  	_ =	swait.ge [sflag:s4], $0x4000  }
0x1fe: {  	[sflag:s4] =	ssyncset.done $0x0  }
0x1ff: {  	[sflag:s4] =	ssyncadd.s32 $0xFFFFC000  }
0x200: {  	_ =	swait.ge [sflag:s4], $0x80  }
0x201: {  	[sflag:s4] =	ssyncset.done $0x0  }
0x202: {  	[sflag:s4] =	ssyncadd.s32 $0xFFFFFF80  }
0x203: {  	_ =	swait.ge [sflag:s4], $0x90  }
0x204: {  	[sflag:s4] =	ssyncset.done $0x0  }
0x205: {  	[sflag:s4] =	ssyncadd.s32 $0xFFFFFF70  }
0x206: {  	[spmem:s26] =	stream.indirect.scatter.add.f32 [tilespmem:s1], [sflag:$0x3], $0x80, s24, s5, $0xb8;
	[tilespmem:$0xA800] =	vst v63  }
0x207: {  	_ =	swait.ge [sflag:s30], $0x4000  }
0x208: {  	[sflag:s30] =	ssyncset.done $0x0  }
0x209: {  	[sflag:s30] =	ssyncadd.s32 $0xFFFFC000  }
0x20a: {  	v3 =	vld [tilespmem:$0x8180]  }
0x20b: {  	v44 =	vld [tilespmem:$0x8181];
	_ =	sdelay $0x4  }
0x20c: {  	vm2 =	vne.s32 v3, v44  }
0x20d: {  	vm3 =	vmor vm2, vm0  }
0x20e: {  	vm2 =	vmand vm2, vm1;
	_ =	sdelay $0x4  }
0x20f: {  	[tilespmem:v3+s6+$0x0] =	vst.idx.add.f32.msk vm3, v1  }
0x210: {  	[tilespmem:v44+s6+$0x0] =	vst.idx.add.f32.msk vm2, v2  }
0x211: {  	v3 =	vld [tilespmem:$0x8190]  }
0x212: {  	v4 =	vld [tilespmem:$0x8191];
	_ =	sdelay $0x4  }
0x213: {  	vm2 =	vne.s32 v3, v4  }
0x214: {  	vm3 =	vmor vm2, vm0  }
0x215: {  	vm2 =	vmand vm2, vm1;
	_ =	sdelay $0x4  }
0x216: {  	[tilespmem:v3+s6+$0x0] =	vst.idx.add.f32.msk vm3, v1  }
0x217: {  	[tilespmem:v4+s6+$0x0] =	vst.idx.add.f32.msk vm2, v2  }
0x218: {  	v3 =	vld [tilespmem:$0x81A0]  }
0x219: {  	v4 =	vld [tilespmem:$0x81A1];
	_ =	sdelay $0x4  }
0x21a: {  	vm2 =	vne.s32 v3, v4  }
0x21b: {  	vm3 =	vmor vm2, vm0  }
0x21c: {  	vm2 =	vmand vm2, vm1;
	_ =	sdelay $0x4  }
0x21d: {  	[tilespmem:v3+s6+$0x0] =	vst.idx.add.f32.msk vm3, v1  }
0x21e: {  	[tilespmem:v4+s6+$0x0] =	vst.idx.add.f32.msk vm2, v2  }
0x21f: {  	v3 =	vld [tilespmem:$0x81B0]  }
0x220: {  	v4 =	vld [tilespmem:$0x81B1];
	_ =	sdelay $0x4  }
0x221: {  	vm2 =	vne.s32 v3, v4  }
0x222: {  	vm3 =	vmor vm2, vm0  }
0x223: {  	vm2 =	vmand vm2, vm1;
	_ =	sdelay $0x4  }
0x224: {  	[tilespmem:v3+s6+$0x0] =	vst.idx.add.f32.msk vm3, v1  }
0x225: {  	[tilespmem:v4+s6+$0x0] =	vst.idx.add.f32.msk vm2, v2  }
0x226: {  	v3 =	vld [tilespmem:$0x81C0]  }
0x227: {  	v4 =	vld [tilespmem:$0x81C1];
	_ =	sdelay $0x4  }
0x228: {  	vm2 =	vne.s32 v3, v4  }
0x229: {  	vm3 =	vmor vm2, vm0  }
0x22a: {  	vm2 =	vmand vm2, vm1;
	_ =	sdelay $0x4  }
0x22b: {  	[tilespmem:v3+s6+$0x0] =	vst.idx.add.f32.msk vm3, v1  }
0x22c: {  	[tilespmem:v4+s6+$0x0] =	vst.idx.add.f32.msk vm2, v2  }
0x22d: {  	v3 =	vld [tilespmem:$0x81D0]  }
0x22e: {  	v4 =	vld [tilespmem:$0x81D1];
	_ =	sdelay $0x4  }
0x22f: {  	vm2 =	vne.s32 v3, v4  }
0x230: {  	vm3 =	vmor vm2, vm0  }
0x231: {  	vm2 =	vmand vm2, vm1;
	_ =	sdelay $0x4  }
0x232: {  	[tilespmem:v3+s6+$0x0] =	vst.idx.add.f32.msk vm3, v1  }
0x233: {  	[tilespmem:v4+s6+$0x0] =	vst.idx.add.f32.msk vm2, v2  }
0x234: {  	v3 =	vld [tilespmem:$0x81E0]  }
0x235: {  	v4 =	vld [tilespmem:$0x81E1];
	_ =	sdelay $0x4  }
0x236: {  	vm2 =	vne.s32 v3, v4  }
0x237: {  	vm3 =	vmor vm2, vm0  }
0x238: {  	vm2 =	vmand vm2, vm1;
	_ =	sdelay $0x4  }
0x239: {  	[tilespmem:v3+s6+$0x0] =	vst.idx.add.f32.msk vm3, v1  }
0x23a: {  	[tilespmem:v4+s6+$0x0] =	vst.idx.add.f32.msk vm2, v2  }
0x23b: {  	v3 =	vld [tilespmem:$0x81F0]  }
0x23c: {  	v4 =	vld [tilespmem:$0x81F1];
	_ =	sdelay $0x4  }
0x23d: {  	vm2 =	vne.s32 v3, v4  }
0x23e: {  	vm3 =	vmor vm2, vm0  }
0x23f: {  	vm2 =	vmand vm2, vm1;
	_ =	sdelay $0x4  }
0x240: {  	[tilespmem:v3+s6+$0x0] =	vst.idx.add.f32.msk vm3, v1  }
0x241: {  	s11 =	rddreg [dreg:$0x17];
	[tilespmem:v4+s6+$0x0] =	vst.idx.add.f32.msk vm2, v2  }
0x242: {  	[tilespmem:s1], [sflag:$0x1] =	stream.linear.gather [hbm4b:s11+s1], $0x4000, $0x38;
	[tilespmem:$0xA800] =	vst v63  }
0x243: {  	s11 =	rddreg [dreg:$0xa]  }
0x244: {  	[tilespmem:s24], [sflag:$0x1] =	stream.linear.gather [hbm4b:s11+s1], $0x80, $0x38;
	[tilespmem:$0xA800] =	vst v63  }
0x245: {  	_ = 	snop  }
0x246: {  	[tilespmem:s0], [sflag:$0x1] =	stream.linear.gather [hbm4b:s11+s1], $0x90, $0x38;
	[tilespmem:$0xA800] =	vst v63  }
0x247: {  	_ =	swait.ge [sflag:s7], $0x4000  }
0x248: {  	[sflag:s7] =	ssyncset.done $0x0  }
0x249: {  	[sflag:s7] =	ssyncadd.s32 $0xFFFFC000  }
0x24a: {  	_ =	swait.ge [sflag:s7], $0x80  }
0x24b: {  	[sflag:s7] =	ssyncset.done $0x0  }
0x24c: {  	[sflag:s7] =	ssyncadd.s32 $0xFFFFFF80  }
0x24d: {  	_ =	swait.ge [sflag:s7], $0x90  }
0x24e: {  	[sflag:s7] =	ssyncset.done $0x0  }
0x24f: {  	[sflag:s7] =	ssyncadd.s32 $0xFFFFFF70  }
0x250: {  	[spmem:s26] =	stream.indirect.scatter.add.f32 [tilespmem:s29], [sflag:$0x3], $0x80, s2, s5, $0xb8;
	[tilespmem:$0xA800] =	vst v63  }
0x251: {  	_ =	swait.ge [sflag:s30], $0x4000  }
0x252: {  	[sflag:s30] =	ssyncset.done $0x0  }
0x253: {  	[sflag:s30] =	ssyncadd.s32 $0xFFFFC000  }
0x254: {  	v3 =	vld [tilespmem:$0x8280]  }
0x255: {  	v45 =	vld [tilespmem:$0x8281];
	_ =	sdelay $0x4  }
0x256: {  	vm2 =	vne.s32 v3, v45  }
0x257: {  	vm3 =	vmor vm2, vm0  }
0x258: {  	vm2 =	vmand vm2, vm1;
	_ =	sdelay $0x4  }
0x259: {  	[tilespmem:v3+s6+$0x0] =	vst.idx.add.f32.msk vm3, v1  }
0x25a: {  	[tilespmem:v45+s6+$0x0] =	vst.idx.add.f32.msk vm2, v2  }
0x25b: {  	v3 =	vld [tilespmem:$0x8290]  }
0x25c: {  	v4 =	vld [tilespmem:$0x8291];
	_ =	sdelay $0x4  }
0x25d: {  	vm2 =	vne.s32 v3, v4  }
0x25e: {  	vm3 =	vmor vm2, vm0  }
0x25f: {  	vm2 =	vmand vm2, vm1;
	_ =	sdelay $0x4  }
0x260: {  	[tilespmem:v3+s6+$0x0] =	vst.idx.add.f32.msk vm3, v1  }
0x261: {  	[tilespmem:v4+s6+$0x0] =	vst.idx.add.f32.msk vm2, v2  }
0x262: {  	v3 =	vld [tilespmem:$0x82A0]  }
0x263: {  	v4 =	vld [tilespmem:$0x82A1];
	_ =	sdelay $0x4  }
0x264: {  	vm2 =	vne.s32 v3, v4  }
0x265: {  	vm3 =	vmor vm2, vm0  }
0x266: {  	vm2 =	vmand vm2, vm1;
	_ =	sdelay $0x4  }
0x267: {  	[tilespmem:v3+s6+$0x0] =	vst.idx.add.f32.msk vm3, v1  }
0x268: {  	[tilespmem:v4+s6+$0x0] =	vst.idx.add.f32.msk vm2, v2  }
0x269: {  	v3 =	vld [tilespmem:$0x82B0]  }
0x26a: {  	v4 =	vld [tilespmem:$0x82B1];
	_ =	sdelay $0x4  }
0x26b: {  	vm2 =	vne.s32 v3, v4  }
0x26c: {  	vm3 =	vmor vm2, vm0  }
0x26d: {  	vm2 =	vmand vm2, vm1;
	_ =	sdelay $0x4  }
0x26e: {  	[tilespmem:v3+s6+$0x0] =	vst.idx.add.f32.msk vm3, v1  }
0x26f: {  	[tilespmem:v4+s6+$0x0] =	vst.idx.add.f32.msk vm2, v2  }
0x270: {  	v3 =	vld [tilespmem:$0x82C0]  }
0x271: {  	v4 =	vld [tilespmem:$0x82C1];
	_ =	sdelay $0x4  }
0x272: {  	vm2 =	vne.s32 v3, v4  }
0x273: {  	vm3 =	vmor vm2, vm0  }
0x274: {  	vm2 =	vmand vm2, vm1;
	_ =	sdelay $0x4  }
0x275: {  	[tilespmem:v3+s6+$0x0] =	vst.idx.add.f32.msk vm3, v1  }
0x276: {  	[tilespmem:v4+s6+$0x0] =	vst.idx.add.f32.msk vm2, v2  }
0x277: {  	v3 =	vld [tilespmem:$0x82D0]  }
0x278: {  	v4 =	vld [tilespmem:$0x82D1];
	_ =	sdelay $0x4  }
0x279: {  	vm2 =	vne.s32 v3, v4  }
0x27a: {  	vm3 =	vmor vm2, vm0  }
0x27b: {  	vm2 =	vmand vm2, vm1;
	_ =	sdelay $0x4  }
0x27c: {  	[tilespmem:v3+s6+$0x0] =	vst.idx.add.f32.msk vm3, v1  }
0x27d: {  	[tilespmem:v4+s6+$0x0] =	vst.idx.add.f32.msk vm2, v2  }
0x27e: {  	v3 =	vld [tilespmem:$0x82E0]  }
0x27f: {  	v4 =	vld [tilespmem:$0x82E1];
	_ =	sdelay $0x4  }
0x280: {  	vm2 =	vne.s32 v3, v4  }
0x281: {  	vm3 =	vmor vm2, vm0  }
0x282: {  	vm2 =	vmand vm2, vm1;
	_ =	sdelay $0x4  }
0x283: {  	[tilespmem:v3+s6+$0x0] =	vst.idx.add.f32.msk vm3, v1  }
0x284: {  	[tilespmem:v4+s6+$0x0] =	vst.idx.add.f32.msk vm2, v2  }
0x285: {  	v3 =	vld [tilespmem:$0x82F0]  }
0x286: {  	v4 =	vld [tilespmem:$0x82F1];
	_ =	sdelay $0x4  }
0x287: {  	vm2 =	vne.s32 v3, v4  }
0x288: {  	vm3 =	vmor vm2, vm0  }
0x289: {  	vm2 =	vmand vm2, vm1;
	_ =	sdelay $0x4  }
0x28a: {  	[tilespmem:v3+s6+$0x0] =	vst.idx.add.f32.msk vm3, v1  }
0x28b: {  	s11 =	rddreg [dreg:$0x18];
	[tilespmem:v4+s6+$0x0] =	vst.idx.add.f32.msk vm2, v2  }
0x28c: {  	[tilespmem:s29], [sflag:$0x2] =	stream.linear.gather [hbm4b:s11+s1], $0x4000, $0x38;
	[tilespmem:$0xA800] =	vst v63  }
0x28d: {  	s11 =	rddreg [dreg:$0xb]  }
0x28e: {  	[tilespmem:s2], [sflag:$0x2] =	stream.linear.gather [hbm4b:s11+s1], $0x80, $0x38;
	[tilespmem:$0xA800] =	vst v63  }
0x28f: {  	_ = 	snop  }
0x290: {  	[tilespmem:s3], [sflag:$0x2] =	stream.linear.gather [hbm4b:s11+s1], $0x90, $0x38;
	[tilespmem:$0xA800] =	vst v63  }
0x291: {  	_ =	swait.ge [sflag:s4], $0x4000  }
0x292: {  	[sflag:s4] =	ssyncset.done $0x0  }
0x293: {  	[sflag:s4] =	ssyncadd.s32 $0xFFFFC000  }
0x294: {  	_ =	swait.ge [sflag:s4], $0x80  }
0x295: {  	[sflag:s4] =	ssyncset.done $0x0  }
0x296: {  	[sflag:s4] =	ssyncadd.s32 $0xFFFFFF80  }
0x297: {  	_ =	swait.ge [sflag:s4], $0x90  }
0x298: {  	[sflag:s4] =	ssyncset.done $0x0  }
0x299: {  	[sflag:s4] =	ssyncadd.s32 $0xFFFFFF70  }
0x29a: {  	[spmem:s26] =	stream.indirect.scatter.add.f32 [tilespmem:s1], [sflag:$0x3], $0x80, s24, s5, $0xb8;
	[tilespmem:$0xA800] =	vst v63  }
0x29b: {  	_ =	swait.ge [sflag:s30], $0x4000  }
0x29c: {  	[sflag:s30] =	ssyncset.done $0x0  }
0x29d: {  	[sflag:s30] =	ssyncadd.s32 $0xFFFFC000  }
0x29e: {  	v3 =	vld [tilespmem:$0x8180]  }
0x29f: {  	v46 =	vld [tilespmem:$0x8181];
	_ =	sdelay $0x4  }
0x2a0: {  	vm2 =	vne.s32 v3, v46  }
0x2a1: {  	vm3 =	vmor vm2, vm0  }
0x2a2: {  	vm2 =	vmand vm2, vm1;
	_ =	sdelay $0x4  }
0x2a3: {  	[tilespmem:v3+s6+$0x0] =	vst.idx.add.f32.msk vm3, v1  }
0x2a4: {  	[tilespmem:v46+s6+$0x0] =	vst.idx.add.f32.msk vm2, v2  }
0x2a5: {  	v3 =	vld [tilespmem:$0x8190]  }
0x2a6: {  	v4 =	vld [tilespmem:$0x8191];
	_ =	sdelay $0x4  }
0x2a7: {  	vm2 =	vne.s32 v3, v4  }
0x2a8: {  	vm3 =	vmor vm2, vm0  }
0x2a9: {  	vm2 =	vmand vm2, vm1;
	_ =	sdelay $0x4  }
0x2aa: {  	[tilespmem:v3+s6+$0x0] =	vst.idx.add.f32.msk vm3, v1  }
0x2ab: {  	[tilespmem:v4+s6+$0x0] =	vst.idx.add.f32.msk vm2, v2  }
0x2ac: {  	v3 =	vld [tilespmem:$0x81A0]  }
0x2ad: {  	v4 =	vld [tilespmem:$0x81A1];
	_ =	sdelay $0x4  }
0x2ae: {  	vm2 =	vne.s32 v3, v4  }
0x2af: {  	vm3 =	vmor vm2, vm0  }
0x2b0: {  	vm2 =	vmand vm2, vm1;
	_ =	sdelay $0x4  }
0x2b1: {  	[tilespmem:v3+s6+$0x0] =	vst.idx.add.f32.msk vm3, v1  }
0x2b2: {  	[tilespmem:v4+s6+$0x0] =	vst.idx.add.f32.msk vm2, v2  }
0x2b3: {  	v3 =	vld [tilespmem:$0x81B0]  }
0x2b4: {  	v4 =	vld [tilespmem:$0x81B1];
	_ =	sdelay $0x4  }
0x2b5: {  	vm2 =	vne.s32 v3, v4  }
0x2b6: {  	vm3 =	vmor vm2, vm0  }
0x2b7: {  	vm2 =	vmand vm2, vm1;
	_ =	sdelay $0x4  }
0x2b8: {  	[tilespmem:v3+s6+$0x0] =	vst.idx.add.f32.msk vm3, v1  }
0x2b9: {  	[tilespmem:v4+s6+$0x0] =	vst.idx.add.f32.msk vm2, v2  }
0x2ba: {  	v3 =	vld [tilespmem:$0x81C0]  }
0x2bb: {  	v4 =	vld [tilespmem:$0x81C1];
	_ =	sdelay $0x4  }
0x2bc: {  	vm2 =	vne.s32 v3, v4  }
0x2bd: {  	vm3 =	vmor vm2, vm0  }
0x2be: {  	vm2 =	vmand vm2, vm1;
	_ =	sdelay $0x4  }
0x2bf: {  	[tilespmem:v3+s6+$0x0] =	vst.idx.add.f32.msk vm3, v1  }
0x2c0: {  	[tilespmem:v4+s6+$0x0] =	vst.idx.add.f32.msk vm2, v2  }
0x2c1: {  	v3 =	vld [tilespmem:$0x81D0]  }
0x2c2: {  	v4 =	vld [tilespmem:$0x81D1];
	_ =	sdelay $0x4  }
0x2c3: {  	vm2 =	vne.s32 v3, v4  }
0x2c4: {  	vm3 =	vmor vm2, vm0  }
0x2c5: {  	vm2 =	vmand vm2, vm1;
	_ =	sdelay $0x4  }
0x2c6: {  	[tilespmem:v3+s6+$0x0] =	vst.idx.add.f32.msk vm3, v1  }
0x2c7: {  	[tilespmem:v4+s6+$0x0] =	vst.idx.add.f32.msk vm2, v2  }
0x2c8: {  	v3 =	vld [tilespmem:$0x81E0]  }
0x2c9: {  	v4 =	vld [tilespmem:$0x81E1];
	_ =	sdelay $0x4  }
0x2ca: {  	vm2 =	vne.s32 v3, v4  }
0x2cb: {  	vm3 =	vmor vm2, vm0  }
0x2cc: {  	vm2 =	vmand vm2, vm1;
	_ =	sdelay $0x4  }
0x2cd: {  	[tilespmem:v3+s6+$0x0] =	vst.idx.add.f32.msk vm3, v1  }
0x2ce: {  	[tilespmem:v4+s6+$0x0] =	vst.idx.add.f32.msk vm2, v2  }
0x2cf: {  	v3 =	vld [tilespmem:$0x81F0]  }
0x2d0: {  	v4 =	vld [tilespmem:$0x81F1];
	_ =	sdelay $0x4  }
0x2d1: {  	vm2 =	vne.s32 v3, v4  }
0x2d2: {  	vm3 =	vmor vm2, vm0  }
0x2d3: {  	vm2 =	vmand vm2, vm1;
	_ =	sdelay $0x4  }
0x2d4: {  	[tilespmem:v3+s6+$0x0] =	vst.idx.add.f32.msk vm3, v1  }
0x2d5: {  	s11 =	rddreg [dreg:$0x19];
	[tilespmem:v4+s6+$0x0] =	vst.idx.add.f32.msk vm2, v2  }
0x2d6: {  	[tilespmem:s1], [sflag:$0x1] =	stream.linear.gather [hbm4b:s11+s1], $0x4000, $0x38;
	[tilespmem:$0xA800] =	vst v63  }
0x2d7: {  	s11 =	rddreg [dreg:$0xc]  }
0x2d8: {  	[tilespmem:s24], [sflag:$0x1] =	stream.linear.gather [hbm4b:s11+s1], $0x80, $0x38;
	[tilespmem:$0xA800] =	vst v63  }
0x2d9: {  	_ = 	snop  }
0x2da: {  	[tilespmem:s0], [sflag:$0x1] =	stream.linear.gather [hbm4b:s11+s1], $0x90, $0x38;
	[tilespmem:$0xA800] =	vst v63  }
0x2db: {  	_ =	swait.ge [sflag:s7], $0x4000  }
0x2dc: {  	[sflag:s7] =	ssyncset.done $0x0  }
0x2dd: {  	[sflag:s7] =	ssyncadd.s32 $0xFFFFC000  }
0x2de: {  	_ =	swait.ge [sflag:s7], $0x80  }
0x2df: {  	[sflag:s7] =	ssyncset.done $0x0  }
0x2e0: {  	[sflag:s7] =	ssyncadd.s32 $0xFFFFFF80  }
0x2e1: {  	_ =	swait.ge [sflag:s7], $0x90  }
0x2e2: {  	[sflag:s7] =	ssyncset.done $0x0  }
0x2e3: {  	[sflag:s7] =	ssyncadd.s32 $0xFFFFFF70  }
0x2e4: {  	[spmem:s26] =	stream.indirect.scatter.add.f32 [tilespmem:s29], [sflag:$0x3], $0x80, s2, s5, $0xb8;
	[tilespmem:$0xA800] =	vst v63  }
0x2e5: {  	_ =	swait.ge [sflag:s30], $0x4000  }
0x2e6: {  	[sflag:s30] =	ssyncset.done $0x0  }
0x2e7: {  	[sflag:s30] =	ssyncadd.s32 $0xFFFFC000  }
0x2e8: {  	v3 =	vld [tilespmem:$0x8280]  }
0x2e9: {  	v47 =	vld [tilespmem:$0x8281];
	_ =	sdelay $0x4  }
0x2ea: {  	vm2 =	vne.s32 v3, v47  }
0x2eb: {  	vm3 =	vmor vm2, vm0  }
0x2ec: {  	vm2 =	vmand vm2, vm1;
	_ =	sdelay $0x4  }
0x2ed: {  	[tilespmem:v3+s6+$0x0] =	vst.idx.add.f32.msk vm3, v1  }
0x2ee: {  	[tilespmem:v47+s6+$0x0] =	vst.idx.add.f32.msk vm2, v2  }
0x2ef: {  	v3 =	vld [tilespmem:$0x8290]  }
0x2f0: {  	v4 =	vld [tilespmem:$0x8291];
	_ =	sdelay $0x4  }
0x2f1: {  	vm2 =	vne.s32 v3, v4  }
0x2f2: {  	vm3 =	vmor vm2, vm0  }
0x2f3: {  	vm2 =	vmand vm2, vm1;
	_ =	sdelay $0x4  }
0x2f4: {  	[tilespmem:v3+s6+$0x0] =	vst.idx.add.f32.msk vm3, v1  }
0x2f5: {  	[tilespmem:v4+s6+$0x0] =	vst.idx.add.f32.msk vm2, v2  }
0x2f6: {  	v3 =	vld [tilespmem:$0x82A0]  }
0x2f7: {  	v4 =	vld [tilespmem:$0x82A1];
	_ =	sdelay $0x4  }
0x2f8: {  	vm2 =	vne.s32 v3, v4  }
0x2f9: {  	vm3 =	vmor vm2, vm0  }
0x2fa: {  	vm2 =	vmand vm2, vm1;
	_ =	sdelay $0x4  }
0x2fb: {  	[tilespmem:v3+s6+$0x0] =	vst.idx.add.f32.msk vm3, v1  }
0x2fc: {  	[tilespmem:v4+s6+$0x0] =	vst.idx.add.f32.msk vm2, v2  }
0x2fd: {  	v3 =	vld [tilespmem:$0x82B0]  }
0x2fe: {  	v4 =	vld [tilespmem:$0x82B1];
	_ =	sdelay $0x4  }
0x2ff: {  	vm2 =	vne.s32 v3, v4  }
0x300: {  	vm3 =	vmor vm2, vm0  }
0x301: {  	vm2 =	vmand vm2, vm1;
	_ =	sdelay $0x4  }
0x302: {  	[tilespmem:v3+s6+$0x0] =	vst.idx.add.f32.msk vm3, v1  }
0x303: {  	[tilespmem:v4+s6+$0x0] =	vst.idx.add.f32.msk vm2, v2  }
0x304: {  	v3 =	vld [tilespmem:$0x82C0]  }
0x305: {  	v4 =	vld [tilespmem:$0x82C1];
	_ =	sdelay $0x4  }
0x306: {  	vm2 =	vne.s32 v3, v4  }
0x307: {  	vm3 =	vmor vm2, vm0  }
0x308: {  	vm2 =	vmand vm2, vm1;
	_ =	sdelay $0x4  }
0x309: {  	[tilespmem:v3+s6+$0x0] =	vst.idx.add.f32.msk vm3, v1  }
0x30a: {  	[tilespmem:v4+s6+$0x0] =	vst.idx.add.f32.msk vm2, v2  }
0x30b: {  	v3 =	vld [tilespmem:$0x82D0]  }
0x30c: {  	v4 =	vld [tilespmem:$0x82D1];
	_ =	sdelay $0x4  }
0x30d: {  	vm2 =	vne.s32 v3, v4  }
0x30e: {  	vm3 =	vmor vm2, vm0  }
0x30f: {  	vm2 =	vmand vm2, vm1;
	_ =	sdelay $0x4  }
0x310: {  	[tilespmem:v3+s6+$0x0] =	vst.idx.add.f32.msk vm3, v1  }
0x311: {  	[tilespmem:v4+s6+$0x0] =	vst.idx.add.f32.msk vm2, v2  }
0x312: {  	v3 =	vld [tilespmem:$0x82E0]  }
0x313: {  	v4 =	vld [tilespmem:$0x82E1];
	_ =	sdelay $0x4  }
0x314: {  	vm2 =	vne.s32 v3, v4  }
0x315: {  	vm3 =	vmor vm2, vm0  }
0x316: {  	vm2 =	vmand vm2, vm1;
	_ =	sdelay $0x4  }
0x317: {  	[tilespmem:v3+s6+$0x0] =	vst.idx.add.f32.msk vm3, v1  }
0x318: {  	[tilespmem:v4+s6+$0x0] =	vst.idx.add.f32.msk vm2, v2  }
0x319: {  	v3 =	vld [tilespmem:$0x82F0]  }
0x31a: {  	v4 =	vld [tilespmem:$0x82F1];
	_ =	sdelay $0x4  }
0x31b: {  	vm2 =	vne.s32 v3, v4  }
0x31c: {  	vm3 =	vmor vm2, vm0  }
0x31d: {  	vm2 =	vmand vm2, vm1;
	_ =	sdelay $0x4  }
0x31e: {  	[tilespmem:v3+s6+$0x0] =	vst.idx.add.f32.msk vm3, v1  }
0x31f: {  	s11 =	rddreg [dreg:$0x1a];
	[tilespmem:v4+s6+$0x0] =	vst.idx.add.f32.msk vm2, v2  }
0x320: {  	[tilespmem:s29], [sflag:$0x2] =	stream.linear.gather [hbm4b:s11+s1], $0x4000, $0x38;
	[tilespmem:$0xA800] =	vst v63  }
0x321: {  	s11 =	rddreg [dreg:$0xd]  }
0x322: {  	[tilespmem:s2], [sflag:$0x2] =	stream.linear.gather [hbm4b:s11+s1], $0x80, $0x38;
	[tilespmem:$0xA800] =	vst v63  }
0x323: {  	_ = 	snop  }
0x324: {  	[tilespmem:s3], [sflag:$0x2] =	stream.linear.gather [hbm4b:s11+s1], $0x90, $0x38;
	[tilespmem:$0xA800] =	vst v63  }
0x325: {  	_ =	swait.ge [sflag:s4], $0x4000  }
0x326: {  	[sflag:s4] =	ssyncset.done $0x0  }
0x327: {  	[sflag:s4] =	ssyncadd.s32 $0xFFFFC000  }
0x328: {  	_ =	swait.ge [sflag:s4], $0x80  }
0x329: {  	[sflag:s4] =	ssyncset.done $0x0  }
0x32a: {  	[sflag:s4] =	ssyncadd.s32 $0xFFFFFF80  }
0x32b: {  	_ =	swait.ge [sflag:s4], $0x90  }
0x32c: {  	[sflag:s4] =	ssyncset.done $0x0  }
0x32d: {  	[sflag:s4] =	ssyncadd.s32 $0xFFFFFF70  }
0x32e: {  	[spmem:s26] =	stream.indirect.scatter.add.f32 [tilespmem:s1], [sflag:$0x3], $0x80, s24, s5, $0xb8;
	[tilespmem:$0xA800] =	vst v63  }
0x32f: {  	_ =	swait.ge [sflag:s30], $0x4000  }
0x330: {  	[sflag:s30] =	ssyncset.done $0x0  }
0x331: {  	[sflag:s30] =	ssyncadd.s32 $0xFFFFC000  }
0x332: {  	v3 =	vld [tilespmem:$0x8180]  }
0x333: {  	v48 =	vld [tilespmem:$0x8181];
	_ =	sdelay $0x4  }
0x334: {  	vm2 =	vne.s32 v3, v48  }
0x335: {  	vm3 =	vmor vm2, vm0  }
0x336: {  	vm2 =	vmand vm2, vm1;
	_ =	sdelay $0x4  }
0x337: {  	[tilespmem:v3+s6+$0x0] =	vst.idx.add.f32.msk vm3, v1  }
0x338: {  	[tilespmem:v48+s6+$0x0] =	vst.idx.add.f32.msk vm2, v2  }
0x339: {  	v3 =	vld [tilespmem:$0x8190]  }
0x33a: {  	v4 =	vld [tilespmem:$0x8191];
	_ =	sdelay $0x4  }
0x33b: {  	vm2 =	vne.s32 v3, v4  }
0x33c: {  	vm3 =	vmor vm2, vm0  }
0x33d: {  	vm2 =	vmand vm2, vm1;
	_ =	sdelay $0x4  }
0x33e: {  	[tilespmem:v3+s6+$0x0] =	vst.idx.add.f32.msk vm3, v1  }
0x33f: {  	[tilespmem:v4+s6+$0x0] =	vst.idx.add.f32.msk vm2, v2  }
0x340: {  	v3 =	vld [tilespmem:$0x81A0]  }
0x341: {  	v4 =	vld [tilespmem:$0x81A1];
	_ =	sdelay $0x4  }
0x342: {  	vm2 =	vne.s32 v3, v4  }
0x343: {  	vm3 =	vmor vm2, vm0  }
0x344: {  	vm2 =	vmand vm2, vm1;
	_ =	sdelay $0x4  }
0x345: {  	[tilespmem:v3+s6+$0x0] =	vst.idx.add.f32.msk vm3, v1  }
0x346: {  	[tilespmem:v4+s6+$0x0] =	vst.idx.add.f32.msk vm2, v2  }
0x347: {  	v3 =	vld [tilespmem:$0x81B0]  }
0x348: {  	v4 =	vld [tilespmem:$0x81B1];
	_ =	sdelay $0x4  }
0x349: {  	vm2 =	vne.s32 v3, v4  }
0x34a: {  	vm3 =	vmor vm2, vm0  }
0x34b: {  	vm2 =	vmand vm2, vm1;
	_ =	sdelay $0x4  }
0x34c: {  	[tilespmem:v3+s6+$0x0] =	vst.idx.add.f32.msk vm3, v1  }
0x34d: {  	[tilespmem:v4+s6+$0x0] =	vst.idx.add.f32.msk vm2, v2  }
0x34e: {  	v3 =	vld [tilespmem:$0x81C0]  }
0x34f: {  	v4 =	vld [tilespmem:$0x81C1];
	_ =	sdelay $0x4  }
0x350: {  	vm2 =	vne.s32 v3, v4  }
0x351: {  	vm3 =	vmor vm2, vm0  }
0x352: {  	vm2 =	vmand vm2, vm1;
	_ =	sdelay $0x4  }
0x353: {  	[tilespmem:v3+s6+$0x0] =	vst.idx.add.f32.msk vm3, v1  }
0x354: {  	[tilespmem:v4+s6+$0x0] =	vst.idx.add.f32.msk vm2, v2  }
0x355: {  	v3 =	vld [tilespmem:$0x81D0]  }
0x356: {  	v4 =	vld [tilespmem:$0x81D1];
	_ =	sdelay $0x4  }
0x357: {  	vm2 =	vne.s32 v3, v4  }
0x358: {  	vm3 =	vmor vm2, vm0  }
0x359: {  	vm2 =	vmand vm2, vm1;
	_ =	sdelay $0x4  }
0x35a: {  	[tilespmem:v3+s6+$0x0] =	vst.idx.add.f32.msk vm3, v1  }
0x35b: {  	[tilespmem:v4+s6+$0x0] =	vst.idx.add.f32.msk vm2, v2  }
0x35c: {  	v3 =	vld [tilespmem:$0x81E0]  }
0x35d: {  	v4 =	vld [tilespmem:$0x81E1];
	_ =	sdelay $0x4  }
0x35e: {  	vm2 =	vne.s32 v3, v4  }
0x35f: {  	vm3 =	vmor vm2, vm0  }
0x360: {  	vm2 =	vmand vm2, vm1;
	_ =	sdelay $0x4  }
0x361: {  	[tilespmem:v3+s6+$0x0] =	vst.idx.add.f32.msk vm3, v1  }
0x362: {  	[tilespmem:v4+s6+$0x0] =	vst.idx.add.f32.msk vm2, v2  }
0x363: {  	v3 =	vld [tilespmem:$0x81F0]  }
0x364: {  	v4 =	vld [tilespmem:$0x81F1];
	_ =	sdelay $0x4  }
0x365: {  	vm2 =	vne.s32 v3, v4  }
0x366: {  	vm3 =	vmor vm2, vm0  }
0x367: {  	vm2 =	vmand vm2, vm1;
	_ =	sdelay $0x4  }
0x368: {  	[tilespmem:v3+s6+$0x0] =	vst.idx.add.f32.msk vm3, v1  }
0x369: {  	s11 =	rddreg [dreg:$0x1b];
	[tilespmem:v4+s6+$0x0] =	vst.idx.add.f32.msk vm2, v2  }
0x36a: {  	[tilespmem:s1], [sflag:$0x1] =	stream.linear.gather [hbm4b:s11+s1], $0x4000, $0x38;
	[tilespmem:$0xA800] =	vst v63  }
0x36b: {  	_ = 	snop  }
0x36c: {  	[tilespmem:s24], [sflag:$0x1] =	stream.linear.gather [hbm4b:s12+s1], $0x80, $0x38;
	[tilespmem:$0xA800] =	vst v63  }
0x36d: {  	_ = 	snop  }
0x36e: {  	[tilespmem:s0], [sflag:$0x1] =	stream.linear.gather [hbm4b:s12+s1], $0x90, $0x38;
	[tilespmem:$0xA800] =	vst v63  }
0x36f: {  	_ =	swait.ge [sflag:s7], $0x4000  }
0x370: {  	[sflag:s7] =	ssyncset.done $0x0  }
0x371: {  	[sflag:s7] =	ssyncadd.s32 $0xFFFFC000  }
0x372: {  	_ =	swait.ge [sflag:s7], $0x80  }
0x373: {  	[sflag:s7] =	ssyncset.done $0x0  }
0x374: {  	[sflag:s7] =	ssyncadd.s32 $0xFFFFFF80  }
0x375: {  	_ =	swait.ge [sflag:s7], $0x90  }
0x376: {  	[sflag:s7] =	ssyncset.done $0x0  }
0x377: {  	[sflag:s7] =	ssyncadd.s32 $0xFFFFFF70  }
0x378: {  	[spmem:s26] =	stream.indirect.scatter.add.f32 [tilespmem:s29], [sflag:$0x3], $0x80, s2, s5, $0xb8;
	[tilespmem:$0xA800] =	vst v63  }
0x379: {  	_ =	swait.ge [sflag:s30], $0x4000  }
0x37a: {  	[sflag:s30] =	ssyncset.done $0x0  }
0x37b: {  	[sflag:s30] =	ssyncadd.s32 $0xFFFFC000  }
0x37c: {  	v3 =	vld [tilespmem:$0x8280]  }
0x37d: {  	v49 =	vld [tilespmem:$0x8281];
	_ =	sdelay $0x4  }
0x37e: {  	vm2 =	vne.s32 v3, v49  }
0x37f: {  	vm3 =	vmor vm2, vm0  }
0x380: {  	vm2 =	vmand vm2, vm1;
	_ =	sdelay $0x4  }
0x381: {  	[tilespmem:v3+s6+$0x0] =	vst.idx.add.f32.msk vm3, v1  }
0x382: {  	[tilespmem:v49+s6+$0x0] =	vst.idx.add.f32.msk vm2, v2  }
0x383: {  	v3 =	vld [tilespmem:$0x8290]  }
0x384: {  	v4 =	vld [tilespmem:$0x8291];
	_ =	sdelay $0x4  }
0x385: {  	vm2 =	vne.s32 v3, v4  }
0x386: {  	vm3 =	vmor vm2, vm0  }
0x387: {  	vm2 =	vmand vm2, vm1;
	_ =	sdelay $0x4  }
0x388: {  	[tilespmem:v3+s6+$0x0] =	vst.idx.add.f32.msk vm3, v1  }
0x389: {  	[tilespmem:v4+s6+$0x0] =	vst.idx.add.f32.msk vm2, v2  }
0x38a: {  	v3 =	vld [tilespmem:$0x82A0]  }
0x38b: {  	v4 =	vld [tilespmem:$0x82A1];
	_ =	sdelay $0x4  }
0x38c: {  	vm2 =	vne.s32 v3, v4  }
0x38d: {  	vm3 =	vmor vm2, vm0  }
0x38e: {  	vm2 =	vmand vm2, vm1;
	_ =	sdelay $0x4  }
0x38f: {  	[tilespmem:v3+s6+$0x0] =	vst.idx.add.f32.msk vm3, v1  }
0x390: {  	[tilespmem:v4+s6+$0x0] =	vst.idx.add.f32.msk vm2, v2  }
0x391: {  	v3 =	vld [tilespmem:$0x82B0]  }
0x392: {  	v4 =	vld [tilespmem:$0x82B1];
	_ =	sdelay $0x4  }
0x393: {  	vm2 =	vne.s32 v3, v4  }
0x394: {  	vm3 =	vmor vm2, vm0  }
0x395: {  	vm2 =	vmand vm2, vm1;
	_ =	sdelay $0x4  }
0x396: {  	[tilespmem:v3+s6+$0x0] =	vst.idx.add.f32.msk vm3, v1  }
0x397: {  	[tilespmem:v4+s6+$0x0] =	vst.idx.add.f32.msk vm2, v2  }
0x398: {  	v3 =	vld [tilespmem:$0x82C0]  }
0x399: {  	v4 =	vld [tilespmem:$0x82C1];
	_ =	sdelay $0x4  }
0x39a: {  	vm2 =	vne.s32 v3, v4  }
0x39b: {  	vm3 =	vmor vm2, vm0  }
0x39c: {  	vm2 =	vmand vm2, vm1;
	_ =	sdelay $0x4  }
0x39d: {  	[tilespmem:v3+s6+$0x0] =	vst.idx.add.f32.msk vm3, v1  }
0x39e: {  	[tilespmem:v4+s6+$0x0] =	vst.idx.add.f32.msk vm2, v2  }
0x39f: {  	v3 =	vld [tilespmem:$0x82D0]  }
0x3a0: {  	v4 =	vld [tilespmem:$0x82D1];
	_ =	sdelay $0x4  }
0x3a1: {  	vm2 =	vne.s32 v3, v4  }
0x3a2: {  	vm3 =	vmor vm2, vm0  }
0x3a3: {  	vm2 =	vmand vm2, vm1;
	_ =	sdelay $0x4  }
0x3a4: {  	[tilespmem:v3+s6+$0x0] =	vst.idx.add.f32.msk vm3, v1  }
0x3a5: {  	[tilespmem:v4+s6+$0x0] =	vst.idx.add.f32.msk vm2, v2  }
0x3a6: {  	v3 =	vld [tilespmem:$0x82E0]  }
0x3a7: {  	v4 =	vld [tilespmem:$0x82E1];
	_ =	sdelay $0x4  }
0x3a8: {  	vm2 =	vne.s32 v3, v4  }
0x3a9: {  	vm3 =	vmor vm2, vm0  }
0x3aa: {  	vm2 =	vmand vm2, vm1;
	_ =	sdelay $0x4  }
0x3ab: {  	[tilespmem:v3+s6+$0x0] =	vst.idx.add.f32.msk vm3, v1  }
0x3ac: {  	[tilespmem:v4+s6+$0x0] =	vst.idx.add.f32.msk vm2, v2  }
0x3ad: {  	v3 =	vld [tilespmem:$0x82F0]  }
0x3ae: {  	v4 =	vld [tilespmem:$0x82F1];
	_ =	sdelay $0x4  }
0x3af: {  	vm2 =	vne.s32 v3, v4  }
0x3b0: {  	vm3 =	vmor vm2, vm0  }
0x3b1: {  	vm2 =	vmand vm2, vm1;
	_ =	sdelay $0x4  }
0x3b2: {  	[tilespmem:v3+s6+$0x0] =	vst.idx.add.f32.msk vm3, v1  }
0x3b3: {  	s11 =	rddreg [dreg:$0x1c];
	[tilespmem:v4+s6+$0x0] =	vst.idx.add.f32.msk vm2, v2  }
0x3b4: {  	[tilespmem:s29], [sflag:$0x2] =	stream.linear.gather [hbm4b:s11+s1], $0x4000, $0x38;
	[tilespmem:$0xA800] =	vst v63  }
0x3b5: {  	_ = 	snop  }
0x3b6: {  	[tilespmem:s2], [sflag:$0x2] =	stream.linear.gather [hbm4b:s13+s1], $0x80, $0x38;
	[tilespmem:$0xA800] =	vst v63  }
0x3b7: {  	_ = 	snop  }
0x3b8: {  	[tilespmem:s3], [sflag:$0x2] =	stream.linear.gather [hbm4b:s13+s1], $0x90, $0x38;
	[tilespmem:$0xA800] =	vst v63  }
0x3b9: {  	_ =	swait.ge [sflag:s4], $0x4000  }
0x3ba: {  	[sflag:s4] =	ssyncset.done $0x0  }
0x3bb: {  	[sflag:s4] =	ssyncadd.s32 $0xFFFFC000  }
0x3bc: {  	_ =	swait.ge [sflag:s4], $0x80  }
0x3bd: {  	[sflag:s4] =	ssyncset.done $0x0  }
0x3be: {  	[sflag:s4] =	ssyncadd.s32 $0xFFFFFF80  }
0x3bf: {  	_ =	swait.ge [sflag:s4], $0x90  }
0x3c0: {  	[sflag:s4] =	ssyncset.done $0x0  }
0x3c1: {  	[sflag:s4] =	ssyncadd.s32 $0xFFFFFF70  }
0x3c2: {  	[spmem:s26] =	stream.indirect.scatter.add.f32 [tilespmem:s1], [sflag:$0x3], $0x80, s24, s5, $0xb8;
	[tilespmem:$0xA800] =	vst v63  }
0x3c3: {  	_ =	swait.ge [sflag:s30], $0x4000  }
0x3c4: {  	[sflag:s30] =	ssyncset.done $0x0  }
0x3c5: {  	[sflag:s30] =	ssyncadd.s32 $0xFFFFC000  }
0x3c6: {  	v3 =	vld [tilespmem:$0x8180]  }
0x3c7: {  	v50 =	vld [tilespmem:$0x8181];
	_ =	sdelay $0x4  }
0x3c8: {  	vm2 =	vne.s32 v3, v50  }
0x3c9: {  	vm3 =	vmor vm2, vm0  }
0x3ca: {  	vm2 =	vmand vm2, vm1;
	_ =	sdelay $0x4  }
0x3cb: {  	[tilespmem:v3+s6+$0x0] =	vst.idx.add.f32.msk vm3, v1  }
0x3cc: {  	[tilespmem:v50+s6+$0x0] =	vst.idx.add.f32.msk vm2, v2  }
0x3cd: {  	v3 =	vld [tilespmem:$0x8190]  }
0x3ce: {  	v4 =	vld [tilespmem:$0x8191];
	_ =	sdelay $0x4  }
0x3cf: {  	vm2 =	vne.s32 v3, v4  }
0x3d0: {  	vm3 =	vmor vm2, vm0  }
0x3d1: {  	vm2 =	vmand vm2, vm1;
	_ =	sdelay $0x4  }
0x3d2: {  	[tilespmem:v3+s6+$0x0] =	vst.idx.add.f32.msk vm3, v1  }
0x3d3: {  	[tilespmem:v4+s6+$0x0] =	vst.idx.add.f32.msk vm2, v2  }
0x3d4: {  	v3 =	vld [tilespmem:$0x81A0]  }
0x3d5: {  	v4 =	vld [tilespmem:$0x81A1];
	_ =	sdelay $0x4  }
0x3d6: {  	vm2 =	vne.s32 v3, v4  }
0x3d7: {  	vm3 =	vmor vm2, vm0  }
0x3d8: {  	vm2 =	vmand vm2, vm1;
	_ =	sdelay $0x4  }
0x3d9: {  	[tilespmem:v3+s6+$0x0] =	vst.idx.add.f32.msk vm3, v1  }
0x3da: {  	[tilespmem:v4+s6+$0x0] =	vst.idx.add.f32.msk vm2, v2  }
0x3db: {  	v3 =	vld [tilespmem:$0x81B0]  }
0x3dc: {  	v4 =	vld [tilespmem:$0x81B1];
	_ =	sdelay $0x4  }
0x3dd: {  	vm2 =	vne.s32 v3, v4  }
0x3de: {  	vm3 =	vmor vm2, vm0  }
0x3df: {  	vm2 =	vmand vm2, vm1;
	_ =	sdelay $0x4  }
0x3e0: {  	[tilespmem:v3+s6+$0x0] =	vst.idx.add.f32.msk vm3, v1  }
0x3e1: {  	[tilespmem:v4+s6+$0x0] =	vst.idx.add.f32.msk vm2, v2  }
0x3e2: {  	v3 =	vld [tilespmem:$0x81C0]  }
0x3e3: {  	v4 =	vld [tilespmem:$0x81C1];
	_ =	sdelay $0x4  }
0x3e4: {  	vm2 =	vne.s32 v3, v4  }
0x3e5: {  	vm3 =	vmor vm2, vm0  }
0x3e6: {  	vm2 =	vmand vm2, vm1;
	_ =	sdelay $0x4  }
0x3e7: {  	[tilespmem:v3+s6+$0x0] =	vst.idx.add.f32.msk vm3, v1  }
0x3e8: {  	[tilespmem:v4+s6+$0x0] =	vst.idx.add.f32.msk vm2, v2  }
0x3e9: {  	v3 =	vld [tilespmem:$0x81D0]  }
0x3ea: {  	v4 =	vld [tilespmem:$0x81D1];
	_ =	sdelay $0x4  }
0x3eb: {  	vm2 =	vne.s32 v3, v4  }
0x3ec: {  	vm3 =	vmor vm2, vm0  }
0x3ed: {  	vm2 =	vmand vm2, vm1;
	_ =	sdelay $0x4  }
0x3ee: {  	[tilespmem:v3+s6+$0x0] =	vst.idx.add.f32.msk vm3, v1  }
0x3ef: {  	[tilespmem:v4+s6+$0x0] =	vst.idx.add.f32.msk vm2, v2  }
0x3f0: {  	v3 =	vld [tilespmem:$0x81E0]  }
0x3f1: {  	v4 =	vld [tilespmem:$0x81E1];
	_ =	sdelay $0x4  }
0x3f2: {  	vm2 =	vne.s32 v3, v4  }
0x3f3: {  	vm3 =	vmor vm2, vm0  }
0x3f4: {  	vm2 =	vmand vm2, vm1;
	_ =	sdelay $0x4  }
0x3f5: {  	[tilespmem:v3+s6+$0x0] =	vst.idx.add.f32.msk vm3, v1  }
0x3f6: {  	[tilespmem:v4+s6+$0x0] =	vst.idx.add.f32.msk vm2, v2  }
0x3f7: {  	v3 =	vld [tilespmem:$0x81F0]  }
0x3f8: {  	v4 =	vld [tilespmem:$0x81F1];
	_ =	sdelay $0x4  }
0x3f9: {  	vm2 =	vne.s32 v3, v4  }
0x3fa: {  	vm3 =	vmor vm2, vm0  }
0x3fb: {  	vm2 =	vmand vm2, vm1;
	_ =	sdelay $0x4  }
0x3fc: {  	[tilespmem:v3+s6+$0x0] =	vst.idx.add.f32.msk vm3, v1  }
0x3fd: {  	s11 =	rddreg [dreg:$0x1d];
	[tilespmem:v4+s6+$0x0] =	vst.idx.add.f32.msk vm2, v2  }
0x3fe: {  	[tilespmem:s1], [sflag:$0x1] =	stream.linear.gather [hbm4b:s11+s1], $0x4000, $0x38;
	[tilespmem:$0xA800] =	vst v63  }
0x3ff: {  	_ = 	snop  }
0x400: {  	[tilespmem:s24], [sflag:$0x1] =	stream.linear.gather [hbm4b:s14+s1], $0x80, $0x38;
	[tilespmem:$0xA800] =	vst v63  }
0x401: {  	_ = 	snop  }
0x402: {  	[tilespmem:s0], [sflag:$0x1] =	stream.linear.gather [hbm4b:s14+s1], $0x90, $0x38;
	[tilespmem:$0xA800] =	vst v63  }
0x403: {  	_ =	swait.ge [sflag:s7], $0x4000  }
0x404: {  	[sflag:s7] =	ssyncset.done $0x0  }
0x405: {  	[sflag:s7] =	ssyncadd.s32 $0xFFFFC000  }
0x406: {  	_ =	swait.ge [sflag:s7], $0x80  }
0x407: {  	[sflag:s7] =	ssyncset.done $0x0  }
0x408: {  	[sflag:s7] =	ssyncadd.s32 $0xFFFFFF80  }
0x409: {  	_ =	swait.ge [sflag:s7], $0x90  }
0x40a: {  	[sflag:s7] =	ssyncset.done $0x0  }
0x40b: {  	[sflag:s7] =	ssyncadd.s32 $0xFFFFFF70  }
0x40c: {  	[spmem:s26] =	stream.indirect.scatter.add.f32 [tilespmem:s29], [sflag:$0x3], $0x80, s2, s5, $0xb8;
	[tilespmem:$0xA800] =	vst v63  }
0x40d: {  	_ =	swait.ge [sflag:s30], $0x4000  }
0x40e: {  	[sflag:s30] =	ssyncset.done $0x0  }
0x40f: {  	[sflag:s30] =	ssyncadd.s32 $0xFFFFC000  }
0x410: {  	v3 =	vld [tilespmem:$0x8280]  }
0x411: {  	v51 =	vld [tilespmem:$0x8281];
	_ =	sdelay $0x4  }
0x412: {  	vm2 =	vne.s32 v3, v51  }
0x413: {  	vm3 =	vmor vm2, vm0  }
0x414: {  	vm2 =	vmand vm2, vm1;
	_ =	sdelay $0x4  }
0x415: {  	[tilespmem:v3+s6+$0x0] =	vst.idx.add.f32.msk vm3, v1  }
0x416: {  	[tilespmem:v51+s6+$0x0] =	vst.idx.add.f32.msk vm2, v2  }
0x417: {  	v3 =	vld [tilespmem:$0x8290]  }
0x418: {  	v4 =	vld [tilespmem:$0x8291];
	_ =	sdelay $0x4  }
0x419: {  	vm2 =	vne.s32 v3, v4  }
0x41a: {  	vm3 =	vmor vm2, vm0  }
0x41b: {  	vm2 =	vmand vm2, vm1;
	_ =	sdelay $0x4  }
0x41c: {  	[tilespmem:v3+s6+$0x0] =	vst.idx.add.f32.msk vm3, v1  }
0x41d: {  	[tilespmem:v4+s6+$0x0] =	vst.idx.add.f32.msk vm2, v2  }
0x41e: {  	v3 =	vld [tilespmem:$0x82A0]  }
0x41f: {  	v4 =	vld [tilespmem:$0x82A1];
	_ =	sdelay $0x4  }
0x420: {  	vm2 =	vne.s32 v3, v4  }
0x421: {  	vm3 =	vmor vm2, vm0  }
0x422: {  	vm2 =	vmand vm2, vm1;
	_ =	sdelay $0x4  }
0x423: {  	[tilespmem:v3+s6+$0x0] =	vst.idx.add.f32.msk vm3, v1  }
0x424: {  	[tilespmem:v4+s6+$0x0] =	vst.idx.add.f32.msk vm2, v2  }
0x425: {  	v3 =	vld [tilespmem:$0x82B0]  }
0x426: {  	v4 =	vld [tilespmem:$0x82B1];
	_ =	sdelay $0x4  }
0x427: {  	vm2 =	vne.s32 v3, v4  }
0x428: {  	vm3 =	vmor vm2, vm0  }
0x429: {  	vm2 =	vmand vm2, vm1;
	_ =	sdelay $0x4  }
0x42a: {  	[tilespmem:v3+s6+$0x0] =	vst.idx.add.f32.msk vm3, v1  }
0x42b: {  	[tilespmem:v4+s6+$0x0] =	vst.idx.add.f32.msk vm2, v2  }
0x42c: {  	v3 =	vld [tilespmem:$0x82C0]  }
0x42d: {  	v4 =	vld [tilespmem:$0x82C1];
	_ =	sdelay $0x4  }
0x42e: {  	vm2 =	vne.s32 v3, v4  }
0x42f: {  	vm3 =	vmor vm2, vm0  }
0x430: {  	vm2 =	vmand vm2, vm1;
	_ =	sdelay $0x4  }
0x431: {  	[tilespmem:v3+s6+$0x0] =	vst.idx.add.f32.msk vm3, v1  }
0x432: {  	[tilespmem:v4+s6+$0x0] =	vst.idx.add.f32.msk vm2, v2  }
0x433: {  	v3 =	vld [tilespmem:$0x82D0]  }
0x434: {  	v4 =	vld [tilespmem:$0x82D1];
	_ =	sdelay $0x4  }
0x435: {  	vm2 =	vne.s32 v3, v4  }
0x436: {  	vm3 =	vmor vm2, vm0  }
0x437: {  	vm2 =	vmand vm2, vm1;
	_ =	sdelay $0x4  }
0x438: {  	[tilespmem:v3+s6+$0x0] =	vst.idx.add.f32.msk vm3, v1  }
0x439: {  	[tilespmem:v4+s6+$0x0] =	vst.idx.add.f32.msk vm2, v2  }
0x43a: {  	v3 =	vld [tilespmem:$0x82E0]  }
0x43b: {  	v4 =	vld [tilespmem:$0x82E1];
	_ =	sdelay $0x4  }
0x43c: {  	vm2 =	vne.s32 v3, v4  }
0x43d: {  	vm3 =	vmor vm2, vm0  }
0x43e: {  	vm2 =	vmand vm2, vm1;
	_ =	sdelay $0x4  }
0x43f: {  	[tilespmem:v3+s6+$0x0] =	vst.idx.add.f32.msk vm3, v1  }
0x440: {  	[tilespmem:v4+s6+$0x0] =	vst.idx.add.f32.msk vm2, v2  }
0x441: {  	v3 =	vld [tilespmem:$0x82F0]  }
0x442: {  	v4 =	vld [tilespmem:$0x82F1];
	_ =	sdelay $0x4  }
0x443: {  	vm2 =	vne.s32 v3, v4  }
0x444: {  	vm3 =	vmor vm2, vm0  }
0x445: {  	vm2 =	vmand vm2, vm1;
	_ =	sdelay $0x4  }
0x446: {  	[tilespmem:v3+s6+$0x0] =	vst.idx.add.f32.msk vm3, v1  }
0x447: {  	s11 =	rddreg [dreg:$0x1e];
	[tilespmem:v4+s6+$0x0] =	vst.idx.add.f32.msk vm2, v2  }
0x448: {  	[tilespmem:s29], [sflag:$0x2] =	stream.linear.gather [hbm4b:s11+s1], $0x4000, $0x38;
	[tilespmem:$0xA800] =	vst v63  }
0x449: {  	_ = 	snop  }
0x44a: {  	[tilespmem:s2], [sflag:$0x2] =	stream.linear.gather [hbm4b:s15+s1], $0x80, $0x38;
	[tilespmem:$0xA800] =	vst v63  }
0x44b: {  	_ = 	snop  }
0x44c: {  	[tilespmem:s3], [sflag:$0x2] =	stream.linear.gather [hbm4b:s15+s1], $0x90, $0x38;
	[tilespmem:$0xA800] =	vst v63  }
0x44d: {  	_ =	swait.ge [sflag:s4], $0x4000  }
0x44e: {  	[sflag:s4] =	ssyncset.done $0x0  }
0x44f: {  	[sflag:s4] =	ssyncadd.s32 $0xFFFFC000  }
0x450: {  	_ =	swait.ge [sflag:s4], $0x80  }
0x451: {  	[sflag:s4] =	ssyncset.done $0x0  }
0x452: {  	[sflag:s4] =	ssyncadd.s32 $0xFFFFFF80  }
0x453: {  	_ =	swait.ge [sflag:s4], $0x90  }
0x454: {  	[sflag:s4] =	ssyncset.done $0x0  }
0x455: {  	[sflag:s4] =	ssyncadd.s32 $0xFFFFFF70  }
0x456: {  	[spmem:s26] =	stream.indirect.scatter.add.f32 [tilespmem:s1], [sflag:$0x3], $0x80, s24, s5, $0xb8;
	[tilespmem:$0xA800] =	vst v63  }
0x457: {  	_ =	swait.ge [sflag:s30], $0x4000  }
0x458: {  	[sflag:s30] =	ssyncset.done $0x0  }
0x459: {  	[sflag:s30] =	ssyncadd.s32 $0xFFFFC000  }
0x45a: {  	v3 =	vld [tilespmem:$0x8180]  }
0x45b: {  	v52 =	vld [tilespmem:$0x8181];
	_ =	sdelay $0x4  }
0x45c: {  	vm2 =	vne.s32 v3, v52  }
0x45d: {  	vm3 =	vmor vm2, vm0  }
0x45e: {  	vm2 =	vmand vm2, vm1;
	_ =	sdelay $0x4  }
0x45f: {  	[tilespmem:v3+s6+$0x0] =	vst.idx.add.f32.msk vm3, v1  }
0x460: {  	[tilespmem:v52+s6+$0x0] =	vst.idx.add.f32.msk vm2, v2  }
0x461: {  	v3 =	vld [tilespmem:$0x8190]  }
0x462: {  	v4 =	vld [tilespmem:$0x8191];
	_ =	sdelay $0x4  }
0x463: {  	vm2 =	vne.s32 v3, v4  }
0x464: {  	vm3 =	vmor vm2, vm0  }
0x465: {  	vm2 =	vmand vm2, vm1;
	_ =	sdelay $0x4  }
0x466: {  	[tilespmem:v3+s6+$0x0] =	vst.idx.add.f32.msk vm3, v1  }
0x467: {  	[tilespmem:v4+s6+$0x0] =	vst.idx.add.f32.msk vm2, v2  }
0x468: {  	v3 =	vld [tilespmem:$0x81A0]  }
0x469: {  	v4 =	vld [tilespmem:$0x81A1];
	_ =	sdelay $0x4  }
0x46a: {  	vm2 =	vne.s32 v3, v4  }
0x46b: {  	vm3 =	vmor vm2, vm0  }
0x46c: {  	vm2 =	vmand vm2, vm1;
	_ =	sdelay $0x4  }
0x46d: {  	[tilespmem:v3+s6+$0x0] =	vst.idx.add.f32.msk vm3, v1  }
0x46e: {  	[tilespmem:v4+s6+$0x0] =	vst.idx.add.f32.msk vm2, v2  }
0x46f: {  	v3 =	vld [tilespmem:$0x81B0]  }
0x470: {  	v4 =	vld [tilespmem:$0x81B1];
	_ =	sdelay $0x4  }
0x471: {  	vm2 =	vne.s32 v3, v4  }
0x472: {  	vm3 =	vmor vm2, vm0  }
0x473: {  	vm2 =	vmand vm2, vm1;
	_ =	sdelay $0x4  }
0x474: {  	[tilespmem:v3+s6+$0x0] =	vst.idx.add.f32.msk vm3, v1  }
0x475: {  	[tilespmem:v4+s6+$0x0] =	vst.idx.add.f32.msk vm2, v2  }
0x476: {  	v3 =	vld [tilespmem:$0x81C0]  }
0x477: {  	v4 =	vld [tilespmem:$0x81C1];
	_ =	sdelay $0x4  }
0x478: {  	vm2 =	vne.s32 v3, v4  }
0x479: {  	vm3 =	vmor vm2, vm0  }
0x47a: {  	vm2 =	vmand vm2, vm1;
	_ =	sdelay $0x4  }
0x47b: {  	[tilespmem:v3+s6+$0x0] =	vst.idx.add.f32.msk vm3, v1  }
0x47c: {  	[tilespmem:v4+s6+$0x0] =	vst.idx.add.f32.msk vm2, v2  }
0x47d: {  	v3 =	vld [tilespmem:$0x81D0]  }
0x47e: {  	v4 =	vld [tilespmem:$0x81D1];
	_ =	sdelay $0x4  }
0x47f: {  	vm2 =	vne.s32 v3, v4  }
0x480: {  	vm3 =	vmor vm2, vm0  }
0x481: {  	vm2 =	vmand vm2, vm1;
	_ =	sdelay $0x4  }
0x482: {  	[tilespmem:v3+s6+$0x0] =	vst.idx.add.f32.msk vm3, v1  }
0x483: {  	[tilespmem:v4+s6+$0x0] =	vst.idx.add.f32.msk vm2, v2  }
0x484: {  	v3 =	vld [tilespmem:$0x81E0]  }
0x485: {  	v4 =	vld [tilespmem:$0x81E1];
	_ =	sdelay $0x4  }
0x486: {  	vm2 =	vne.s32 v3, v4  }
0x487: {  	vm3 =	vmor vm2, vm0  }
0x488: {  	vm2 =	vmand vm2, vm1;
	_ =	sdelay $0x4  }
0x489: {  	[tilespmem:v3+s6+$0x0] =	vst.idx.add.f32.msk vm3, v1  }
0x48a: {  	[tilespmem:v4+s6+$0x0] =	vst.idx.add.f32.msk vm2, v2  }
0x48b: {  	v3 =	vld [tilespmem:$0x81F0]  }
0x48c: {  	v4 =	vld [tilespmem:$0x81F1];
	_ =	sdelay $0x4  }
0x48d: {  	vm2 =	vne.s32 v3, v4  }
0x48e: {  	vm3 =	vmor vm2, vm0  }
0x48f: {  	vm2 =	vmand vm2, vm1;
	_ =	sdelay $0x4  }
0x490: {  	[tilespmem:v3+s6+$0x0] =	vst.idx.add.f32.msk vm3, v1  }
0x491: {  	s11 =	rddreg [dreg:$0x1f];
	[tilespmem:v4+s6+$0x0] =	vst.idx.add.f32.msk vm2, v2  }
0x492: {  	[tilespmem:s1], [sflag:$0x1] =	stream.linear.gather [hbm4b:s11+s1], $0x4000, $0x38;
	[tilespmem:$0xA800] =	vst v63  }
0x493: {  	_ = 	snop  }
0x494: {  	[tilespmem:s24], [sflag:$0x1] =	stream.linear.gather [hbm4b:s16+s1], $0x80, $0x38;
	[tilespmem:$0xA800] =	vst v63  }
0x495: {  	_ = 	snop  }
0x496: {  	[tilespmem:s0], [sflag:$0x1] =	stream.linear.gather [hbm4b:s16+s1], $0x90, $0x38;
	[tilespmem:$0xA800] =	vst v63  }
0x497: {  	_ =	swait.ge [sflag:s7], $0x4000  }
0x498: {  	[sflag:s7] =	ssyncset.done $0x0  }
0x499: {  	[sflag:s7] =	ssyncadd.s32 $0xFFFFC000  }
0x49a: {  	_ =	swait.ge [sflag:s7], $0x80  }
0x49b: {  	[sflag:s7] =	ssyncset.done $0x0  }
0x49c: {  	[sflag:s7] =	ssyncadd.s32 $0xFFFFFF80  }
0x49d: {  	_ =	swait.ge [sflag:s7], $0x90  }
0x49e: {  	[sflag:s7] =	ssyncset.done $0x0  }
0x49f: {  	[sflag:s7] =	ssyncadd.s32 $0xFFFFFF70  }
0x4a0: {  	[spmem:s26] =	stream.indirect.scatter.add.f32 [tilespmem:s29], [sflag:$0x3], $0x80, s2, s5, $0xb8;
	[tilespmem:$0xA800] =	vst v63  }
0x4a1: {  	_ =	swait.ge [sflag:s30], $0x4000  }
0x4a2: {  	[sflag:s30] =	ssyncset.done $0x0  }
0x4a3: {  	[sflag:s30] =	ssyncadd.s32 $0xFFFFC000  }
0x4a4: {  	v3 =	vld [tilespmem:$0x8280]  }
0x4a5: {  	v53 =	vld [tilespmem:$0x8281];
	_ =	sdelay $0x4  }
0x4a6: {  	vm2 =	vne.s32 v3, v53  }
0x4a7: {  	vm3 =	vmor vm2, vm0  }
0x4a8: {  	vm2 =	vmand vm2, vm1;
	_ =	sdelay $0x4  }
0x4a9: {  	[tilespmem:v3+s6+$0x0] =	vst.idx.add.f32.msk vm3, v1  }
0x4aa: {  	[tilespmem:v53+s6+$0x0] =	vst.idx.add.f32.msk vm2, v2  }
0x4ab: {  	v3 =	vld [tilespmem:$0x8290]  }
0x4ac: {  	v4 =	vld [tilespmem:$0x8291];
	_ =	sdelay $0x4  }
0x4ad: {  	vm2 =	vne.s32 v3, v4  }
0x4ae: {  	vm3 =	vmor vm2, vm0  }
0x4af: {  	vm2 =	vmand vm2, vm1;
	_ =	sdelay $0x4  }
0x4b0: {  	[tilespmem:v3+s6+$0x0] =	vst.idx.add.f32.msk vm3, v1  }
0x4b1: {  	[tilespmem:v4+s6+$0x0] =	vst.idx.add.f32.msk vm2, v2  }
0x4b2: {  	v3 =	vld [tilespmem:$0x82A0]  }
0x4b3: {  	v4 =	vld [tilespmem:$0x82A1];
	_ =	sdelay $0x4  }
0x4b4: {  	vm2 =	vne.s32 v3, v4  }
0x4b5: {  	vm3 =	vmor vm2, vm0  }
0x4b6: {  	vm2 =	vmand vm2, vm1;
	_ =	sdelay $0x4  }
0x4b7: {  	[tilespmem:v3+s6+$0x0] =	vst.idx.add.f32.msk vm3, v1  }
0x4b8: {  	[tilespmem:v4+s6+$0x0] =	vst.idx.add.f32.msk vm2, v2  }
0x4b9: {  	v3 =	vld [tilespmem:$0x82B0]  }
0x4ba: {  	v4 =	vld [tilespmem:$0x82B1];
	_ =	sdelay $0x4  }
0x4bb: {  	vm2 =	vne.s32 v3, v4  }
0x4bc: {  	vm3 =	vmor vm2, vm0  }
0x4bd: {  	vm2 =	vmand vm2, vm1;
	_ =	sdelay $0x4  }
0x4be: {  	[tilespmem:v3+s6+$0x0] =	vst.idx.add.f32.msk vm3, v1  }
0x4bf: {  	[tilespmem:v4+s6+$0x0] =	vst.idx.add.f32.msk vm2, v2  }
0x4c0: {  	v3 =	vld [tilespmem:$0x82C0]  }
0x4c1: {  	v4 =	vld [tilespmem:$0x82C1];
	_ =	sdelay $0x4  }
0x4c2: {  	vm2 =	vne.s32 v3, v4  }
0x4c3: {  	vm3 =	vmor vm2, vm0  }
0x4c4: {  	vm2 =	vmand vm2, vm1;
	_ =	sdelay $0x4  }
0x4c5: {  	[tilespmem:v3+s6+$0x0] =	vst.idx.add.f32.msk vm3, v1  }
0x4c6: {  	[tilespmem:v4+s6+$0x0] =	vst.idx.add.f32.msk vm2, v2  }
0x4c7: {  	v3 =	vld [tilespmem:$0x82D0]  }
0x4c8: {  	v4 =	vld [tilespmem:$0x82D1];
	_ =	sdelay $0x4  }
0x4c9: {  	vm2 =	vne.s32 v3, v4  }
0x4ca: {  	vm3 =	vmor vm2, vm0  }
0x4cb: {  	vm2 =	vmand vm2, vm1;
	_ =	sdelay $0x4  }
0x4cc: {  	[tilespmem:v3+s6+$0x0] =	vst.idx.add.f32.msk vm3, v1  }
0x4cd: {  	[tilespmem:v4+s6+$0x0] =	vst.idx.add.f32.msk vm2, v2  }
0x4ce: {  	v3 =	vld [tilespmem:$0x82E0]  }
0x4cf: {  	v4 =	vld [tilespmem:$0x82E1];
	_ =	sdelay $0x4  }
0x4d0: {  	vm2 =	vne.s32 v3, v4  }
0x4d1: {  	vm3 =	vmor vm2, vm0  }
0x4d2: {  	vm2 =	vmand vm2, vm1;
	_ =	sdelay $0x4  }
0x4d3: {  	[tilespmem:v3+s6+$0x0] =	vst.idx.add.f32.msk vm3, v1  }
0x4d4: {  	[tilespmem:v4+s6+$0x0] =	vst.idx.add.f32.msk vm2, v2  }
0x4d5: {  	v3 =	vld [tilespmem:$0x82F0]  }
0x4d6: {  	v4 =	vld [tilespmem:$0x82F1];
	_ =	sdelay $0x4  }
0x4d7: {  	vm2 =	vne.s32 v3, v4  }
0x4d8: {  	vm3 =	vmor vm2, vm0  }
0x4d9: {  	vm2 =	vmand vm2, vm1;
	_ =	sdelay $0x3  }
0x4da: {  	s11 =	sld [smem:$0x7E4]  }
0x4db: {  	[tilespmem:v3+s6+$0x0] =	vst.idx.add.f32.msk vm3, v1  }
0x4dc: {  	[tilespmem:v4+s6+$0x0] =	vst.idx.add.f32.msk vm2, v2  }
0x4dd: {  	[tilespmem:s29], [sflag:$0x2] =	stream.linear.gather [hbm4b:s11+s1], $0x4000, $0x38;
	[tilespmem:$0xA800] =	vst v63  }
0x4de: {  	_ = 	snop  }
0x4df: {  	[tilespmem:s2], [sflag:$0x2] =	stream.linear.gather [hbm4b:s17+s1], $0x80, $0x38;
	[tilespmem:$0xA800] =	vst v63  }
0x4e0: {  	_ = 	snop  }
0x4e1: {  	[tilespmem:s3], [sflag:$0x2] =	stream.linear.gather [hbm4b:s17+s1], $0x90, $0x38;
	[tilespmem:$0xA800] =	vst v63  }
0x4e2: {  	_ =	swait.ge [sflag:s4], $0x4000  }
0x4e3: {  	[sflag:s4] =	ssyncset.done $0x0  }
0x4e4: {  	[sflag:s4] =	ssyncadd.s32 $0xFFFFC000  }
0x4e5: {  	_ =	swait.ge [sflag:s4], $0x80  }
0x4e6: {  	[sflag:s4] =	ssyncset.done $0x0  }
0x4e7: {  	[sflag:s4] =	ssyncadd.s32 $0xFFFFFF80  }
0x4e8: {  	_ =	swait.ge [sflag:s4], $0x90  }
0x4e9: {  	[sflag:s4] =	ssyncset.done $0x0  }
0x4ea: {  	[sflag:s4] =	ssyncadd.s32 $0xFFFFFF70  }
0x4eb: {  	[spmem:s26] =	stream.indirect.scatter.add.f32 [tilespmem:s1], [sflag:$0x3], $0x80, s24, s5, $0xb8;
	[tilespmem:$0xA800] =	vst v63  }
0x4ec: {  	_ =	swait.ge [sflag:s30], $0x4000  }
0x4ed: {  	[sflag:s30] =	ssyncset.done $0x0  }
0x4ee: {  	[sflag:s30] =	ssyncadd.s32 $0xFFFFC000  }
0x4ef: {  	v3 =	vld [tilespmem:$0x8180]  }
0x4f0: {  	v54 =	vld [tilespmem:$0x8181];
	_ =	sdelay $0x4  }
0x4f1: {  	vm2 =	vne.s32 v3, v54  }
0x4f2: {  	vm3 =	vmor vm2, vm0  }
0x4f3: {  	vm2 =	vmand vm2, vm1;
	_ =	sdelay $0x4  }
0x4f4: {  	[tilespmem:v3+s6+$0x0] =	vst.idx.add.f32.msk vm3, v1  }
0x4f5: {  	[tilespmem:v54+s6+$0x0] =	vst.idx.add.f32.msk vm2, v2  }
0x4f6: {  	v3 =	vld [tilespmem:$0x8190]  }
0x4f7: {  	v4 =	vld [tilespmem:$0x8191];
	_ =	sdelay $0x4  }
0x4f8: {  	vm2 =	vne.s32 v3, v4  }
0x4f9: {  	vm3 =	vmor vm2, vm0  }
0x4fa: {  	vm2 =	vmand vm2, vm1;
	_ =	sdelay $0x4  }
0x4fb: {  	[tilespmem:v3+s6+$0x0] =	vst.idx.add.f32.msk vm3, v1  }
0x4fc: {  	[tilespmem:v4+s6+$0x0] =	vst.idx.add.f32.msk vm2, v2  }
0x4fd: {  	v3 =	vld [tilespmem:$0x81A0]  }
0x4fe: {  	v4 =	vld [tilespmem:$0x81A1];
	_ =	sdelay $0x4  }
0x4ff: {  	vm2 =	vne.s32 v3, v4  }
0x500: {  	vm3 =	vmor vm2, vm0  }
0x501: {  	vm2 =	vmand vm2, vm1;
	_ =	sdelay $0x4  }
0x502: {  	[tilespmem:v3+s6+$0x0] =	vst.idx.add.f32.msk vm3, v1  }
0x503: {  	[tilespmem:v4+s6+$0x0] =	vst.idx.add.f32.msk vm2, v2  }
0x504: {  	v3 =	vld [tilespmem:$0x81B0]  }
0x505: {  	v4 =	vld [tilespmem:$0x81B1];
	_ =	sdelay $0x4  }
0x506: {  	vm2 =	vne.s32 v3, v4  }
0x507: {  	vm3 =	vmor vm2, vm0  }
0x508: {  	vm2 =	vmand vm2, vm1;
	_ =	sdelay $0x4  }
0x509: {  	[tilespmem:v3+s6+$0x0] =	vst.idx.add.f32.msk vm3, v1  }
0x50a: {  	[tilespmem:v4+s6+$0x0] =	vst.idx.add.f32.msk vm2, v2  }
0x50b: {  	v3 =	vld [tilespmem:$0x81C0]  }
0x50c: {  	v4 =	vld [tilespmem:$0x81C1];
	_ =	sdelay $0x4  }
0x50d: {  	vm2 =	vne.s32 v3, v4  }
0x50e: {  	vm3 =	vmor vm2, vm0  }
0x50f: {  	vm2 =	vmand vm2, vm1;
	_ =	sdelay $0x4  }
0x510: {  	[tilespmem:v3+s6+$0x0] =	vst.idx.add.f32.msk vm3, v1  }
0x511: {  	[tilespmem:v4+s6+$0x0] =	vst.idx.add.f32.msk vm2, v2  }
0x512: {  	v3 =	vld [tilespmem:$0x81D0]  }
0x513: {  	v4 =	vld [tilespmem:$0x81D1];
	_ =	sdelay $0x4  }
0x514: {  	vm2 =	vne.s32 v3, v4  }
0x515: {  	vm3 =	vmor vm2, vm0  }
0x516: {  	vm2 =	vmand vm2, vm1;
	_ =	sdelay $0x4  }
0x517: {  	[tilespmem:v3+s6+$0x0] =	vst.idx.add.f32.msk vm3, v1  }
0x518: {  	[tilespmem:v4+s6+$0x0] =	vst.idx.add.f32.msk vm2, v2  }
0x519: {  	v3 =	vld [tilespmem:$0x81E0]  }
0x51a: {  	v4 =	vld [tilespmem:$0x81E1];
	_ =	sdelay $0x4  }
0x51b: {  	vm2 =	vne.s32 v3, v4  }
0x51c: {  	vm3 =	vmor vm2, vm0  }
0x51d: {  	vm2 =	vmand vm2, vm1;
	_ =	sdelay $0x4  }
0x51e: {  	[tilespmem:v3+s6+$0x0] =	vst.idx.add.f32.msk vm3, v1  }
0x51f: {  	[tilespmem:v4+s6+$0x0] =	vst.idx.add.f32.msk vm2, v2  }
0x520: {  	v3 =	vld [tilespmem:$0x81F0]  }
0x521: {  	v4 =	vld [tilespmem:$0x81F1];
	_ =	sdelay $0x4  }
0x522: {  	vm2 =	vne.s32 v3, v4  }
0x523: {  	vm3 =	vmor vm2, vm0  }
0x524: {  	vm2 =	vmand vm2, vm1;
	_ =	sdelay $0x3  }
0x525: {  	s11 =	sld [smem:$0x7E7]  }
0x526: {  	[tilespmem:v3+s6+$0x0] =	vst.idx.add.f32.msk vm3, v1  }
0x527: {  	[tilespmem:v4+s6+$0x0] =	vst.idx.add.f32.msk vm2, v2  }
0x528: {  	[tilespmem:s1], [sflag:$0x1] =	stream.linear.gather [hbm4b:s11+s1], $0x4000, $0x38;
	[tilespmem:$0xA800] =	vst v63  }
0x529: {  	_ = 	snop  }
0x52a: {  	[tilespmem:s24], [sflag:$0x1] =	stream.linear.gather [hbm4b:s18+s1], $0x80, $0x38;
	[tilespmem:$0xA800] =	vst v63  }
0x52b: {  	_ = 	snop  }
0x52c: {  	[tilespmem:s0], [sflag:$0x1] =	stream.linear.gather [hbm4b:s18+s1], $0x90, $0x38;
	[tilespmem:$0xA800] =	vst v63  }
0x52d: {  	_ =	swait.ge [sflag:s7], $0x4000  }
0x52e: {  	[sflag:s7] =	ssyncset.done $0x0  }
0x52f: {  	[sflag:s7] =	ssyncadd.s32 $0xFFFFC000  }
0x530: {  	_ =	swait.ge [sflag:s7], $0x80  }
0x531: {  	[sflag:s7] =	ssyncset.done $0x0  }
0x532: {  	[sflag:s7] =	ssyncadd.s32 $0xFFFFFF80  }
0x533: {  	_ =	swait.ge [sflag:s7], $0x90  }
0x534: {  	[sflag:s7] =	ssyncset.done $0x0  }
0x535: {  	[sflag:s7] =	ssyncadd.s32 $0xFFFFFF70  }
0x536: {  	[spmem:s26] =	stream.indirect.scatter.add.f32 [tilespmem:s29], [sflag:$0x3], $0x80, s2, s5, $0xb8;
	[tilespmem:$0xA800] =	vst v63  }
0x537: {  	_ =	swait.ge [sflag:s30], $0x4000  }
0x538: {  	[sflag:s30] =	ssyncset.done $0x0  }
0x539: {  	[sflag:s30] =	ssyncadd.s32 $0xFFFFC000  }
0x53a: {  	v3 =	vld [tilespmem:$0x8280]  }
0x53b: {  	v55 =	vld [tilespmem:$0x8281];
	_ =	sdelay $0x4  }
0x53c: {  	vm2 =	vne.s32 v3, v55  }
0x53d: {  	vm3 =	vmor vm2, vm0  }
0x53e: {  	vm2 =	vmand vm2, vm1;
	_ =	sdelay $0x4  }
0x53f: {  	[tilespmem:v3+s6+$0x0] =	vst.idx.add.f32.msk vm3, v1  }
0x540: {  	[tilespmem:v55+s6+$0x0] =	vst.idx.add.f32.msk vm2, v2  }
0x541: {  	v3 =	vld [tilespmem:$0x8290]  }
0x542: {  	v4 =	vld [tilespmem:$0x8291];
	_ =	sdelay $0x4  }
0x543: {  	vm2 =	vne.s32 v3, v4  }
0x544: {  	vm3 =	vmor vm2, vm0  }
0x545: {  	vm2 =	vmand vm2, vm1;
	_ =	sdelay $0x4  }
0x546: {  	[tilespmem:v3+s6+$0x0] =	vst.idx.add.f32.msk vm3, v1  }
0x547: {  	[tilespmem:v4+s6+$0x0] =	vst.idx.add.f32.msk vm2, v2  }
0x548: {  	v3 =	vld [tilespmem:$0x82A0]  }
0x549: {  	v4 =	vld [tilespmem:$0x82A1];
	_ =	sdelay $0x4  }
0x54a: {  	vm2 =	vne.s32 v3, v4  }
0x54b: {  	vm3 =	vmor vm2, vm0  }
0x54c: {  	vm2 =	vmand vm2, vm1;
	_ =	sdelay $0x4  }
0x54d: {  	[tilespmem:v3+s6+$0x0] =	vst.idx.add.f32.msk vm3, v1  }
0x54e: {  	[tilespmem:v4+s6+$0x0] =	vst.idx.add.f32.msk vm2, v2  }
0x54f: {  	v3 =	vld [tilespmem:$0x82B0]  }
0x550: {  	v4 =	vld [tilespmem:$0x82B1];
	_ =	sdelay $0x4  }
0x551: {  	vm2 =	vne.s32 v3, v4  }
0x552: {  	vm3 =	vmor vm2, vm0  }
0x553: {  	vm2 =	vmand vm2, vm1;
	_ =	sdelay $0x4  }
0x554: {  	[tilespmem:v3+s6+$0x0] =	vst.idx.add.f32.msk vm3, v1  }
0x555: {  	[tilespmem:v4+s6+$0x0] =	vst.idx.add.f32.msk vm2, v2  }
0x556: {  	v3 =	vld [tilespmem:$0x82C0]  }
0x557: {  	v4 =	vld [tilespmem:$0x82C1];
	_ =	sdelay $0x4  }
0x558: {  	vm2 =	vne.s32 v3, v4  }
0x559: {  	vm3 =	vmor vm2, vm0  }
0x55a: {  	vm2 =	vmand vm2, vm1;
	_ =	sdelay $0x4  }
0x55b: {  	[tilespmem:v3+s6+$0x0] =	vst.idx.add.f32.msk vm3, v1  }
0x55c: {  	[tilespmem:v4+s6+$0x0] =	vst.idx.add.f32.msk vm2, v2  }
0x55d: {  	v3 =	vld [tilespmem:$0x82D0]  }
0x55e: {  	v4 =	vld [tilespmem:$0x82D1];
	_ =	sdelay $0x4  }
0x55f: {  	vm2 =	vne.s32 v3, v4  }
0x560: {  	vm3 =	vmor vm2, vm0  }
0x561: {  	vm2 =	vmand vm2, vm1;
	_ =	sdelay $0x4  }
0x562: {  	[tilespmem:v3+s6+$0x0] =	vst.idx.add.f32.msk vm3, v1  }
0x563: {  	[tilespmem:v4+s6+$0x0] =	vst.idx.add.f32.msk vm2, v2  }
0x564: {  	v3 =	vld [tilespmem:$0x82E0]  }
0x565: {  	v4 =	vld [tilespmem:$0x82E1];
	_ =	sdelay $0x4  }
0x566: {  	vm2 =	vne.s32 v3, v4  }
0x567: {  	vm3 =	vmor vm2, vm0  }
0x568: {  	vm2 =	vmand vm2, vm1;
	_ =	sdelay $0x4  }
0x569: {  	[tilespmem:v3+s6+$0x0] =	vst.idx.add.f32.msk vm3, v1  }
0x56a: {  	[tilespmem:v4+s6+$0x0] =	vst.idx.add.f32.msk vm2, v2  }
0x56b: {  	v3 =	vld [tilespmem:$0x82F0]  }
0x56c: {  	v4 =	vld [tilespmem:$0x82F1];
	_ =	sdelay $0x4  }
0x56d: {  	vm2 =	vne.s32 v3, v4  }
0x56e: {  	vm3 =	vmor vm2, vm0  }
0x56f: {  	vm2 =	vmand vm2, vm1;
	_ =	sdelay $0x3  }
0x570: {  	s11 =	sld [smem:$0x7E8]  }
0x571: {  	[tilespmem:v3+s6+$0x0] =	vst.idx.add.f32.msk vm3, v1  }
0x572: {  	[tilespmem:v4+s6+$0x0] =	vst.idx.add.f32.msk vm2, v2  }
0x573: {  	[tilespmem:s29], [sflag:$0x2] =	stream.linear.gather [hbm4b:s11+s1], $0x4000, $0x38;
	[tilespmem:$0xA800] =	vst v63  }
0x574: {  	_ = 	snop  }
0x575: {  	[tilespmem:s2], [sflag:$0x2] =	stream.linear.gather [hbm4b:s19+s1], $0x80, $0x38;
	[tilespmem:$0xA800] =	vst v63  }
0x576: {  	_ = 	snop  }
0x577: {  	[tilespmem:s3], [sflag:$0x2] =	stream.linear.gather [hbm4b:s19+s1], $0x90, $0x38;
	[tilespmem:$0xA800] =	vst v63  }
0x578: {  	_ =	swait.ge [sflag:s4], $0x4000  }
0x579: {  	[sflag:s4] =	ssyncset.done $0x0  }
0x57a: {  	[sflag:s4] =	ssyncadd.s32 $0xFFFFC000  }
0x57b: {  	_ =	swait.ge [sflag:s4], $0x80  }
0x57c: {  	[sflag:s4] =	ssyncset.done $0x0  }
0x57d: {  	[sflag:s4] =	ssyncadd.s32 $0xFFFFFF80  }
0x57e: {  	_ =	swait.ge [sflag:s4], $0x90  }
0x57f: {  	[sflag:s4] =	ssyncset.done $0x0  }
0x580: {  	[sflag:s4] =	ssyncadd.s32 $0xFFFFFF70  }
0x581: {  	[spmem:s26] =	stream.indirect.scatter.add.f32 [tilespmem:s1], [sflag:$0x3], $0x80, s24, s5, $0xb8;
	[tilespmem:$0xA800] =	vst v63  }
0x582: {  	_ =	swait.ge [sflag:s30], $0x4000  }
0x583: {  	[sflag:s30] =	ssyncset.done $0x0  }
0x584: {  	[sflag:s30] =	ssyncadd.s32 $0xFFFFC000  }
0x585: {  	v3 =	vld [tilespmem:$0x8180]  }
0x586: {  	v56 =	vld [tilespmem:$0x8181];
	_ =	sdelay $0x4  }
0x587: {  	vm2 =	vne.s32 v3, v56  }
0x588: {  	vm3 =	vmor vm2, vm0  }
0x589: {  	vm2 =	vmand vm2, vm1;
	_ =	sdelay $0x4  }
0x58a: {  	[tilespmem:v3+s6+$0x0] =	vst.idx.add.f32.msk vm3, v1  }
0x58b: {  	[tilespmem:v56+s6+$0x0] =	vst.idx.add.f32.msk vm2, v2  }
0x58c: {  	v3 =	vld [tilespmem:$0x8190]  }
0x58d: {  	v4 =	vld [tilespmem:$0x8191];
	_ =	sdelay $0x4  }
0x58e: {  	vm2 =	vne.s32 v3, v4  }
0x58f: {  	vm3 =	vmor vm2, vm0  }
0x590: {  	vm2 =	vmand vm2, vm1;
	_ =	sdelay $0x4  }
0x591: {  	[tilespmem:v3+s6+$0x0] =	vst.idx.add.f32.msk vm3, v1  }
0x592: {  	[tilespmem:v4+s6+$0x0] =	vst.idx.add.f32.msk vm2, v2  }
0x593: {  	v3 =	vld [tilespmem:$0x81A0]  }
0x594: {  	v4 =	vld [tilespmem:$0x81A1];
	_ =	sdelay $0x4  }
0x595: {  	vm2 =	vne.s32 v3, v4  }
0x596: {  	vm3 =	vmor vm2, vm0  }
0x597: {  	vm2 =	vmand vm2, vm1;
	_ =	sdelay $0x4  }
0x598: {  	[tilespmem:v3+s6+$0x0] =	vst.idx.add.f32.msk vm3, v1  }
0x599: {  	[tilespmem:v4+s6+$0x0] =	vst.idx.add.f32.msk vm2, v2  }
0x59a: {  	v3 =	vld [tilespmem:$0x81B0]  }
0x59b: {  	v4 =	vld [tilespmem:$0x81B1];
	_ =	sdelay $0x4  }
0x59c: {  	vm2 =	vne.s32 v3, v4  }
0x59d: {  	vm3 =	vmor vm2, vm0  }
0x59e: {  	vm2 =	vmand vm2, vm1;
	_ =	sdelay $0x4  }
0x59f: {  	[tilespmem:v3+s6+$0x0] =	vst.idx.add.f32.msk vm3, v1  }
0x5a0: {  	[tilespmem:v4+s6+$0x0] =	vst.idx.add.f32.msk vm2, v2  }
0x5a1: {  	v3 =	vld [tilespmem:$0x81C0]  }
0x5a2: {  	v4 =	vld [tilespmem:$0x81C1];
	_ =	sdelay $0x4  }
0x5a3: {  	vm2 =	vne.s32 v3, v4  }
0x5a4: {  	vm3 =	vmor vm2, vm0  }
0x5a5: {  	vm2 =	vmand vm2, vm1;
	_ =	sdelay $0x4  }
0x5a6: {  	[tilespmem:v3+s6+$0x0] =	vst.idx.add.f32.msk vm3, v1  }
0x5a7: {  	[tilespmem:v4+s6+$0x0] =	vst.idx.add.f32.msk vm2, v2  }
0x5a8: {  	v3 =	vld [tilespmem:$0x81D0]  }
0x5a9: {  	v4 =	vld [tilespmem:$0x81D1];
	_ =	sdelay $0x4  }
0x5aa: {  	vm2 =	vne.s32 v3, v4  }
0x5ab: {  	vm3 =	vmor vm2, vm0  }
0x5ac: {  	vm2 =	vmand vm2, vm1;
	_ =	sdelay $0x4  }
0x5ad: {  	[tilespmem:v3+s6+$0x0] =	vst.idx.add.f32.msk vm3, v1  }
0x5ae: {  	[tilespmem:v4+s6+$0x0] =	vst.idx.add.f32.msk vm2, v2  }
0x5af: {  	v3 =	vld [tilespmem:$0x81E0]  }
0x5b0: {  	v4 =	vld [tilespmem:$0x81E1];
	_ =	sdelay $0x4  }
0x5b1: {  	vm2 =	vne.s32 v3, v4  }
0x5b2: {  	vm3 =	vmor vm2, vm0  }
0x5b3: {  	vm2 =	vmand vm2, vm1;
	_ =	sdelay $0x4  }
0x5b4: {  	[tilespmem:v3+s6+$0x0] =	vst.idx.add.f32.msk vm3, v1  }
0x5b5: {  	[tilespmem:v4+s6+$0x0] =	vst.idx.add.f32.msk vm2, v2  }
0x5b6: {  	v3 =	vld [tilespmem:$0x81F0]  }
0x5b7: {  	v4 =	vld [tilespmem:$0x81F1];
	_ =	sdelay $0x4  }
0x5b8: {  	vm2 =	vne.s32 v3, v4  }
0x5b9: {  	vm3 =	vmor vm2, vm0  }
0x5ba: {  	vm2 =	vmand vm2, vm1;
	_ =	sdelay $0x3  }
0x5bb: {  	s11 =	sld [smem:$0x7EA]  }
0x5bc: {  	[tilespmem:v3+s6+$0x0] =	vst.idx.add.f32.msk vm3, v1  }
0x5bd: {  	[tilespmem:v4+s6+$0x0] =	vst.idx.add.f32.msk vm2, v2  }
0x5be: {  	[tilespmem:s1], [sflag:$0x1] =	stream.linear.gather [hbm4b:s11+s1], $0x4000, $0x38;
	[tilespmem:$0xA800] =	vst v63  }
0x5bf: {  	_ = 	snop  }
0x5c0: {  	[tilespmem:s24], [sflag:$0x1] =	stream.linear.gather [hbm4b:s20+s1], $0x80, $0x38;
	[tilespmem:$0xA800] =	vst v63  }
0x5c1: {  	_ = 	snop  }
0x5c2: {  	[tilespmem:s0], [sflag:$0x1] =	stream.linear.gather [hbm4b:s20+s1], $0x90, $0x38;
	[tilespmem:$0xA800] =	vst v63  }
0x5c3: {  	_ =	swait.ge [sflag:s7], $0x4000  }
0x5c4: {  	[sflag:s7] =	ssyncset.done $0x0  }
0x5c5: {  	[sflag:s7] =	ssyncadd.s32 $0xFFFFC000  }
0x5c6: {  	_ =	swait.ge [sflag:s7], $0x80  }
0x5c7: {  	[sflag:s7] =	ssyncset.done $0x0  }
0x5c8: {  	[sflag:s7] =	ssyncadd.s32 $0xFFFFFF80  }
0x5c9: {  	_ =	swait.ge [sflag:s7], $0x90  }
0x5ca: {  	[sflag:s7] =	ssyncset.done $0x0  }
0x5cb: {  	[sflag:s7] =	ssyncadd.s32 $0xFFFFFF70  }
0x5cc: {  	[spmem:s26] =	stream.indirect.scatter.add.f32 [tilespmem:s29], [sflag:$0x3], $0x80, s2, s5, $0xb8;
	[tilespmem:$0xA800] =	vst v63  }
0x5cd: {  	_ =	swait.ge [sflag:s30], $0x4000  }
0x5ce: {  	[sflag:s30] =	ssyncset.done $0x0  }
0x5cf: {  	[sflag:s30] =	ssyncadd.s32 $0xFFFFC000  }
0x5d0: {  	v3 =	vld [tilespmem:$0x8280]  }
0x5d1: {  	v57 =	vld [tilespmem:$0x8281];
	_ =	sdelay $0x4  }
0x5d2: {  	vm2 =	vne.s32 v3, v57  }
0x5d3: {  	vm3 =	vmor vm2, vm0  }
0x5d4: {  	vm2 =	vmand vm2, vm1;
	_ =	sdelay $0x4  }
0x5d5: {  	[tilespmem:v3+s6+$0x0] =	vst.idx.add.f32.msk vm3, v1  }
0x5d6: {  	[tilespmem:v57+s6+$0x0] =	vst.idx.add.f32.msk vm2, v2  }
0x5d7: {  	v3 =	vld [tilespmem:$0x8290]  }
0x5d8: {  	v4 =	vld [tilespmem:$0x8291];
	_ =	sdelay $0x4  }
0x5d9: {  	vm2 =	vne.s32 v3, v4  }
0x5da: {  	vm3 =	vmor vm2, vm0  }
0x5db: {  	vm2 =	vmand vm2, vm1;
	_ =	sdelay $0x4  }
0x5dc: {  	[tilespmem:v3+s6+$0x0] =	vst.idx.add.f32.msk vm3, v1  }
0x5dd: {  	[tilespmem:v4+s6+$0x0] =	vst.idx.add.f32.msk vm2, v2  }
0x5de: {  	v3 =	vld [tilespmem:$0x82A0]  }
0x5df: {  	v4 =	vld [tilespmem:$0x82A1];
	_ =	sdelay $0x4  }
0x5e0: {  	vm2 =	vne.s32 v3, v4  }
0x5e1: {  	vm3 =	vmor vm2, vm0  }
0x5e2: {  	vm2 =	vmand vm2, vm1;
	_ =	sdelay $0x4  }
0x5e3: {  	[tilespmem:v3+s6+$0x0] =	vst.idx.add.f32.msk vm3, v1  }
0x5e4: {  	[tilespmem:v4+s6+$0x0] =	vst.idx.add.f32.msk vm2, v2  }
0x5e5: {  	v3 =	vld [tilespmem:$0x82B0]  }
0x5e6: {  	v4 =	vld [tilespmem:$0x82B1];
	_ =	sdelay $0x4  }
0x5e7: {  	vm2 =	vne.s32 v3, v4  }
0x5e8: {  	vm3 =	vmor vm2, vm0  }
0x5e9: {  	vm2 =	vmand vm2, vm1;
	_ =	sdelay $0x4  }
0x5ea: {  	[tilespmem:v3+s6+$0x0] =	vst.idx.add.f32.msk vm3, v1  }
0x5eb: {  	[tilespmem:v4+s6+$0x0] =	vst.idx.add.f32.msk vm2, v2  }
0x5ec: {  	v3 =	vld [tilespmem:$0x82C0]  }
0x5ed: {  	v4 =	vld [tilespmem:$0x82C1];
	_ =	sdelay $0x4  }
0x5ee: {  	vm2 =	vne.s32 v3, v4  }
0x5ef: {  	vm3 =	vmor vm2, vm0  }
0x5f0: {  	vm2 =	vmand vm2, vm1;
	_ =	sdelay $0x4  }
0x5f1: {  	[tilespmem:v3+s6+$0x0] =	vst.idx.add.f32.msk vm3, v1  }
0x5f2: {  	[tilespmem:v4+s6+$0x0] =	vst.idx.add.f32.msk vm2, v2  }
0x5f3: {  	v3 =	vld [tilespmem:$0x82D0]  }
0x5f4: {  	v4 =	vld [tilespmem:$0x82D1];
	_ =	sdelay $0x4  }
0x5f5: {  	vm2 =	vne.s32 v3, v4  }
0x5f6: {  	vm3 =	vmor vm2, vm0  }
0x5f7: {  	vm2 =	vmand vm2, vm1;
	_ =	sdelay $0x4  }
0x5f8: {  	[tilespmem:v3+s6+$0x0] =	vst.idx.add.f32.msk vm3, v1  }
0x5f9: {  	[tilespmem:v4+s6+$0x0] =	vst.idx.add.f32.msk vm2, v2  }
0x5fa: {  	v3 =	vld [tilespmem:$0x82E0]  }
0x5fb: {  	v4 =	vld [tilespmem:$0x82E1];
	_ =	sdelay $0x4  }
0x5fc: {  	vm2 =	vne.s32 v3, v4  }
0x5fd: {  	vm3 =	vmor vm2, vm0  }
0x5fe: {  	vm2 =	vmand vm2, vm1;
	_ =	sdelay $0x4  }
0x5ff: {  	[tilespmem:v3+s6+$0x0] =	vst.idx.add.f32.msk vm3, v1  }
0x600: {  	[tilespmem:v4+s6+$0x0] =	vst.idx.add.f32.msk vm2, v2  }
0x601: {  	v3 =	vld [tilespmem:$0x82F0]  }
0x602: {  	v4 =	vld [tilespmem:$0x82F1];
	_ =	sdelay $0x4  }
0x603: {  	vm2 =	vne.s32 v3, v4  }
0x604: {  	vm3 =	vmor vm2, vm0  }
0x605: {  	vm2 =	vmand vm2, vm1;
	_ =	sdelay $0x3  }
0x606: {  	s11 =	sld [smem:$0x7ED]  }
0x607: {  	[tilespmem:v3+s6+$0x0] =	vst.idx.add.f32.msk vm3, v1  }
0x608: {  	[tilespmem:v4+s6+$0x0] =	vst.idx.add.f32.msk vm2, v2  }
0x609: {  	[tilespmem:s29], [sflag:$0x2] =	stream.linear.gather [hbm4b:s11+s1], $0x4000, $0x38;
	[tilespmem:$0xA800] =	vst v63  }
0x60a: {  	_ = 	snop  }
0x60b: {  	[tilespmem:s2], [sflag:$0x2] =	stream.linear.gather [hbm4b:s21+s1], $0x80, $0x38;
	[tilespmem:$0xA800] =	vst v63  }
0x60c: {  	_ = 	snop  }
0x60d: {  	[tilespmem:s3], [sflag:$0x2] =	stream.linear.gather [hbm4b:s21+s1], $0x90, $0x38;
	[tilespmem:$0xA800] =	vst v63  }
0x60e: {  	_ =	swait.ge [sflag:s4], $0x4000  }
0x60f: {  	[sflag:s4] =	ssyncset.done $0x0  }
0x610: {  	[sflag:s4] =	ssyncadd.s32 $0xFFFFC000  }
0x611: {  	_ =	swait.ge [sflag:s4], $0x80  }
0x612: {  	[sflag:s4] =	ssyncset.done $0x0  }
0x613: {  	[sflag:s4] =	ssyncadd.s32 $0xFFFFFF80  }
0x614: {  	_ =	swait.ge [sflag:s4], $0x90  }
0x615: {  	[sflag:s4] =	ssyncset.done $0x0  }
0x616: {  	[sflag:s4] =	ssyncadd.s32 $0xFFFFFF70  }
0x617: {  	[spmem:s26] =	stream.indirect.scatter.add.f32 [tilespmem:s1], [sflag:$0x3], $0x80, s24, s5, $0xb8;
	[tilespmem:$0xA800] =	vst v63  }
0x618: {  	_ =	swait.ge [sflag:s30], $0x4000  }
0x619: {  	[sflag:s30] =	ssyncset.done $0x0  }
0x61a: {  	[sflag:s30] =	ssyncadd.s32 $0xFFFFC000  }
0x61b: {  	v3 =	vld [tilespmem:$0x8180]  }
0x61c: {  	v58 =	vld [tilespmem:$0x8181];
	_ =	sdelay $0x4  }
0x61d: {  	vm2 =	vne.s32 v3, v58  }
0x61e: {  	vm3 =	vmor vm2, vm0  }
0x61f: {  	vm2 =	vmand vm2, vm1;
	_ =	sdelay $0x4  }
0x620: {  	[tilespmem:v3+s6+$0x0] =	vst.idx.add.f32.msk vm3, v1  }
0x621: {  	[tilespmem:v58+s6+$0x0] =	vst.idx.add.f32.msk vm2, v2  }
0x622: {  	v3 =	vld [tilespmem:$0x8190]  }
0x623: {  	v4 =	vld [tilespmem:$0x8191];
	_ =	sdelay $0x4  }
0x624: {  	vm2 =	vne.s32 v3, v4  }
0x625: {  	vm3 =	vmor vm2, vm0  }
0x626: {  	vm2 =	vmand vm2, vm1;
	_ =	sdelay $0x4  }
0x627: {  	[tilespmem:v3+s6+$0x0] =	vst.idx.add.f32.msk vm3, v1  }
0x628: {  	[tilespmem:v4+s6+$0x0] =	vst.idx.add.f32.msk vm2, v2  }
0x629: {  	v3 =	vld [tilespmem:$0x81A0]  }
0x62a: {  	v4 =	vld [tilespmem:$0x81A1];
	_ =	sdelay $0x4  }
0x62b: {  	vm2 =	vne.s32 v3, v4  }
0x62c: {  	vm3 =	vmor vm2, vm0  }
0x62d: {  	vm2 =	vmand vm2, vm1;
	_ =	sdelay $0x4  }
0x62e: {  	[tilespmem:v3+s6+$0x0] =	vst.idx.add.f32.msk vm3, v1  }
0x62f: {  	[tilespmem:v4+s6+$0x0] =	vst.idx.add.f32.msk vm2, v2  }
0x630: {  	v3 =	vld [tilespmem:$0x81B0]  }
0x631: {  	v4 =	vld [tilespmem:$0x81B1];
	_ =	sdelay $0x4  }
0x632: {  	vm2 =	vne.s32 v3, v4  }
0x633: {  	vm3 =	vmor vm2, vm0  }
0x634: {  	vm2 =	vmand vm2, vm1;
	_ =	sdelay $0x4  }
0x635: {  	[tilespmem:v3+s6+$0x0] =	vst.idx.add.f32.msk vm3, v1  }
0x636: {  	[tilespmem:v4+s6+$0x0] =	vst.idx.add.f32.msk vm2, v2  }
0x637: {  	v3 =	vld [tilespmem:$0x81C0]  }
0x638: {  	v4 =	vld [tilespmem:$0x81C1];
	_ =	sdelay $0x4  }
0x639: {  	vm2 =	vne.s32 v3, v4  }
0x63a: {  	vm3 =	vmor vm2, vm0  }
0x63b: {  	vm2 =	vmand vm2, vm1;
	_ =	sdelay $0x4  }
0x63c: {  	[tilespmem:v3+s6+$0x0] =	vst.idx.add.f32.msk vm3, v1  }
0x63d: {  	[tilespmem:v4+s6+$0x0] =	vst.idx.add.f32.msk vm2, v2  }
0x63e: {  	v3 =	vld [tilespmem:$0x81D0]  }
0x63f: {  	v4 =	vld [tilespmem:$0x81D1];
	_ =	sdelay $0x4  }
0x640: {  	vm2 =	vne.s32 v3, v4  }
0x641: {  	vm3 =	vmor vm2, vm0  }
0x642: {  	vm2 =	vmand vm2, vm1;
	_ =	sdelay $0x4  }
0x643: {  	[tilespmem:v3+s6+$0x0] =	vst.idx.add.f32.msk vm3, v1  }
0x644: {  	[tilespmem:v4+s6+$0x0] =	vst.idx.add.f32.msk vm2, v2  }
0x645: {  	v3 =	vld [tilespmem:$0x81E0]  }
0x646: {  	v4 =	vld [tilespmem:$0x81E1];
	_ =	sdelay $0x4  }
0x647: {  	vm2 =	vne.s32 v3, v4  }
0x648: {  	vm3 =	vmor vm2, vm0  }
0x649: {  	vm2 =	vmand vm2, vm1;
	_ =	sdelay $0x4  }
0x64a: {  	[tilespmem:v3+s6+$0x0] =	vst.idx.add.f32.msk vm3, v1  }
0x64b: {  	[tilespmem:v4+s6+$0x0] =	vst.idx.add.f32.msk vm2, v2  }
0x64c: {  	v3 =	vld [tilespmem:$0x81F0]  }
0x64d: {  	v4 =	vld [tilespmem:$0x81F1];
	_ =	sdelay $0x4  }
0x64e: {  	vm2 =	vne.s32 v3, v4  }
0x64f: {  	vm3 =	vmor vm2, vm0  }
0x650: {  	vm2 =	vmand vm2, vm1;
	_ =	sdelay $0x3  }
0x651: {  	s11 =	sld [smem:$0x7EE]  }
0x652: {  	[tilespmem:v3+s6+$0x0] =	vst.idx.add.f32.msk vm3, v1  }
0x653: {  	[tilespmem:v4+s6+$0x0] =	vst.idx.add.f32.msk vm2, v2  }
0x654: {  	[tilespmem:s1], [sflag:$0x1] =	stream.linear.gather [hbm4b:s11+s1], $0x4000, $0x38;
	[tilespmem:$0xA800] =	vst v63  }
0x655: {  	_ = 	snop  }
0x656: {  	[tilespmem:s24], [sflag:$0x1] =	stream.linear.gather [hbm4b:s22+s1], $0x80, $0x38;
	[tilespmem:$0xA800] =	vst v63  }
0x657: {  	_ = 	snop  }
0x658: {  	[tilespmem:s0], [sflag:$0x1] =	stream.linear.gather [hbm4b:s22+s1], $0x90, $0x38;
	[tilespmem:$0xA800] =	vst v63  }
0x659: {  	_ =	swait.ge [sflag:s7], $0x4000  }
0x65a: {  	[sflag:s7] =	ssyncset.done $0x0  }
0x65b: {  	[sflag:s7] =	ssyncadd.s32 $0xFFFFC000  }
0x65c: {  	_ =	swait.ge [sflag:s7], $0x80  }
0x65d: {  	[sflag:s7] =	ssyncset.done $0x0  }
0x65e: {  	[sflag:s7] =	ssyncadd.s32 $0xFFFFFF80  }
0x65f: {  	_ =	swait.ge [sflag:s7], $0x90  }
0x660: {  	[sflag:s7] =	ssyncset.done $0x0  }
0x661: {  	[sflag:s7] =	ssyncadd.s32 $0xFFFFFF70  }
0x662: {  	[spmem:s26] =	stream.indirect.scatter.add.f32 [tilespmem:s29], [sflag:$0x3], $0x80, s2, s5, $0xb8;
	[tilespmem:$0xA800] =	vst v63  }
0x663: {  	_ =	swait.ge [sflag:s30], $0x4000  }
0x664: {  	[sflag:s30] =	ssyncset.done $0x0  }
0x665: {  	[sflag:s30] =	ssyncadd.s32 $0xFFFFC000  }
0x666: {  	v3 =	vld [tilespmem:$0x8280]  }
0x667: {  	v59 =	vld [tilespmem:$0x8281];
	_ =	sdelay $0x4  }
0x668: {  	vm2 =	vne.s32 v3, v59  }
0x669: {  	vm3 =	vmor vm2, vm0  }
0x66a: {  	vm2 =	vmand vm2, vm1;
	_ =	sdelay $0x4  }
0x66b: {  	[tilespmem:v3+s6+$0x0] =	vst.idx.add.f32.msk vm3, v1  }
0x66c: {  	[tilespmem:v59+s6+$0x0] =	vst.idx.add.f32.msk vm2, v2  }
0x66d: {  	v3 =	vld [tilespmem:$0x8290]  }
0x66e: {  	v4 =	vld [tilespmem:$0x8291];
	_ =	sdelay $0x4  }
0x66f: {  	vm2 =	vne.s32 v3, v4  }
0x670: {  	vm3 =	vmor vm2, vm0  }
0x671: {  	vm2 =	vmand vm2, vm1;
	_ =	sdelay $0x4  }
0x672: {  	[tilespmem:v3+s6+$0x0] =	vst.idx.add.f32.msk vm3, v1  }
0x673: {  	[tilespmem:v4+s6+$0x0] =	vst.idx.add.f32.msk vm2, v2  }
0x674: {  	v3 =	vld [tilespmem:$0x82A0]  }
0x675: {  	v4 =	vld [tilespmem:$0x82A1];
	_ =	sdelay $0x4  }
0x676: {  	vm2 =	vne.s32 v3, v4  }
0x677: {  	vm3 =	vmor vm2, vm0  }
0x678: {  	vm2 =	vmand vm2, vm1;
	_ =	sdelay $0x4  }
0x679: {  	[tilespmem:v3+s6+$0x0] =	vst.idx.add.f32.msk vm3, v1  }
0x67a: {  	[tilespmem:v4+s6+$0x0] =	vst.idx.add.f32.msk vm2, v2  }
0x67b: {  	v3 =	vld [tilespmem:$0x82B0]  }
0x67c: {  	v4 =	vld [tilespmem:$0x82B1];
	_ =	sdelay $0x4  }
0x67d: {  	vm2 =	vne.s32 v3, v4  }
0x67e: {  	vm3 =	vmor vm2, vm0  }
0x67f: {  	vm2 =	vmand vm2, vm1;
	_ =	sdelay $0x4  }
0x680: {  	[tilespmem:v3+s6+$0x0] =	vst.idx.add.f32.msk vm3, v1  }
0x681: {  	[tilespmem:v4+s6+$0x0] =	vst.idx.add.f32.msk vm2, v2  }
0x682: {  	v3 =	vld [tilespmem:$0x82C0]  }
0x683: {  	v4 =	vld [tilespmem:$0x82C1];
	_ =	sdelay $0x4  }
0x684: {  	vm2 =	vne.s32 v3, v4  }
0x685: {  	vm3 =	vmor vm2, vm0  }
0x686: {  	vm2 =	vmand vm2, vm1;
	_ =	sdelay $0x4  }
0x687: {  	[tilespmem:v3+s6+$0x0] =	vst.idx.add.f32.msk vm3, v1  }
0x688: {  	[tilespmem:v4+s6+$0x0] =	vst.idx.add.f32.msk vm2, v2  }
0x689: {  	v3 =	vld [tilespmem:$0x82D0]  }
0x68a: {  	v4 =	vld [tilespmem:$0x82D1];
	_ =	sdelay $0x4  }
0x68b: {  	vm2 =	vne.s32 v3, v4  }
0x68c: {  	vm3 =	vmor vm2, vm0  }
0x68d: {  	vm2 =	vmand vm2, vm1;
	_ =	sdelay $0x4  }
0x68e: {  	[tilespmem:v3+s6+$0x0] =	vst.idx.add.f32.msk vm3, v1  }
0x68f: {  	[tilespmem:v4+s6+$0x0] =	vst.idx.add.f32.msk vm2, v2  }
0x690: {  	v3 =	vld [tilespmem:$0x82E0]  }
0x691: {  	v4 =	vld [tilespmem:$0x82E1];
	_ =	sdelay $0x4  }
0x692: {  	vm2 =	vne.s32 v3, v4  }
0x693: {  	vm3 =	vmor vm2, vm0  }
0x694: {  	vm2 =	vmand vm2, vm1;
	_ =	sdelay $0x4  }
0x695: {  	[tilespmem:v3+s6+$0x0] =	vst.idx.add.f32.msk vm3, v1  }
0x696: {  	[tilespmem:v4+s6+$0x0] =	vst.idx.add.f32.msk vm2, v2  }
0x697: {  	v3 =	vld [tilespmem:$0x82F0]  }
0x698: {  	v4 =	vld [tilespmem:$0x82F1];
	_ =	sdelay $0x4  }
0x699: {  	vm2 =	vne.s32 v3, v4  }
0x69a: {  	vm3 =	vmor vm2, vm0  }
0x69b: {  	vm2 =	vmand vm2, vm1;
	_ =	sdelay $0x3  }
0x69c: {  	s11 =	sld [smem:$0x7F0]  }
0x69d: {  	[tilespmem:v3+s6+$0x0] =	vst.idx.add.f32.msk vm3, v1  }
0x69e: {  	[tilespmem:v4+s6+$0x0] =	vst.idx.add.f32.msk vm2, v2  }
0x69f: {  	[tilespmem:s29], [sflag:$0x2] =	stream.linear.gather [hbm4b:s11+s1], $0x4000, $0x38;
	[tilespmem:$0xA800] =	vst v63  }
0x6a0: {  	_ = 	snop  }
0x6a1: {  	[tilespmem:s2], [sflag:$0x2] =	stream.linear.gather [hbm4b:s23+s1], $0x80, $0x38;
	[tilespmem:$0xA800] =	vst v63  }
0x6a2: {  	_ = 	snop  }
0x6a3: {  	[tilespmem:s3], [sflag:$0x2] =	stream.linear.gather [hbm4b:s23+s1], $0x90, $0x38;
	[tilespmem:$0xA800] =	vst v63  }
0x6a4: {  	_ =	swait.ge [sflag:s4], $0x4000  }
0x6a5: {  	[sflag:s4] =	ssyncset.done $0x0  }
0x6a6: {  	[sflag:s4] =	ssyncadd.s32 $0xFFFFC000  }
0x6a7: {  	_ =	swait.ge [sflag:s4], $0x80  }
0x6a8: {  	[sflag:s4] =	ssyncset.done $0x0  }
0x6a9: {  	[sflag:s4] =	ssyncadd.s32 $0xFFFFFF80  }
0x6aa: {  	_ =	swait.ge [sflag:s4], $0x90  }
0x6ab: {  	[sflag:s4] =	ssyncset.done $0x0  }
0x6ac: {  	[sflag:s4] =	ssyncadd.s32 $0xFFFFFF70  }
0x6ad: {  	[spmem:s26] =	stream.indirect.scatter.add.f32 [tilespmem:s1], [sflag:$0x3], $0x80, s24, s5, $0xb8;
	[tilespmem:$0xA800] =	vst v63  }
0x6ae: {  	_ =	swait.ge [sflag:s30], $0x4000  }
0x6af: {  	[sflag:s30] =	ssyncset.done $0x0  }
0x6b0: {  	[sflag:s30] =	ssyncadd.s32 $0xFFFFC000  }
0x6b1: {  	v3 =	vld [tilespmem:$0x8180]  }
0x6b2: {  	v60 =	vld [tilespmem:$0x8181];
	_ =	sdelay $0x4  }
0x6b3: {  	vm2 =	vne.s32 v3, v60  }
0x6b4: {  	vm3 =	vmor vm2, vm0  }
0x6b5: {  	vm2 =	vmand vm2, vm1;
	_ =	sdelay $0x4  }
0x6b6: {  	[tilespmem:v3+s6+$0x0] =	vst.idx.add.f32.msk vm3, v1  }
0x6b7: {  	[tilespmem:v60+s6+$0x0] =	vst.idx.add.f32.msk vm2, v2  }
0x6b8: {  	v3 =	vld [tilespmem:$0x8190]  }
0x6b9: {  	v4 =	vld [tilespmem:$0x8191];
	_ =	sdelay $0x4  }
0x6ba: {  	vm2 =	vne.s32 v3, v4  }
0x6bb: {  	vm3 =	vmor vm2, vm0  }
0x6bc: {  	vm2 =	vmand vm2, vm1;
	_ =	sdelay $0x4  }
0x6bd: {  	[tilespmem:v3+s6+$0x0] =	vst.idx.add.f32.msk vm3, v1  }
0x6be: {  	[tilespmem:v4+s6+$0x0] =	vst.idx.add.f32.msk vm2, v2  }
0x6bf: {  	v3 =	vld [tilespmem:$0x81A0]  }
0x6c0: {  	v4 =	vld [tilespmem:$0x81A1];
	_ =	sdelay $0x4  }
0x6c1: {  	vm2 =	vne.s32 v3, v4  }
0x6c2: {  	vm3 =	vmor vm2, vm0  }
0x6c3: {  	vm2 =	vmand vm2, vm1;
	_ =	sdelay $0x4  }
0x6c4: {  	[tilespmem:v3+s6+$0x0] =	vst.idx.add.f32.msk vm3, v1  }
0x6c5: {  	[tilespmem:v4+s6+$0x0] =	vst.idx.add.f32.msk vm2, v2  }
0x6c6: {  	v3 =	vld [tilespmem:$0x81B0]  }
0x6c7: {  	v4 =	vld [tilespmem:$0x81B1];
	_ =	sdelay $0x4  }
0x6c8: {  	vm2 =	vne.s32 v3, v4  }
0x6c9: {  	vm3 =	vmor vm2, vm0  }
0x6ca: {  	vm2 =	vmand vm2, vm1;
	_ =	sdelay $0x4  }
0x6cb: {  	[tilespmem:v3+s6+$0x0] =	vst.idx.add.f32.msk vm3, v1  }
0x6cc: {  	[tilespmem:v4+s6+$0x0] =	vst.idx.add.f32.msk vm2, v2  }
0x6cd: {  	v3 =	vld [tilespmem:$0x81C0]  }
0x6ce: {  	v4 =	vld [tilespmem:$0x81C1];
	_ =	sdelay $0x4  }
0x6cf: {  	vm2 =	vne.s32 v3, v4  }
0x6d0: {  	vm3 =	vmor vm2, vm0  }
0x6d1: {  	vm2 =	vmand vm2, vm1;
	_ =	sdelay $0x4  }
0x6d2: {  	[tilespmem:v3+s6+$0x0] =	vst.idx.add.f32.msk vm3, v1  }
0x6d3: {  	[tilespmem:v4+s6+$0x0] =	vst.idx.add.f32.msk vm2, v2  }
0x6d4: {  	v3 =	vld [tilespmem:$0x81D0]  }
0x6d5: {  	v4 =	vld [tilespmem:$0x81D1];
	_ =	sdelay $0x4  }
0x6d6: {  	vm2 =	vne.s32 v3, v4  }
0x6d7: {  	vm3 =	vmor vm2, vm0  }
0x6d8: {  	vm2 =	vmand vm2, vm1;
	_ =	sdelay $0x4  }
0x6d9: {  	[tilespmem:v3+s6+$0x0] =	vst.idx.add.f32.msk vm3, v1  }
0x6da: {  	[tilespmem:v4+s6+$0x0] =	vst.idx.add.f32.msk vm2, v2  }
0x6db: {  	v3 =	vld [tilespmem:$0x81E0]  }
0x6dc: {  	v4 =	vld [tilespmem:$0x81E1];
	_ =	sdelay $0x4  }
0x6dd: {  	vm2 =	vne.s32 v3, v4  }
0x6de: {  	vm3 =	vmor vm2, vm0  }
0x6df: {  	vm2 =	vmand vm2, vm1;
	_ =	sdelay $0x4  }
0x6e0: {  	[tilespmem:v3+s6+$0x0] =	vst.idx.add.f32.msk vm3, v1  }
0x6e1: {  	[tilespmem:v4+s6+$0x0] =	vst.idx.add.f32.msk vm2, v2  }
0x6e2: {  	v3 =	vld [tilespmem:$0x81F0]  }
0x6e3: {  	v4 =	vld [tilespmem:$0x81F1];
	_ =	sdelay $0x4  }
0x6e4: {  	vm2 =	vne.s32 v3, v4  }
0x6e5: {  	vm3 =	vmor vm2, vm0  }
0x6e6: {  	vm2 =	vmand vm2, vm1;
	_ =	sdelay $0x3  }
0x6e7: {  	s11 =	sld [smem:$0x7F3]  }
0x6e8: {  	[tilespmem:v3+s6+$0x0] =	vst.idx.add.f32.msk vm3, v1  }
0x6e9: {  	[tilespmem:v4+s6+$0x0] =	vst.idx.add.f32.msk vm2, v2  }
0x6ea: {  	[tilespmem:s1], [sflag:$0x1] =	stream.linear.gather [hbm4b:s11+s1], $0x4000, $0x38;
	[tilespmem:$0xA800] =	vst v63  }
0x6eb: {  	_ = 	snop  }
0x6ec: {  	[tilespmem:s24], [sflag:$0x1] =	stream.linear.gather [hbm4b:s25+s1], $0x80, $0x38;
	[tilespmem:$0xA800] =	vst v63  }
0x6ed: {  	_ = 	snop  }
0x6ee: {  	[tilespmem:s0], [sflag:$0x1] =	stream.linear.gather [hbm4b:s25+s1], $0x90, $0x38;
	[tilespmem:$0xA800] =	vst v63  }
0x6ef: {  	_ =	swait.ge [sflag:s7], $0x4000  }
0x6f0: {  	[sflag:s7] =	ssyncset.done $0x0  }
0x6f1: {  	[sflag:s7] =	ssyncadd.s32 $0xFFFFC000  }
0x6f2: {  	_ =	swait.ge [sflag:s7], $0x80  }
0x6f3: {  	[sflag:s7] =	ssyncset.done $0x0  }
0x6f4: {  	[sflag:s7] =	ssyncadd.s32 $0xFFFFFF80  }
0x6f5: {  	_ =	swait.ge [sflag:s7], $0x90  }
0x6f6: {  	[sflag:s7] =	ssyncset.done $0x0  }
0x6f7: {  	[sflag:s7] =	ssyncadd.s32 $0xFFFFFF70  }
0x6f8: {  	[spmem:s26] =	stream.indirect.scatter.add.f32 [tilespmem:s29], [sflag:$0x3], $0x80, s2, s5, $0xb8;
	[tilespmem:$0xA800] =	vst v63  }
0x6f9: {  	_ =	swait.ge [sflag:s30], $0x4000  }
0x6fa: {  	[sflag:s30] =	ssyncset.done $0x0  }
0x6fb: {  	[sflag:s30] =	ssyncadd.s32 $0xFFFFC000  }
0x6fc: {  	v3 =	vld [tilespmem:$0x8280]  }
0x6fd: {  	v61 =	vld [tilespmem:$0x8281];
	_ =	sdelay $0x4  }
0x6fe: {  	vm2 =	vne.s32 v3, v61  }
0x6ff: {  	vm3 =	vmor vm2, vm0  }
0x700: {  	vm2 =	vmand vm2, vm1;
	_ =	sdelay $0x4  }
0x701: {  	[tilespmem:v3+s6+$0x0] =	vst.idx.add.f32.msk vm3, v1  }
0x702: {  	[tilespmem:v61+s6+$0x0] =	vst.idx.add.f32.msk vm2, v2  }
0x703: {  	v3 =	vld [tilespmem:$0x8290]  }
0x704: {  	v4 =	vld [tilespmem:$0x8291];
	_ =	sdelay $0x4  }
0x705: {  	vm2 =	vne.s32 v3, v4  }
0x706: {  	vm3 =	vmor vm2, vm0  }
0x707: {  	vm2 =	vmand vm2, vm1;
	_ =	sdelay $0x4  }
0x708: {  	[tilespmem:v3+s6+$0x0] =	vst.idx.add.f32.msk vm3, v1  }
0x709: {  	[tilespmem:v4+s6+$0x0] =	vst.idx.add.f32.msk vm2, v2  }
0x70a: {  	v3 =	vld [tilespmem:$0x82A0]  }
0x70b: {  	v4 =	vld [tilespmem:$0x82A1];
	_ =	sdelay $0x4  }
0x70c: {  	vm2 =	vne.s32 v3, v4  }
0x70d: {  	vm3 =	vmor vm2, vm0  }
0x70e: {  	vm2 =	vmand vm2, vm1;
	_ =	sdelay $0x4  }
0x70f: {  	[tilespmem:v3+s6+$0x0] =	vst.idx.add.f32.msk vm3, v1  }
0x710: {  	[tilespmem:v4+s6+$0x0] =	vst.idx.add.f32.msk vm2, v2  }
0x711: {  	v3 =	vld [tilespmem:$0x82B0]  }
0x712: {  	v4 =	vld [tilespmem:$0x82B1];
	_ =	sdelay $0x4  }
0x713: {  	vm2 =	vne.s32 v3, v4  }
0x714: {  	vm3 =	vmor vm2, vm0  }
0x715: {  	vm2 =	vmand vm2, vm1;
	_ =	sdelay $0x4  }
0x716: {  	[tilespmem:v3+s6+$0x0] =	vst.idx.add.f32.msk vm3, v1  }
0x717: {  	[tilespmem:v4+s6+$0x0] =	vst.idx.add.f32.msk vm2, v2  }
0x718: {  	v3 =	vld [tilespmem:$0x82C0]  }
0x719: {  	v4 =	vld [tilespmem:$0x82C1];
	_ =	sdelay $0x4  }
0x71a: {  	vm2 =	vne.s32 v3, v4  }
0x71b: {  	vm3 =	vmor vm2, vm0  }
0x71c: {  	vm2 =	vmand vm2, vm1;
	_ =	sdelay $0x4  }
0x71d: {  	[tilespmem:v3+s6+$0x0] =	vst.idx.add.f32.msk vm3, v1  }
0x71e: {  	[tilespmem:v4+s6+$0x0] =	vst.idx.add.f32.msk vm2, v2  }
0x71f: {  	v3 =	vld [tilespmem:$0x82D0]  }
0x720: {  	v4 =	vld [tilespmem:$0x82D1];
	_ =	sdelay $0x4  }
0x721: {  	vm2 =	vne.s32 v3, v4  }
0x722: {  	vm3 =	vmor vm2, vm0  }
0x723: {  	vm2 =	vmand vm2, vm1;
	_ =	sdelay $0x4  }
0x724: {  	[tilespmem:v3+s6+$0x0] =	vst.idx.add.f32.msk vm3, v1  }
0x725: {  	[tilespmem:v4+s6+$0x0] =	vst.idx.add.f32.msk vm2, v2  }
0x726: {  	v3 =	vld [tilespmem:$0x82E0]  }
0x727: {  	v4 =	vld [tilespmem:$0x82E1];
	_ =	sdelay $0x4  }
0x728: {  	vm2 =	vne.s32 v3, v4  }
0x729: {  	vm3 =	vmor vm2, vm0  }
0x72a: {  	vm2 =	vmand vm2, vm1;
	_ =	sdelay $0x4  }
0x72b: {  	[tilespmem:v3+s6+$0x0] =	vst.idx.add.f32.msk vm3, v1  }
0x72c: {  	[tilespmem:v4+s6+$0x0] =	vst.idx.add.f32.msk vm2, v2  }
0x72d: {  	v3 =	vld [tilespmem:$0x82F0]  }
0x72e: {  	v4 =	vld [tilespmem:$0x82F1];
	_ =	sdelay $0x4  }
0x72f: {  	vm2 =	vne.s32 v3, v4  }
0x730: {  	vm3 =	vmor vm2, vm0  }
0x731: {  	vm2 =	vmand vm2, vm1;
	_ =	sdelay $0x3  }
0x732: {  	s11 =	sld [smem:$0x7F4]  }
0x733: {  	[tilespmem:v3+s6+$0x0] =	vst.idx.add.f32.msk vm3, v1  }
0x734: {  	[tilespmem:v4+s6+$0x0] =	vst.idx.add.f32.msk vm2, v2  }
0x735: {  	[tilespmem:s29], [sflag:$0x2] =	stream.linear.gather [hbm4b:s11+s1], $0x4000, $0x38;
	[tilespmem:$0xA800] =	vst v63  }
0x736: {  	_ = 	snop  }
0x737: {  	[tilespmem:s2], [sflag:$0x2] =	stream.linear.gather [hbm4b:s28+s1], $0x80, $0x38;
	[tilespmem:$0xA800] =	vst v63  }
0x738: {  	_ = 	snop  }
0x739: {  	[tilespmem:s3], [sflag:$0x2] =	stream.linear.gather [hbm4b:s28+s1], $0x90, $0x38;
	[tilespmem:$0xA800] =	vst v63  }
0x73a: {  	_ =	swait.ge [sflag:s4], $0x4000  }
0x73b: {  	[sflag:s4] =	ssyncset.done $0x0  }
0x73c: {  	[sflag:s4] =	ssyncadd.s32 $0xFFFFC000  }
0x73d: {  	_ =	swait.ge [sflag:s4], $0x80  }
0x73e: {  	[sflag:s4] =	ssyncset.done $0x0  }
0x73f: {  	[sflag:s4] =	ssyncadd.s32 $0xFFFFFF80  }
0x740: {  	_ =	swait.ge [sflag:s4], $0x90  }
0x741: {  	[sflag:s4] =	ssyncset.done $0x0  }
0x742: {  	[sflag:s4] =	ssyncadd.s32 $0xFFFFFF70  }
0x743: {  	[spmem:s26] =	stream.indirect.scatter.add.f32 [tilespmem:s1], [sflag:$0x3], $0x80, s24, s5, $0xb8;
	[tilespmem:$0xA800] =	vst v63  }
0x744: {  	_ =	swait.ge [sflag:s30], $0x4000  }
0x745: {  	[sflag:s30] =	ssyncset.done $0x0  }
0x746: {  	[sflag:s30] =	ssyncadd.s32 $0xFFFFC000  }
0x747: {  	v3 =	vld [tilespmem:$0x8180]  }
0x748: {  	v62 =	vld [tilespmem:$0x8181];
	_ =	sdelay $0x4  }
0x749: {  	vm2 =	vne.s32 v3, v62  }
0x74a: {  	vm3 =	vmor vm2, vm0  }
0x74b: {  	vm2 =	vmand vm2, vm1;
	_ =	sdelay $0x4  }
0x74c: {  	[tilespmem:v3+s6+$0x0] =	vst.idx.add.f32.msk vm3, v1  }
0x74d: {  	[tilespmem:v62+s6+$0x0] =	vst.idx.add.f32.msk vm2, v2  }
0x74e: {  	v3 =	vld [tilespmem:$0x8190]  }
0x74f: {  	v4 =	vld [tilespmem:$0x8191];
	_ =	sdelay $0x4  }
0x750: {  	vm2 =	vne.s32 v3, v4  }
0x751: {  	vm3 =	vmor vm2, vm0  }
0x752: {  	vm2 =	vmand vm2, vm1;
	_ =	sdelay $0x4  }
0x753: {  	[tilespmem:v3+s6+$0x0] =	vst.idx.add.f32.msk vm3, v1  }
0x754: {  	[tilespmem:v4+s6+$0x0] =	vst.idx.add.f32.msk vm2, v2  }
0x755: {  	v3 =	vld [tilespmem:$0x81A0]  }
0x756: {  	v4 =	vld [tilespmem:$0x81A1];
	_ =	sdelay $0x4  }
0x757: {  	vm2 =	vne.s32 v3, v4  }
0x758: {  	vm3 =	vmor vm2, vm0  }
0x759: {  	vm2 =	vmand vm2, vm1;
	_ =	sdelay $0x4  }
0x75a: {  	[tilespmem:v3+s6+$0x0] =	vst.idx.add.f32.msk vm3, v1  }
0x75b: {  	[tilespmem:v4+s6+$0x0] =	vst.idx.add.f32.msk vm2, v2  }
0x75c: {  	v3 =	vld [tilespmem:$0x81B0]  }
0x75d: {  	v4 =	vld [tilespmem:$0x81B1];
	_ =	sdelay $0x4  }
0x75e: {  	vm2 =	vne.s32 v3, v4  }
0x75f: {  	vm3 =	vmor vm2, vm0  }
0x760: {  	vm2 =	vmand vm2, vm1;
	_ =	sdelay $0x4  }
0x761: {  	[tilespmem:v3+s6+$0x0] =	vst.idx.add.f32.msk vm3, v1  }
0x762: {  	[tilespmem:v4+s6+$0x0] =	vst.idx.add.f32.msk vm2, v2  }
0x763: {  	v3 =	vld [tilespmem:$0x81C0]  }
0x764: {  	v4 =	vld [tilespmem:$0x81C1];
	_ =	sdelay $0x4  }
0x765: {  	vm2 =	vne.s32 v3, v4  }
0x766: {  	vm3 =	vmor vm2, vm0  }
0x767: {  	vm2 =	vmand vm2, vm1;
	_ =	sdelay $0x4  }
0x768: {  	[tilespmem:v3+s6+$0x0] =	vst.idx.add.f32.msk vm3, v1  }
0x769: {  	[tilespmem:v4+s6+$0x0] =	vst.idx.add.f32.msk vm2, v2  }
0x76a: {  	v3 =	vld [tilespmem:$0x81D0]  }
0x76b: {  	v4 =	vld [tilespmem:$0x81D1];
	_ =	sdelay $0x4  }
0x76c: {  	vm2 =	vne.s32 v3, v4  }
0x76d: {  	vm3 =	vmor vm2, vm0  }
0x76e: {  	vm2 =	vmand vm2, vm1;
	_ =	sdelay $0x4  }
0x76f: {  	[tilespmem:v3+s6+$0x0] =	vst.idx.add.f32.msk vm3, v1  }
0x770: {  	[tilespmem:v4+s6+$0x0] =	vst.idx.add.f32.msk vm2, v2  }
0x771: {  	v3 =	vld [tilespmem:$0x81E0]  }
0x772: {  	v4 =	vld [tilespmem:$0x81E1];
	_ =	sdelay $0x4  }
0x773: {  	vm2 =	vne.s32 v3, v4  }
0x774: {  	vm3 =	vmor vm2, vm0  }
0x775: {  	vm2 =	vmand vm2, vm1;
	_ =	sdelay $0x4  }
0x776: {  	[tilespmem:v3+s6+$0x0] =	vst.idx.add.f32.msk vm3, v1  }
0x777: {  	[tilespmem:v4+s6+$0x0] =	vst.idx.add.f32.msk vm2, v2  }
0x778: {  	v3 =	vld [tilespmem:$0x81F0]  }
0x779: {  	v4 =	vld [tilespmem:$0x81F1];
	_ =	sdelay $0x4  }
0x77a: {  	vm2 =	vne.s32 v3, v4  }
0x77b: {  	vm3 =	vmor vm2, vm0  }
0x77c: {  	vm2 =	vmand vm2, vm1;
	_ =	sdelay $0x4  }
0x77d: {  	[tilespmem:v3+s6+$0x0] =	vst.idx.add.f32.msk vm3, v1  }
0x77e: {  	[tilespmem:v4+s6+$0x0] =	vst.idx.add.f32.msk vm2, v2  }
0x77f: {  	_ =	swait.ge [sflag:s7], $0x4000  }
0x780: {  	[sflag:s7] =	ssyncset.done $0x0  }
0x781: {  	[sflag:s7] =	ssyncadd.s32 $0xFFFFC000  }
0x782: {  	_ =	swait.ge [sflag:s7], $0x80  }
0x783: {  	[sflag:s7] =	ssyncset.done $0x0  }
0x784: {  	[sflag:s7] =	ssyncadd.s32 $0xFFFFFF80  }
0x785: {  	_ =	swait.ge [sflag:s7], $0x90  }
0x786: {  	[sflag:s7] =	ssyncset.done $0x0  }
0x787: {  	[sflag:s7] =	ssyncadd.s32 $0xFFFFFF70  }
0x788: {  	[spmem:s26] =	stream.indirect.scatter.add.f32 [tilespmem:s29], [sflag:$0x3], $0x80, s2, s5, $0xb8;
	[tilespmem:$0xA800] =	vst v63  }
0x789: {  	_ =	swait.ge [sflag:s30], $0x4000  }
0x78a: {  	[sflag:s30] =	ssyncset.done $0x0  }
0x78b: {  	[sflag:s30] =	ssyncadd.s32 $0xFFFFC000  }
0x78c: {  	v3 =	vld [tilespmem:$0x8280]  }
0x78d: {  	v63 =	vld [tilespmem:$0x8281];
	_ =	sdelay $0x4  }
0x78e: {  	vm2 =	vne.s32 v3, v63  }
0x78f: {  	vm3 =	vmor vm2, vm0  }
0x790: {  	vm2 =	vmand vm2, vm1;
	_ =	sdelay $0x4  }
0x791: {  	[tilespmem:v3+s6+$0x0] =	vst.idx.add.f32.msk vm3, v1  }
0x792: {  	[tilespmem:v63+s6+$0x0] =	vst.idx.add.f32.msk vm2, v2  }
0x793: {  	v3 =	vld [tilespmem:$0x8290]  }
0x794: {  	v4 =	vld [tilespmem:$0x8291];
	_ =	sdelay $0x4  }
0x795: {  	vm2 =	vne.s32 v3, v4  }
0x796: {  	vm3 =	vmor vm2, vm0  }
0x797: {  	vm2 =	vmand vm2, vm1;
	_ =	sdelay $0x4  }
0x798: {  	[tilespmem:v3+s6+$0x0] =	vst.idx.add.f32.msk vm3, v1  }
0x799: {  	[tilespmem:v4+s6+$0x0] =	vst.idx.add.f32.msk vm2, v2  }
0x79a: {  	v3 =	vld [tilespmem:$0x82A0]  }
0x79b: {  	v4 =	vld [tilespmem:$0x82A1];
	_ =	sdelay $0x4  }
0x79c: {  	vm2 =	vne.s32 v3, v4  }
0x79d: {  	vm3 =	vmor vm2, vm0  }
0x79e: {  	vm2 =	vmand vm2, vm1;
	_ =	sdelay $0x4  }
0x79f: {  	[tilespmem:v3+s6+$0x0] =	vst.idx.add.f32.msk vm3, v1  }
0x7a0: {  	[tilespmem:v4+s6+$0x0] =	vst.idx.add.f32.msk vm2, v2  }
0x7a1: {  	v3 =	vld [tilespmem:$0x82B0]  }
0x7a2: {  	v4 =	vld [tilespmem:$0x82B1];
	_ =	sdelay $0x4  }
0x7a3: {  	vm2 =	vne.s32 v3, v4  }
0x7a4: {  	vm3 =	vmor vm2, vm0  }
0x7a5: {  	vm2 =	vmand vm2, vm1;
	_ =	sdelay $0x4  }
0x7a6: {  	[tilespmem:v3+s6+$0x0] =	vst.idx.add.f32.msk vm3, v1  }
0x7a7: {  	[tilespmem:v4+s6+$0x0] =	vst.idx.add.f32.msk vm2, v2  }
0x7a8: {  	v3 =	vld [tilespmem:$0x82C0]  }
0x7a9: {  	v4 =	vld [tilespmem:$0x82C1];
	_ =	sdelay $0x4  }
0x7aa: {  	vm2 =	vne.s32 v3, v4  }
0x7ab: {  	vm3 =	vmor vm2, vm0  }
0x7ac: {  	vm2 =	vmand vm2, vm1;
	_ =	sdelay $0x4  }
0x7ad: {  	[tilespmem:v3+s6+$0x0] =	vst.idx.add.f32.msk vm3, v1  }
0x7ae: {  	[tilespmem:v4+s6+$0x0] =	vst.idx.add.f32.msk vm2, v2  }
0x7af: {  	v3 =	vld [tilespmem:$0x82D0]  }
0x7b0: {  	v4 =	vld [tilespmem:$0x82D1];
	_ =	sdelay $0x4  }
0x7b1: {  	vm2 =	vne.s32 v3, v4  }
0x7b2: {  	vm3 =	vmor vm2, vm0  }
0x7b3: {  	vm2 =	vmand vm2, vm1;
	_ =	sdelay $0x4  }
0x7b4: {  	[tilespmem:v3+s6+$0x0] =	vst.idx.add.f32.msk vm3, v1  }
0x7b5: {  	[tilespmem:v4+s6+$0x0] =	vst.idx.add.f32.msk vm2, v2  }
0x7b6: {  	v3 =	vld [tilespmem:$0x82E0]  }
0x7b7: {  	v4 =	vld [tilespmem:$0x82E1];
	_ =	sdelay $0x4  }
0x7b8: {  	vm2 =	vne.s32 v3, v4  }
0x7b9: {  	vm3 =	vmor vm2, vm0  }
0x7ba: {  	vm2 =	vmand vm2, vm1;
	_ =	sdelay $0x4  }
0x7bb: {  	[tilespmem:v3+s6+$0x0] =	vst.idx.add.f32.msk vm3, v1  }
0x7bc: {  	[tilespmem:v4+s6+$0x0] =	vst.idx.add.f32.msk vm2, v2  }
0x7bd: {  	v3 =	vld [tilespmem:$0x82F0]  }
0x7be: {  	v4 =	vld [tilespmem:$0x82F1];
	_ =	sdelay $0x4  }
0x7bf: {  	vm2 =	vne.s32 v3, v4  }
0x7c0: {  	vm3 =	vmor vm2, vm0  }
0x7c1: {  	vm2 =	vmand vm2, vm1;
	_ =	sdelay $0x1  }
.Ltmp3:
0x7c2: {  	_ = 	snop;
	(pc) =	sbr.rel @!p0 .LBB2_4-.Ltmp3, $3  }
0x7c3: {  	_ =	sdelay $0x1  }
0x7c4: {  	[tilespmem:v3+s6+$0x0] =	vst.idx.add.f32.msk vm3, v1  }
0x7c5: {  	[tilespmem:v4+s6+$0x0] =	vst.idx.add.f32.msk vm2, v2  }
.Ltmp4:
0x7c6: {  	(pc) =	sbr.rel @p1 .LBB2_8-.Ltmp4, $1  }
0x7c7: {  	_ =	sdelay $0x3  }
0x7c8: {  	s10 =	sld [smem:$0x7F7];
	_ =	sdelay $0x2  }
0x7c9: {  	[tilespmem:s29], [sflag:$0x2] =	stream.linear.gather [hbm4b:s10+s1], $0x1000, $0x38;
	[tilespmem:$0xA800] =	vst v63  }
0x7ca: {  	s10 =	sld [smem:$0x7F8];
	_ =	sdelay $0x1  }
0x7cb: {  	s11 =	simm.s32 $0x8100  }
0x7cc: {  	[tilespmem:s11], [sflag:$0x2] =	stream.linear.gather [hbm4b:s10+s1], $0x20, $0x38;
	[tilespmem:$0xA800] =	vst v63  }
0x7cd: {  	_ = 	snop  }
0x7ce: {  	[tilespmem:s3], [sflag:$0x2] =	stream.linear.gather [hbm4b:s10+s1], $0x30, $0x38;
	[tilespmem:$0xA800] =	vst v63  }
0x7cf: {  	_ =	swait.ge [sflag:s7], $0x1000  }
0x7d0: {  	[sflag:s7] =	ssyncset.done $0x0  }
0x7d1: {  	[sflag:s7] =	ssyncadd.s32 $0xFFFFF000  }
0x7d2: {  	_ =	swait.ge [sflag:s7], $0x20  }
0x7d3: {  	[sflag:s7] =	ssyncset.done $0x0  }
0x7d4: {  	[sflag:s7] =	ssyncadd.s32 $0xFFFFFFE0  }
0x7d5: {  	_ =	swait.ge [sflag:s7], $0x30  }
0x7d6: {  	[sflag:s7] =	ssyncset.done $0x0  }
0x7d7: {  	s10 =	simm.s32 $0x20;
	[sflag:s7] =	ssyncadd.s32 $0xFFFFFFD0  }
0x7d8: {  	[spmem:s26] =	stream.indirect.scatter.add.f32 [tilespmem:s29], [sflag:$0x3], $0x80, s11, s10, $0xb8;
	[tilespmem:$0xA800] =	vst v63  }
0x7d9: {  	_ =	swait.ge [sflag:s30], $0x1000  }
0x7da: {  	[sflag:s30] =	ssyncset.done $0x0  }
0x7db: {  	[sflag:s30] =	ssyncadd.s32 $0xFFFFF000  }
0x7dc: {  	v3 =	vld [tilespmem:$0x8280]  }
0x7dd: {  	v4 =	vld [tilespmem:$0x8281];
	_ =	sdelay $0x4  }
0x7de: {  	vm2 =	vne.s32 v3, v4  }
0x7df: {  	vm3 =	vmor vm2, vm0  }
0x7e0: {  	vm2 =	vmand vm2, vm1;
	_ =	sdelay $0x4  }
0x7e1: {  	[tilespmem:v3+s6+$0x0] =	vst.idx.add.f32.msk vm3, v1  }
0x7e2: {  	[tilespmem:v4+s6+$0x0] =	vst.idx.add.f32.msk vm2, v2  }
0x7e3: {  	v3 =	vld [tilespmem:$0x8290]  }
0x7e4: {  	v4 =	vld [tilespmem:$0x8291]  }
.Ltmp5:
0x7e5: {  	_ = 	snop;
	(pc) =	sbr.rel .LBB2_7-.Ltmp5, $2  }
0x7e6: {  	_ =	sdelay $0x2  }
0x7e7: {  	vm2 =	vne.s32 v3, v4  }
.LBB2_9:
0x7e8: {  	_ =	sfence.sel $0x180000  }
0x7e9: {  	[bflag:$0x0] =	sbarrier.arrive $0xFFFF  }
0x7ea: {  	_ =	strace $0x90000047  }
0x7eb: {  	s0 =	stileid.u32;
	[bflag:$0x2] =	sbarrier.arrive $0xFFFF  }
0x7ec: {  	p0 =	sne.s32 s0, $0x0;
	s0 =	rddreg [dreg:$0x3]  }
0x7ed: {  	s0 =	sadd.s32 @!p0 $0x100000, s0  }
0x7ee: {  	[sflag:s0] =	ssyncadd.tile.s32 @!p0 $0x1;
	_ =	shalt  }
.Lfunc_end2:
_tile_overlayer_lowered:
.L_overlay_start_2:
0x7ef: {  	(tag) =	ssettag $0x2  }
0x7f0: {  	s0 =	rddreg [dreg:$0x0];
	s2 =	stileid.u32  }
0x7f1: {  	s1 =	rddreg [dreg:$0x1];
	p0 =	sne.s32 s2, $0x0  }
0x7f2: {  	s3 =	rddreg [dreg:$0x2];
	[bflag:$0x3] =	sbarrier.arrive $0xFFFF;
	s2 =	simm.s32 @!p0 $0x1C03  }
0x7f3: {  	[timem:s3], [sflag:s2] =	dma.local @!p0 [hbm:s0], s1  }
0x7f4: {  	s0 =	simm.s32 @!p0 $0x3  }
0x7f5: {  	_ =	swait.ge @!p0 [sflag:s0], s1  }
0x7f6: {  	s1 =	ssub.s32 @!p0 $0x0, s1;
	[sflag:s0] =	ssyncset.done @!p0 $0x0  }
0x7f7: {  	[sflag:s0] =	ssyncadd.s32 @!p0 s1  }
0x7f8: {  	[bflag:$0x3] =	sbarrier.arrive $0xFFFF  }
0x7f9: {  	_ =	shalt  }

</sc_bundles>
